<compile_context>
chip_gen: v7x
topology: tpu7x:2x2x1
jax: 0.10.2.dev20260603
libtpu: 0.0.44.dev20260713+nightly
codegen_flags: <defaults>
</compile_context>

<pallas_src>
import jax
import jax.numpy as jnp
from jax import lax
from jax.experimental import pallas as pl
from jax.experimental.pallas import tpu as pltpu
from jax.experimental.pallas import tpu_sc as plsc

_B = 32
_CIN = 8
_COUT = 16
_SIN = 32
_K = 3
_SOUT = _SIN - _K + 1
_L = 16
_NW = _CIN * _K * _K
_XSZ = _CIN * _SIN * _SIN
_OSZ = _COUT * _SOUT * _SOUT
_GRP = _COUT * _SOUT * _L
_J1 = _SOUT - _L


def _sc_body(x_hbm, w_hbm, b_hbm, out_hbm, x_v, w_v, b_v, out_v, acc_v):
    wid = lax.axis_index("s") * 2 + lax.axis_index("c")
    pltpu.sync_copy(x_hbm.at[wid], x_v)
    pltpu.sync_copy(w_hbm, w_v)
    pltpu.sync_copy(b_hbm, b_v)

    @plsc.parallel_loop(0, _SOUT)
    def initrow(i):
        for y in range(_COUT):
            bv = b_v[pl.ds(y * _L, _L)]
            acc_v[pl.ds((y * _SOUT + i) * _L, _L)] = bv
            acc_v[pl.ds(_GRP + (y * _SOUT + i) * _L, _L)] = bv

    def block(m, carry):
        yg = m % (_COUT // 4)
        c = m // (_COUT // 4)
        wr = []
        for d in range(4):
            for t9 in range(9):
                wr.append(w_v[pl.ds(((yg * 4 + d) * _NW + c * 9 + t9) * _L, _L)])

        @plsc.parallel_loop(0, _SOUT // 2)
        def rowpair(ip):
            i = ip * 2
            xv = {}
            for r in range(4):
                for k2 in range(_K):
                    for g, j0 in ((0, 0), (1, _J1)):
                        xv[(r, k2, g)] = x_v[
                            pl.ds(c * _SIN * _SIN + (i + r) * _SIN + k2 + j0, _L)]
            for di in range(2):
                for g in (0, 1):
                    for d in range(4):
                        off = g * _GRP + ((yg * 4 + d) * _SOUT + i + di) * _L
                        acc = acc_v[pl.ds(off, _L)]
                        for k1 in range(_K):
                            for k2 in range(_K):
                                acc = acc + wr[d * 9 + k1 * 3 + k2] * xv[(di + k1, k2, g)]
                        acc_v[pl.ds(off, _L)] = acc
        return carry

    lax.fori_loop(0, (_COUT // 4) * _CIN, block, 0)

    @plsc.parallel_loop(0, _SOUT)
    def mergerow(i):
        for y in range(_COUT):
            v0 = acc_v[pl.ds((y * _SOUT + i) * _L, _L)]
            v1 = acc_v[pl.ds(_GRP + (y * _SOUT + i) * _L, _L)]
            out_v[pl.ds(y * _SOUT * _SOUT + i * _SOUT, _L)] = v0
            out_v[pl.ds(y * _SOUT * _SOUT + i * _SOUT + _J1, _L)] = v1

    pltpu.sync_copy(out_v, out_hbm.at[wid])


def kernel(x, weight, bias, rows, cols, pidx):
    del rows, cols, pidx
    run = pl.kernel(
        _sc_body,
        out_type=jax.ShapeDtypeStruct((_B, _OSZ), jnp.float32),
        mesh=plsc.VectorSubcoreMesh(core_axis_name="c", subcore_axis_name="s"),
        scratch_types=[
            pltpu.VMEM((_XSZ,), jnp.float32),
            pltpu.VMEM((_COUT * _NW * _L,), jnp.float32),
            pltpu.VMEM((_COUT * _L,), jnp.float32),
            pltpu.VMEM((_OSZ,), jnp.float32),
            pltpu.VMEM((2 * _GRP,), jnp.float32),
        ],
    )
    wsplat = jnp.broadcast_to(weight[:, None], (_COUT * _NW, _L)).reshape(-1)
    bsplat = jnp.broadcast_to(bias[:, None], (_COUT, _L)).reshape(-1)
    out = run(x.reshape(_B, _XSZ), wsplat, bsplat)
    return out.reshape(_B, _COUT, _SOUT, _SOUT)

# --- scband reference (transcript-rebuilt; emitter-appended) ---
"""Pipeline reference for scband-linear-cnnlayer-39410619908201 (READ-ONLY COPY).

The authoritative reference and input builder live on the scoring server;
editing this copy changes nothing except your own understanding.
"""

import jax, jax.numpy as jnp
import numpy as np

SIZE_IN = 32
SIZE_KERN = 3
IN_CHAN = 8
OUT_CHAN = 16
SIZE_OUT = SIZE_IN - SIZE_KERN + 1
BATCH = 32


def _make_sparse_pattern():
    # Vectorized equivalent of generate_sparse_weights() loop nest
    # (y, i, j, c, k1, k2) in the exact same nesting order as the torch code.
    y, i, j, c, k1, k2 = np.meshgrid(
        np.arange(OUT_CHAN), np.arange(SIZE_OUT), np.arange(SIZE_OUT),
        np.arange(IN_CHAN), np.arange(SIZE_KERN), np.arange(SIZE_KERN),
        indexing='ij')
    rows = ((i + k1) * SIZE_IN + j + c * SIZE_IN ** 2 + k2).reshape(-1)
    cols = (y * SIZE_OUT ** 2 + i * SIZE_OUT + j).reshape(-1)
    pidx = (k1 * SIZE_KERN + k2 + (c + IN_CHAN * y) * SIZE_KERN ** 2).reshape(-1)
    return rows.astype(np.int32), cols.astype(np.int32), pidx.astype(np.int32)


def setup_inputs(seed: int = 0):
    key = jax.random.key(seed)
    kx, kw = jax.random.split(key, 2)
    x = jax.random.normal(kx, (BATCH, IN_CHAN, SIZE_IN, SIZE_IN), dtype=jnp.float32)
    # nn.Conv2d default init: uniform(-1/sqrt(fan_in), 1/sqrt(fan_in)), flattened
    fan_in = IN_CHAN * SIZE_KERN * SIZE_KERN
    bound = 1.0 / np.sqrt(fan_in)
    weight = jax.random.uniform(kw, (OUT_CHAN * IN_CHAN * SIZE_KERN * SIZE_KERN,),
                                minval=-bound, maxval=bound, dtype=jnp.float32)
    bias = jnp.zeros((OUT_CHAN,), dtype=jnp.float32)
    rows, cols, pidx = _make_sparse_pattern()
    return {
        'x': x,
        'weight': weight,
        'bias': bias,
        'rows': jnp.asarray(rows),
        'cols': jnp.asarray(cols),
        'pidx': jnp.asarray(pidx),
    }


def reference(x, weight, bias, rows, cols, pidx):
    # sparse_weights = coo(pos_in, weight[param_idx], sparse_size).t()
    # output = (sparse_weights @ x_flat.T).T  ==  x_flat @ W_sparse
    B = x.shape[0]
    x_flat = x.reshape(B, IN_CHAN * SIZE_IN * SIZE_IN)
    vals = jnp.take(weight, pidx)                          # gather weight values per nnz
    contrib = jnp.take(x_flat, rows, axis=1) * vals[None, :]  # gather inputs per nnz
    out_dim = OUT_CHAN * SIZE_OUT * SIZE_OUT
    out_flat = jnp.zeros((B, out_dim), dtype=x.dtype).at[:, cols].add(contrib)  # scatter-add (coalesce)
    out = out_flat.reshape(B, OUT_CHAN, SIZE_OUT, SIZE_OUT)
    out = out + bias[None, :, None, None]
    return out

if __name__ == "__main__":
    import jax
    _d = setup_inputs()
    print(jax.jit(kernel)(*tuple(_d.values())))

</pallas_src>

<mosaic_0001>
#map = affine_map<(d0, d1) -> (0, 0)>
#map1 = affine_map<(d0, d1) -> (0)>
module attributes {stable_mosaic.version = 14 : i64} {
  func.func @_sc_body(%arg0: i32, %arg1: i32, %arg2: memref<32x8192xf32, #tpu.memory_space<hbm>>, %arg3: memref<18432xf32, #tpu.memory_space<hbm>>, %arg4: memref<256xf32, #tpu.memory_space<hbm>>, %arg5: memref<32x14400xf32, #tpu.memory_space<hbm>>, %arg6: memref<8192xf32, #tpu.memory_space<vmem>>, %arg7: memref<18432xf32, #tpu.memory_space<vmem>>, %arg8: memref<256xf32, #tpu.memory_space<vmem>>, %arg9: memref<14400xf32, #tpu.memory_space<vmem>>, %arg10: memref<15360xf32, #tpu.memory_space<vmem>>) attributes {dimension_semantics = [#tpu.dimension_semantics<core_parallel>, #tpu.dimension_semantics<subcore_parallel>], iteration_bounds = array<i64: 2, 16>, scalar_prefetch = 0 : i64, scratch_operands = 5 : i64, tpu.core_type = #tpu.core_type<sc_vector_subcore>, window_params = [{transform_indices = #map}, {transform_indices = #map1}, {transform_indices = #map1}, {transform_indices = #map}]} {
    %mul3A = arith.constant 2 : i32
    %mul3A_0 = arith.muli %arg1, %mul3A : i32
    %add3A = arith.addi %mul3A_0, %arg0 : i32
    "tpu.region"() ({
      %run_scoped3A = tpu.sem_alloc : memref<!tpu.dma_semaphore, #tpu.memory_space<semaphore_mem>>
      %dma_start3A = arith.constant 0 : i32
      %dma_start3A_11 = tpu.memref_slice %arg2[%add3A, %dma_start3A] : memref<32x8192xf32, #tpu.memory_space<hbm>> -> memref<1x8192xf32, #tpu.memory_space<hbm>>
      %dma_start3A_12 = tpu.memref_squeeze %dma_start3A_11 : memref<1x8192xf32, #tpu.memory_space<hbm>> -> memref<8192xf32, #tpu.memory_space<hbm>>
      %dma_start3A_13 = arith.constant 0 : i32
      %dma_start3A_14 = tpu.memref_slice %arg2[%add3A, %dma_start3A_13] : memref<32x8192xf32, #tpu.memory_space<hbm>> -> memref<1x8192xf32, #tpu.memory_space<hbm>>
      %dma_start3A_15 = tpu.memref_squeeze %dma_start3A_14 : memref<1x8192xf32, #tpu.memory_space<hbm>> -> memref<8192xf32, #tpu.memory_space<hbm>>
      tpu.enqueue_dma source(%dma_start3A_15 : memref<8192xf32, #tpu.memory_space<hbm>>) target(%arg6 : memref<8192xf32, #tpu.memory_space<vmem>>) target_semaphore(%run_scoped3A : memref<!tpu.dma_semaphore, #tpu.memory_space<semaphore_mem>>)
      %dma_wait3A = arith.constant 0 : i32
      %dma_wait3A_16 = tpu.memref_slice %arg2[%add3A, %dma_wait3A] : memref<32x8192xf32, #tpu.memory_space<hbm>> -> memref<1x8192xf32, #tpu.memory_space<hbm>>
      %dma_wait3A_17 = tpu.memref_squeeze %dma_wait3A_16 : memref<1x8192xf32, #tpu.memory_space<hbm>> -> memref<8192xf32, #tpu.memory_space<hbm>>
      %dma_wait3A_18 = arith.constant 0 : i32
      %dma_wait3A_19 = tpu.memref_slice %arg2[%add3A, %dma_wait3A_18] : memref<32x8192xf32, #tpu.memory_space<hbm>> -> memref<1x8192xf32, #tpu.memory_space<hbm>>
      %dma_wait3A_20 = tpu.memref_squeeze %dma_wait3A_19 : memref<1x8192xf32, #tpu.memory_space<hbm>> -> memref<8192xf32, #tpu.memory_space<hbm>>
      tpu.wait_dma2 semaphore(%run_scoped3A : memref<!tpu.dma_semaphore, #tpu.memory_space<semaphore_mem>>) src(%dma_wait3A_20 : memref<8192xf32, #tpu.memory_space<hbm>>) dst(%arg6 : memref<8192xf32, #tpu.memory_space<vmem>>)
      tpu.yield
    }) : () -> ()
    "tpu.region"() ({
      %run_scoped3A = tpu.sem_alloc : memref<!tpu.dma_semaphore, #tpu.memory_space<semaphore_mem>>
      tpu.enqueue_dma source(%arg3 : memref<18432xf32, #tpu.memory_space<hbm>>) target(%arg7 : memref<18432xf32, #tpu.memory_space<vmem>>) target_semaphore(%run_scoped3A : memref<!tpu.dma_semaphore, #tpu.memory_space<semaphore_mem>>)
      tpu.wait_dma2 semaphore(%run_scoped3A : memref<!tpu.dma_semaphore, #tpu.memory_space<semaphore_mem>>) src(%arg3 : memref<18432xf32, #tpu.memory_space<hbm>>) dst(%arg7 : memref<18432xf32, #tpu.memory_space<vmem>>)
      tpu.yield
    }) : () -> ()
    "tpu.region"() ({
      %run_scoped3A = tpu.sem_alloc : memref<!tpu.dma_semaphore, #tpu.memory_space<semaphore_mem>>
      tpu.enqueue_dma source(%arg4 : memref<256xf32, #tpu.memory_space<hbm>>) target(%arg8 : memref<256xf32, #tpu.memory_space<vmem>>) target_semaphore(%run_scoped3A : memref<!tpu.dma_semaphore, #tpu.memory_space<semaphore_mem>>)
      tpu.wait_dma2 semaphore(%run_scoped3A : memref<!tpu.dma_semaphore, #tpu.memory_space<semaphore_mem>>) src(%arg4 : memref<256xf32, #tpu.memory_space<hbm>>) dst(%arg8 : memref<256xf32, #tpu.memory_space<vmem>>)
      tpu.yield
    }) : () -> ()
    %parallel_loop3A = arith.constant 0 : i32
    %parallel_loop3A_1 = arith.constant 30 : i32
    %parallel_loop3A_2 = arith.constant 1 : i32
    scf.for %parallel_loop3A_11 = %parallel_loop3A to %parallel_loop3A_1 step %parallel_loop3A_2  : i32 {
      %parallel_loop3A_12 = arith.constant 0 : index
      %parallel_loop3A_13 = tpu.vector_load %arg8[%parallel_loop3A_12] {strides = array<i32>} : memref<256xf32, #tpu.memory_space<vmem>>, vector<16xf32>,
      %parallel_loop3A_14 = vector.shape_cast %parallel_loop3A_13 : vector<16xf32> to vector<16xf32>
      %parallel_loop3A_15 = arith.constant 0 : i32
      %parallel_loop3A_16 = arith.addi %parallel_loop3A_15, %parallel_loop3A_11 : i32
      %parallel_loop3A_17 = arith.constant 16 : i32
      %parallel_loop3A_18 = arith.muli %parallel_loop3A_16, %parallel_loop3A_17 : i32
      %parallel_loop3A_19 = arith.index_cast %parallel_loop3A_18 : i32 to index
      %parallel_loop3A_20 = tpu.vector_load %arg10[%parallel_loop3A_19] {strides = array<i32>} : memref<15360xf32, #tpu.memory_space<vmem>>, vector<16xf32>,
      %parallel_loop3A_21 = vector.shape_cast %parallel_loop3A_20 : vector<16xf32> to vector<16xf32>
      %parallel_loop3A_22 = vector.shape_cast %parallel_loop3A_14 : vector<16xf32> to vector<16xf32>
      tpu.vector_store %arg10[%parallel_loop3A_19], %parallel_loop3A_22 {strides = array<i32>} : memref<15360xf32, #tpu.memory_space<vmem>>, vector<16xf32>,
      %parallel_loop3A_23 = arith.constant 0 : i32
      %parallel_loop3A_24 = arith.addi %parallel_loop3A_23, %parallel_loop3A_11 : i32
      %parallel_loop3A_25 = arith.constant 16 : i32
      %parallel_loop3A_26 = arith.muli %parallel_loop3A_24, %parallel_loop3A_25 : i32
      %parallel_loop3A_27 = arith.constant 7680 : i32
      %parallel_loop3A_28 = arith.addi %parallel_loop3A_27, %parallel_loop3A_26 : i32
      %parallel_loop3A_29 = arith.index_cast %parallel_loop3A_28 : i32 to index
      %parallel_loop3A_30 = tpu.vector_load %arg10[%parallel_loop3A_29] {strides = array<i32>} : memref<15360xf32, #tpu.memory_space<vmem>>, vector<16xf32>,
      %parallel_loop3A_31 = vector.shape_cast %parallel_loop3A_30 : vector<16xf32> to vector<16xf32>
      %parallel_loop3A_32 = vector.shape_cast %parallel_loop3A_14 : vector<16xf32> to vector<16xf32>
      tpu.vector_store %arg10[%parallel_loop3A_29], %parallel_loop3A_32 {strides = array<i32>} : memref<15360xf32, #tpu.memory_space<vmem>>, vector<16xf32>,
      %parallel_loop3A_33 = arith.constant 16 : index
      %parallel_loop3A_34 = tpu.vector_load %arg8[%parallel_loop3A_33] {strides = array<i32>} : memref<256xf32, #tpu.memory_space<vmem>>, vector<16xf32>,
      %parallel_loop3A_35 = vector.shape_cast %parallel_loop3A_34 : vector<16xf32> to vector<16xf32>
      %parallel_loop3A_36 = arith.constant 30 : i32
      %parallel_loop3A_37 = arith.addi %parallel_loop3A_36, %parallel_loop3A_11 : i32
      %parallel_loop3A_38 = arith.constant 16 : i32
      %parallel_loop3A_39 = arith.muli %parallel_loop3A_37, %parallel_loop3A_38 : i32
      %parallel_loop3A_40 = arith.index_cast %parallel_loop3A_39 : i32 to index
      %parallel_loop3A_41 = tpu.vector_load %arg10[%parallel_loop3A_40] {strides = array<i32>} : memref<15360xf32, #tpu.memory_space<vmem>>, vector<16xf32>,
      %parallel_loop3A_42 = vector.shape_cast %parallel_loop3A_41 : vector<16xf32> to vector<16xf32>
      %parallel_loop3A_43 = vector.shape_cast %parallel_loop3A_35 : vector<16xf32> to vector<16xf32>
      tpu.vector_store %arg10[%parallel_loop3A_40], %parallel_loop3A_43 {strides = array<i32>} : memref<15360xf32, #tpu.memory_space<vmem>>, vector<16xf32>,
      %parallel_loop3A_44 = arith.constant 30 : i32
      %parallel_loop3A_45 = arith.addi %parallel_loop3A_44, %parallel_loop3A_11 : i32
      %parallel_loop3A_46 = arith.constant 16 : i32
      %parallel_loop3A_47 = arith.muli %parallel_loop3A_45, %parallel_loop3A_46 : i32
      %parallel_loop3A_48 = arith.constant 7680 : i32
      %parallel_loop3A_49 = arith.addi %parallel_loop3A_48, %parallel_loop3A_47 : i32
      %parallel_loop3A_50 = arith.index_cast %parallel_loop3A_49 : i32 to index
      %parallel_loop3A_51 = tpu.vector_load %arg10[%parallel_loop3A_50] {strides = array<i32>} : memref<15360xf32, #tpu.memory_space<vmem>>, vector<16xf32>,
      %parallel_loop3A_52 = vector.shape_cast %parallel_loop3A_51 : vector<16xf32> to vector<16xf32>
      %parallel_loop3A_53 = vector.shape_cast %parallel_loop3A_35 : vector<16xf32> to vector<16xf32>
      tpu.vector_store %arg10[%parallel_loop3A_50], %parallel_loop3A_53 {strides = array<i32>} : memref<15360xf32, #tpu.memory_space<vmem>>, vector<16xf32>,
      %parallel_loop3A_54 = arith.constant 32 : index
      %parallel_loop3A_55 = tpu.vector_load %arg8[%parallel_loop3A_54] {strides = array<i32>} : memref<256xf32, #tpu.memory_space<vmem>>, vector<16xf32>,
      %parallel_loop3A_56 = vector.shape_cast %parallel_loop3A_55 : vector<16xf32> to vector<16xf32>
      %parallel_loop3A_57 = arith.constant 60 : i32
      %parallel_loop3A_58 = arith.addi %parallel_loop3A_57, %parallel_loop3A_11 : i32
      %parallel_loop3A_59 = arith.constant 16 : i32
      %parallel_loop3A_60 = arith.muli %parallel_loop3A_58, %parallel_loop3A_59 : i32
      %parallel_loop3A_61 = arith.index_cast %parallel_loop3A_60 : i32 to index
      %parallel_loop3A_62 = tpu.vector_load %arg10[%parallel_loop3A_61] {strides = array<i32>} : memref<15360xf32, #tpu.memory_space<vmem>>, vector<16xf32>,
      %parallel_loop3A_63 = vector.shape_cast %parallel_loop3A_62 : vector<16xf32> to vector<16xf32>
      %parallel_loop3A_64 = vector.shape_cast %parallel_loop3A_56 : vector<16xf32> to vector<16xf32>
      tpu.vector_store %arg10[%parallel_loop3A_61], %parallel_loop3A_64 {strides = array<i32>} : memref<15360xf32, #tpu.memory_space<vmem>>, vector<16xf32>,
      %parallel_loop3A_65 = arith.constant 60 : i32
      %parallel_loop3A_66 = arith.addi %parallel_loop3A_65, %parallel_loop3A_11 : i32
      %parallel_loop3A_67 = arith.constant 16 : i32
      %parallel_loop3A_68 = arith.muli %parallel_loop3A_66, %parallel_loop3A_67 : i32
      %parallel_loop3A_69 = arith.constant 7680 : i32
      %parallel_loop3A_70 = arith.addi %parallel_loop3A_69, %parallel_loop3A_68 : i32
      %parallel_loop3A_71 = arith.index_cast %parallel_loop3A_70 : i32 to index
      %parallel_loop3A_72 = tpu.vector_load %arg10[%parallel_loop3A_71] {strides = array<i32>} : memref<15360xf32, #tpu.memory_space<vmem>>, vector<16xf32>,
      %parallel_loop3A_73 = vector.shape_cast %parallel_loop3A_72 : vector<16xf32> to vector<16xf32>
      %parallel_loop3A_74 = vector.shape_cast %parallel_loop3A_56 : vector<16xf32> to vector<16xf32>
      tpu.vector_store %arg10[%parallel_loop3A_71], %parallel_loop3A_74 {strides = array<i32>} : memref<15360xf32, #tpu.memory_space<vmem>>, vector<16xf32>,
      %parallel_loop3A_75 = arith.constant 48 : index
      %parallel_loop3A_76 = tpu.vector_load %arg8[%parallel_loop3A_75] {strides = array<i32>} : memref<256xf32, #tpu.memory_space<vmem>>, vector<16xf32>,
      %parallel_loop3A_77 = vector.shape_cast %parallel_loop3A_76 : vector<16xf32> to vector<16xf32>
      %parallel_loop3A_78 = arith.constant 90 : i32
      %parallel_loop3A_79 = arith.addi %parallel_loop3A_78, %parallel_loop3A_11 : i32
      %parallel_loop3A_80 = arith.constant 16 : i32
      %parallel_loop3A_81 = arith.muli %parallel_loop3A_79, %parallel_loop3A_80 : i32
      %parallel_loop3A_82 = arith.index_cast %parallel_loop3A_81 : i32 to index
      %parallel_loop3A_83 = tpu.vector_load %arg10[%parallel_loop3A_82] {strides = array<i32>} : memref<15360xf32, #tpu.memory_space<vmem>>, vector<16xf32>,
      %parallel_loop3A_84 = vector.shape_cast %parallel_loop3A_83 : vector<16xf32> to vector<16xf32>
      %parallel_loop3A_85 = vector.shape_cast %parallel_loop3A_77 : vector<16xf32> to vector<16xf32>
      tpu.vector_store %arg10[%parallel_loop3A_82], %parallel_loop3A_85 {strides = array<i32>} : memref<15360xf32, #tpu.memory_space<vmem>>, vector<16xf32>,
      %parallel_loop3A_86 = arith.constant 90 : i32
      %parallel_loop3A_87 = arith.addi %parallel_loop3A_86, %parallel_loop3A_11 : i32
      %parallel_loop3A_88 = arith.constant 16 : i32
      %parallel_loop3A_89 = arith.muli %parallel_loop3A_87, %parallel_loop3A_88 : i32
      %parallel_loop3A_90 = arith.constant 7680 : i32
      %parallel_loop3A_91 = arith.addi %parallel_loop3A_90, %parallel_loop3A_89 : i32
      %parallel_loop3A_92 = arith.index_cast %parallel_loop3A_91 : i32 to index
      %parallel_loop3A_93 = tpu.vector_load %arg10[%parallel_loop3A_92] {strides = array<i32>} : memref<15360xf32, #tpu.memory_space<vmem>>, vector<16xf32>,
      %parallel_loop3A_94 = vector.shape_cast %parallel_loop3A_93 : vector<16xf32> to vector<16xf32>
      %parallel_loop3A_95 = vector.shape_cast %parallel_loop3A_77 : vector<16xf32> to vector<16xf32>
      tpu.vector_store %arg10[%parallel_loop3A_92], %parallel_loop3A_95 {strides = array<i32>} : memref<15360xf32, #tpu.memory_space<vmem>>, vector<16xf32>,
      %parallel_loop3A_96 = arith.constant 64 : index
      %parallel_loop3A_97 = tpu.vector_load %arg8[%parallel_loop3A_96] {strides = array<i32>} : memref<256xf32, #tpu.memory_space<vmem>>, vector<16xf32>,
      %parallel_loop3A_98 = vector.shape_cast %parallel_loop3A_97 : vector<16xf32> to vector<16xf32>
      %parallel_loop3A_99 = arith.constant 120 : i32
      %parallel_loop3A_100 = arith.addi %parallel_loop3A_99, %parallel_loop3A_11 : i32
      %parallel_loop3A_101 = arith.constant 16 : i32
      %parallel_loop3A_102 = arith.muli %parallel_loop3A_100, %parallel_loop3A_101 : i32
      %parallel_loop3A_103 = arith.index_cast %parallel_loop3A_102 : i32 to index
      %parallel_loop3A_104 = tpu.vector_load %arg10[%parallel_loop3A_103] {strides = array<i32>} : memref<15360xf32, #tpu.memory_space<vmem>>, vector<16xf32>,
      %parallel_loop3A_105 = vector.shape_cast %parallel_loop3A_104 : vector<16xf32> to vector<16xf32>
      %parallel_loop3A_106 = vector.shape_cast %parallel_loop3A_98 : vector<16xf32> to vector<16xf32>
      tpu.vector_store %arg10[%parallel_loop3A_103], %parallel_loop3A_106 {strides = array<i32>} : memref<15360xf32, #tpu.memory_space<vmem>>, vector<16xf32>,
      %parallel_loop3A_107 = arith.constant 120 : i32
      %parallel_loop3A_108 = arith.addi %parallel_loop3A_107, %parallel_loop3A_11 : i32
      %parallel_loop3A_109 = arith.constant 16 : i32
      %parallel_loop3A_110 = arith.muli %parallel_loop3A_108, %parallel_loop3A_109 : i32
      %parallel_loop3A_111 = arith.constant 7680 : i32
      %parallel_loop3A_112 = arith.addi %parallel_loop3A_111, %parallel_loop3A_110 : i32
      %parallel_loop3A_113 = arith.index_cast %parallel_loop3A_112 : i32 to index
      %parallel_loop3A_114 = tpu.vector_load %arg10[%parallel_loop3A_113] {strides = array<i32>} : memref<15360xf32, #tpu.memory_space<vmem>>, vector<16xf32>,
      %parallel_loop3A_115 = vector.shape_cast %parallel_loop3A_114 : vector<16xf32> to vector<16xf32>
      %parallel_loop3A_116 = vector.shape_cast %parallel_loop3A_98 : vector<16xf32> to vector<16xf32>
      tpu.vector_store %arg10[%parallel_loop3A_113], %parallel_loop3A_116 {strides = array<i32>} : memref<15360xf32, #tpu.memory_space<vmem>>, vector<16xf32>,
      %parallel_loop3A_117 = arith.constant 80 : index
      %parallel_loop3A_118 = tpu.vector_load %arg8[%parallel_loop3A_117] {strides = array<i32>} : memref<256xf32, #tpu.memory_space<vmem>>, vector<16xf32>,
      %parallel_loop3A_119 = vector.shape_cast %parallel_loop3A_118 : vector<16xf32> to vector<16xf32>
      %parallel_loop3A_120 = arith.constant 150 : i32
      %parallel_loop3A_121 = arith.addi %parallel_loop3A_120, %parallel_loop3A_11 : i32
      %parallel_loop3A_122 = arith.constant 16 : i32
      %parallel_loop3A_123 = arith.muli %parallel_loop3A_121, %parallel_loop3A_122 : i32
      %parallel_loop3A_124 = arith.index_cast %parallel_loop3A_123 : i32 to index
      %parallel_loop3A_125 = tpu.vector_load %arg10[%parallel_loop3A_124] {strides = array<i32>} : memref<15360xf32, #tpu.memory_space<vmem>>, vector<16xf32>,
      %parallel_loop3A_126 = vector.shape_cast %parallel_loop3A_125 : vector<16xf32> to vector<16xf32>
      %parallel_loop3A_127 = vector.shape_cast %parallel_loop3A_119 : vector<16xf32> to vector<16xf32>
      tpu.vector_store %arg10[%parallel_loop3A_124], %parallel_loop3A_127 {strides = array<i32>} : memref<15360xf32, #tpu.memory_space<vmem>>, vector<16xf32>,
      %parallel_loop3A_128 = arith.constant 150 : i32
      %parallel_loop3A_129 = arith.addi %parallel_loop3A_128, %parallel_loop3A_11 : i32
      %parallel_loop3A_130 = arith.constant 16 : i32
      %parallel_loop3A_131 = arith.muli %parallel_loop3A_129, %parallel_loop3A_130 : i32
      %parallel_loop3A_132 = arith.constant 7680 : i32
      %parallel_loop3A_133 = arith.addi %parallel_loop3A_132, %parallel_loop3A_131 : i32
      %parallel_loop3A_134 = arith.index_cast %parallel_loop3A_133 : i32 to index
      %parallel_loop3A_135 = tpu.vector_load %arg10[%parallel_loop3A_134] {strides = array<i32>} : memref<15360xf32, #tpu.memory_space<vmem>>, vector<16xf32>,
      %parallel_loop3A_136 = vector.shape_cast %parallel_loop3A_135 : vector<16xf32> to vector<16xf32>
      %parallel_loop3A_137 = vector.shape_cast %parallel_loop3A_119 : vector<16xf32> to vector<16xf32>
      tpu.vector_store %arg10[%parallel_loop3A_134], %parallel_loop3A_137 {strides = array<i32>} : memref<15360xf32, #tpu.memory_space<vmem>>, vector<16xf32>,
      %parallel_loop3A_138 = arith.constant 96 : index
      %parallel_loop3A_139 = tpu.vector_load %arg8[%parallel_loop3A_138] {strides = array<i32>} : memref<256xf32, #tpu.memory_space<vmem>>, vector<16xf32>,
      %parallel_loop3A_140 = vector.shape_cast %parallel_loop3A_139 : vector<16xf32> to vector<16xf32>
      %parallel_loop3A_141 = arith.constant 180 : i32
      %parallel_loop3A_142 = arith.addi %parallel_loop3A_141, %parallel_loop3A_11 : i32
      %parallel_loop3A_143 = arith.constant 16 : i32
      %parallel_loop3A_144 = arith.muli %parallel_loop3A_142, %parallel_loop3A_143 : i32
      %parallel_loop3A_145 = arith.index_cast %parallel_loop3A_144 : i32 to index
      %parallel_loop3A_146 = tpu.vector_load %arg10[%parallel_loop3A_145] {strides = array<i32>} : memref<15360xf32, #tpu.memory_space<vmem>>, vector<16xf32>,
      %parallel_loop3A_147 = vector.shape_cast %parallel_loop3A_146 : vector<16xf32> to vector<16xf32>
      %parallel_loop3A_148 = vector.shape_cast %parallel_loop3A_140 : vector<16xf32> to vector<16xf32>
      tpu.vector_store %arg10[%parallel_loop3A_145], %parallel_loop3A_148 {strides = array<i32>} : memref<15360xf32, #tpu.memory_space<vmem>>, vector<16xf32>,
      %parallel_loop3A_149 = arith.constant 180 : i32
      %parallel_loop3A_150 = arith.addi %parallel_loop3A_149, %parallel_loop3A_11 : i32
      %parallel_loop3A_151 = arith.constant 16 : i32
      %parallel_loop3A_152 = arith.muli %parallel_loop3A_150, %parallel_loop3A_151 : i32
      %parallel_loop3A_153 = arith.constant 7680 : i32
      %parallel_loop3A_154 = arith.addi %parallel_loop3A_153, %parallel_loop3A_152 : i32
      %parallel_loop3A_155 = arith.index_cast %parallel_loop3A_154 : i32 to index
      %parallel_loop3A_156 = tpu.vector_load %arg10[%parallel_loop3A_155] {strides = array<i32>} : memref<15360xf32, #tpu.memory_space<vmem>>, vector<16xf32>,
      %parallel_loop3A_157 = vector.shape_cast %parallel_loop3A_156 : vector<16xf32> to vector<16xf32>
      %parallel_loop3A_158 = vector.shape_cast %parallel_loop3A_140 : vector<16xf32> to vector<16xf32>
      tpu.vector_store %arg10[%parallel_loop3A_155], %parallel_loop3A_158 {strides = array<i32>} : memref<15360xf32, #tpu.memory_space<vmem>>, vector<16xf32>,
      %parallel_loop3A_159 = arith.constant 112 : index
      %parallel_loop3A_160 = tpu.vector_load %arg8[%parallel_loop3A_159] {strides = array<i32>} : memref<256xf32, #tpu.memory_space<vmem>>, vector<16xf32>,
      %parallel_loop3A_161 = vector.shape_cast %parallel_loop3A_160 : vector<16xf32> to vector<16xf32>
      %parallel_loop3A_162 = arith.constant 210 : i32
      %parallel_loop3A_163 = arith.addi %parallel_loop3A_162, %parallel_loop3A_11 : i32
      %parallel_loop3A_164 = arith.constant 16 : i32
      %parallel_loop3A_165 = arith.muli %parallel_loop3A_163, %parallel_loop3A_164 : i32
      %parallel_loop3A_166 = arith.index_cast %parallel_loop3A_165 : i32 to index
      %parallel_loop3A_167 = tpu.vector_load %arg10[%parallel_loop3A_166] {strides = array<i32>} : memref<15360xf32, #tpu.memory_space<vmem>>, vector<16xf32>,
      %parallel_loop3A_168 = vector.shape_cast %parallel_loop3A_167 : vector<16xf32> to vector<16xf32>
      %parallel_loop3A_169 = vector.shape_cast %parallel_loop3A_161 : vector<16xf32> to vector<16xf32>
      tpu.vector_store %arg10[%parallel_loop3A_166], %parallel_loop3A_169 {strides = array<i32>} : memref<15360xf32, #tpu.memory_space<vmem>>, vector<16xf32>,
      %parallel_loop3A_170 = arith.constant 210 : i32
      %parallel_loop3A_171 = arith.addi %parallel_loop3A_170, %parallel_loop3A_11 : i32
      %parallel_loop3A_172 = arith.constant 16 : i32
      %parallel_loop3A_173 = arith.muli %parallel_loop3A_171, %parallel_loop3A_172 : i32
      %parallel_loop3A_174 = arith.constant 7680 : i32
      %parallel_loop3A_175 = arith.addi %parallel_loop3A_174, %parallel_loop3A_173 : i32
      %parallel_loop3A_176 = arith.index_cast %parallel_loop3A_175 : i32 to index
      %parallel_loop3A_177 = tpu.vector_load %arg10[%parallel_loop3A_176] {strides = array<i32>} : memref<15360xf32, #tpu.memory_space<vmem>>, vector<16xf32>,
      %parallel_loop3A_178 = vector.shape_cast %parallel_loop3A_177 : vector<16xf32> to vector<16xf32>
      %parallel_loop3A_179 = vector.shape_cast %parallel_loop3A_161 : vector<16xf32> to vector<16xf32>
      tpu.vector_store %arg10[%parallel_loop3A_176], %parallel_loop3A_179 {strides = array<i32>} : memref<15360xf32, #tpu.memory_space<vmem>>, vector<16xf32>,
      %parallel_loop3A_180 = arith.constant 128 : index
      %parallel_loop3A_181 = tpu.vector_load %arg8[%parallel_loop3A_180] {strides = array<i32>} : memref<256xf32, #tpu.memory_space<vmem>>, vector<16xf32>,
      %parallel_loop3A_182 = vector.shape_cast %parallel_loop3A_181 : vector<16xf32> to vector<16xf32>
      %parallel_loop3A_183 = arith.constant 240 : i32
      %parallel_loop3A_184 = arith.addi %parallel_loop3A_183, %parallel_loop3A_11 : i32
      %parallel_loop3A_185 = arith.constant 16 : i32
      %parallel_loop3A_186 = arith.muli %parallel_loop3A_184, %parallel_loop3A_185 : i32
      %parallel_loop3A_187 = arith.index_cast %parallel_loop3A_186 : i32 to index
      %parallel_loop3A_188 = tpu.vector_load %arg10[%parallel_loop3A_187] {strides = array<i32>} : memref<15360xf32, #tpu.memory_space<vmem>>, vector<16xf32>,
      %parallel_loop3A_189 = vector.shape_cast %parallel_loop3A_188 : vector<16xf32> to vector<16xf32>
      %parallel_loop3A_190 = vector.shape_cast %parallel_loop3A_182 : vector<16xf32> to vector<16xf32>
      tpu.vector_store %arg10[%parallel_loop3A_187], %parallel_loop3A_190 {strides = array<i32>} : memref<15360xf32, #tpu.memory_space<vmem>>, vector<16xf32>,
      %parallel_loop3A_191 = arith.constant 240 : i32
      %parallel_loop3A_192 = arith.addi %parallel_loop3A_191, %parallel_loop3A_11 : i32
      %parallel_loop3A_193 = arith.constant 16 : i32
      %parallel_loop3A_194 = arith.muli %parallel_loop3A_192, %parallel_loop3A_193 : i32
      %parallel_loop3A_195 = arith.constant 7680 : i32
      %parallel_loop3A_196 = arith.addi %parallel_loop3A_195, %parallel_loop3A_194 : i32
      %parallel_loop3A_197 = arith.index_cast %parallel_loop3A_196 : i32 to index
      %parallel_loop3A_198 = tpu.vector_load %arg10[%parallel_loop3A_197] {strides = array<i32>} : memref<15360xf32, #tpu.memory_space<vmem>>, vector<16xf32>,
      %parallel_loop3A_199 = vector.shape_cast %parallel_loop3A_198 : vector<16xf32> to vector<16xf32>
      %parallel_loop3A_200 = vector.shape_cast %parallel_loop3A_182 : vector<16xf32> to vector<16xf32>
      tpu.vector_store %arg10[%parallel_loop3A_197], %parallel_loop3A_200 {strides = array<i32>} : memref<15360xf32, #tpu.memory_space<vmem>>, vector<16xf32>,
      %parallel_loop3A_201 = arith.constant 144 : index
      %parallel_loop3A_202 = tpu.vector_load %arg8[%parallel_loop3A_201] {strides = array<i32>} : memref<256xf32, #tpu.memory_space<vmem>>, vector<16xf32>,
      %parallel_loop3A_203 = vector.shape_cast %parallel_loop3A_202 : vector<16xf32> to vector<16xf32>
      %parallel_loop3A_204 = arith.constant 270 : i32
      %parallel_loop3A_205 = arith.addi %parallel_loop3A_204, %parallel_loop3A_11 : i32
      %parallel_loop3A_206 = arith.constant 16 : i32
      %parallel_loop3A_207 = arith.muli %parallel_loop3A_205, %parallel_loop3A_206 : i32
      %parallel_loop3A_208 = arith.index_cast %parallel_loop3A_207 : i32 to index
      %parallel_loop3A_209 = tpu.vector_load %arg10[%parallel_loop3A_208] {strides = array<i32>} : memref<15360xf32, #tpu.memory_space<vmem>>, vector<16xf32>,
      %parallel_loop3A_210 = vector.shape_cast %parallel_loop3A_209 : vector<16xf32> to vector<16xf32>
      %parallel_loop3A_211 = vector.shape_cast %parallel_loop3A_203 : vector<16xf32> to vector<16xf32>
      tpu.vector_store %arg10[%parallel_loop3A_208], %parallel_loop3A_211 {strides = array<i32>} : memref<15360xf32, #tpu.memory_space<vmem>>, vector<16xf32>,
      %parallel_loop3A_212 = arith.constant 270 : i32
      %parallel_loop3A_213 = arith.addi %parallel_loop3A_212, %parallel_loop3A_11 : i32
      %parallel_loop3A_214 = arith.constant 16 : i32
      %parallel_loop3A_215 = arith.muli %parallel_loop3A_213, %parallel_loop3A_214 : i32
      %parallel_loop3A_216 = arith.constant 7680 : i32
      %parallel_loop3A_217 = arith.addi %parallel_loop3A_216, %parallel_loop3A_215 : i32
      %parallel_loop3A_218 = arith.index_cast %parallel_loop3A_217 : i32 to index
      %parallel_loop3A_219 = tpu.vector_load %arg10[%parallel_loop3A_218] {strides = array<i32>} : memref<15360xf32, #tpu.memory_space<vmem>>, vector<16xf32>,
      %parallel_loop3A_220 = vector.shape_cast %parallel_loop3A_219 : vector<16xf32> to vector<16xf32>
      %parallel_loop3A_221 = vector.shape_cast %parallel_loop3A_203 : vector<16xf32> to vector<16xf32>
      tpu.vector_store %arg10[%parallel_loop3A_218], %parallel_loop3A_221 {strides = array<i32>} : memref<15360xf32, #tpu.memory_space<vmem>>, vector<16xf32>,
      %parallel_loop3A_222 = arith.constant 160 : index
      %parallel_loop3A_223 = tpu.vector_load %arg8[%parallel_loop3A_222] {strides = array<i32>} : memref<256xf32, #tpu.memory_space<vmem>>, vector<16xf32>,
      %parallel_loop3A_224 = vector.shape_cast %parallel_loop3A_223 : vector<16xf32> to vector<16xf32>
      %parallel_loop3A_225 = arith.constant 300 : i32
      %parallel_loop3A_226 = arith.addi %parallel_loop3A_225, %parallel_loop3A_11 : i32
      %parallel_loop3A_227 = arith.constant 16 : i32
      %parallel_loop3A_228 = arith.muli %parallel_loop3A_226, %parallel_loop3A_227 : i32
      %parallel_loop3A_229 = arith.index_cast %parallel_loop3A_228 : i32 to index
      %parallel_loop3A_230 = tpu.vector_load %arg10[%parallel_loop3A_229] {strides = array<i32>} : memref<15360xf32, #tpu.memory_space<vmem>>, vector<16xf32>,
      %parallel_loop3A_231 = vector.shape_cast %parallel_loop3A_230 : vector<16xf32> to vector<16xf32>
      %parallel_loop3A_232 = vector.shape_cast %parallel_loop3A_224 : vector<16xf32> to vector<16xf32>
      tpu.vector_store %arg10[%parallel_loop3A_229], %parallel_loop3A_232 {strides = array<i32>} : memref<15360xf32, #tpu.memory_space<vmem>>, vector<16xf32>,
      %parallel_loop3A_233 = arith.constant 300 : i32
      %parallel_loop3A_234 = arith.addi %parallel_loop3A_233, %parallel_loop3A_11 : i32
      %parallel_loop3A_235 = arith.constant 16 : i32
      %parallel_loop3A_236 = arith.muli %parallel_loop3A_234, %parallel_loop3A_235 : i32
      %parallel_loop3A_237 = arith.constant 7680 : i32
      %parallel_loop3A_238 = arith.addi %parallel_loop3A_237, %parallel_loop3A_236 : i32
      %parallel_loop3A_239 = arith.index_cast %parallel_loop3A_238 : i32 to index
      %parallel_loop3A_240 = tpu.vector_load %arg10[%parallel_loop3A_239] {strides = array<i32>} : memref<15360xf32, #tpu.memory_space<vmem>>, vector<16xf32>,
      %parallel_loop3A_241 = vector.shape_cast %parallel_loop3A_240 : vector<16xf32> to vector<16xf32>
      %parallel_loop3A_242 = vector.shape_cast %parallel_loop3A_224 : vector<16xf32> to vector<16xf32>
      tpu.vector_store %arg10[%parallel_loop3A_239], %parallel_loop3A_242 {strides = array<i32>} : memref<15360xf32, #tpu.memory_space<vmem>>, vector<16xf32>,
      %parallel_loop3A_243 = arith.constant 176 : index
      %parallel_loop3A_244 = tpu.vector_load %arg8[%parallel_loop3A_243] {strides = array<i32>} : memref<256xf32, #tpu.memory_space<vmem>>, vector<16xf32>,
      %parallel_loop3A_245 = vector.shape_cast %parallel_loop3A_244 : vector<16xf32> to vector<16xf32>
      %parallel_loop3A_246 = arith.constant 330 : i32
      %parallel_loop3A_247 = arith.addi %parallel_loop3A_246, %parallel_loop3A_11 : i32
      %parallel_loop3A_248 = arith.constant 16 : i32
      %parallel_loop3A_249 = arith.muli %parallel_loop3A_247, %parallel_loop3A_248 : i32
      %parallel_loop3A_250 = arith.index_cast %parallel_loop3A_249 : i32 to index
      %parallel_loop3A_251 = tpu.vector_load %arg10[%parallel_loop3A_250] {strides = array<i32>} : memref<15360xf32, #tpu.memory_space<vmem>>, vector<16xf32>,
      %parallel_loop3A_252 = vector.shape_cast %parallel_loop3A_251 : vector<16xf32> to vector<16xf32>
      %parallel_loop3A_253 = vector.shape_cast %parallel_loop3A_245 : vector<16xf32> to vector<16xf32>
      tpu.vector_store %arg10[%parallel_loop3A_250], %parallel_loop3A_253 {strides = array<i32>} : memref<15360xf32, #tpu.memory_space<vmem>>, vector<16xf32>,
      %parallel_loop3A_254 = arith.constant 330 : i32
      %parallel_loop3A_255 = arith.addi %parallel_loop3A_254, %parallel_loop3A_11 : i32
      %parallel_loop3A_256 = arith.constant 16 : i32
      %parallel_loop3A_257 = arith.muli %parallel_loop3A_255, %parallel_loop3A_256 : i32
      %parallel_loop3A_258 = arith.constant 7680 : i32
      %parallel_loop3A_259 = arith.addi %parallel_loop3A_258, %parallel_loop3A_257 : i32
      %parallel_loop3A_260 = arith.index_cast %parallel_loop3A_259 : i32 to index
      %parallel_loop3A_261 = tpu.vector_load %arg10[%parallel_loop3A_260] {strides = array<i32>} : memref<15360xf32, #tpu.memory_space<vmem>>, vector<16xf32>,
      %parallel_loop3A_262 = vector.shape_cast %parallel_loop3A_261 : vector<16xf32> to vector<16xf32>
      %parallel_loop3A_263 = vector.shape_cast %parallel_loop3A_245 : vector<16xf32> to vector<16xf32>
      tpu.vector_store %arg10[%parallel_loop3A_260], %parallel_loop3A_263 {strides = array<i32>} : memref<15360xf32, #tpu.memory_space<vmem>>, vector<16xf32>,
      %parallel_loop3A_264 = arith.constant 192 : index
      %parallel_loop3A_265 = tpu.vector_load %arg8[%parallel_loop3A_264] {strides = array<i32>} : memref<256xf32, #tpu.memory_space<vmem>>, vector<16xf32>,
      %parallel_loop3A_266 = vector.shape_cast %parallel_loop3A_265 : vector<16xf32> to vector<16xf32>
      %parallel_loop3A_267 = arith.constant 360 : i32
      %parallel_loop3A_268 = arith.addi %parallel_loop3A_267, %parallel_loop3A_11 : i32
      %parallel_loop3A_269 = arith.constant 16 : i32
      %parallel_loop3A_270 = arith.muli %parallel_loop3A_268, %parallel_loop3A_269 : i32
      %parallel_loop3A_271 = arith.index_cast %parallel_loop3A_270 : i32 to index
      %parallel_loop3A_272 = tpu.vector_load %arg10[%parallel_loop3A_271] {strides = array<i32>} : memref<15360xf32, #tpu.memory_space<vmem>>, vector<16xf32>,
      %parallel_loop3A_273 = vector.shape_cast %parallel_loop3A_272 : vector<16xf32> to vector<16xf32>
      %parallel_loop3A_274 = vector.shape_cast %parallel_loop3A_266 : vector<16xf32> to vector<16xf32>
      tpu.vector_store %arg10[%parallel_loop3A_271], %parallel_loop3A_274 {strides = array<i32>} : memref<15360xf32, #tpu.memory_space<vmem>>, vector<16xf32>,
      %parallel_loop3A_275 = arith.constant 360 : i32
      %parallel_loop3A_276 = arith.addi %parallel_loop3A_275, %parallel_loop3A_11 : i32
      %parallel_loop3A_277 = arith.constant 16 : i32
      %parallel_loop3A_278 = arith.muli %parallel_loop3A_276, %parallel_loop3A_277 : i32
      %parallel_loop3A_279 = arith.constant 7680 : i32
      %parallel_loop3A_280 = arith.addi %parallel_loop3A_279, %parallel_loop3A_278 : i32
      %parallel_loop3A_281 = arith.index_cast %parallel_loop3A_280 : i32 to index
      %parallel_loop3A_282 = tpu.vector_load %arg10[%parallel_loop3A_281] {strides = array<i32>} : memref<15360xf32, #tpu.memory_space<vmem>>, vector<16xf32>,
      %parallel_loop3A_283 = vector.shape_cast %parallel_loop3A_282 : vector<16xf32> to vector<16xf32>
      %parallel_loop3A_284 = vector.shape_cast %parallel_loop3A_266 : vector<16xf32> to vector<16xf32>
      tpu.vector_store %arg10[%parallel_loop3A_281], %parallel_loop3A_284 {strides = array<i32>} : memref<15360xf32, #tpu.memory_space<vmem>>, vector<16xf32>,
      %parallel_loop3A_285 = arith.constant 208 : index
      %parallel_loop3A_286 = tpu.vector_load %arg8[%parallel_loop3A_285] {strides = array<i32>} : memref<256xf32, #tpu.memory_space<vmem>>, vector<16xf32>,
      %parallel_loop3A_287 = vector.shape_cast %parallel_loop3A_286 : vector<16xf32> to vector<16xf32>
      %parallel_loop3A_288 = arith.constant 390 : i32
      %parallel_loop3A_289 = arith.addi %parallel_loop3A_288, %parallel_loop3A_11 : i32
      %parallel_loop3A_290 = arith.constant 16 : i32
      %parallel_loop3A_291 = arith.muli %parallel_loop3A_289, %parallel_loop3A_290 : i32
      %parallel_loop3A_292 = arith.index_cast %parallel_loop3A_291 : i32 to index
      %parallel_loop3A_293 = tpu.vector_load %arg10[%parallel_loop3A_292] {strides = array<i32>} : memref<15360xf32, #tpu.memory_space<vmem>>, vector<16xf32>,
      %parallel_loop3A_294 = vector.shape_cast %parallel_loop3A_293 : vector<16xf32> to vector<16xf32>
      %parallel_loop3A_295 = vector.shape_cast %parallel_loop3A_287 : vector<16xf32> to vector<16xf32>
      tpu.vector_store %arg10[%parallel_loop3A_292], %parallel_loop3A_295 {strides = array<i32>} : memref<15360xf32, #tpu.memory_space<vmem>>, vector<16xf32>,
      %parallel_loop3A_296 = arith.constant 390 : i32
      %parallel_loop3A_297 = arith.addi %parallel_loop3A_296, %parallel_loop3A_11 : i32
      %parallel_loop3A_298 = arith.constant 16 : i32
      %parallel_loop3A_299 = arith.muli %parallel_loop3A_297, %parallel_loop3A_298 : i32
      %parallel_loop3A_300 = arith.constant 7680 : i32
      %parallel_loop3A_301 = arith.addi %parallel_loop3A_300, %parallel_loop3A_299 : i32
      %parallel_loop3A_302 = arith.index_cast %parallel_loop3A_301 : i32 to index
      %parallel_loop3A_303 = tpu.vector_load %arg10[%parallel_loop3A_302] {strides = array<i32>} : memref<15360xf32, #tpu.memory_space<vmem>>, vector<16xf32>,
      %parallel_loop3A_304 = vector.shape_cast %parallel_loop3A_303 : vector<16xf32> to vector<16xf32>
      %parallel_loop3A_305 = vector.shape_cast %parallel_loop3A_287 : vector<16xf32> to vector<16xf32>
      tpu.vector_store %arg10[%parallel_loop3A_302], %parallel_loop3A_305 {strides = array<i32>} : memref<15360xf32, #tpu.memory_space<vmem>>, vector<16xf32>,
      %parallel_loop3A_306 = arith.constant 224 : index
      %parallel_loop3A_307 = tpu.vector_load %arg8[%parallel_loop3A_306] {strides = array<i32>} : memref<256xf32, #tpu.memory_space<vmem>>, vector<16xf32>,
      %parallel_loop3A_308 = vector.shape_cast %parallel_loop3A_307 : vector<16xf32> to vector<16xf32>
      %parallel_loop3A_309 = arith.constant 420 : i32
      %parallel_loop3A_310 = arith.addi %parallel_loop3A_309, %parallel_loop3A_11 : i32
      %parallel_loop3A_311 = arith.constant 16 : i32
      %parallel_loop3A_312 = arith.muli %parallel_loop3A_310, %parallel_loop3A_311 : i32
      %parallel_loop3A_313 = arith.index_cast %parallel_loop3A_312 : i32 to index
      %parallel_loop3A_314 = tpu.vector_load %arg10[%parallel_loop3A_313] {strides = array<i32>} : memref<15360xf32, #tpu.memory_space<vmem>>, vector<16xf32>,
      %parallel_loop3A_315 = vector.shape_cast %parallel_loop3A_314 : vector<16xf32> to vector<16xf32>
      %parallel_loop3A_316 = vector.shape_cast %parallel_loop3A_308 : vector<16xf32> to vector<16xf32>
      tpu.vector_store %arg10[%parallel_loop3A_313], %parallel_loop3A_316 {strides = array<i32>} : memref<15360xf32, #tpu.memory_space<vmem>>, vector<16xf32>,
      %parallel_loop3A_317 = arith.constant 420 : i32
      %parallel_loop3A_318 = arith.addi %parallel_loop3A_317, %parallel_loop3A_11 : i32
      %parallel_loop3A_319 = arith.constant 16 : i32
      %parallel_loop3A_320 = arith.muli %parallel_loop3A_318, %parallel_loop3A_319 : i32
      %parallel_loop3A_321 = arith.constant 7680 : i32
      %parallel_loop3A_322 = arith.addi %parallel_loop3A_321, %parallel_loop3A_320 : i32
      %parallel_loop3A_323 = arith.index_cast %parallel_loop3A_322 : i32 to index
      %parallel_loop3A_324 = tpu.vector_load %arg10[%parallel_loop3A_323] {strides = array<i32>} : memref<15360xf32, #tpu.memory_space<vmem>>, vector<16xf32>,
      %parallel_loop3A_325 = vector.shape_cast %parallel_loop3A_324 : vector<16xf32> to vector<16xf32>
      %parallel_loop3A_326 = vector.shape_cast %parallel_loop3A_308 : vector<16xf32> to vector<16xf32>
      tpu.vector_store %arg10[%parallel_loop3A_323], %parallel_loop3A_326 {strides = array<i32>} : memref<15360xf32, #tpu.memory_space<vmem>>, vector<16xf32>,
      %parallel_loop3A_327 = arith.constant 240 : index
      %parallel_loop3A_328 = tpu.vector_load %arg8[%parallel_loop3A_327] {strides = array<i32>} : memref<256xf32, #tpu.memory_space<vmem>>, vector<16xf32>,
      %parallel_loop3A_329 = vector.shape_cast %parallel_loop3A_328 : vector<16xf32> to vector<16xf32>
      %parallel_loop3A_330 = arith.constant 450 : i32
      %parallel_loop3A_331 = arith.addi %parallel_loop3A_330, %parallel_loop3A_11 : i32
      %parallel_loop3A_332 = arith.constant 16 : i32
      %parallel_loop3A_333 = arith.muli %parallel_loop3A_331, %parallel_loop3A_332 : i32
      %parallel_loop3A_334 = arith.index_cast %parallel_loop3A_333 : i32 to index
      %parallel_loop3A_335 = tpu.vector_load %arg10[%parallel_loop3A_334] {strides = array<i32>} : memref<15360xf32, #tpu.memory_space<vmem>>, vector<16xf32>,
      %parallel_loop3A_336 = vector.shape_cast %parallel_loop3A_335 : vector<16xf32> to vector<16xf32>
      %parallel_loop3A_337 = vector.shape_cast %parallel_loop3A_329 : vector<16xf32> to vector<16xf32>
      tpu.vector_store %arg10[%parallel_loop3A_334], %parallel_loop3A_337 {strides = array<i32>} : memref<15360xf32, #tpu.memory_space<vmem>>, vector<16xf32>,
      %parallel_loop3A_338 = arith.constant 450 : i32
      %parallel_loop3A_339 = arith.addi %parallel_loop3A_338, %parallel_loop3A_11 : i32
      %parallel_loop3A_340 = arith.constant 16 : i32
      %parallel_loop3A_341 = arith.muli %parallel_loop3A_339, %parallel_loop3A_340 : i32
      %parallel_loop3A_342 = arith.constant 7680 : i32
      %parallel_loop3A_343 = arith.addi %parallel_loop3A_342, %parallel_loop3A_341 : i32
      %parallel_loop3A_344 = arith.index_cast %parallel_loop3A_343 : i32 to index
      %parallel_loop3A_345 = tpu.vector_load %arg10[%parallel_loop3A_344] {strides = array<i32>} : memref<15360xf32, #tpu.memory_space<vmem>>, vector<16xf32>,
      %parallel_loop3A_346 = vector.shape_cast %parallel_loop3A_345 : vector<16xf32> to vector<16xf32>
      %parallel_loop3A_347 = vector.shape_cast %parallel_loop3A_329 : vector<16xf32> to vector<16xf32>
      tpu.vector_store %arg10[%parallel_loop3A_344], %parallel_loop3A_347 {strides = array<i32>} : memref<15360xf32, #tpu.memory_space<vmem>>, vector<16xf32>,
    } {sc.loop_unroll_factor = 1 : i64, sc.parallel_access}
    %scan3A = arith.constant 0 : i32
    %scan3A_3 = arith.constant 0 : i32
    %scan3A_4 = arith.constant 32 : i32
    %scan3A_5 = arith.addi %scan3A_3, %scan3A_4 : i32
    %scan3A_6 = arith.constant 1 : i32
    scf.for %scan3A_11 = %scan3A_3 to %scan3A_5 step %scan3A_6  : i32 {
      %jit3A = arith.constant 4 : i32
      %eq3A = arith.constant 0 : i32
      %eq3A_12 = arith.cmpi eq, %jit3A, %eq3A : i32
      %jit3A_13 = arith.constant 1 : i32
      %select_n3A = arith.select %eq3A_12, %jit3A_13, %jit3A : i32
      %rem3A = arith.remsi %scan3A_11, %select_n3A : i32
      %ne3A = arith.constant 0 : i32
      %ne3A_14 = arith.cmpi ne, %rem3A, %ne3A : i32
      %lt3A = arith.constant 0 : i32
      %lt3A_15 = arith.cmpi slt, %rem3A, %lt3A : i32
      %lt3A_16 = arith.constant 0 : i32
      %lt3A_17 = arith.cmpi slt, %select_n3A, %lt3A_16 : i32
      %ne3A_18 = arith.xori %lt3A_15, %lt3A_17 : i1
      %and3A = arith.andi %ne3A_18, %ne3A_14 : i1
      %add3A_19 = arith.addi %rem3A, %select_n3A : i32
      %select_n3A_20 = arith.select %and3A, %add3A_19, %rem3A : i32
      %jit3A_21 = arith.constant 4 : i32
      %div3A = arith.divsi %scan3A_11, %jit3A_21 : i32
      %sign3A = arith.constant 0 : i32
      %sign3A_22 = arith.cmpi sgt, %scan3A_11, %sign3A : i32
      %sign3A_23 = arith.extui %sign3A_22 : i1 to i32
      %sign3A_24 = arith.constant 0 : i32
      %sign3A_25 = arith.cmpi slt, %scan3A_11, %sign3A_24 : i32
      %sign3A_26 = arith.extui %sign3A_25 : i1 to i32
      %sign3A_27 = arith.subi %sign3A_23, %sign3A_26 : i32
      %sign3A_28 = arith.constant 0 : i32
      %sign3A_29 = arith.cmpi sgt, %jit3A_21, %sign3A_28 : i32
      %sign3A_30 = arith.extui %sign3A_29 : i1 to i32
      %sign3A_31 = arith.constant 0 : i32
      %sign3A_32 = arith.cmpi slt, %jit3A_21, %sign3A_31 : i32
      %sign3A_33 = arith.extui %sign3A_32 : i1 to i32
      %sign3A_34 = arith.subi %sign3A_30, %sign3A_33 : i32
      %ne3A_35 = arith.cmpi ne, %sign3A_27, %sign3A_34 : i32
      %rem3A_36 = arith.remsi %scan3A_11, %jit3A_21 : i32
      %ne3A_37 = arith.constant 0 : i32
      %ne3A_38 = arith.cmpi ne, %rem3A_36, %ne3A_37 : i32
      %and3A_39 = arith.andi %ne3A_35, %ne3A_38 : i1
      %sub3A = arith.constant 1 : i32
      %sub3A_40 = arith.subi %div3A, %sub3A : i32
      %select_n3A_41 = arith.select %and3A_39, %sub3A_40, %div3A : i32
      %mul3A_42 = arith.constant 4 : i32
      %mul3A_43 = arith.muli %select_n3A_20, %mul3A_42 : i32
      %add3A_44 = arith.constant 0 : i32
      %add3A_45 = arith.addi %mul3A_43, %add3A_44 : i32
      %mul3A_46 = arith.constant 72 : i32
      %mul3A_47 = arith.muli %add3A_45, %mul3A_46 : i32
      %mul3A_48 = arith.constant 9 : i32
      %mul3A_49 = arith.muli %select_n3A_41, %mul3A_48 : i32
      %add3A_50 = arith.addi %mul3A_47, %mul3A_49 : i32
      %add3A_51 = arith.constant 0 : i32
      %add3A_52 = arith.addi %add3A_50, %add3A_51 : i32
      %mul3A_53 = arith.constant 16 : i32
      %mul3A_54 = arith.muli %add3A_52, %mul3A_53 : i32
      %get3A = arith.index_cast %mul3A_54 : i32 to index
      %get3A_55 = tpu.vector_load %arg7[%get3A] {strides = array<i32>} : memref<18432xf32, #tpu.memory_space<vmem>>, vector<16xf32>,
      %get3A_56 = vector.shape_cast %get3A_55 : vector<16xf32> to vector<16xf32>
      %mul3A_57 = arith.constant 4 : i32
      %mul3A_58 = arith.muli %select_n3A_20, %mul3A_57 : i32
      %add3A_59 = arith.constant 0 : i32
      %add3A_60 = arith.addi %mul3A_58, %add3A_59 : i32
      %mul3A_61 = arith.constant 72 : i32
      %mul3A_62 = arith.muli %add3A_60, %mul3A_61 : i32
      %mul3A_63 = arith.constant 9 : i32
      %mul3A_64 = arith.muli %select_n3A_41, %mul3A_63 : i32
      %add3A_65 = arith.addi %mul3A_62, %mul3A_64 : i32
      %add3A_66 = arith.constant 1 : i32
      %add3A_67 = arith.addi %add3A_65, %add3A_66 : i32
      %mul3A_68 = arith.constant 16 : i32
      %mul3A_69 = arith.muli %add3A_67, %mul3A_68 : i32
      %get3A_70 = arith.index_cast %mul3A_69 : i32 to index
      %get3A_71 = tpu.vector_load %arg7[%get3A_70] {strides = array<i32>} : memref<18432xf32, #tpu.memory_space<vmem>>, vector<16xf32>,
      %get3A_72 = vector.shape_cast %get3A_71 : vector<16xf32> to vector<16xf32>
      %mul3A_73 = arith.constant 4 : i32
      %mul3A_74 = arith.muli %select_n3A_20, %mul3A_73 : i32
      %add3A_75 = arith.constant 0 : i32
      %add3A_76 = arith.addi %mul3A_74, %add3A_75 : i32
      %mul3A_77 = arith.constant 72 : i32
      %mul3A_78 = arith.muli %add3A_76, %mul3A_77 : i32
      %mul3A_79 = arith.constant 9 : i32
      %mul3A_80 = arith.muli %select_n3A_41, %mul3A_79 : i32
      %add3A_81 = arith.addi %mul3A_78, %mul3A_80 : i32
      %add3A_82 = arith.constant 2 : i32
      %add3A_83 = arith.addi %add3A_81, %add3A_82 : i32
      %mul3A_84 = arith.constant 16 : i32
      %mul3A_85 = arith.muli %add3A_83, %mul3A_84 : i32
      %get3A_86 = arith.index_cast %mul3A_85 : i32 to index
      %get3A_87 = tpu.vector_load %arg7[%get3A_86] {strides = array<i32>} : memref<18432xf32, #tpu.memory_space<vmem>>, vector<16xf32>,
      %get3A_88 = vector.shape_cast %get3A_87 : vector<16xf32> to vector<16xf32>
      %mul3A_89 = arith.constant 4 : i32
      %mul3A_90 = arith.muli %select_n3A_20, %mul3A_89 : i32
      %add3A_91 = arith.constant 0 : i32
      %add3A_92 = arith.addi %mul3A_90, %add3A_91 : i32
      %mul3A_93 = arith.constant 72 : i32
      %mul3A_94 = arith.muli %add3A_92, %mul3A_93 : i32
      %mul3A_95 = arith.constant 9 : i32
      %mul3A_96 = arith.muli %select_n3A_41, %mul3A_95 : i32
      %add3A_97 = arith.addi %mul3A_94, %mul3A_96 : i32
      %add3A_98 = arith.constant 3 : i32
      %add3A_99 = arith.addi %add3A_97, %add3A_98 : i32
      %mul3A_100 = arith.constant 16 : i32
      %mul3A_101 = arith.muli %add3A_99, %mul3A_100 : i32
      %get3A_102 = arith.index_cast %mul3A_101 : i32 to index
      %get3A_103 = tpu.vector_load %arg7[%get3A_102] {strides = array<i32>} : memref<18432xf32, #tpu.memory_space<vmem>>, vector<16xf32>,
      %get3A_104 = vector.shape_cast %get3A_103 : vector<16xf32> to vector<16xf32>
      %mul3A_105 = arith.constant 4 : i32
      %mul3A_106 = arith.muli %select_n3A_20, %mul3A_105 : i32
      %add3A_107 = arith.constant 0 : i32
      %add3A_108 = arith.addi %mul3A_106, %add3A_107 : i32
      %mul3A_109 = arith.constant 72 : i32
      %mul3A_110 = arith.muli %add3A_108, %mul3A_109 : i32
      %mul3A_111 = arith.constant 9 : i32
      %mul3A_112 = arith.muli %select_n3A_41, %mul3A_111 : i32
      %add3A_113 = arith.addi %mul3A_110, %mul3A_112 : i32
      %add3A_114 = arith.constant 4 : i32
      %add3A_115 = arith.addi %add3A_113, %add3A_114 : i32
      %mul3A_116 = arith.constant 16 : i32
      %mul3A_117 = arith.muli %add3A_115, %mul3A_116 : i32
      %get3A_118 = arith.index_cast %mul3A_117 : i32 to index
      %get3A_119 = tpu.vector_load %arg7[%get3A_118] {strides = array<i32>} : memref<18432xf32, #tpu.memory_space<vmem>>, vector<16xf32>,
      %get3A_120 = vector.shape_cast %get3A_119 : vector<16xf32> to vector<16xf32>
      %mul3A_121 = arith.constant 4 : i32
      %mul3A_122 = arith.muli %select_n3A_20, %mul3A_121 : i32
      %add3A_123 = arith.constant 0 : i32
      %add3A_124 = arith.addi %mul3A_122, %add3A_123 : i32
      %mul3A_125 = arith.constant 72 : i32
      %mul3A_126 = arith.muli %add3A_124, %mul3A_125 : i32
      %mul3A_127 = arith.constant 9 : i32
      %mul3A_128 = arith.muli %select_n3A_41, %mul3A_127 : i32
      %add3A_129 = arith.addi %mul3A_126, %mul3A_128 : i32
      %add3A_130 = arith.constant 5 : i32
      %add3A_131 = arith.addi %add3A_129, %add3A_130 : i32
      %mul3A_132 = arith.constant 16 : i32
      %mul3A_133 = arith.muli %add3A_131, %mul3A_132 : i32
      %get3A_134 = arith.index_cast %mul3A_133 : i32 to index
      %get3A_135 = tpu.vector_load %arg7[%get3A_134] {strides = array<i32>} : memref<18432xf32, #tpu.memory_space<vmem>>, vector<16xf32>,
      %get3A_136 = vector.shape_cast %get3A_135 : vector<16xf32> to vector<16xf32>
      %mul3A_137 = arith.constant 4 : i32
      %mul3A_138 = arith.muli %select_n3A_20, %mul3A_137 : i32
      %add3A_139 = arith.constant 0 : i32
      %add3A_140 = arith.addi %mul3A_138, %add3A_139 : i32
      %mul3A_141 = arith.constant 72 : i32
      %mul3A_142 = arith.muli %add3A_140, %mul3A_141 : i32
      %mul3A_143 = arith.constant 9 : i32
      %mul3A_144 = arith.muli %select_n3A_41, %mul3A_143 : i32
      %add3A_145 = arith.addi %mul3A_142, %mul3A_144 : i32
      %add3A_146 = arith.constant 6 : i32
      %add3A_147 = arith.addi %add3A_145, %add3A_146 : i32
      %mul3A_148 = arith.constant 16 : i32
      %mul3A_149 = arith.muli %add3A_147, %mul3A_148 : i32
      %get3A_150 = arith.index_cast %mul3A_149 : i32 to index
      %get3A_151 = tpu.vector_load %arg7[%get3A_150] {strides = array<i32>} : memref<18432xf32, #tpu.memory_space<vmem>>, vector<16xf32>,
      %get3A_152 = vector.shape_cast %get3A_151 : vector<16xf32> to vector<16xf32>
      %mul3A_153 = arith.constant 4 : i32
      %mul3A_154 = arith.muli %select_n3A_20, %mul3A_153 : i32
      %add3A_155 = arith.constant 0 : i32
      %add3A_156 = arith.addi %mul3A_154, %add3A_155 : i32
      %mul3A_157 = arith.constant 72 : i32
      %mul3A_158 = arith.muli %add3A_156, %mul3A_157 : i32
      %mul3A_159 = arith.constant 9 : i32
      %mul3A_160 = arith.muli %select_n3A_41, %mul3A_159 : i32
      %add3A_161 = arith.addi %mul3A_158, %mul3A_160 : i32
      %add3A_162 = arith.constant 7 : i32
      %add3A_163 = arith.addi %add3A_161, %add3A_162 : i32
      %mul3A_164 = arith.constant 16 : i32
      %mul3A_165 = arith.muli %add3A_163, %mul3A_164 : i32
      %get3A_166 = arith.index_cast %mul3A_165 : i32 to index
      %get3A_167 = tpu.vector_load %arg7[%get3A_166] {strides = array<i32>} : memref<18432xf32, #tpu.memory_space<vmem>>, vector<16xf32>,
      %get3A_168 = vector.shape_cast %get3A_167 : vector<16xf32> to vector<16xf32>
      %mul3A_169 = arith.constant 4 : i32
      %mul3A_170 = arith.muli %select_n3A_20, %mul3A_169 : i32
      %add3A_171 = arith.constant 0 : i32
      %add3A_172 = arith.addi %mul3A_170, %add3A_171 : i32
      %mul3A_173 = arith.constant 72 : i32
      %mul3A_174 = arith.muli %add3A_172, %mul3A_173 : i32
      %mul3A_175 = arith.constant 9 : i32
      %mul3A_176 = arith.muli %select_n3A_41, %mul3A_175 : i32
      %add3A_177 = arith.addi %mul3A_174, %mul3A_176 : i32
      %add3A_178 = arith.constant 8 : i32
      %add3A_179 = arith.addi %add3A_177, %add3A_178 : i32
      %mul3A_180 = arith.constant 16 : i32
      %mul3A_181 = arith.muli %add3A_179, %mul3A_180 : i32
      %get3A_182 = arith.index_cast %mul3A_181 : i32 to index
      %get3A_183 = tpu.vector_load %arg7[%get3A_182] {strides = array<i32>} : memref<18432xf32, #tpu.memory_space<vmem>>, vector<16xf32>,
      %get3A_184 = vector.shape_cast %get3A_183 : vector<16xf32> to vector<16xf32>
      %mul3A_185 = arith.constant 4 : i32
      %mul3A_186 = arith.muli %select_n3A_20, %mul3A_185 : i32
      %add3A_187 = arith.constant 1 : i32
      %add3A_188 = arith.addi %mul3A_186, %add3A_187 : i32
      %mul3A_189 = arith.constant 72 : i32
      %mul3A_190 = arith.muli %add3A_188, %mul3A_189 : i32
      %mul3A_191 = arith.constant 9 : i32
      %mul3A_192 = arith.muli %select_n3A_41, %mul3A_191 : i32
      %add3A_193 = arith.addi %mul3A_190, %mul3A_192 : i32
      %add3A_194 = arith.constant 0 : i32
      %add3A_195 = arith.addi %add3A_193, %add3A_194 : i32
      %mul3A_196 = arith.constant 16 : i32
      %mul3A_197 = arith.muli %add3A_195, %mul3A_196 : i32
      %get3A_198 = arith.index_cast %mul3A_197 : i32 to index
      %get3A_199 = tpu.vector_load %arg7[%get3A_198] {strides = array<i32>} : memref<18432xf32, #tpu.memory_space<vmem>>, vector<16xf32>,
      %get3A_200 = vector.shape_cast %get3A_199 : vector<16xf32> to vector<16xf32>
      %mul3A_201 = arith.constant 4 : i32
      %mul3A_202 = arith.muli %select_n3A_20, %mul3A_201 : i32
      %add3A_203 = arith.constant 1 : i32
      %add3A_204 = arith.addi %mul3A_202, %add3A_203 : i32
      %mul3A_205 = arith.constant 72 : i32
      %mul3A_206 = arith.muli %add3A_204, %mul3A_205 : i32
      %mul3A_207 = arith.constant 9 : i32
      %mul3A_208 = arith.muli %select_n3A_41, %mul3A_207 : i32
      %add3A_209 = arith.addi %mul3A_206, %mul3A_208 : i32
      %add3A_210 = arith.constant 1 : i32
      %add3A_211 = arith.addi %add3A_209, %add3A_210 : i32
      %mul3A_212 = arith.constant 16 : i32
      %mul3A_213 = arith.muli %add3A_211, %mul3A_212 : i32
      %get3A_214 = arith.index_cast %mul3A_213 : i32 to index
      %get3A_215 = tpu.vector_load %arg7[%get3A_214] {strides = array<i32>} : memref<18432xf32, #tpu.memory_space<vmem>>, vector<16xf32>,
      %get3A_216 = vector.shape_cast %get3A_215 : vector<16xf32> to vector<16xf32>
      %mul3A_217 = arith.constant 4 : i32
      %mul3A_218 = arith.muli %select_n3A_20, %mul3A_217 : i32
      %add3A_219 = arith.constant 1 : i32
      %add3A_220 = arith.addi %mul3A_218, %add3A_219 : i32
      %mul3A_221 = arith.constant 72 : i32
      %mul3A_222 = arith.muli %add3A_220, %mul3A_221 : i32
      %mul3A_223 = arith.constant 9 : i32
      %mul3A_224 = arith.muli %select_n3A_41, %mul3A_223 : i32
      %add3A_225 = arith.addi %mul3A_222, %mul3A_224 : i32
      %add3A_226 = arith.constant 2 : i32
      %add3A_227 = arith.addi %add3A_225, %add3A_226 : i32
      %mul3A_228 = arith.constant 16 : i32
      %mul3A_229 = arith.muli %add3A_227, %mul3A_228 : i32
      %get3A_230 = arith.index_cast %mul3A_229 : i32 to index
      %get3A_231 = tpu.vector_load %arg7[%get3A_230] {strides = array<i32>} : memref<18432xf32, #tpu.memory_space<vmem>>, vector<16xf32>,
      %get3A_232 = vector.shape_cast %get3A_231 : vector<16xf32> to vector<16xf32>
      %mul3A_233 = arith.constant 4 : i32
      %mul3A_234 = arith.muli %select_n3A_20, %mul3A_233 : i32
      %add3A_235 = arith.constant 1 : i32
      %add3A_236 = arith.addi %mul3A_234, %add3A_235 : i32
      %mul3A_237 = arith.constant 72 : i32
      %mul3A_238 = arith.muli %add3A_236, %mul3A_237 : i32
      %mul3A_239 = arith.constant 9 : i32
      %mul3A_240 = arith.muli %select_n3A_41, %mul3A_239 : i32
      %add3A_241 = arith.addi %mul3A_238, %mul3A_240 : i32
      %add3A_242 = arith.constant 3 : i32
      %add3A_243 = arith.addi %add3A_241, %add3A_242 : i32
      %mul3A_244 = arith.constant 16 : i32
      %mul3A_245 = arith.muli %add3A_243, %mul3A_244 : i32
      %get3A_246 = arith.index_cast %mul3A_245 : i32 to index
      %get3A_247 = tpu.vector_load %arg7[%get3A_246] {strides = array<i32>} : memref<18432xf32, #tpu.memory_space<vmem>>, vector<16xf32>,
      %get3A_248 = vector.shape_cast %get3A_247 : vector<16xf32> to vector<16xf32>
      %mul3A_249 = arith.constant 4 : i32
      %mul3A_250 = arith.muli %select_n3A_20, %mul3A_249 : i32
      %add3A_251 = arith.constant 1 : i32
      %add3A_252 = arith.addi %mul3A_250, %add3A_251 : i32
      %mul3A_253 = arith.constant 72 : i32
      %mul3A_254 = arith.muli %add3A_252, %mul3A_253 : i32
      %mul3A_255 = arith.constant 9 : i32
      %mul3A_256 = arith.muli %select_n3A_41, %mul3A_255 : i32
      %add3A_257 = arith.addi %mul3A_254, %mul3A_256 : i32
      %add3A_258 = arith.constant 4 : i32
      %add3A_259 = arith.addi %add3A_257, %add3A_258 : i32
      %mul3A_260 = arith.constant 16 : i32
      %mul3A_261 = arith.muli %add3A_259, %mul3A_260 : i32
      %get3A_262 = arith.index_cast %mul3A_261 : i32 to index
      %get3A_263 = tpu.vector_load %arg7[%get3A_262] {strides = array<i32>} : memref<18432xf32, #tpu.memory_space<vmem>>, vector<16xf32>,
      %get3A_264 = vector.shape_cast %get3A_263 : vector<16xf32> to vector<16xf32>
      %mul3A_265 = arith.constant 4 : i32
      %mul3A_266 = arith.muli %select_n3A_20, %mul3A_265 : i32
      %add3A_267 = arith.constant 1 : i32
      %add3A_268 = arith.addi %mul3A_266, %add3A_267 : i32
      %mul3A_269 = arith.constant 72 : i32
      %mul3A_270 = arith.muli %add3A_268, %mul3A_269 : i32
      %mul3A_271 = arith.constant 9 : i32
      %mul3A_272 = arith.muli %select_n3A_41, %mul3A_271 : i32
      %add3A_273 = arith.addi %mul3A_270, %mul3A_272 : i32
      %add3A_274 = arith.constant 5 : i32
      %add3A_275 = arith.addi %add3A_273, %add3A_274 : i32
      %mul3A_276 = arith.constant 16 : i32
      %mul3A_277 = arith.muli %add3A_275, %mul3A_276 : i32
      %get3A_278 = arith.index_cast %mul3A_277 : i32 to index
      %get3A_279 = tpu.vector_load %arg7[%get3A_278] {strides = array<i32>} : memref<18432xf32, #tpu.memory_space<vmem>>, vector<16xf32>,
      %get3A_280 = vector.shape_cast %get3A_279 : vector<16xf32> to vector<16xf32>
      %mul3A_281 = arith.constant 4 : i32
      %mul3A_282 = arith.muli %select_n3A_20, %mul3A_281 : i32
      %add3A_283 = arith.constant 1 : i32
      %add3A_284 = arith.addi %mul3A_282, %add3A_283 : i32
      %mul3A_285 = arith.constant 72 : i32
      %mul3A_286 = arith.muli %add3A_284, %mul3A_285 : i32
      %mul3A_287 = arith.constant 9 : i32
      %mul3A_288 = arith.muli %select_n3A_41, %mul3A_287 : i32
      %add3A_289 = arith.addi %mul3A_286, %mul3A_288 : i32
      %add3A_290 = arith.constant 6 : i32
      %add3A_291 = arith.addi %add3A_289, %add3A_290 : i32
      %mul3A_292 = arith.constant 16 : i32
      %mul3A_293 = arith.muli %add3A_291, %mul3A_292 : i32
      %get3A_294 = arith.index_cast %mul3A_293 : i32 to index
      %get3A_295 = tpu.vector_load %arg7[%get3A_294] {strides = array<i32>} : memref<18432xf32, #tpu.memory_space<vmem>>, vector<16xf32>,
      %get3A_296 = vector.shape_cast %get3A_295 : vector<16xf32> to vector<16xf32>
      %mul3A_297 = arith.constant 4 : i32
      %mul3A_298 = arith.muli %select_n3A_20, %mul3A_297 : i32
      %add3A_299 = arith.constant 1 : i32
      %add3A_300 = arith.addi %mul3A_298, %add3A_299 : i32
      %mul3A_301 = arith.constant 72 : i32
      %mul3A_302 = arith.muli %add3A_300, %mul3A_301 : i32
      %mul3A_303 = arith.constant 9 : i32
      %mul3A_304 = arith.muli %select_n3A_41, %mul3A_303 : i32
      %add3A_305 = arith.addi %mul3A_302, %mul3A_304 : i32
      %add3A_306 = arith.constant 7 : i32
      %add3A_307 = arith.addi %add3A_305, %add3A_306 : i32
      %mul3A_308 = arith.constant 16 : i32
      %mul3A_309 = arith.muli %add3A_307, %mul3A_308 : i32
      %get3A_310 = arith.index_cast %mul3A_309 : i32 to index
      %get3A_311 = tpu.vector_load %arg7[%get3A_310] {strides = array<i32>} : memref<18432xf32, #tpu.memory_space<vmem>>, vector<16xf32>,
      %get3A_312 = vector.shape_cast %get3A_311 : vector<16xf32> to vector<16xf32>
      %mul3A_313 = arith.constant 4 : i32
      %mul3A_314 = arith.muli %select_n3A_20, %mul3A_313 : i32
      %add3A_315 = arith.constant 1 : i32
      %add3A_316 = arith.addi %mul3A_314, %add3A_315 : i32
      %mul3A_317 = arith.constant 72 : i32
      %mul3A_318 = arith.muli %add3A_316, %mul3A_317 : i32
      %mul3A_319 = arith.constant 9 : i32
      %mul3A_320 = arith.muli %select_n3A_41, %mul3A_319 : i32
      %add3A_321 = arith.addi %mul3A_318, %mul3A_320 : i32
      %add3A_322 = arith.constant 8 : i32
      %add3A_323 = arith.addi %add3A_321, %add3A_322 : i32
      %mul3A_324 = arith.constant 16 : i32
      %mul3A_325 = arith.muli %add3A_323, %mul3A_324 : i32
      %get3A_326 = arith.index_cast %mul3A_325 : i32 to index
      %get3A_327 = tpu.vector_load %arg7[%get3A_326] {strides = array<i32>} : memref<18432xf32, #tpu.memory_space<vmem>>, vector<16xf32>,
      %get3A_328 = vector.shape_cast %get3A_327 : vector<16xf32> to vector<16xf32>
      %mul3A_329 = arith.constant 4 : i32
      %mul3A_330 = arith.muli %select_n3A_20, %mul3A_329 : i32
      %add3A_331 = arith.constant 2 : i32
      %add3A_332 = arith.addi %mul3A_330, %add3A_331 : i32
      %mul3A_333 = arith.constant 72 : i32
      %mul3A_334 = arith.muli %add3A_332, %mul3A_333 : i32
      %mul3A_335 = arith.constant 9 : i32
      %mul3A_336 = arith.muli %select_n3A_41, %mul3A_335 : i32
      %add3A_337 = arith.addi %mul3A_334, %mul3A_336 : i32
      %add3A_338 = arith.constant 0 : i32
      %add3A_339 = arith.addi %add3A_337, %add3A_338 : i32
      %mul3A_340 = arith.constant 16 : i32
      %mul3A_341 = arith.muli %add3A_339, %mul3A_340 : i32
      %get3A_342 = arith.index_cast %mul3A_341 : i32 to index
      %get3A_343 = tpu.vector_load %arg7[%get3A_342] {strides = array<i32>} : memref<18432xf32, #tpu.memory_space<vmem>>, vector<16xf32>,
      %get3A_344 = vector.shape_cast %get3A_343 : vector<16xf32> to vector<16xf32>
      %mul3A_345 = arith.constant 4 : i32
      %mul3A_346 = arith.muli %select_n3A_20, %mul3A_345 : i32
      %add3A_347 = arith.constant 2 : i32
      %add3A_348 = arith.addi %mul3A_346, %add3A_347 : i32
      %mul3A_349 = arith.constant 72 : i32
      %mul3A_350 = arith.muli %add3A_348, %mul3A_349 : i32
      %mul3A_351 = arith.constant 9 : i32
      %mul3A_352 = arith.muli %select_n3A_41, %mul3A_351 : i32
      %add3A_353 = arith.addi %mul3A_350, %mul3A_352 : i32
      %add3A_354 = arith.constant 1 : i32
      %add3A_355 = arith.addi %add3A_353, %add3A_354 : i32
      %mul3A_356 = arith.constant 16 : i32
      %mul3A_357 = arith.muli %add3A_355, %mul3A_356 : i32
      %get3A_358 = arith.index_cast %mul3A_357 : i32 to index
      %get3A_359 = tpu.vector_load %arg7[%get3A_358] {strides = array<i32>} : memref<18432xf32, #tpu.memory_space<vmem>>, vector<16xf32>,
      %get3A_360 = vector.shape_cast %get3A_359 : vector<16xf32> to vector<16xf32>
      %mul3A_361 = arith.constant 4 : i32
      %mul3A_362 = arith.muli %select_n3A_20, %mul3A_361 : i32
      %add3A_363 = arith.constant 2 : i32
      %add3A_364 = arith.addi %mul3A_362, %add3A_363 : i32
      %mul3A_365 = arith.constant 72 : i32
      %mul3A_366 = arith.muli %add3A_364, %mul3A_365 : i32
      %mul3A_367 = arith.constant 9 : i32
      %mul3A_368 = arith.muli %select_n3A_41, %mul3A_367 : i32
      %add3A_369 = arith.addi %mul3A_366, %mul3A_368 : i32
      %add3A_370 = arith.constant 2 : i32
      %add3A_371 = arith.addi %add3A_369, %add3A_370 : i32
      %mul3A_372 = arith.constant 16 : i32
      %mul3A_373 = arith.muli %add3A_371, %mul3A_372 : i32
      %get3A_374 = arith.index_cast %mul3A_373 : i32 to index
      %get3A_375 = tpu.vector_load %arg7[%get3A_374] {strides = array<i32>} : memref<18432xf32, #tpu.memory_space<vmem>>, vector<16xf32>,
      %get3A_376 = vector.shape_cast %get3A_375 : vector<16xf32> to vector<16xf32>
      %mul3A_377 = arith.constant 4 : i32
      %mul3A_378 = arith.muli %select_n3A_20, %mul3A_377 : i32
      %add3A_379 = arith.constant 2 : i32
      %add3A_380 = arith.addi %mul3A_378, %add3A_379 : i32
      %mul3A_381 = arith.constant 72 : i32
      %mul3A_382 = arith.muli %add3A_380, %mul3A_381 : i32
      %mul3A_383 = arith.constant 9 : i32
      %mul3A_384 = arith.muli %select_n3A_41, %mul3A_383 : i32
      %add3A_385 = arith.addi %mul3A_382, %mul3A_384 : i32
      %add3A_386 = arith.constant 3 : i32
      %add3A_387 = arith.addi %add3A_385, %add3A_386 : i32
      %mul3A_388 = arith.constant 16 : i32
      %mul3A_389 = arith.muli %add3A_387, %mul3A_388 : i32
      %get3A_390 = arith.index_cast %mul3A_389 : i32 to index
      %get3A_391 = tpu.vector_load %arg7[%get3A_390] {strides = array<i32>} : memref<18432xf32, #tpu.memory_space<vmem>>, vector<16xf32>,
      %get3A_392 = vector.shape_cast %get3A_391 : vector<16xf32> to vector<16xf32>
      %mul3A_393 = arith.constant 4 : i32
      %mul3A_394 = arith.muli %select_n3A_20, %mul3A_393 : i32
      %add3A_395 = arith.constant 2 : i32
      %add3A_396 = arith.addi %mul3A_394, %add3A_395 : i32
      %mul3A_397 = arith.constant 72 : i32
      %mul3A_398 = arith.muli %add3A_396, %mul3A_397 : i32
      %mul3A_399 = arith.constant 9 : i32
      %mul3A_400 = arith.muli %select_n3A_41, %mul3A_399 : i32
      %add3A_401 = arith.addi %mul3A_398, %mul3A_400 : i32
      %add3A_402 = arith.constant 4 : i32
      %add3A_403 = arith.addi %add3A_401, %add3A_402 : i32
      %mul3A_404 = arith.constant 16 : i32
      %mul3A_405 = arith.muli %add3A_403, %mul3A_404 : i32
      %get3A_406 = arith.index_cast %mul3A_405 : i32 to index
      %get3A_407 = tpu.vector_load %arg7[%get3A_406] {strides = array<i32>} : memref<18432xf32, #tpu.memory_space<vmem>>, vector<16xf32>,
      %get3A_408 = vector.shape_cast %get3A_407 : vector<16xf32> to vector<16xf32>
      %mul3A_409 = arith.constant 4 : i32
      %mul3A_410 = arith.muli %select_n3A_20, %mul3A_409 : i32
      %add3A_411 = arith.constant 2 : i32
      %add3A_412 = arith.addi %mul3A_410, %add3A_411 : i32
      %mul3A_413 = arith.constant 72 : i32
      %mul3A_414 = arith.muli %add3A_412, %mul3A_413 : i32
      %mul3A_415 = arith.constant 9 : i32
      %mul3A_416 = arith.muli %select_n3A_41, %mul3A_415 : i32
      %add3A_417 = arith.addi %mul3A_414, %mul3A_416 : i32
      %add3A_418 = arith.constant 5 : i32
      %add3A_419 = arith.addi %add3A_417, %add3A_418 : i32
      %mul3A_420 = arith.constant 16 : i32
      %mul3A_421 = arith.muli %add3A_419, %mul3A_420 : i32
      %get3A_422 = arith.index_cast %mul3A_421 : i32 to index
      %get3A_423 = tpu.vector_load %arg7[%get3A_422] {strides = array<i32>} : memref<18432xf32, #tpu.memory_space<vmem>>, vector<16xf32>,
      %get3A_424 = vector.shape_cast %get3A_423 : vector<16xf32> to vector<16xf32>
      %mul3A_425 = arith.constant 4 : i32
      %mul3A_426 = arith.muli %select_n3A_20, %mul3A_425 : i32
      %add3A_427 = arith.constant 2 : i32
      %add3A_428 = arith.addi %mul3A_426, %add3A_427 : i32
      %mul3A_429 = arith.constant 72 : i32
      %mul3A_430 = arith.muli %add3A_428, %mul3A_429 : i32
      %mul3A_431 = arith.constant 9 : i32
      %mul3A_432 = arith.muli %select_n3A_41, %mul3A_431 : i32
      %add3A_433 = arith.addi %mul3A_430, %mul3A_432 : i32
      %add3A_434 = arith.constant 6 : i32
      %add3A_435 = arith.addi %add3A_433, %add3A_434 : i32
      %mul3A_436 = arith.constant 16 : i32
      %mul3A_437 = arith.muli %add3A_435, %mul3A_436 : i32
      %get3A_438 = arith.index_cast %mul3A_437 : i32 to index
      %get3A_439 = tpu.vector_load %arg7[%get3A_438] {strides = array<i32>} : memref<18432xf32, #tpu.memory_space<vmem>>, vector<16xf32>,
      %get3A_440 = vector.shape_cast %get3A_439 : vector<16xf32> to vector<16xf32>
      %mul3A_441 = arith.constant 4 : i32
      %mul3A_442 = arith.muli %select_n3A_20, %mul3A_441 : i32
      %add3A_443 = arith.constant 2 : i32
      %add3A_444 = arith.addi %mul3A_442, %add3A_443 : i32
      %mul3A_445 = arith.constant 72 : i32
      %mul3A_446 = arith.muli %add3A_444, %mul3A_445 : i32
      %mul3A_447 = arith.constant 9 : i32
      %mul3A_448 = arith.muli %select_n3A_41, %mul3A_447 : i32
      %add3A_449 = arith.addi %mul3A_446, %mul3A_448 : i32
      %add3A_450 = arith.constant 7 : i32
      %add3A_451 = arith.addi %add3A_449, %add3A_450 : i32
      %mul3A_452 = arith.constant 16 : i32
      %mul3A_453 = arith.muli %add3A_451, %mul3A_452 : i32
      %get3A_454 = arith.index_cast %mul3A_453 : i32 to index
      %get3A_455 = tpu.vector_load %arg7[%get3A_454] {strides = array<i32>} : memref<18432xf32, #tpu.memory_space<vmem>>, vector<16xf32>,
      %get3A_456 = vector.shape_cast %get3A_455 : vector<16xf32> to vector<16xf32>
      %mul3A_457 = arith.constant 4 : i32
      %mul3A_458 = arith.muli %select_n3A_20, %mul3A_457 : i32
      %add3A_459 = arith.constant 2 : i32
      %add3A_460 = arith.addi %mul3A_458, %add3A_459 : i32
      %mul3A_461 = arith.constant 72 : i32
      %mul3A_462 = arith.muli %add3A_460, %mul3A_461 : i32
      %mul3A_463 = arith.constant 9 : i32
      %mul3A_464 = arith.muli %select_n3A_41, %mul3A_463 : i32
      %add3A_465 = arith.addi %mul3A_462, %mul3A_464 : i32
      %add3A_466 = arith.constant 8 : i32
      %add3A_467 = arith.addi %add3A_465, %add3A_466 : i32
      %mul3A_468 = arith.constant 16 : i32
      %mul3A_469 = arith.muli %add3A_467, %mul3A_468 : i32
      %get3A_470 = arith.index_cast %mul3A_469 : i32 to index
      %get3A_471 = tpu.vector_load %arg7[%get3A_470] {strides = array<i32>} : memref<18432xf32, #tpu.memory_space<vmem>>, vector<16xf32>,
      %get3A_472 = vector.shape_cast %get3A_471 : vector<16xf32> to vector<16xf32>
      %mul3A_473 = arith.constant 4 : i32
      %mul3A_474 = arith.muli %select_n3A_20, %mul3A_473 : i32
      %add3A_475 = arith.constant 3 : i32
      %add3A_476 = arith.addi %mul3A_474, %add3A_475 : i32
      %mul3A_477 = arith.constant 72 : i32
      %mul3A_478 = arith.muli %add3A_476, %mul3A_477 : i32
      %mul3A_479 = arith.constant 9 : i32
      %mul3A_480 = arith.muli %select_n3A_41, %mul3A_479 : i32
      %add3A_481 = arith.addi %mul3A_478, %mul3A_480 : i32
      %add3A_482 = arith.constant 0 : i32
      %add3A_483 = arith.addi %add3A_481, %add3A_482 : i32
      %mul3A_484 = arith.constant 16 : i32
      %mul3A_485 = arith.muli %add3A_483, %mul3A_484 : i32
      %get3A_486 = arith.index_cast %mul3A_485 : i32 to index
      %get3A_487 = tpu.vector_load %arg7[%get3A_486] {strides = array<i32>} : memref<18432xf32, #tpu.memory_space<vmem>>, vector<16xf32>,
      %get3A_488 = vector.shape_cast %get3A_487 : vector<16xf32> to vector<16xf32>
      %mul3A_489 = arith.constant 4 : i32
      %mul3A_490 = arith.muli %select_n3A_20, %mul3A_489 : i32
      %add3A_491 = arith.constant 3 : i32
      %add3A_492 = arith.addi %mul3A_490, %add3A_491 : i32
      %mul3A_493 = arith.constant 72 : i32
      %mul3A_494 = arith.muli %add3A_492, %mul3A_493 : i32
      %mul3A_495 = arith.constant 9 : i32
      %mul3A_496 = arith.muli %select_n3A_41, %mul3A_495 : i32
      %add3A_497 = arith.addi %mul3A_494, %mul3A_496 : i32
      %add3A_498 = arith.constant 1 : i32
      %add3A_499 = arith.addi %add3A_497, %add3A_498 : i32
      %mul3A_500 = arith.constant 16 : i32
      %mul3A_501 = arith.muli %add3A_499, %mul3A_500 : i32
      %get3A_502 = arith.index_cast %mul3A_501 : i32 to index
      %get3A_503 = tpu.vector_load %arg7[%get3A_502] {strides = array<i32>} : memref<18432xf32, #tpu.memory_space<vmem>>, vector<16xf32>,
      %get3A_504 = vector.shape_cast %get3A_503 : vector<16xf32> to vector<16xf32>
      %mul3A_505 = arith.constant 4 : i32
      %mul3A_506 = arith.muli %select_n3A_20, %mul3A_505 : i32
      %add3A_507 = arith.constant 3 : i32
      %add3A_508 = arith.addi %mul3A_506, %add3A_507 : i32
      %mul3A_509 = arith.constant 72 : i32
      %mul3A_510 = arith.muli %add3A_508, %mul3A_509 : i32
      %mul3A_511 = arith.constant 9 : i32
      %mul3A_512 = arith.muli %select_n3A_41, %mul3A_511 : i32
      %add3A_513 = arith.addi %mul3A_510, %mul3A_512 : i32
      %add3A_514 = arith.constant 2 : i32
      %add3A_515 = arith.addi %add3A_513, %add3A_514 : i32
      %mul3A_516 = arith.constant 16 : i32
      %mul3A_517 = arith.muli %add3A_515, %mul3A_516 : i32
      %get3A_518 = arith.index_cast %mul3A_517 : i32 to index
      %get3A_519 = tpu.vector_load %arg7[%get3A_518] {strides = array<i32>} : memref<18432xf32, #tpu.memory_space<vmem>>, vector<16xf32>,
      %get3A_520 = vector.shape_cast %get3A_519 : vector<16xf32> to vector<16xf32>
      %mul3A_521 = arith.constant 4 : i32
      %mul3A_522 = arith.muli %select_n3A_20, %mul3A_521 : i32
      %add3A_523 = arith.constant 3 : i32
      %add3A_524 = arith.addi %mul3A_522, %add3A_523 : i32
      %mul3A_525 = arith.constant 72 : i32
      %mul3A_526 = arith.muli %add3A_524, %mul3A_525 : i32
      %mul3A_527 = arith.constant 9 : i32
      %mul3A_528 = arith.muli %select_n3A_41, %mul3A_527 : i32
      %add3A_529 = arith.addi %mul3A_526, %mul3A_528 : i32
      %add3A_530 = arith.constant 3 : i32
      %add3A_531 = arith.addi %add3A_529, %add3A_530 : i32
      %mul3A_532 = arith.constant 16 : i32
      %mul3A_533 = arith.muli %add3A_531, %mul3A_532 : i32
      %get3A_534 = arith.index_cast %mul3A_533 : i32 to index
      %get3A_535 = tpu.vector_load %arg7[%get3A_534] {strides = array<i32>} : memref<18432xf32, #tpu.memory_space<vmem>>, vector<16xf32>,
      %get3A_536 = vector.shape_cast %get3A_535 : vector<16xf32> to vector<16xf32>
      %mul3A_537 = arith.constant 4 : i32
      %mul3A_538 = arith.muli %select_n3A_20, %mul3A_537 : i32
      %add3A_539 = arith.constant 3 : i32
      %add3A_540 = arith.addi %mul3A_538, %add3A_539 : i32
      %mul3A_541 = arith.constant 72 : i32
      %mul3A_542 = arith.muli %add3A_540, %mul3A_541 : i32
      %mul3A_543 = arith.constant 9 : i32
      %mul3A_544 = arith.muli %select_n3A_41, %mul3A_543 : i32
      %add3A_545 = arith.addi %mul3A_542, %mul3A_544 : i32
      %add3A_546 = arith.constant 4 : i32
      %add3A_547 = arith.addi %add3A_545, %add3A_546 : i32
      %mul3A_548 = arith.constant 16 : i32
      %mul3A_549 = arith.muli %add3A_547, %mul3A_548 : i32
      %get3A_550 = arith.index_cast %mul3A_549 : i32 to index
      %get3A_551 = tpu.vector_load %arg7[%get3A_550] {strides = array<i32>} : memref<18432xf32, #tpu.memory_space<vmem>>, vector<16xf32>,
      %get3A_552 = vector.shape_cast %get3A_551 : vector<16xf32> to vector<16xf32>
      %mul3A_553 = arith.constant 4 : i32
      %mul3A_554 = arith.muli %select_n3A_20, %mul3A_553 : i32
      %add3A_555 = arith.constant 3 : i32
      %add3A_556 = arith.addi %mul3A_554, %add3A_555 : i32
      %mul3A_557 = arith.constant 72 : i32
      %mul3A_558 = arith.muli %add3A_556, %mul3A_557 : i32
      %mul3A_559 = arith.constant 9 : i32
      %mul3A_560 = arith.muli %select_n3A_41, %mul3A_559 : i32
      %add3A_561 = arith.addi %mul3A_558, %mul3A_560 : i32
      %add3A_562 = arith.constant 5 : i32
      %add3A_563 = arith.addi %add3A_561, %add3A_562 : i32
      %mul3A_564 = arith.constant 16 : i32
      %mul3A_565 = arith.muli %add3A_563, %mul3A_564 : i32
      %get3A_566 = arith.index_cast %mul3A_565 : i32 to index
      %get3A_567 = tpu.vector_load %arg7[%get3A_566] {strides = array<i32>} : memref<18432xf32, #tpu.memory_space<vmem>>, vector<16xf32>,
      %get3A_568 = vector.shape_cast %get3A_567 : vector<16xf32> to vector<16xf32>
      %mul3A_569 = arith.constant 4 : i32
      %mul3A_570 = arith.muli %select_n3A_20, %mul3A_569 : i32
      %add3A_571 = arith.constant 3 : i32
      %add3A_572 = arith.addi %mul3A_570, %add3A_571 : i32
      %mul3A_573 = arith.constant 72 : i32
      %mul3A_574 = arith.muli %add3A_572, %mul3A_573 : i32
      %mul3A_575 = arith.constant 9 : i32
      %mul3A_576 = arith.muli %select_n3A_41, %mul3A_575 : i32
      %add3A_577 = arith.addi %mul3A_574, %mul3A_576 : i32
      %add3A_578 = arith.constant 6 : i32
      %add3A_579 = arith.addi %add3A_577, %add3A_578 : i32
      %mul3A_580 = arith.constant 16 : i32
      %mul3A_581 = arith.muli %add3A_579, %mul3A_580 : i32
      %get3A_582 = arith.index_cast %mul3A_581 : i32 to index
      %get3A_583 = tpu.vector_load %arg7[%get3A_582] {strides = array<i32>} : memref<18432xf32, #tpu.memory_space<vmem>>, vector<16xf32>,
      %get3A_584 = vector.shape_cast %get3A_583 : vector<16xf32> to vector<16xf32>
      %mul3A_585 = arith.constant 4 : i32
      %mul3A_586 = arith.muli %select_n3A_20, %mul3A_585 : i32
      %add3A_587 = arith.constant 3 : i32
      %add3A_588 = arith.addi %mul3A_586, %add3A_587 : i32
      %mul3A_589 = arith.constant 72 : i32
      %mul3A_590 = arith.muli %add3A_588, %mul3A_589 : i32
      %mul3A_591 = arith.constant 9 : i32
      %mul3A_592 = arith.muli %select_n3A_41, %mul3A_591 : i32
      %add3A_593 = arith.addi %mul3A_590, %mul3A_592 : i32
      %add3A_594 = arith.constant 7 : i32
      %add3A_595 = arith.addi %add3A_593, %add3A_594 : i32
      %mul3A_596 = arith.constant 16 : i32
      %mul3A_597 = arith.muli %add3A_595, %mul3A_596 : i32
      %get3A_598 = arith.index_cast %mul3A_597 : i32 to index
      %get3A_599 = tpu.vector_load %arg7[%get3A_598] {strides = array<i32>} : memref<18432xf32, #tpu.memory_space<vmem>>, vector<16xf32>,
      %get3A_600 = vector.shape_cast %get3A_599 : vector<16xf32> to vector<16xf32>
      %mul3A_601 = arith.constant 4 : i32
      %mul3A_602 = arith.muli %select_n3A_20, %mul3A_601 : i32
      %add3A_603 = arith.constant 3 : i32
      %add3A_604 = arith.addi %mul3A_602, %add3A_603 : i32
      %mul3A_605 = arith.constant 72 : i32
      %mul3A_606 = arith.muli %add3A_604, %mul3A_605 : i32
      %mul3A_607 = arith.constant 9 : i32
      %mul3A_608 = arith.muli %select_n3A_41, %mul3A_607 : i32
      %add3A_609 = arith.addi %mul3A_606, %mul3A_608 : i32
      %add3A_610 = arith.constant 8 : i32
      %add3A_611 = arith.addi %add3A_609, %add3A_610 : i32
      %mul3A_612 = arith.constant 16 : i32
      %mul3A_613 = arith.muli %add3A_611, %mul3A_612 : i32
      %get3A_614 = arith.index_cast %mul3A_613 : i32 to index
      %get3A_615 = tpu.vector_load %arg7[%get3A_614] {strides = array<i32>} : memref<18432xf32, #tpu.memory_space<vmem>>, vector<16xf32>,
      %get3A_616 = vector.shape_cast %get3A_615 : vector<16xf32> to vector<16xf32>
      %parallel_loop3A_617 = arith.constant 0 : i32
      %parallel_loop3A_618 = arith.constant 15 : i32
      %parallel_loop3A_619 = arith.constant 1 : i32
      scf.for %parallel_loop3A_620 = %parallel_loop3A_617 to %parallel_loop3A_618 step %parallel_loop3A_619  : i32 {
        %parallel_loop3A_621 = arith.constant 2 : i32
        %parallel_loop3A_622 = arith.muli %parallel_loop3A_620, %parallel_loop3A_621 : i32
        %parallel_loop3A_623 = arith.constant 32 : i32
        %parallel_loop3A_624 = arith.muli %select_n3A_41, %parallel_loop3A_623 : i32
        %parallel_loop3A_625 = arith.constant 32 : i32
        %parallel_loop3A_626 = arith.muli %parallel_loop3A_624, %parallel_loop3A_625 : i32
        %parallel_loop3A_627 = arith.constant 0 : i32
        %parallel_loop3A_628 = arith.addi %parallel_loop3A_622, %parallel_loop3A_627 : i32
        %parallel_loop3A_629 = arith.constant 32 : i32
        %parallel_loop3A_630 = arith.muli %parallel_loop3A_628, %parallel_loop3A_629 : i32
        %parallel_loop3A_631 = arith.addi %parallel_loop3A_626, %parallel_loop3A_630 : i32
        %parallel_loop3A_632 = arith.constant 0 : i32
        %parallel_loop3A_633 = arith.addi %parallel_loop3A_631, %parallel_loop3A_632 : i32
        %parallel_loop3A_634 = arith.constant 0 : i32
        %parallel_loop3A_635 = arith.addi %parallel_loop3A_633, %parallel_loop3A_634 : i32
        %parallel_loop3A_636 = arith.index_cast %parallel_loop3A_635 : i32 to index
        %parallel_loop3A_637 = tpu.vector_load %arg6[%parallel_loop3A_636] {strides = array<i32>} : memref<8192xf32, #tpu.memory_space<vmem>>, vector<16xf32>,
        %parallel_loop3A_638 = vector.shape_cast %parallel_loop3A_637 : vector<16xf32> to vector<16xf32>
        %parallel_loop3A_639 = arith.constant 32 : i32
        %parallel_loop3A_640 = arith.muli %select_n3A_41, %parallel_loop3A_639 : i32
        %parallel_loop3A_641 = arith.constant 32 : i32
        %parallel_loop3A_642 = arith.muli %parallel_loop3A_640, %parallel_loop3A_641 : i32
        %parallel_loop3A_643 = arith.constant 0 : i32
        %parallel_loop3A_644 = arith.addi %parallel_loop3A_622, %parallel_loop3A_643 : i32
        %parallel_loop3A_645 = arith.constant 32 : i32
        %parallel_loop3A_646 = arith.muli %parallel_loop3A_644, %parallel_loop3A_645 : i32
        %parallel_loop3A_647 = arith.addi %parallel_loop3A_642, %parallel_loop3A_646 : i32
        %parallel_loop3A_648 = arith.constant 0 : i32
        %parallel_loop3A_649 = arith.addi %parallel_loop3A_647, %parallel_loop3A_648 : i32
        %parallel_loop3A_650 = arith.constant 14 : i32
        %parallel_loop3A_651 = arith.addi %parallel_loop3A_649, %parallel_loop3A_650 : i32
        %parallel_loop3A_652 = arith.index_cast %parallel_loop3A_651 : i32 to index
        %parallel_loop3A_653 = tpu.vector_load %arg6[%parallel_loop3A_652] {strides = array<i32>} : memref<8192xf32, #tpu.memory_space<vmem>>, vector<16xf32>,
        %parallel_loop3A_654 = vector.shape_cast %parallel_loop3A_653 : vector<16xf32> to vector<16xf32>
        %parallel_loop3A_655 = arith.constant 32 : i32
        %parallel_loop3A_656 = arith.muli %select_n3A_41, %parallel_loop3A_655 : i32
        %parallel_loop3A_657 = arith.constant 32 : i32
        %parallel_loop3A_658 = arith.muli %parallel_loop3A_656, %parallel_loop3A_657 : i32
        %parallel_loop3A_659 = arith.constant 0 : i32
        %parallel_loop3A_660 = arith.addi %parallel_loop3A_622, %parallel_loop3A_659 : i32
        %parallel_loop3A_661 = arith.constant 32 : i32
        %parallel_loop3A_662 = arith.muli %parallel_loop3A_660, %parallel_loop3A_661 : i32
        %parallel_loop3A_663 = arith.addi %parallel_loop3A_658, %parallel_loop3A_662 : i32
        %parallel_loop3A_664 = arith.constant 1 : i32
        %parallel_loop3A_665 = arith.addi %parallel_loop3A_663, %parallel_loop3A_664 : i32
        %parallel_loop3A_666 = arith.constant 0 : i32
        %parallel_loop3A_667 = arith.addi %parallel_loop3A_665, %parallel_loop3A_666 : i32
        %parallel_loop3A_668 = arith.index_cast %parallel_loop3A_667 : i32 to index
        %parallel_loop3A_669 = tpu.vector_load %arg6[%parallel_loop3A_668] {strides = array<i32>} : memref<8192xf32, #tpu.memory_space<vmem>>, vector<16xf32>,
        %parallel_loop3A_670 = vector.shape_cast %parallel_loop3A_669 : vector<16xf32> to vector<16xf32>
        %parallel_loop3A_671 = arith.constant 32 : i32
        %parallel_loop3A_672 = arith.muli %select_n3A_41, %parallel_loop3A_671 : i32
        %parallel_loop3A_673 = arith.constant 32 : i32
        %parallel_loop3A_674 = arith.muli %parallel_loop3A_672, %parallel_loop3A_673 : i32
        %parallel_loop3A_675 = arith.constant 0 : i32
        %parallel_loop3A_676 = arith.addi %parallel_loop3A_622, %parallel_loop3A_675 : i32
        %parallel_loop3A_677 = arith.constant 32 : i32
        %parallel_loop3A_678 = arith.muli %parallel_loop3A_676, %parallel_loop3A_677 : i32
        %parallel_loop3A_679 = arith.addi %parallel_loop3A_674, %parallel_loop3A_678 : i32
        %parallel_loop3A_680 = arith.constant 1 : i32
        %parallel_loop3A_681 = arith.addi %parallel_loop3A_679, %parallel_loop3A_680 : i32
        %parallel_loop3A_682 = arith.constant 14 : i32
        %parallel_loop3A_683 = arith.addi %parallel_loop3A_681, %parallel_loop3A_682 : i32
        %parallel_loop3A_684 = arith.index_cast %parallel_loop3A_683 : i32 to index
        %parallel_loop3A_685 = tpu.vector_load %arg6[%parallel_loop3A_684] {strides = array<i32>} : memref<8192xf32, #tpu.memory_space<vmem>>, vector<16xf32>,
        %parallel_loop3A_686 = vector.shape_cast %parallel_loop3A_685 : vector<16xf32> to vector<16xf32>
        %parallel_loop3A_687 = arith.constant 32 : i32
        %parallel_loop3A_688 = arith.muli %select_n3A_41, %parallel_loop3A_687 : i32
        %parallel_loop3A_689 = arith.constant 32 : i32
        %parallel_loop3A_690 = arith.muli %parallel_loop3A_688, %parallel_loop3A_689 : i32
        %parallel_loop3A_691 = arith.constant 0 : i32
        %parallel_loop3A_692 = arith.addi %parallel_loop3A_622, %parallel_loop3A_691 : i32
        %parallel_loop3A_693 = arith.constant 32 : i32
        %parallel_loop3A_694 = arith.muli %parallel_loop3A_692, %parallel_loop3A_693 : i32
        %parallel_loop3A_695 = arith.addi %parallel_loop3A_690, %parallel_loop3A_694 : i32
        %parallel_loop3A_696 = arith.constant 2 : i32
        %parallel_loop3A_697 = arith.addi %parallel_loop3A_695, %parallel_loop3A_696 : i32
        %parallel_loop3A_698 = arith.constant 0 : i32
        %parallel_loop3A_699 = arith.addi %parallel_loop3A_697, %parallel_loop3A_698 : i32
        %parallel_loop3A_700 = arith.index_cast %parallel_loop3A_699 : i32 to index
        %parallel_loop3A_701 = tpu.vector_load %arg6[%parallel_loop3A_700] {strides = array<i32>} : memref<8192xf32, #tpu.memory_space<vmem>>, vector<16xf32>,
        %parallel_loop3A_702 = vector.shape_cast %parallel_loop3A_701 : vector<16xf32> to vector<16xf32>
        %parallel_loop3A_703 = arith.constant 32 : i32
        %parallel_loop3A_704 = arith.muli %select_n3A_41, %parallel_loop3A_703 : i32
        %parallel_loop3A_705 = arith.constant 32 : i32
        %parallel_loop3A_706 = arith.muli %parallel_loop3A_704, %parallel_loop3A_705 : i32
        %parallel_loop3A_707 = arith.constant 0 : i32
        %parallel_loop3A_708 = arith.addi %parallel_loop3A_622, %parallel_loop3A_707 : i32
        %parallel_loop3A_709 = arith.constant 32 : i32
        %parallel_loop3A_710 = arith.muli %parallel_loop3A_708, %parallel_loop3A_709 : i32
        %parallel_loop3A_711 = arith.addi %parallel_loop3A_706, %parallel_loop3A_710 : i32
        %parallel_loop3A_712 = arith.constant 2 : i32
        %parallel_loop3A_713 = arith.addi %parallel_loop3A_711, %parallel_loop3A_712 : i32
        %parallel_loop3A_714 = arith.constant 14 : i32
        %parallel_loop3A_715 = arith.addi %parallel_loop3A_713, %parallel_loop3A_714 : i32
        %parallel_loop3A_716 = arith.index_cast %parallel_loop3A_715 : i32 to index
        %parallel_loop3A_717 = tpu.vector_load %arg6[%parallel_loop3A_716] {strides = array<i32>} : memref<8192xf32, #tpu.memory_space<vmem>>, vector<16xf32>,
        %parallel_loop3A_718 = vector.shape_cast %parallel_loop3A_717 : vector<16xf32> to vector<16xf32>
        %parallel_loop3A_719 = arith.constant 32 : i32
        %parallel_loop3A_720 = arith.muli %select_n3A_41, %parallel_loop3A_719 : i32
        %parallel_loop3A_721 = arith.constant 32 : i32
        %parallel_loop3A_722 = arith.muli %parallel_loop3A_720, %parallel_loop3A_721 : i32
        %parallel_loop3A_723 = arith.constant 1 : i32
        %parallel_loop3A_724 = arith.addi %parallel_loop3A_622, %parallel_loop3A_723 : i32
        %parallel_loop3A_725 = arith.constant 32 : i32
        %parallel_loop3A_726 = arith.muli %parallel_loop3A_724, %parallel_loop3A_725 : i32
        %parallel_loop3A_727 = arith.addi %parallel_loop3A_722, %parallel_loop3A_726 : i32
        %parallel_loop3A_728 = arith.constant 0 : i32
        %parallel_loop3A_729 = arith.addi %parallel_loop3A_727, %parallel_loop3A_728 : i32
        %parallel_loop3A_730 = arith.constant 0 : i32
        %parallel_loop3A_731 = arith.addi %parallel_loop3A_729, %parallel_loop3A_730 : i32
        %parallel_loop3A_732 = arith.index_cast %parallel_loop3A_731 : i32 to index
        %parallel_loop3A_733 = tpu.vector_load %arg6[%parallel_loop3A_732] {strides = array<i32>} : memref<8192xf32, #tpu.memory_space<vmem>>, vector<16xf32>,
        %parallel_loop3A_734 = vector.shape_cast %parallel_loop3A_733 : vector<16xf32> to vector<16xf32>
        %parallel_loop3A_735 = arith.constant 32 : i32
        %parallel_loop3A_736 = arith.muli %select_n3A_41, %parallel_loop3A_735 : i32
        %parallel_loop3A_737 = arith.constant 32 : i32
        %parallel_loop3A_738 = arith.muli %parallel_loop3A_736, %parallel_loop3A_737 : i32
        %parallel_loop3A_739 = arith.constant 1 : i32
        %parallel_loop3A_740 = arith.addi %parallel_loop3A_622, %parallel_loop3A_739 : i32
        %parallel_loop3A_741 = arith.constant 32 : i32
        %parallel_loop3A_742 = arith.muli %parallel_loop3A_740, %parallel_loop3A_741 : i32
        %parallel_loop3A_743 = arith.addi %parallel_loop3A_738, %parallel_loop3A_742 : i32
        %parallel_loop3A_744 = arith.constant 0 : i32
        %parallel_loop3A_745 = arith.addi %parallel_loop3A_743, %parallel_loop3A_744 : i32
        %parallel_loop3A_746 = arith.constant 14 : i32
        %parallel_loop3A_747 = arith.addi %parallel_loop3A_745, %parallel_loop3A_746 : i32
        %parallel_loop3A_748 = arith.index_cast %parallel_loop3A_747 : i32 to index
        %parallel_loop3A_749 = tpu.vector_load %arg6[%parallel_loop3A_748] {strides = array<i32>} : memref<8192xf32, #tpu.memory_space<vmem>>, vector<16xf32>,
        %parallel_loop3A_750 = vector.shape_cast %parallel_loop3A_749 : vector<16xf32> to vector<16xf32>
        %parallel_loop3A_751 = arith.constant 32 : i32
        %parallel_loop3A_752 = arith.muli %select_n3A_41, %parallel_loop3A_751 : i32
        %parallel_loop3A_753 = arith.constant 32 : i32
        %parallel_loop3A_754 = arith.muli %parallel_loop3A_752, %parallel_loop3A_753 : i32
        %parallel_loop3A_755 = arith.constant 1 : i32
        %parallel_loop3A_756 = arith.addi %parallel_loop3A_622, %parallel_loop3A_755 : i32
        %parallel_loop3A_757 = arith.constant 32 : i32
        %parallel_loop3A_758 = arith.muli %parallel_loop3A_756, %parallel_loop3A_757 : i32
        %parallel_loop3A_759 = arith.addi %parallel_loop3A_754, %parallel_loop3A_758 : i32
        %parallel_loop3A_760 = arith.constant 1 : i32
        %parallel_loop3A_761 = arith.addi %parallel_loop3A_759, %parallel_loop3A_760 : i32
        %parallel_loop3A_762 = arith.constant 0 : i32
        %parallel_loop3A_763 = arith.addi %parallel_loop3A_761, %parallel_loop3A_762 : i32
        %parallel_loop3A_764 = arith.index_cast %parallel_loop3A_763 : i32 to index
        %parallel_loop3A_765 = tpu.vector_load %arg6[%parallel_loop3A_764] {strides = array<i32>} : memref<8192xf32, #tpu.memory_space<vmem>>, vector<16xf32>,
        %parallel_loop3A_766 = vector.shape_cast %parallel_loop3A_765 : vector<16xf32> to vector<16xf32>
        %parallel_loop3A_767 = arith.constant 32 : i32
        %parallel_loop3A_768 = arith.muli %select_n3A_41, %parallel_loop3A_767 : i32
        %parallel_loop3A_769 = arith.constant 32 : i32
        %parallel_loop3A_770 = arith.muli %parallel_loop3A_768, %parallel_loop3A_769 : i32
        %parallel_loop3A_771 = arith.constant 1 : i32
        %parallel_loop3A_772 = arith.addi %parallel_loop3A_622, %parallel_loop3A_771 : i32
        %parallel_loop3A_773 = arith.constant 32 : i32
        %parallel_loop3A_774 = arith.muli %parallel_loop3A_772, %parallel_loop3A_773 : i32
        %parallel_loop3A_775 = arith.addi %parallel_loop3A_770, %parallel_loop3A_774 : i32
        %parallel_loop3A_776 = arith.constant 1 : i32
        %parallel_loop3A_777 = arith.addi %parallel_loop3A_775, %parallel_loop3A_776 : i32
        %parallel_loop3A_778 = arith.constant 14 : i32
        %parallel_loop3A_779 = arith.addi %parallel_loop3A_777, %parallel_loop3A_778 : i32
        %parallel_loop3A_780 = arith.index_cast %parallel_loop3A_779 : i32 to index
        %parallel_loop3A_781 = tpu.vector_load %arg6[%parallel_loop3A_780] {strides = array<i32>} : memref<8192xf32, #tpu.memory_space<vmem>>, vector<16xf32>,
        %parallel_loop3A_782 = vector.shape_cast %parallel_loop3A_781 : vector<16xf32> to vector<16xf32>
        %parallel_loop3A_783 = arith.constant 32 : i32
        %parallel_loop3A_784 = arith.muli %select_n3A_41, %parallel_loop3A_783 : i32
        %parallel_loop3A_785 = arith.constant 32 : i32
        %parallel_loop3A_786 = arith.muli %parallel_loop3A_784, %parallel_loop3A_785 : i32
        %parallel_loop3A_787 = arith.constant 1 : i32
        %parallel_loop3A_788 = arith.addi %parallel_loop3A_622, %parallel_loop3A_787 : i32
        %parallel_loop3A_789 = arith.constant 32 : i32
        %parallel_loop3A_790 = arith.muli %parallel_loop3A_788, %parallel_loop3A_789 : i32
        %parallel_loop3A_791 = arith.addi %parallel_loop3A_786, %parallel_loop3A_790 : i32
        %parallel_loop3A_792 = arith.constant 2 : i32
        %parallel_loop3A_793 = arith.addi %parallel_loop3A_791, %parallel_loop3A_792 : i32
        %parallel_loop3A_794 = arith.constant 0 : i32
        %parallel_loop3A_795 = arith.addi %parallel_loop3A_793, %parallel_loop3A_794 : i32
        %parallel_loop3A_796 = arith.index_cast %parallel_loop3A_795 : i32 to index
        %parallel_loop3A_797 = tpu.vector_load %arg6[%parallel_loop3A_796] {strides = array<i32>} : memref<8192xf32, #tpu.memory_space<vmem>>, vector<16xf32>,
        %parallel_loop3A_798 = vector.shape_cast %parallel_loop3A_797 : vector<16xf32> to vector<16xf32>
        %parallel_loop3A_799 = arith.constant 32 : i32
        %parallel_loop3A_800 = arith.muli %select_n3A_41, %parallel_loop3A_799 : i32
        %parallel_loop3A_801 = arith.constant 32 : i32
        %parallel_loop3A_802 = arith.muli %parallel_loop3A_800, %parallel_loop3A_801 : i32
        %parallel_loop3A_803 = arith.constant 1 : i32
        %parallel_loop3A_804 = arith.addi %parallel_loop3A_622, %parallel_loop3A_803 : i32
        %parallel_loop3A_805 = arith.constant 32 : i32
        %parallel_loop3A_806 = arith.muli %parallel_loop3A_804, %parallel_loop3A_805 : i32
        %parallel_loop3A_807 = arith.addi %parallel_loop3A_802, %parallel_loop3A_806 : i32
        %parallel_loop3A_808 = arith.constant 2 : i32
        %parallel_loop3A_809 = arith.addi %parallel_loop3A_807, %parallel_loop3A_808 : i32
        %parallel_loop3A_810 = arith.constant 14 : i32
        %parallel_loop3A_811 = arith.addi %parallel_loop3A_809, %parallel_loop3A_810 : i32
        %parallel_loop3A_812 = arith.index_cast %parallel_loop3A_811 : i32 to index
        %parallel_loop3A_813 = tpu.vector_load %arg6[%parallel_loop3A_812] {strides = array<i32>} : memref<8192xf32, #tpu.memory_space<vmem>>, vector<16xf32>,
        %parallel_loop3A_814 = vector.shape_cast %parallel_loop3A_813 : vector<16xf32> to vector<16xf32>
        %parallel_loop3A_815 = arith.constant 32 : i32
        %parallel_loop3A_816 = arith.muli %select_n3A_41, %parallel_loop3A_815 : i32
        %parallel_loop3A_817 = arith.constant 32 : i32
        %parallel_loop3A_818 = arith.muli %parallel_loop3A_816, %parallel_loop3A_817 : i32
        %parallel_loop3A_819 = arith.constant 2 : i32
        %parallel_loop3A_820 = arith.addi %parallel_loop3A_622, %parallel_loop3A_819 : i32
        %parallel_loop3A_821 = arith.constant 32 : i32
        %parallel_loop3A_822 = arith.muli %parallel_loop3A_820, %parallel_loop3A_821 : i32
        %parallel_loop3A_823 = arith.addi %parallel_loop3A_818, %parallel_loop3A_822 : i32
        %parallel_loop3A_824 = arith.constant 0 : i32
        %parallel_loop3A_825 = arith.addi %parallel_loop3A_823, %parallel_loop3A_824 : i32
        %parallel_loop3A_826 = arith.constant 0 : i32
        %parallel_loop3A_827 = arith.addi %parallel_loop3A_825, %parallel_loop3A_826 : i32
        %parallel_loop3A_828 = arith.index_cast %parallel_loop3A_827 : i32 to index
        %parallel_loop3A_829 = tpu.vector_load %arg6[%parallel_loop3A_828] {strides = array<i32>} : memref<8192xf32, #tpu.memory_space<vmem>>, vector<16xf32>,
        %parallel_loop3A_830 = vector.shape_cast %parallel_loop3A_829 : vector<16xf32> to vector<16xf32>
        %parallel_loop3A_831 = arith.constant 32 : i32
        %parallel_loop3A_832 = arith.muli %select_n3A_41, %parallel_loop3A_831 : i32
        %parallel_loop3A_833 = arith.constant 32 : i32
        %parallel_loop3A_834 = arith.muli %parallel_loop3A_832, %parallel_loop3A_833 : i32
        %parallel_loop3A_835 = arith.constant 2 : i32
        %parallel_loop3A_836 = arith.addi %parallel_loop3A_622, %parallel_loop3A_835 : i32
        %parallel_loop3A_837 = arith.constant 32 : i32
        %parallel_loop3A_838 = arith.muli %parallel_loop3A_836, %parallel_loop3A_837 : i32
        %parallel_loop3A_839 = arith.addi %parallel_loop3A_834, %parallel_loop3A_838 : i32
        %parallel_loop3A_840 = arith.constant 0 : i32
        %parallel_loop3A_841 = arith.addi %parallel_loop3A_839, %parallel_loop3A_840 : i32
        %parallel_loop3A_842 = arith.constant 14 : i32
        %parallel_loop3A_843 = arith.addi %parallel_loop3A_841, %parallel_loop3A_842 : i32
        %parallel_loop3A_844 = arith.index_cast %parallel_loop3A_843 : i32 to index
        %parallel_loop3A_845 = tpu.vector_load %arg6[%parallel_loop3A_844] {strides = array<i32>} : memref<8192xf32, #tpu.memory_space<vmem>>, vector<16xf32>,
        %parallel_loop3A_846 = vector.shape_cast %parallel_loop3A_845 : vector<16xf32> to vector<16xf32>
        %parallel_loop3A_847 = arith.constant 32 : i32
        %parallel_loop3A_848 = arith.muli %select_n3A_41, %parallel_loop3A_847 : i32
        %parallel_loop3A_849 = arith.constant 32 : i32
        %parallel_loop3A_850 = arith.muli %parallel_loop3A_848, %parallel_loop3A_849 : i32
        %parallel_loop3A_851 = arith.constant 2 : i32
        %parallel_loop3A_852 = arith.addi %parallel_loop3A_622, %parallel_loop3A_851 : i32
        %parallel_loop3A_853 = arith.constant 32 : i32
        %parallel_loop3A_854 = arith.muli %parallel_loop3A_852, %parallel_loop3A_853 : i32
        %parallel_loop3A_855 = arith.addi %parallel_loop3A_850, %parallel_loop3A_854 : i32
        %parallel_loop3A_856 = arith.constant 1 : i32
        %parallel_loop3A_857 = arith.addi %parallel_loop3A_855, %parallel_loop3A_856 : i32
        %parallel_loop3A_858 = arith.constant 0 : i32
        %parallel_loop3A_859 = arith.addi %parallel_loop3A_857, %parallel_loop3A_858 : i32
        %parallel_loop3A_860 = arith.index_cast %parallel_loop3A_859 : i32 to index
        %parallel_loop3A_861 = tpu.vector_load %arg6[%parallel_loop3A_860] {strides = array<i32>} : memref<8192xf32, #tpu.memory_space<vmem>>, vector<16xf32>,
        %parallel_loop3A_862 = vector.shape_cast %parallel_loop3A_861 : vector<16xf32> to vector<16xf32>
        %parallel_loop3A_863 = arith.constant 32 : i32
        %parallel_loop3A_864 = arith.muli %select_n3A_41, %parallel_loop3A_863 : i32
        %parallel_loop3A_865 = arith.constant 32 : i32
        %parallel_loop3A_866 = arith.muli %parallel_loop3A_864, %parallel_loop3A_865 : i32
        %parallel_loop3A_867 = arith.constant 2 : i32
        %parallel_loop3A_868 = arith.addi %parallel_loop3A_622, %parallel_loop3A_867 : i32
        %parallel_loop3A_869 = arith.constant 32 : i32
        %parallel_loop3A_870 = arith.muli %parallel_loop3A_868, %parallel_loop3A_869 : i32
        %parallel_loop3A_871 = arith.addi %parallel_loop3A_866, %parallel_loop3A_870 : i32
        %parallel_loop3A_872 = arith.constant 1 : i32
        %parallel_loop3A_873 = arith.addi %parallel_loop3A_871, %parallel_loop3A_872 : i32
        %parallel_loop3A_874 = arith.constant 14 : i32
        %parallel_loop3A_875 = arith.addi %parallel_loop3A_873, %parallel_loop3A_874 : i32
        %parallel_loop3A_876 = arith.index_cast %parallel_loop3A_875 : i32 to index
        %parallel_loop3A_877 = tpu.vector_load %arg6[%parallel_loop3A_876] {strides = array<i32>} : memref<8192xf32, #tpu.memory_space<vmem>>, vector<16xf32>,
        %parallel_loop3A_878 = vector.shape_cast %parallel_loop3A_877 : vector<16xf32> to vector<16xf32>
        %parallel_loop3A_879 = arith.constant 32 : i32
        %parallel_loop3A_880 = arith.muli %select_n3A_41, %parallel_loop3A_879 : i32
        %parallel_loop3A_881 = arith.constant 32 : i32
        %parallel_loop3A_882 = arith.muli %parallel_loop3A_880, %parallel_loop3A_881 : i32
        %parallel_loop3A_883 = arith.constant 2 : i32
        %parallel_loop3A_884 = arith.addi %parallel_loop3A_622, %parallel_loop3A_883 : i32
        %parallel_loop3A_885 = arith.constant 32 : i32
        %parallel_loop3A_886 = arith.muli %parallel_loop3A_884, %parallel_loop3A_885 : i32
        %parallel_loop3A_887 = arith.addi %parallel_loop3A_882, %parallel_loop3A_886 : i32
        %parallel_loop3A_888 = arith.constant 2 : i32
        %parallel_loop3A_889 = arith.addi %parallel_loop3A_887, %parallel_loop3A_888 : i32
        %parallel_loop3A_890 = arith.constant 0 : i32
        %parallel_loop3A_891 = arith.addi %parallel_loop3A_889, %parallel_loop3A_890 : i32
        %parallel_loop3A_892 = arith.index_cast %parallel_loop3A_891 : i32 to index
        %parallel_loop3A_893 = tpu.vector_load %arg6[%parallel_loop3A_892] {strides = array<i32>} : memref<8192xf32, #tpu.memory_space<vmem>>, vector<16xf32>,
        %parallel_loop3A_894 = vector.shape_cast %parallel_loop3A_893 : vector<16xf32> to vector<16xf32>
        %parallel_loop3A_895 = arith.constant 32 : i32
        %parallel_loop3A_896 = arith.muli %select_n3A_41, %parallel_loop3A_895 : i32
        %parallel_loop3A_897 = arith.constant 32 : i32
        %parallel_loop3A_898 = arith.muli %parallel_loop3A_896, %parallel_loop3A_897 : i32
        %parallel_loop3A_899 = arith.constant 2 : i32
        %parallel_loop3A_900 = arith.addi %parallel_loop3A_622, %parallel_loop3A_899 : i32
        %parallel_loop3A_901 = arith.constant 32 : i32
        %parallel_loop3A_902 = arith.muli %parallel_loop3A_900, %parallel_loop3A_901 : i32
        %parallel_loop3A_903 = arith.addi %parallel_loop3A_898, %parallel_loop3A_902 : i32
        %parallel_loop3A_904 = arith.constant 2 : i32
        %parallel_loop3A_905 = arith.addi %parallel_loop3A_903, %parallel_loop3A_904 : i32
        %parallel_loop3A_906 = arith.constant 14 : i32
        %parallel_loop3A_907 = arith.addi %parallel_loop3A_905, %parallel_loop3A_906 : i32
        %parallel_loop3A_908 = arith.index_cast %parallel_loop3A_907 : i32 to index
        %parallel_loop3A_909 = tpu.vector_load %arg6[%parallel_loop3A_908] {strides = array<i32>} : memref<8192xf32, #tpu.memory_space<vmem>>, vector<16xf32>,
        %parallel_loop3A_910 = vector.shape_cast %parallel_loop3A_909 : vector<16xf32> to vector<16xf32>
        %parallel_loop3A_911 = arith.constant 32 : i32
        %parallel_loop3A_912 = arith.muli %select_n3A_41, %parallel_loop3A_911 : i32
        %parallel_loop3A_913 = arith.constant 32 : i32
        %parallel_loop3A_914 = arith.muli %parallel_loop3A_912, %parallel_loop3A_913 : i32
        %parallel_loop3A_915 = arith.constant 3 : i32
        %parallel_loop3A_916 = arith.addi %parallel_loop3A_622, %parallel_loop3A_915 : i32
        %parallel_loop3A_917 = arith.constant 32 : i32
        %parallel_loop3A_918 = arith.muli %parallel_loop3A_916, %parallel_loop3A_917 : i32
        %parallel_loop3A_919 = arith.addi %parallel_loop3A_914, %parallel_loop3A_918 : i32
        %parallel_loop3A_920 = arith.constant 0 : i32
        %parallel_loop3A_921 = arith.addi %parallel_loop3A_919, %parallel_loop3A_920 : i32
        %parallel_loop3A_922 = arith.constant 0 : i32
        %parallel_loop3A_923 = arith.addi %parallel_loop3A_921, %parallel_loop3A_922 : i32
        %parallel_loop3A_924 = arith.index_cast %parallel_loop3A_923 : i32 to index
        %parallel_loop3A_925 = tpu.vector_load %arg6[%parallel_loop3A_924] {strides = array<i32>} : memref<8192xf32, #tpu.memory_space<vmem>>, vector<16xf32>,
        %parallel_loop3A_926 = vector.shape_cast %parallel_loop3A_925 : vector<16xf32> to vector<16xf32>
        %parallel_loop3A_927 = arith.constant 32 : i32
        %parallel_loop3A_928 = arith.muli %select_n3A_41, %parallel_loop3A_927 : i32
        %parallel_loop3A_929 = arith.constant 32 : i32
        %parallel_loop3A_930 = arith.muli %parallel_loop3A_928, %parallel_loop3A_929 : i32
        %parallel_loop3A_931 = arith.constant 3 : i32
        %parallel_loop3A_932 = arith.addi %parallel_loop3A_622, %parallel_loop3A_931 : i32
        %parallel_loop3A_933 = arith.constant 32 : i32
        %parallel_loop3A_934 = arith.muli %parallel_loop3A_932, %parallel_loop3A_933 : i32
        %parallel_loop3A_935 = arith.addi %parallel_loop3A_930, %parallel_loop3A_934 : i32
        %parallel_loop3A_936 = arith.constant 0 : i32
        %parallel_loop3A_937 = arith.addi %parallel_loop3A_935, %parallel_loop3A_936 : i32
        %parallel_loop3A_938 = arith.constant 14 : i32
        %parallel_loop3A_939 = arith.addi %parallel_loop3A_937, %parallel_loop3A_938 : i32
        %parallel_loop3A_940 = arith.index_cast %parallel_loop3A_939 : i32 to index
        %parallel_loop3A_941 = tpu.vector_load %arg6[%parallel_loop3A_940] {strides = array<i32>} : memref<8192xf32, #tpu.memory_space<vmem>>, vector<16xf32>,
        %parallel_loop3A_942 = vector.shape_cast %parallel_loop3A_941 : vector<16xf32> to vector<16xf32>
        %parallel_loop3A_943 = arith.constant 32 : i32
        %parallel_loop3A_944 = arith.muli %select_n3A_41, %parallel_loop3A_943 : i32
        %parallel_loop3A_945 = arith.constant 32 : i32
        %parallel_loop3A_946 = arith.muli %parallel_loop3A_944, %parallel_loop3A_945 : i32
        %parallel_loop3A_947 = arith.constant 3 : i32
        %parallel_loop3A_948 = arith.addi %parallel_loop3A_622, %parallel_loop3A_947 : i32
        %parallel_loop3A_949 = arith.constant 32 : i32
        %parallel_loop3A_950 = arith.muli %parallel_loop3A_948, %parallel_loop3A_949 : i32
        %parallel_loop3A_951 = arith.addi %parallel_loop3A_946, %parallel_loop3A_950 : i32
        %parallel_loop3A_952 = arith.constant 1 : i32
        %parallel_loop3A_953 = arith.addi %parallel_loop3A_951, %parallel_loop3A_952 : i32
        %parallel_loop3A_954 = arith.constant 0 : i32
        %parallel_loop3A_955 = arith.addi %parallel_loop3A_953, %parallel_loop3A_954 : i32
        %parallel_loop3A_956 = arith.index_cast %parallel_loop3A_955 : i32 to index
        %parallel_loop3A_957 = tpu.vector_load %arg6[%parallel_loop3A_956] {strides = array<i32>} : memref<8192xf32, #tpu.memory_space<vmem>>, vector<16xf32>,
        %parallel_loop3A_958 = vector.shape_cast %parallel_loop3A_957 : vector<16xf32> to vector<16xf32>
        %parallel_loop3A_959 = arith.constant 32 : i32
        %parallel_loop3A_960 = arith.muli %select_n3A_41, %parallel_loop3A_959 : i32
        %parallel_loop3A_961 = arith.constant 32 : i32
        %parallel_loop3A_962 = arith.muli %parallel_loop3A_960, %parallel_loop3A_961 : i32
        %parallel_loop3A_963 = arith.constant 3 : i32
        %parallel_loop3A_964 = arith.addi %parallel_loop3A_622, %parallel_loop3A_963 : i32
        %parallel_loop3A_965 = arith.constant 32 : i32
        %parallel_loop3A_966 = arith.muli %parallel_loop3A_964, %parallel_loop3A_965 : i32
        %parallel_loop3A_967 = arith.addi %parallel_loop3A_962, %parallel_loop3A_966 : i32
        %parallel_loop3A_968 = arith.constant 1 : i32
        %parallel_loop3A_969 = arith.addi %parallel_loop3A_967, %parallel_loop3A_968 : i32
        %parallel_loop3A_970 = arith.constant 14 : i32
        %parallel_loop3A_971 = arith.addi %parallel_loop3A_969, %parallel_loop3A_970 : i32
        %parallel_loop3A_972 = arith.index_cast %parallel_loop3A_971 : i32 to index
        %parallel_loop3A_973 = tpu.vector_load %arg6[%parallel_loop3A_972] {strides = array<i32>} : memref<8192xf32, #tpu.memory_space<vmem>>, vector<16xf32>,
        %parallel_loop3A_974 = vector.shape_cast %parallel_loop3A_973 : vector<16xf32> to vector<16xf32>
        %parallel_loop3A_975 = arith.constant 32 : i32
        %parallel_loop3A_976 = arith.muli %select_n3A_41, %parallel_loop3A_975 : i32
        %parallel_loop3A_977 = arith.constant 32 : i32
        %parallel_loop3A_978 = arith.muli %parallel_loop3A_976, %parallel_loop3A_977 : i32
        %parallel_loop3A_979 = arith.constant 3 : i32
        %parallel_loop3A_980 = arith.addi %parallel_loop3A_622, %parallel_loop3A_979 : i32
        %parallel_loop3A_981 = arith.constant 32 : i32
        %parallel_loop3A_982 = arith.muli %parallel_loop3A_980, %parallel_loop3A_981 : i32
        %parallel_loop3A_983 = arith.addi %parallel_loop3A_978, %parallel_loop3A_982 : i32
        %parallel_loop3A_984 = arith.constant 2 : i32
        %parallel_loop3A_985 = arith.addi %parallel_loop3A_983, %parallel_loop3A_984 : i32
        %parallel_loop3A_986 = arith.constant 0 : i32
        %parallel_loop3A_987 = arith.addi %parallel_loop3A_985, %parallel_loop3A_986 : i32
        %parallel_loop3A_988 = arith.index_cast %parallel_loop3A_987 : i32 to index
        %parallel_loop3A_989 = tpu.vector_load %arg6[%parallel_loop3A_988] {strides = array<i32>} : memref<8192xf32, #tpu.memory_space<vmem>>, vector<16xf32>,
        %parallel_loop3A_990 = vector.shape_cast %parallel_loop3A_989 : vector<16xf32> to vector<16xf32>
        %parallel_loop3A_991 = arith.constant 32 : i32
        %parallel_loop3A_992 = arith.muli %select_n3A_41, %parallel_loop3A_991 : i32
        %parallel_loop3A_993 = arith.constant 32 : i32
        %parallel_loop3A_994 = arith.muli %parallel_loop3A_992, %parallel_loop3A_993 : i32
        %parallel_loop3A_995 = arith.constant 3 : i32
        %parallel_loop3A_996 = arith.addi %parallel_loop3A_622, %parallel_loop3A_995 : i32
        %parallel_loop3A_997 = arith.constant 32 : i32
        %parallel_loop3A_998 = arith.muli %parallel_loop3A_996, %parallel_loop3A_997 : i32
        %parallel_loop3A_999 = arith.addi %parallel_loop3A_994, %parallel_loop3A_998 : i32
        %parallel_loop3A_1000 = arith.constant 2 : i32
        %parallel_loop3A_1001 = arith.addi %parallel_loop3A_999, %parallel_loop3A_1000 : i32
        %parallel_loop3A_1002 = arith.constant 14 : i32
        %parallel_loop3A_1003 = arith.addi %parallel_loop3A_1001, %parallel_loop3A_1002 : i32
        %parallel_loop3A_1004 = arith.index_cast %parallel_loop3A_1003 : i32 to index
        %parallel_loop3A_1005 = tpu.vector_load %arg6[%parallel_loop3A_1004] {strides = array<i32>} : memref<8192xf32, #tpu.memory_space<vmem>>, vector<16xf32>,
        %parallel_loop3A_1006 = vector.shape_cast %parallel_loop3A_1005 : vector<16xf32> to vector<16xf32>
        %parallel_loop3A_1007 = arith.constant 4 : i32
        %parallel_loop3A_1008 = arith.muli %select_n3A_20, %parallel_loop3A_1007 : i32
        %parallel_loop3A_1009 = arith.constant 0 : i32
        %parallel_loop3A_1010 = arith.addi %parallel_loop3A_1008, %parallel_loop3A_1009 : i32
        %parallel_loop3A_1011 = arith.constant 30 : i32
        %parallel_loop3A_1012 = arith.muli %parallel_loop3A_1010, %parallel_loop3A_1011 : i32
        %parallel_loop3A_1013 = arith.addi %parallel_loop3A_1012, %parallel_loop3A_622 : i32
        %parallel_loop3A_1014 = arith.constant 0 : i32
        %parallel_loop3A_1015 = arith.addi %parallel_loop3A_1013, %parallel_loop3A_1014 : i32
        %parallel_loop3A_1016 = arith.constant 16 : i32
        %parallel_loop3A_1017 = arith.muli %parallel_loop3A_1015, %parallel_loop3A_1016 : i32
        %parallel_loop3A_1018 = arith.constant 0 : i32
        %parallel_loop3A_1019 = arith.addi %parallel_loop3A_1018, %parallel_loop3A_1017 : i32
        %parallel_loop3A_1020 = arith.index_cast %parallel_loop3A_1019 : i32 to index
        %parallel_loop3A_1021 = tpu.vector_load %arg10[%parallel_loop3A_1020] {strides = array<i32>} : memref<15360xf32, #tpu.memory_space<vmem>>, vector<16xf32>,
        %parallel_loop3A_1022 = vector.shape_cast %parallel_loop3A_1021 : vector<16xf32> to vector<16xf32>
        %parallel_loop3A_1023 = arith.mulf %get3A_56, %parallel_loop3A_638 : vector<16xf32>
        %parallel_loop3A_1024 = arith.addf %parallel_loop3A_1022, %parallel_loop3A_1023 : vector<16xf32>
        %parallel_loop3A_1025 = arith.mulf %get3A_72, %parallel_loop3A_670 : vector<16xf32>
        %parallel_loop3A_1026 = arith.addf %parallel_loop3A_1024, %parallel_loop3A_1025 : vector<16xf32>
        %parallel_loop3A_1027 = arith.mulf %get3A_88, %parallel_loop3A_702 : vector<16xf32>
        %parallel_loop3A_1028 = arith.addf %parallel_loop3A_1026, %parallel_loop3A_1027 : vector<16xf32>
        %parallel_loop3A_1029 = arith.mulf %get3A_104, %parallel_loop3A_734 : vector<16xf32>
        %parallel_loop3A_1030 = arith.addf %parallel_loop3A_1028, %parallel_loop3A_1029 : vector<16xf32>
        %parallel_loop3A_1031 = arith.mulf %get3A_120, %parallel_loop3A_766 : vector<16xf32>
        %parallel_loop3A_1032 = arith.addf %parallel_loop3A_1030, %parallel_loop3A_1031 : vector<16xf32>
        %parallel_loop3A_1033 = arith.mulf %get3A_136, %parallel_loop3A_798 : vector<16xf32>
        %parallel_loop3A_1034 = arith.addf %parallel_loop3A_1032, %parallel_loop3A_1033 : vector<16xf32>
        %parallel_loop3A_1035 = arith.mulf %get3A_152, %parallel_loop3A_830 : vector<16xf32>
        %parallel_loop3A_1036 = arith.addf %parallel_loop3A_1034, %parallel_loop3A_1035 : vector<16xf32>
        %parallel_loop3A_1037 = arith.mulf %get3A_168, %parallel_loop3A_862 : vector<16xf32>
        %parallel_loop3A_1038 = arith.addf %parallel_loop3A_1036, %parallel_loop3A_1037 : vector<16xf32>
        %parallel_loop3A_1039 = arith.mulf %get3A_184, %parallel_loop3A_894 : vector<16xf32>
        %parallel_loop3A_1040 = arith.addf %parallel_loop3A_1038, %parallel_loop3A_1039 : vector<16xf32>
        %parallel_loop3A_1041 = arith.index_cast %parallel_loop3A_1019 : i32 to index
        %parallel_loop3A_1042 = tpu.vector_load %arg10[%parallel_loop3A_1041] {strides = array<i32>} : memref<15360xf32, #tpu.memory_space<vmem>>, vector<16xf32>,
        %parallel_loop3A_1043 = vector.shape_cast %parallel_loop3A_1042 : vector<16xf32> to vector<16xf32>
        %parallel_loop3A_1044 = vector.shape_cast %parallel_loop3A_1040 : vector<16xf32> to vector<16xf32>
        tpu.vector_store %arg10[%parallel_loop3A_1041], %parallel_loop3A_1044 {strides = array<i32>} : memref<15360xf32, #tpu.memory_space<vmem>>, vector<16xf32>,
        %parallel_loop3A_1045 = arith.constant 4 : i32
        %parallel_loop3A_1046 = arith.muli %select_n3A_20, %parallel_loop3A_1045 : i32
        %parallel_loop3A_1047 = arith.constant 1 : i32
        %parallel_loop3A_1048 = arith.addi %parallel_loop3A_1046, %parallel_loop3A_1047 : i32
        %parallel_loop3A_1049 = arith.constant 30 : i32
        %parallel_loop3A_1050 = arith.muli %parallel_loop3A_1048, %parallel_loop3A_1049 : i32
        %parallel_loop3A_1051 = arith.addi %parallel_loop3A_1050, %parallel_loop3A_622 : i32
        %parallel_loop3A_1052 = arith.constant 0 : i32
        %parallel_loop3A_1053 = arith.addi %parallel_loop3A_1051, %parallel_loop3A_1052 : i32
        %parallel_loop3A_1054 = arith.constant 16 : i32
        %parallel_loop3A_1055 = arith.muli %parallel_loop3A_1053, %parallel_loop3A_1054 : i32
        %parallel_loop3A_1056 = arith.constant 0 : i32
        %parallel_loop3A_1057 = arith.addi %parallel_loop3A_1056, %parallel_loop3A_1055 : i32
        %parallel_loop3A_1058 = arith.index_cast %parallel_loop3A_1057 : i32 to index
        %parallel_loop3A_1059 = tpu.vector_load %arg10[%parallel_loop3A_1058] {strides = array<i32>} : memref<15360xf32, #tpu.memory_space<vmem>>, vector<16xf32>,
        %parallel_loop3A_1060 = vector.shape_cast %parallel_loop3A_1059 : vector<16xf32> to vector<16xf32>
        %parallel_loop3A_1061 = arith.mulf %get3A_200, %parallel_loop3A_638 : vector<16xf32>
        %parallel_loop3A_1062 = arith.addf %parallel_loop3A_1060, %parallel_loop3A_1061 : vector<16xf32>
        %parallel_loop3A_1063 = arith.mulf %get3A_216, %parallel_loop3A_670 : vector<16xf32>
        %parallel_loop3A_1064 = arith.addf %parallel_loop3A_1062, %parallel_loop3A_1063 : vector<16xf32>
        %parallel_loop3A_1065 = arith.mulf %get3A_232, %parallel_loop3A_702 : vector<16xf32>
        %parallel_loop3A_1066 = arith.addf %parallel_loop3A_1064, %parallel_loop3A_1065 : vector<16xf32>
        %parallel_loop3A_1067 = arith.mulf %get3A_248, %parallel_loop3A_734 : vector<16xf32>
        %parallel_loop3A_1068 = arith.addf %parallel_loop3A_1066, %parallel_loop3A_1067 : vector<16xf32>
        %parallel_loop3A_1069 = arith.mulf %get3A_264, %parallel_loop3A_766 : vector<16xf32>
        %parallel_loop3A_1070 = arith.addf %parallel_loop3A_1068, %parallel_loop3A_1069 : vector<16xf32>
        %parallel_loop3A_1071 = arith.mulf %get3A_280, %parallel_loop3A_798 : vector<16xf32>
        %parallel_loop3A_1072 = arith.addf %parallel_loop3A_1070, %parallel_loop3A_1071 : vector<16xf32>
        %parallel_loop3A_1073 = arith.mulf %get3A_296, %parallel_loop3A_830 : vector<16xf32>
        %parallel_loop3A_1074 = arith.addf %parallel_loop3A_1072, %parallel_loop3A_1073 : vector<16xf32>
        %parallel_loop3A_1075 = arith.mulf %get3A_312, %parallel_loop3A_862 : vector<16xf32>
        %parallel_loop3A_1076 = arith.addf %parallel_loop3A_1074, %parallel_loop3A_1075 : vector<16xf32>
        %parallel_loop3A_1077 = arith.mulf %get3A_328, %parallel_loop3A_894 : vector<16xf32>
        %parallel_loop3A_1078 = arith.addf %parallel_loop3A_1076, %parallel_loop3A_1077 : vector<16xf32>
        %parallel_loop3A_1079 = arith.index_cast %parallel_loop3A_1057 : i32 to index
        %parallel_loop3A_1080 = tpu.vector_load %arg10[%parallel_loop3A_1079] {strides = array<i32>} : memref<15360xf32, #tpu.memory_space<vmem>>, vector<16xf32>,
        %parallel_loop3A_1081 = vector.shape_cast %parallel_loop3A_1080 : vector<16xf32> to vector<16xf32>
        %parallel_loop3A_1082 = vector.shape_cast %parallel_loop3A_1078 : vector<16xf32> to vector<16xf32>
        tpu.vector_store %arg10[%parallel_loop3A_1079], %parallel_loop3A_1082 {strides = array<i32>} : memref<15360xf32, #tpu.memory_space<vmem>>, vector<16xf32>,
        %parallel_loop3A_1083 = arith.constant 4 : i32
        %parallel_loop3A_1084 = arith.muli %select_n3A_20, %parallel_loop3A_1083 : i32
        %parallel_loop3A_1085 = arith.constant 2 : i32
        %parallel_loop3A_1086 = arith.addi %parallel_loop3A_1084, %parallel_loop3A_1085 : i32
        %parallel_loop3A_1087 = arith.constant 30 : i32
        %parallel_loop3A_1088 = arith.muli %parallel_loop3A_1086, %parallel_loop3A_1087 : i32
        %parallel_loop3A_1089 = arith.addi %parallel_loop3A_1088, %parallel_loop3A_622 : i32
        %parallel_loop3A_1090 = arith.constant 0 : i32
        %parallel_loop3A_1091 = arith.addi %parallel_loop3A_1089, %parallel_loop3A_1090 : i32
        %parallel_loop3A_1092 = arith.constant 16 : i32
        %parallel_loop3A_1093 = arith.muli %parallel_loop3A_1091, %parallel_loop3A_1092 : i32
        %parallel_loop3A_1094 = arith.constant 0 : i32
        %parallel_loop3A_1095 = arith.addi %parallel_loop3A_1094, %parallel_loop3A_1093 : i32
        %parallel_loop3A_1096 = arith.index_cast %parallel_loop3A_1095 : i32 to index
        %parallel_loop3A_1097 = tpu.vector_load %arg10[%parallel_loop3A_1096] {strides = array<i32>} : memref<15360xf32, #tpu.memory_space<vmem>>, vector<16xf32>,
        %parallel_loop3A_1098 = vector.shape_cast %parallel_loop3A_1097 : vector<16xf32> to vector<16xf32>
        %parallel_loop3A_1099 = arith.mulf %get3A_344, %parallel_loop3A_638 : vector<16xf32>
        %parallel_loop3A_1100 = arith.addf %parallel_loop3A_1098, %parallel_loop3A_1099 : vector<16xf32>
        %parallel_loop3A_1101 = arith.mulf %get3A_360, %parallel_loop3A_670 : vector<16xf32>
        %parallel_loop3A_1102 = arith.addf %parallel_loop3A_1100, %parallel_loop3A_1101 : vector<16xf32>
        %parallel_loop3A_1103 = arith.mulf %get3A_376, %parallel_loop3A_702 : vector<16xf32>
        %parallel_loop3A_1104 = arith.addf %parallel_loop3A_1102, %parallel_loop3A_1103 : vector<16xf32>
        %parallel_loop3A_1105 = arith.mulf %get3A_392, %parallel_loop3A_734 : vector<16xf32>
        %parallel_loop3A_1106 = arith.addf %parallel_loop3A_1104, %parallel_loop3A_1105 : vector<16xf32>
        %parallel_loop3A_1107 = arith.mulf %get3A_408, %parallel_loop3A_766 : vector<16xf32>
        %parallel_loop3A_1108 = arith.addf %parallel_loop3A_1106, %parallel_loop3A_1107 : vector<16xf32>
        %parallel_loop3A_1109 = arith.mulf %get3A_424, %parallel_loop3A_798 : vector<16xf32>
        %parallel_loop3A_1110 = arith.addf %parallel_loop3A_1108, %parallel_loop3A_1109 : vector<16xf32>
        %parallel_loop3A_1111 = arith.mulf %get3A_440, %parallel_loop3A_830 : vector<16xf32>
        %parallel_loop3A_1112 = arith.addf %parallel_loop3A_1110, %parallel_loop3A_1111 : vector<16xf32>
        %parallel_loop3A_1113 = arith.mulf %get3A_456, %parallel_loop3A_862 : vector<16xf32>
        %parallel_loop3A_1114 = arith.addf %parallel_loop3A_1112, %parallel_loop3A_1113 : vector<16xf32>
        %parallel_loop3A_1115 = arith.mulf %get3A_472, %parallel_loop3A_894 : vector<16xf32>
        %parallel_loop3A_1116 = arith.addf %parallel_loop3A_1114, %parallel_loop3A_1115 : vector<16xf32>
        %parallel_loop3A_1117 = arith.index_cast %parallel_loop3A_1095 : i32 to index
        %parallel_loop3A_1118 = tpu.vector_load %arg10[%parallel_loop3A_1117] {strides = array<i32>} : memref<15360xf32, #tpu.memory_space<vmem>>, vector<16xf32>,
        %parallel_loop3A_1119 = vector.shape_cast %parallel_loop3A_1118 : vector<16xf32> to vector<16xf32>
        %parallel_loop3A_1120 = vector.shape_cast %parallel_loop3A_1116 : vector<16xf32> to vector<16xf32>
        tpu.vector_store %arg10[%parallel_loop3A_1117], %parallel_loop3A_1120 {strides = array<i32>} : memref<15360xf32, #tpu.memory_space<vmem>>, vector<16xf32>,
        %parallel_loop3A_1121 = arith.constant 4 : i32
        %parallel_loop3A_1122 = arith.muli %select_n3A_20, %parallel_loop3A_1121 : i32
        %parallel_loop3A_1123 = arith.constant 3 : i32
        %parallel_loop3A_1124 = arith.addi %parallel_loop3A_1122, %parallel_loop3A_1123 : i32
        %parallel_loop3A_1125 = arith.constant 30 : i32
        %parallel_loop3A_1126 = arith.muli %parallel_loop3A_1124, %parallel_loop3A_1125 : i32
        %parallel_loop3A_1127 = arith.addi %parallel_loop3A_1126, %parallel_loop3A_622 : i32
        %parallel_loop3A_1128 = arith.constant 0 : i32
        %parallel_loop3A_1129 = arith.addi %parallel_loop3A_1127, %parallel_loop3A_1128 : i32
        %parallel_loop3A_1130 = arith.constant 16 : i32
        %parallel_loop3A_1131 = arith.muli %parallel_loop3A_1129, %parallel_loop3A_1130 : i32
        %parallel_loop3A_1132 = arith.constant 0 : i32
        %parallel_loop3A_1133 = arith.addi %parallel_loop3A_1132, %parallel_loop3A_1131 : i32
        %parallel_loop3A_1134 = arith.index_cast %parallel_loop3A_1133 : i32 to index
        %parallel_loop3A_1135 = tpu.vector_load %arg10[%parallel_loop3A_1134] {strides = array<i32>} : memref<15360xf32, #tpu.memory_space<vmem>>, vector<16xf32>,
        %parallel_loop3A_1136 = vector.shape_cast %parallel_loop3A_1135 : vector<16xf32> to vector<16xf32>
        %parallel_loop3A_1137 = arith.mulf %get3A_488, %parallel_loop3A_638 : vector<16xf32>
        %parallel_loop3A_1138 = arith.addf %parallel_loop3A_1136, %parallel_loop3A_1137 : vector<16xf32>
        %parallel_loop3A_1139 = arith.mulf %get3A_504, %parallel_loop3A_670 : vector<16xf32>
        %parallel_loop3A_1140 = arith.addf %parallel_loop3A_1138, %parallel_loop3A_1139 : vector<16xf32>
        %parallel_loop3A_1141 = arith.mulf %get3A_520, %parallel_loop3A_702 : vector<16xf32>
        %parallel_loop3A_1142 = arith.addf %parallel_loop3A_1140, %parallel_loop3A_1141 : vector<16xf32>
        %parallel_loop3A_1143 = arith.mulf %get3A_536, %parallel_loop3A_734 : vector<16xf32>
        %parallel_loop3A_1144 = arith.addf %parallel_loop3A_1142, %parallel_loop3A_1143 : vector<16xf32>
        %parallel_loop3A_1145 = arith.mulf %get3A_552, %parallel_loop3A_766 : vector<16xf32>
        %parallel_loop3A_1146 = arith.addf %parallel_loop3A_1144, %parallel_loop3A_1145 : vector<16xf32>
        %parallel_loop3A_1147 = arith.mulf %get3A_568, %parallel_loop3A_798 : vector<16xf32>
        %parallel_loop3A_1148 = arith.addf %parallel_loop3A_1146, %parallel_loop3A_1147 : vector<16xf32>
        %parallel_loop3A_1149 = arith.mulf %get3A_584, %parallel_loop3A_830 : vector<16xf32>
        %parallel_loop3A_1150 = arith.addf %parallel_loop3A_1148, %parallel_loop3A_1149 : vector<16xf32>
        %parallel_loop3A_1151 = arith.mulf %get3A_600, %parallel_loop3A_862 : vector<16xf32>
        %parallel_loop3A_1152 = arith.addf %parallel_loop3A_1150, %parallel_loop3A_1151 : vector<16xf32>
        %parallel_loop3A_1153 = arith.mulf %get3A_616, %parallel_loop3A_894 : vector<16xf32>
        %parallel_loop3A_1154 = arith.addf %parallel_loop3A_1152, %parallel_loop3A_1153 : vector<16xf32>
        %parallel_loop3A_1155 = arith.index_cast %parallel_loop3A_1133 : i32 to index
        %parallel_loop3A_1156 = tpu.vector_load %arg10[%parallel_loop3A_1155] {strides = array<i32>} : memref<15360xf32, #tpu.memory_space<vmem>>, vector<16xf32>,
        %parallel_loop3A_1157 = vector.shape_cast %parallel_loop3A_1156 : vector<16xf32> to vector<16xf32>
        %parallel_loop3A_1158 = vector.shape_cast %parallel_loop3A_1154 : vector<16xf32> to vector<16xf32>
        tpu.vector_store %arg10[%parallel_loop3A_1155], %parallel_loop3A_1158 {strides = array<i32>} : memref<15360xf32, #tpu.memory_space<vmem>>, vector<16xf32>,
        %parallel_loop3A_1159 = arith.constant 4 : i32
        %parallel_loop3A_1160 = arith.muli %select_n3A_20, %parallel_loop3A_1159 : i32
        %parallel_loop3A_1161 = arith.constant 0 : i32
        %parallel_loop3A_1162 = arith.addi %parallel_loop3A_1160, %parallel_loop3A_1161 : i32
        %parallel_loop3A_1163 = arith.constant 30 : i32
        %parallel_loop3A_1164 = arith.muli %parallel_loop3A_1162, %parallel_loop3A_1163 : i32
        %parallel_loop3A_1165 = arith.addi %parallel_loop3A_1164, %parallel_loop3A_622 : i32
        %parallel_loop3A_1166 = arith.constant 0 : i32
        %parallel_loop3A_1167 = arith.addi %parallel_loop3A_1165, %parallel_loop3A_1166 : i32
        %parallel_loop3A_1168 = arith.constant 16 : i32
        %parallel_loop3A_1169 = arith.muli %parallel_loop3A_1167, %parallel_loop3A_1168 : i32
        %parallel_loop3A_1170 = arith.constant 7680 : i32
        %parallel_loop3A_1171 = arith.addi %parallel_loop3A_1170, %parallel_loop3A_1169 : i32
        %parallel_loop3A_1172 = arith.index_cast %parallel_loop3A_1171 : i32 to index
        %parallel_loop3A_1173 = tpu.vector_load %arg10[%parallel_loop3A_1172] {strides = array<i32>} : memref<15360xf32, #tpu.memory_space<vmem>>, vector<16xf32>,
        %parallel_loop3A_1174 = vector.shape_cast %parallel_loop3A_1173 : vector<16xf32> to vector<16xf32>
        %parallel_loop3A_1175 = arith.mulf %get3A_56, %parallel_loop3A_654 : vector<16xf32>
        %parallel_loop3A_1176 = arith.addf %parallel_loop3A_1174, %parallel_loop3A_1175 : vector<16xf32>
        %parallel_loop3A_1177 = arith.mulf %get3A_72, %parallel_loop3A_686 : vector<16xf32>
        %parallel_loop3A_1178 = arith.addf %parallel_loop3A_1176, %parallel_loop3A_1177 : vector<16xf32>
        %parallel_loop3A_1179 = arith.mulf %get3A_88, %parallel_loop3A_718 : vector<16xf32>
        %parallel_loop3A_1180 = arith.addf %parallel_loop3A_1178, %parallel_loop3A_1179 : vector<16xf32>
        %parallel_loop3A_1181 = arith.mulf %get3A_104, %parallel_loop3A_750 : vector<16xf32>
        %parallel_loop3A_1182 = arith.addf %parallel_loop3A_1180, %parallel_loop3A_1181 : vector<16xf32>
        %parallel_loop3A_1183 = arith.mulf %get3A_120, %parallel_loop3A_782 : vector<16xf32>
        %parallel_loop3A_1184 = arith.addf %parallel_loop3A_1182, %parallel_loop3A_1183 : vector<16xf32>
        %parallel_loop3A_1185 = arith.mulf %get3A_136, %parallel_loop3A_814 : vector<16xf32>
        %parallel_loop3A_1186 = arith.addf %parallel_loop3A_1184, %parallel_loop3A_1185 : vector<16xf32>
        %parallel_loop3A_1187 = arith.mulf %get3A_152, %parallel_loop3A_846 : vector<16xf32>
        %parallel_loop3A_1188 = arith.addf %parallel_loop3A_1186, %parallel_loop3A_1187 : vector<16xf32>
        %parallel_loop3A_1189 = arith.mulf %get3A_168, %parallel_loop3A_878 : vector<16xf32>
        %parallel_loop3A_1190 = arith.addf %parallel_loop3A_1188, %parallel_loop3A_1189 : vector<16xf32>
        %parallel_loop3A_1191 = arith.mulf %get3A_184, %parallel_loop3A_910 : vector<16xf32>
        %parallel_loop3A_1192 = arith.addf %parallel_loop3A_1190, %parallel_loop3A_1191 : vector<16xf32>
        %parallel_loop3A_1193 = arith.index_cast %parallel_loop3A_1171 : i32 to index
        %parallel_loop3A_1194 = tpu.vector_load %arg10[%parallel_loop3A_1193] {strides = array<i32>} : memref<15360xf32, #tpu.memory_space<vmem>>, vector<16xf32>,
        %parallel_loop3A_1195 = vector.shape_cast %parallel_loop3A_1194 : vector<16xf32> to vector<16xf32>
        %parallel_loop3A_1196 = vector.shape_cast %parallel_loop3A_1192 : vector<16xf32> to vector<16xf32>
        tpu.vector_store %arg10[%parallel_loop3A_1193], %parallel_loop3A_1196 {strides = array<i32>} : memref<15360xf32, #tpu.memory_space<vmem>>, vector<16xf32>,
        %parallel_loop3A_1197 = arith.constant 4 : i32
        %parallel_loop3A_1198 = arith.muli %select_n3A_20, %parallel_loop3A_1197 : i32
        %parallel_loop3A_1199 = arith.constant 1 : i32
        %parallel_loop3A_1200 = arith.addi %parallel_loop3A_1198, %parallel_loop3A_1199 : i32
        %parallel_loop3A_1201 = arith.constant 30 : i32
        %parallel_loop3A_1202 = arith.muli %parallel_loop3A_1200, %parallel_loop3A_1201 : i32
        %parallel_loop3A_1203 = arith.addi %parallel_loop3A_1202, %parallel_loop3A_622 : i32
        %parallel_loop3A_1204 = arith.constant 0 : i32
        %parallel_loop3A_1205 = arith.addi %parallel_loop3A_1203, %parallel_loop3A_1204 : i32
        %parallel_loop3A_1206 = arith.constant 16 : i32
        %parallel_loop3A_1207 = arith.muli %parallel_loop3A_1205, %parallel_loop3A_1206 : i32
        %parallel_loop3A_1208 = arith.constant 7680 : i32
        %parallel_loop3A_1209 = arith.addi %parallel_loop3A_1208, %parallel_loop3A_1207 : i32
        %parallel_loop3A_1210 = arith.index_cast %parallel_loop3A_1209 : i32 to index
        %parallel_loop3A_1211 = tpu.vector_load %arg10[%parallel_loop3A_1210] {strides = array<i32>} : memref<15360xf32, #tpu.memory_space<vmem>>, vector<16xf32>,
        %parallel_loop3A_1212 = vector.shape_cast %parallel_loop3A_1211 : vector<16xf32> to vector<16xf32>
        %parallel_loop3A_1213 = arith.mulf %get3A_200, %parallel_loop3A_654 : vector<16xf32>
        %parallel_loop3A_1214 = arith.addf %parallel_loop3A_1212, %parallel_loop3A_1213 : vector<16xf32>
        %parallel_loop3A_1215 = arith.mulf %get3A_216, %parallel_loop3A_686 : vector<16xf32>
        %parallel_loop3A_1216 = arith.addf %parallel_loop3A_1214, %parallel_loop3A_1215 : vector<16xf32>
        %parallel_loop3A_1217 = arith.mulf %get3A_232, %parallel_loop3A_718 : vector<16xf32>
        %parallel_loop3A_1218 = arith.addf %parallel_loop3A_1216, %parallel_loop3A_1217 : vector<16xf32>
        %parallel_loop3A_1219 = arith.mulf %get3A_248, %parallel_loop3A_750 : vector<16xf32>
        %parallel_loop3A_1220 = arith.addf %parallel_loop3A_1218, %parallel_loop3A_1219 : vector<16xf32>
        %parallel_loop3A_1221 = arith.mulf %get3A_264, %parallel_loop3A_782 : vector<16xf32>
        %parallel_loop3A_1222 = arith.addf %parallel_loop3A_1220, %parallel_loop3A_1221 : vector<16xf32>
        %parallel_loop3A_1223 = arith.mulf %get3A_280, %parallel_loop3A_814 : vector<16xf32>
        %parallel_loop3A_1224 = arith.addf %parallel_loop3A_1222, %parallel_loop3A_1223 : vector<16xf32>
        %parallel_loop3A_1225 = arith.mulf %get3A_296, %parallel_loop3A_846 : vector<16xf32>
        %parallel_loop3A_1226 = arith.addf %parallel_loop3A_1224, %parallel_loop3A_1225 : vector<16xf32>
        %parallel_loop3A_1227 = arith.mulf %get3A_312, %parallel_loop3A_878 : vector<16xf32>
        %parallel_loop3A_1228 = arith.addf %parallel_loop3A_1226, %parallel_loop3A_1227 : vector<16xf32>
        %parallel_loop3A_1229 = arith.mulf %get3A_328, %parallel_loop3A_910 : vector<16xf32>
        %parallel_loop3A_1230 = arith.addf %parallel_loop3A_1228, %parallel_loop3A_1229 : vector<16xf32>
        %parallel_loop3A_1231 = arith.index_cast %parallel_loop3A_1209 : i32 to index
        %parallel_loop3A_1232 = tpu.vector_load %arg10[%parallel_loop3A_1231] {strides = array<i32>} : memref<15360xf32, #tpu.memory_space<vmem>>, vector<16xf32>,
        %parallel_loop3A_1233 = vector.shape_cast %parallel_loop3A_1232 : vector<16xf32> to vector<16xf32>
        %parallel_loop3A_1234 = vector.shape_cast %parallel_loop3A_1230 : vector<16xf32> to vector<16xf32>
        tpu.vector_store %arg10[%parallel_loop3A_1231], %parallel_loop3A_1234 {strides = array<i32>} : memref<15360xf32, #tpu.memory_space<vmem>>, vector<16xf32>,
        %parallel_loop3A_1235 = arith.constant 4 : i32
        %parallel_loop3A_1236 = arith.muli %select_n3A_20, %parallel_loop3A_1235 : i32
        %parallel_loop3A_1237 = arith.constant 2 : i32
        %parallel_loop3A_1238 = arith.addi %parallel_loop3A_1236, %parallel_loop3A_1237 : i32
        %parallel_loop3A_1239 = arith.constant 30 : i32
        %parallel_loop3A_1240 = arith.muli %parallel_loop3A_1238, %parallel_loop3A_1239 : i32
        %parallel_loop3A_1241 = arith.addi %parallel_loop3A_1240, %parallel_loop3A_622 : i32
        %parallel_loop3A_1242 = arith.constant 0 : i32
        %parallel_loop3A_1243 = arith.addi %parallel_loop3A_1241, %parallel_loop3A_1242 : i32
        %parallel_loop3A_1244 = arith.constant 16 : i32
        %parallel_loop3A_1245 = arith.muli %parallel_loop3A_1243, %parallel_loop3A_1244 : i32
        %parallel_loop3A_1246 = arith.constant 7680 : i32
        %parallel_loop3A_1247 = arith.addi %parallel_loop3A_1246, %parallel_loop3A_1245 : i32
        %parallel_loop3A_1248 = arith.index_cast %parallel_loop3A_1247 : i32 to index
        %parallel_loop3A_1249 = tpu.vector_load %arg10[%parallel_loop3A_1248] {strides = array<i32>} : memref<15360xf32, #tpu.memory_space<vmem>>, vector<16xf32>,
        %parallel_loop3A_1250 = vector.shape_cast %parallel_loop3A_1249 : vector<16xf32> to vector<16xf32>
        %parallel_loop3A_1251 = arith.mulf %get3A_344, %parallel_loop3A_654 : vector<16xf32>
        %parallel_loop3A_1252 = arith.addf %parallel_loop3A_1250, %parallel_loop3A_1251 : vector<16xf32>
        %parallel_loop3A_1253 = arith.mulf %get3A_360, %parallel_loop3A_686 : vector<16xf32>
        %parallel_loop3A_1254 = arith.addf %parallel_loop3A_1252, %parallel_loop3A_1253 : vector<16xf32>
        %parallel_loop3A_1255 = arith.mulf %get3A_376, %parallel_loop3A_718 : vector<16xf32>
        %parallel_loop3A_1256 = arith.addf %parallel_loop3A_1254, %parallel_loop3A_1255 : vector<16xf32>
        %parallel_loop3A_1257 = arith.mulf %get3A_392, %parallel_loop3A_750 : vector<16xf32>
        %parallel_loop3A_1258 = arith.addf %parallel_loop3A_1256, %parallel_loop3A_1257 : vector<16xf32>
        %parallel_loop3A_1259 = arith.mulf %get3A_408, %parallel_loop3A_782 : vector<16xf32>
        %parallel_loop3A_1260 = arith.addf %parallel_loop3A_1258, %parallel_loop3A_1259 : vector<16xf32>
        %parallel_loop3A_1261 = arith.mulf %get3A_424, %parallel_loop3A_814 : vector<16xf32>
        %parallel_loop3A_1262 = arith.addf %parallel_loop3A_1260, %parallel_loop3A_1261 : vector<16xf32>
        %parallel_loop3A_1263 = arith.mulf %get3A_440, %parallel_loop3A_846 : vector<16xf32>
        %parallel_loop3A_1264 = arith.addf %parallel_loop3A_1262, %parallel_loop3A_1263 : vector<16xf32>
        %parallel_loop3A_1265 = arith.mulf %get3A_456, %parallel_loop3A_878 : vector<16xf32>
        %parallel_loop3A_1266 = arith.addf %parallel_loop3A_1264, %parallel_loop3A_1265 : vector<16xf32>
        %parallel_loop3A_1267 = arith.mulf %get3A_472, %parallel_loop3A_910 : vector<16xf32>
        %parallel_loop3A_1268 = arith.addf %parallel_loop3A_1266, %parallel_loop3A_1267 : vector<16xf32>
        %parallel_loop3A_1269 = arith.index_cast %parallel_loop3A_1247 : i32 to index
        %parallel_loop3A_1270 = tpu.vector_load %arg10[%parallel_loop3A_1269] {strides = array<i32>} : memref<15360xf32, #tpu.memory_space<vmem>>, vector<16xf32>,
        %parallel_loop3A_1271 = vector.shape_cast %parallel_loop3A_1270 : vector<16xf32> to vector<16xf32>
        %parallel_loop3A_1272 = vector.shape_cast %parallel_loop3A_1268 : vector<16xf32> to vector<16xf32>
        tpu.vector_store %arg10[%parallel_loop3A_1269], %parallel_loop3A_1272 {strides = array<i32>} : memref<15360xf32, #tpu.memory_space<vmem>>, vector<16xf32>,
        %parallel_loop3A_1273 = arith.constant 4 : i32
        %parallel_loop3A_1274 = arith.muli %select_n3A_20, %parallel_loop3A_1273 : i32
        %parallel_loop3A_1275 = arith.constant 3 : i32
        %parallel_loop3A_1276 = arith.addi %parallel_loop3A_1274, %parallel_loop3A_1275 : i32
        %parallel_loop3A_1277 = arith.constant 30 : i32
        %parallel_loop3A_1278 = arith.muli %parallel_loop3A_1276, %parallel_loop3A_1277 : i32
        %parallel_loop3A_1279 = arith.addi %parallel_loop3A_1278, %parallel_loop3A_622 : i32
        %parallel_loop3A_1280 = arith.constant 0 : i32
        %parallel_loop3A_1281 = arith.addi %parallel_loop3A_1279, %parallel_loop3A_1280 : i32
        %parallel_loop3A_1282 = arith.constant 16 : i32
        %parallel_loop3A_1283 = arith.muli %parallel_loop3A_1281, %parallel_loop3A_1282 : i32
        %parallel_loop3A_1284 = arith.constant 7680 : i32
        %parallel_loop3A_1285 = arith.addi %parallel_loop3A_1284, %parallel_loop3A_1283 : i32
        %parallel_loop3A_1286 = arith.index_cast %parallel_loop3A_1285 : i32 to index
        %parallel_loop3A_1287 = tpu.vector_load %arg10[%parallel_loop3A_1286] {strides = array<i32>} : memref<15360xf32, #tpu.memory_space<vmem>>, vector<16xf32>,
        %parallel_loop3A_1288 = vector.shape_cast %parallel_loop3A_1287 : vector<16xf32> to vector<16xf32>
        %parallel_loop3A_1289 = arith.mulf %get3A_488, %parallel_loop3A_654 : vector<16xf32>
        %parallel_loop3A_1290 = arith.addf %parallel_loop3A_1288, %parallel_loop3A_1289 : vector<16xf32>
        %parallel_loop3A_1291 = arith.mulf %get3A_504, %parallel_loop3A_686 : vector<16xf32>
        %parallel_loop3A_1292 = arith.addf %parallel_loop3A_1290, %parallel_loop3A_1291 : vector<16xf32>
        %parallel_loop3A_1293 = arith.mulf %get3A_520, %parallel_loop3A_718 : vector<16xf32>
        %parallel_loop3A_1294 = arith.addf %parallel_loop3A_1292, %parallel_loop3A_1293 : vector<16xf32>
        %parallel_loop3A_1295 = arith.mulf %get3A_536, %parallel_loop3A_750 : vector<16xf32>
        %parallel_loop3A_1296 = arith.addf %parallel_loop3A_1294, %parallel_loop3A_1295 : vector<16xf32>
        %parallel_loop3A_1297 = arith.mulf %get3A_552, %parallel_loop3A_782 : vector<16xf32>
        %parallel_loop3A_1298 = arith.addf %parallel_loop3A_1296, %parallel_loop3A_1297 : vector<16xf32>
        %parallel_loop3A_1299 = arith.mulf %get3A_568, %parallel_loop3A_814 : vector<16xf32>
        %parallel_loop3A_1300 = arith.addf %parallel_loop3A_1298, %parallel_loop3A_1299 : vector<16xf32>
        %parallel_loop3A_1301 = arith.mulf %get3A_584, %parallel_loop3A_846 : vector<16xf32>
        %parallel_loop3A_1302 = arith.addf %parallel_loop3A_1300, %parallel_loop3A_1301 : vector<16xf32>
        %parallel_loop3A_1303 = arith.mulf %get3A_600, %parallel_loop3A_878 : vector<16xf32>
        %parallel_loop3A_1304 = arith.addf %parallel_loop3A_1302, %parallel_loop3A_1303 : vector<16xf32>
        %parallel_loop3A_1305 = arith.mulf %get3A_616, %parallel_loop3A_910 : vector<16xf32>
        %parallel_loop3A_1306 = arith.addf %parallel_loop3A_1304, %parallel_loop3A_1305 : vector<16xf32>
        %parallel_loop3A_1307 = arith.index_cast %parallel_loop3A_1285 : i32 to index
        %parallel_loop3A_1308 = tpu.vector_load %arg10[%parallel_loop3A_1307] {strides = array<i32>} : memref<15360xf32, #tpu.memory_space<vmem>>, vector<16xf32>,
        %parallel_loop3A_1309 = vector.shape_cast %parallel_loop3A_1308 : vector<16xf32> to vector<16xf32>
        %parallel_loop3A_1310 = vector.shape_cast %parallel_loop3A_1306 : vector<16xf32> to vector<16xf32>
        tpu.vector_store %arg10[%parallel_loop3A_1307], %parallel_loop3A_1310 {strides = array<i32>} : memref<15360xf32, #tpu.memory_space<vmem>>, vector<16xf32>,
        %parallel_loop3A_1311 = arith.constant 4 : i32
        %parallel_loop3A_1312 = arith.muli %select_n3A_20, %parallel_loop3A_1311 : i32
        %parallel_loop3A_1313 = arith.constant 0 : i32
        %parallel_loop3A_1314 = arith.addi %parallel_loop3A_1312, %parallel_loop3A_1313 : i32
        %parallel_loop3A_1315 = arith.constant 30 : i32
        %parallel_loop3A_1316 = arith.muli %parallel_loop3A_1314, %parallel_loop3A_1315 : i32
        %parallel_loop3A_1317 = arith.addi %parallel_loop3A_1316, %parallel_loop3A_622 : i32
        %parallel_loop3A_1318 = arith.constant 1 : i32
        %parallel_loop3A_1319 = arith.addi %parallel_loop3A_1317, %parallel_loop3A_1318 : i32
        %parallel_loop3A_1320 = arith.constant 16 : i32
        %parallel_loop3A_1321 = arith.muli %parallel_loop3A_1319, %parallel_loop3A_1320 : i32
        %parallel_loop3A_1322 = arith.constant 0 : i32
        %parallel_loop3A_1323 = arith.addi %parallel_loop3A_1322, %parallel_loop3A_1321 : i32
        %parallel_loop3A_1324 = arith.index_cast %parallel_loop3A_1323 : i32 to index
        %parallel_loop3A_1325 = tpu.vector_load %arg10[%parallel_loop3A_1324] {strides = array<i32>} : memref<15360xf32, #tpu.memory_space<vmem>>, vector<16xf32>,
        %parallel_loop3A_1326 = vector.shape_cast %parallel_loop3A_1325 : vector<16xf32> to vector<16xf32>
        %parallel_loop3A_1327 = arith.mulf %get3A_56, %parallel_loop3A_734 : vector<16xf32>
        %parallel_loop3A_1328 = arith.addf %parallel_loop3A_1326, %parallel_loop3A_1327 : vector<16xf32>
        %parallel_loop3A_1329 = arith.mulf %get3A_72, %parallel_loop3A_766 : vector<16xf32>
        %parallel_loop3A_1330 = arith.addf %parallel_loop3A_1328, %parallel_loop3A_1329 : vector<16xf32>
        %parallel_loop3A_1331 = arith.mulf %get3A_88, %parallel_loop3A_798 : vector<16xf32>
        %parallel_loop3A_1332 = arith.addf %parallel_loop3A_1330, %parallel_loop3A_1331 : vector<16xf32>
        %parallel_loop3A_1333 = arith.mulf %get3A_104, %parallel_loop3A_830 : vector<16xf32>
        %parallel_loop3A_1334 = arith.addf %parallel_loop3A_1332, %parallel_loop3A_1333 : vector<16xf32>
        %parallel_loop3A_1335 = arith.mulf %get3A_120, %parallel_loop3A_862 : vector<16xf32>
        %parallel_loop3A_1336 = arith.addf %parallel_loop3A_1334, %parallel_loop3A_1335 : vector<16xf32>
        %parallel_loop3A_1337 = arith.mulf %get3A_136, %parallel_loop3A_894 : vector<16xf32>
        %parallel_loop3A_1338 = arith.addf %parallel_loop3A_1336, %parallel_loop3A_1337 : vector<16xf32>
        %parallel_loop3A_1339 = arith.mulf %get3A_152, %parallel_loop3A_926 : vector<16xf32>
        %parallel_loop3A_1340 = arith.addf %parallel_loop3A_1338, %parallel_loop3A_1339 : vector<16xf32>
        %parallel_loop3A_1341 = arith.mulf %get3A_168, %parallel_loop3A_958 : vector<16xf32>
        %parallel_loop3A_1342 = arith.addf %parallel_loop3A_1340, %parallel_loop3A_1341 : vector<16xf32>
        %parallel_loop3A_1343 = arith.mulf %get3A_184, %parallel_loop3A_990 : vector<16xf32>
        %parallel_loop3A_1344 = arith.addf %parallel_loop3A_1342, %parallel_loop3A_1343 : vector<16xf32>
        %parallel_loop3A_1345 = arith.index_cast %parallel_loop3A_1323 : i32 to index
        %parallel_loop3A_1346 = tpu.vector_load %arg10[%parallel_loop3A_1345] {strides = array<i32>} : memref<15360xf32, #tpu.memory_space<vmem>>, vector<16xf32>,
        %parallel_loop3A_1347 = vector.shape_cast %parallel_loop3A_1346 : vector<16xf32> to vector<16xf32>
        %parallel_loop3A_1348 = vector.shape_cast %parallel_loop3A_1344 : vector<16xf32> to vector<16xf32>
        tpu.vector_store %arg10[%parallel_loop3A_1345], %parallel_loop3A_1348 {strides = array<i32>} : memref<15360xf32, #tpu.memory_space<vmem>>, vector<16xf32>,
        %parallel_loop3A_1349 = arith.constant 4 : i32
        %parallel_loop3A_1350 = arith.muli %select_n3A_20, %parallel_loop3A_1349 : i32
        %parallel_loop3A_1351 = arith.constant 1 : i32
        %parallel_loop3A_1352 = arith.addi %parallel_loop3A_1350, %parallel_loop3A_1351 : i32
        %parallel_loop3A_1353 = arith.constant 30 : i32
        %parallel_loop3A_1354 = arith.muli %parallel_loop3A_1352, %parallel_loop3A_1353 : i32
        %parallel_loop3A_1355 = arith.addi %parallel_loop3A_1354, %parallel_loop3A_622 : i32
        %parallel_loop3A_1356 = arith.constant 1 : i32
        %parallel_loop3A_1357 = arith.addi %parallel_loop3A_1355, %parallel_loop3A_1356 : i32
        %parallel_loop3A_1358 = arith.constant 16 : i32
        %parallel_loop3A_1359 = arith.muli %parallel_loop3A_1357, %parallel_loop3A_1358 : i32
        %parallel_loop3A_1360 = arith.constant 0 : i32
        %parallel_loop3A_1361 = arith.addi %parallel_loop3A_1360, %parallel_loop3A_1359 : i32
        %parallel_loop3A_1362 = arith.index_cast %parallel_loop3A_1361 : i32 to index
        %parallel_loop3A_1363 = tpu.vector_load %arg10[%parallel_loop3A_1362] {strides = array<i32>} : memref<15360xf32, #tpu.memory_space<vmem>>, vector<16xf32>,
        %parallel_loop3A_1364 = vector.shape_cast %parallel_loop3A_1363 : vector<16xf32> to vector<16xf32>
        %parallel_loop3A_1365 = arith.mulf %get3A_200, %parallel_loop3A_734 : vector<16xf32>
        %parallel_loop3A_1366 = arith.addf %parallel_loop3A_1364, %parallel_loop3A_1365 : vector<16xf32>
        %parallel_loop3A_1367 = arith.mulf %get3A_216, %parallel_loop3A_766 : vector<16xf32>
        %parallel_loop3A_1368 = arith.addf %parallel_loop3A_1366, %parallel_loop3A_1367 : vector<16xf32>
        %parallel_loop3A_1369 = arith.mulf %get3A_232, %parallel_loop3A_798 : vector<16xf32>
        %parallel_loop3A_1370 = arith.addf %parallel_loop3A_1368, %parallel_loop3A_1369 : vector<16xf32>
        %parallel_loop3A_1371 = arith.mulf %get3A_248, %parallel_loop3A_830 : vector<16xf32>
        %parallel_loop3A_1372 = arith.addf %parallel_loop3A_1370, %parallel_loop3A_1371 : vector<16xf32>
        %parallel_loop3A_1373 = arith.mulf %get3A_264, %parallel_loop3A_862 : vector<16xf32>
        %parallel_loop3A_1374 = arith.addf %parallel_loop3A_1372, %parallel_loop3A_1373 : vector<16xf32>
        %parallel_loop3A_1375 = arith.mulf %get3A_280, %parallel_loop3A_894 : vector<16xf32>
        %parallel_loop3A_1376 = arith.addf %parallel_loop3A_1374, %parallel_loop3A_1375 : vector<16xf32>
        %parallel_loop3A_1377 = arith.mulf %get3A_296, %parallel_loop3A_926 : vector<16xf32>
        %parallel_loop3A_1378 = arith.addf %parallel_loop3A_1376, %parallel_loop3A_1377 : vector<16xf32>
        %parallel_loop3A_1379 = arith.mulf %get3A_312, %parallel_loop3A_958 : vector<16xf32>
        %parallel_loop3A_1380 = arith.addf %parallel_loop3A_1378, %parallel_loop3A_1379 : vector<16xf32>
        %parallel_loop3A_1381 = arith.mulf %get3A_328, %parallel_loop3A_990 : vector<16xf32>
        %parallel_loop3A_1382 = arith.addf %parallel_loop3A_1380, %parallel_loop3A_1381 : vector<16xf32>
        %parallel_loop3A_1383 = arith.index_cast %parallel_loop3A_1361 : i32 to index
        %parallel_loop3A_1384 = tpu.vector_load %arg10[%parallel_loop3A_1383] {strides = array<i32>} : memref<15360xf32, #tpu.memory_space<vmem>>, vector<16xf32>,
        %parallel_loop3A_1385 = vector.shape_cast %parallel_loop3A_1384 : vector<16xf32> to vector<16xf32>
        %parallel_loop3A_1386 = vector.shape_cast %parallel_loop3A_1382 : vector<16xf32> to vector<16xf32>
        tpu.vector_store %arg10[%parallel_loop3A_1383], %parallel_loop3A_1386 {strides = array<i32>} : memref<15360xf32, #tpu.memory_space<vmem>>, vector<16xf32>,
        %parallel_loop3A_1387 = arith.constant 4 : i32
        %parallel_loop3A_1388 = arith.muli %select_n3A_20, %parallel_loop3A_1387 : i32
        %parallel_loop3A_1389 = arith.constant 2 : i32
        %parallel_loop3A_1390 = arith.addi %parallel_loop3A_1388, %parallel_loop3A_1389 : i32
        %parallel_loop3A_1391 = arith.constant 30 : i32
        %parallel_loop3A_1392 = arith.muli %parallel_loop3A_1390, %parallel_loop3A_1391 : i32
        %parallel_loop3A_1393 = arith.addi %parallel_loop3A_1392, %parallel_loop3A_622 : i32
        %parallel_loop3A_1394 = arith.constant 1 : i32
        %parallel_loop3A_1395 = arith.addi %parallel_loop3A_1393, %parallel_loop3A_1394 : i32
        %parallel_loop3A_1396 = arith.constant 16 : i32
        %parallel_loop3A_1397 = arith.muli %parallel_loop3A_1395, %parallel_loop3A_1396 : i32
        %parallel_loop3A_1398 = arith.constant 0 : i32
        %parallel_loop3A_1399 = arith.addi %parallel_loop3A_1398, %parallel_loop3A_1397 : i32
        %parallel_loop3A_1400 = arith.index_cast %parallel_loop3A_1399 : i32 to index
        %parallel_loop3A_1401 = tpu.vector_load %arg10[%parallel_loop3A_1400] {strides = array<i32>} : memref<15360xf32, #tpu.memory_space<vmem>>, vector<16xf32>,
        %parallel_loop3A_1402 = vector.shape_cast %parallel_loop3A_1401 : vector<16xf32> to vector<16xf32>
        %parallel_loop3A_1403 = arith.mulf %get3A_344, %parallel_loop3A_734 : vector<16xf32>
        %parallel_loop3A_1404 = arith.addf %parallel_loop3A_1402, %parallel_loop3A_1403 : vector<16xf32>
        %parallel_loop3A_1405 = arith.mulf %get3A_360, %parallel_loop3A_766 : vector<16xf32>
        %parallel_loop3A_1406 = arith.addf %parallel_loop3A_1404, %parallel_loop3A_1405 : vector<16xf32>
        %parallel_loop3A_1407 = arith.mulf %get3A_376, %parallel_loop3A_798 : vector<16xf32>
        %parallel_loop3A_1408 = arith.addf %parallel_loop3A_1406, %parallel_loop3A_1407 : vector<16xf32>
        %parallel_loop3A_1409 = arith.mulf %get3A_392, %parallel_loop3A_830 : vector<16xf32>
        %parallel_loop3A_1410 = arith.addf %parallel_loop3A_1408, %parallel_loop3A_1409 : vector<16xf32>
        %parallel_loop3A_1411 = arith.mulf %get3A_408, %parallel_loop3A_862 : vector<16xf32>
        %parallel_loop3A_1412 = arith.addf %parallel_loop3A_1410, %parallel_loop3A_1411 : vector<16xf32>
        %parallel_loop3A_1413 = arith.mulf %get3A_424, %parallel_loop3A_894 : vector<16xf32>
        %parallel_loop3A_1414 = arith.addf %parallel_loop3A_1412, %parallel_loop3A_1413 : vector<16xf32>
        %parallel_loop3A_1415 = arith.mulf %get3A_440, %parallel_loop3A_926 : vector<16xf32>
        %parallel_loop3A_1416 = arith.addf %parallel_loop3A_1414, %parallel_loop3A_1415 : vector<16xf32>
        %parallel_loop3A_1417 = arith.mulf %get3A_456, %parallel_loop3A_958 : vector<16xf32>
        %parallel_loop3A_1418 = arith.addf %parallel_loop3A_1416, %parallel_loop3A_1417 : vector<16xf32>
        %parallel_loop3A_1419 = arith.mulf %get3A_472, %parallel_loop3A_990 : vector<16xf32>
        %parallel_loop3A_1420 = arith.addf %parallel_loop3A_1418, %parallel_loop3A_1419 : vector<16xf32>
        %parallel_loop3A_1421 = arith.index_cast %parallel_loop3A_1399 : i32 to index
        %parallel_loop3A_1422 = tpu.vector_load %arg10[%parallel_loop3A_1421] {strides = array<i32>} : memref<15360xf32, #tpu.memory_space<vmem>>, vector<16xf32>,
        %parallel_loop3A_1423 = vector.shape_cast %parallel_loop3A_1422 : vector<16xf32> to vector<16xf32>
        %parallel_loop3A_1424 = vector.shape_cast %parallel_loop3A_1420 : vector<16xf32> to vector<16xf32>
        tpu.vector_store %arg10[%parallel_loop3A_1421], %parallel_loop3A_1424 {strides = array<i32>} : memref<15360xf32, #tpu.memory_space<vmem>>, vector<16xf32>,
        %parallel_loop3A_1425 = arith.constant 4 : i32
        %parallel_loop3A_1426 = arith.muli %select_n3A_20, %parallel_loop3A_1425 : i32
        %parallel_loop3A_1427 = arith.constant 3 : i32
        %parallel_loop3A_1428 = arith.addi %parallel_loop3A_1426, %parallel_loop3A_1427 : i32
        %parallel_loop3A_1429 = arith.constant 30 : i32
        %parallel_loop3A_1430 = arith.muli %parallel_loop3A_1428, %parallel_loop3A_1429 : i32
        %parallel_loop3A_1431 = arith.addi %parallel_loop3A_1430, %parallel_loop3A_622 : i32
        %parallel_loop3A_1432 = arith.constant 1 : i32
        %parallel_loop3A_1433 = arith.addi %parallel_loop3A_1431, %parallel_loop3A_1432 : i32
        %parallel_loop3A_1434 = arith.constant 16 : i32
        %parallel_loop3A_1435 = arith.muli %parallel_loop3A_1433, %parallel_loop3A_1434 : i32
        %parallel_loop3A_1436 = arith.constant 0 : i32
        %parallel_loop3A_1437 = arith.addi %parallel_loop3A_1436, %parallel_loop3A_1435 : i32
        %parallel_loop3A_1438 = arith.index_cast %parallel_loop3A_1437 : i32 to index
        %parallel_loop3A_1439 = tpu.vector_load %arg10[%parallel_loop3A_1438] {strides = array<i32>} : memref<15360xf32, #tpu.memory_space<vmem>>, vector<16xf32>,
        %parallel_loop3A_1440 = vector.shape_cast %parallel_loop3A_1439 : vector<16xf32> to vector<16xf32>
        %parallel_loop3A_1441 = arith.mulf %get3A_488, %parallel_loop3A_734 : vector<16xf32>
        %parallel_loop3A_1442 = arith.addf %parallel_loop3A_1440, %parallel_loop3A_1441 : vector<16xf32>
        %parallel_loop3A_1443 = arith.mulf %get3A_504, %parallel_loop3A_766 : vector<16xf32>
        %parallel_loop3A_1444 = arith.addf %parallel_loop3A_1442, %parallel_loop3A_1443 : vector<16xf32>
        %parallel_loop3A_1445 = arith.mulf %get3A_520, %parallel_loop3A_798 : vector<16xf32>
        %parallel_loop3A_1446 = arith.addf %parallel_loop3A_1444, %parallel_loop3A_1445 : vector<16xf32>
        %parallel_loop3A_1447 = arith.mulf %get3A_536, %parallel_loop3A_830 : vector<16xf32>
        %parallel_loop3A_1448 = arith.addf %parallel_loop3A_1446, %parallel_loop3A_1447 : vector<16xf32>
        %parallel_loop3A_1449 = arith.mulf %get3A_552, %parallel_loop3A_862 : vector<16xf32>
        %parallel_loop3A_1450 = arith.addf %parallel_loop3A_1448, %parallel_loop3A_1449 : vector<16xf32>
        %parallel_loop3A_1451 = arith.mulf %get3A_568, %parallel_loop3A_894 : vector<16xf32>
        %parallel_loop3A_1452 = arith.addf %parallel_loop3A_1450, %parallel_loop3A_1451 : vector<16xf32>
        %parallel_loop3A_1453 = arith.mulf %get3A_584, %parallel_loop3A_926 : vector<16xf32>
        %parallel_loop3A_1454 = arith.addf %parallel_loop3A_1452, %parallel_loop3A_1453 : vector<16xf32>
        %parallel_loop3A_1455 = arith.mulf %get3A_600, %parallel_loop3A_958 : vector<16xf32>
        %parallel_loop3A_1456 = arith.addf %parallel_loop3A_1454, %parallel_loop3A_1455 : vector<16xf32>
        %parallel_loop3A_1457 = arith.mulf %get3A_616, %parallel_loop3A_990 : vector<16xf32>
        %parallel_loop3A_1458 = arith.addf %parallel_loop3A_1456, %parallel_loop3A_1457 : vector<16xf32>
        %parallel_loop3A_1459 = arith.index_cast %parallel_loop3A_1437 : i32 to index
        %parallel_loop3A_1460 = tpu.vector_load %arg10[%parallel_loop3A_1459] {strides = array<i32>} : memref<15360xf32, #tpu.memory_space<vmem>>, vector<16xf32>,
        %parallel_loop3A_1461 = vector.shape_cast %parallel_loop3A_1460 : vector<16xf32> to vector<16xf32>
        %parallel_loop3A_1462 = vector.shape_cast %parallel_loop3A_1458 : vector<16xf32> to vector<16xf32>
        tpu.vector_store %arg10[%parallel_loop3A_1459], %parallel_loop3A_1462 {strides = array<i32>} : memref<15360xf32, #tpu.memory_space<vmem>>, vector<16xf32>,
        %parallel_loop3A_1463 = arith.constant 4 : i32
        %parallel_loop3A_1464 = arith.muli %select_n3A_20, %parallel_loop3A_1463 : i32
        %parallel_loop3A_1465 = arith.constant 0 : i32
        %parallel_loop3A_1466 = arith.addi %parallel_loop3A_1464, %parallel_loop3A_1465 : i32
        %parallel_loop3A_1467 = arith.constant 30 : i32
        %parallel_loop3A_1468 = arith.muli %parallel_loop3A_1466, %parallel_loop3A_1467 : i32
        %parallel_loop3A_1469 = arith.addi %parallel_loop3A_1468, %parallel_loop3A_622 : i32
        %parallel_loop3A_1470 = arith.constant 1 : i32
        %parallel_loop3A_1471 = arith.addi %parallel_loop3A_1469, %parallel_loop3A_1470 : i32
        %parallel_loop3A_1472 = arith.constant 16 : i32
        %parallel_loop3A_1473 = arith.muli %parallel_loop3A_1471, %parallel_loop3A_1472 : i32
        %parallel_loop3A_1474 = arith.constant 7680 : i32
        %parallel_loop3A_1475 = arith.addi %parallel_loop3A_1474, %parallel_loop3A_1473 : i32
        %parallel_loop3A_1476 = arith.index_cast %parallel_loop3A_1475 : i32 to index
        %parallel_loop3A_1477 = tpu.vector_load %arg10[%parallel_loop3A_1476] {strides = array<i32>} : memref<15360xf32, #tpu.memory_space<vmem>>, vector<16xf32>,
        %parallel_loop3A_1478 = vector.shape_cast %parallel_loop3A_1477 : vector<16xf32> to vector<16xf32>
        %parallel_loop3A_1479 = arith.mulf %get3A_56, %parallel_loop3A_750 : vector<16xf32>
        %parallel_loop3A_1480 = arith.addf %parallel_loop3A_1478, %parallel_loop3A_1479 : vector<16xf32>
        %parallel_loop3A_1481 = arith.mulf %get3A_72, %parallel_loop3A_782 : vector<16xf32>
        %parallel_loop3A_1482 = arith.addf %parallel_loop3A_1480, %parallel_loop3A_1481 : vector<16xf32>
        %parallel_loop3A_1483 = arith.mulf %get3A_88, %parallel_loop3A_814 : vector<16xf32>
        %parallel_loop3A_1484 = arith.addf %parallel_loop3A_1482, %parallel_loop3A_1483 : vector<16xf32>
        %parallel_loop3A_1485 = arith.mulf %get3A_104, %parallel_loop3A_846 : vector<16xf32>
        %parallel_loop3A_1486 = arith.addf %parallel_loop3A_1484, %parallel_loop3A_1485 : vector<16xf32>
        %parallel_loop3A_1487 = arith.mulf %get3A_120, %parallel_loop3A_878 : vector<16xf32>
        %parallel_loop3A_1488 = arith.addf %parallel_loop3A_1486, %parallel_loop3A_1487 : vector<16xf32>
        %parallel_loop3A_1489 = arith.mulf %get3A_136, %parallel_loop3A_910 : vector<16xf32>
        %parallel_loop3A_1490 = arith.addf %parallel_loop3A_1488, %parallel_loop3A_1489 : vector<16xf32>
        %parallel_loop3A_1491 = arith.mulf %get3A_152, %parallel_loop3A_942 : vector<16xf32>
        %parallel_loop3A_1492 = arith.addf %parallel_loop3A_1490, %parallel_loop3A_1491 : vector<16xf32>
        %parallel_loop3A_1493 = arith.mulf %get3A_168, %parallel_loop3A_974 : vector<16xf32>
        %parallel_loop3A_1494 = arith.addf %parallel_loop3A_1492, %parallel_loop3A_1493 : vector<16xf32>
        %parallel_loop3A_1495 = arith.mulf %get3A_184, %parallel_loop3A_1006 : vector<16xf32>
        %parallel_loop3A_1496 = arith.addf %parallel_loop3A_1494, %parallel_loop3A_1495 : vector<16xf32>
        %parallel_loop3A_1497 = arith.index_cast %parallel_loop3A_1475 : i32 to index
        %parallel_loop3A_1498 = tpu.vector_load %arg10[%parallel_loop3A_1497] {strides = array<i32>} : memref<15360xf32, #tpu.memory_space<vmem>>, vector<16xf32>,
        %parallel_loop3A_1499 = vector.shape_cast %parallel_loop3A_1498 : vector<16xf32> to vector<16xf32>
        %parallel_loop3A_1500 = vector.shape_cast %parallel_loop3A_1496 : vector<16xf32> to vector<16xf32>
        tpu.vector_store %arg10[%parallel_loop3A_1497], %parallel_loop3A_1500 {strides = array<i32>} : memref<15360xf32, #tpu.memory_space<vmem>>, vector<16xf32>,
        %parallel_loop3A_1501 = arith.constant 4 : i32
        %parallel_loop3A_1502 = arith.muli %select_n3A_20, %parallel_loop3A_1501 : i32
        %parallel_loop3A_1503 = arith.constant 1 : i32
        %parallel_loop3A_1504 = arith.addi %parallel_loop3A_1502, %parallel_loop3A_1503 : i32
        %parallel_loop3A_1505 = arith.constant 30 : i32
        %parallel_loop3A_1506 = arith.muli %parallel_loop3A_1504, %parallel_loop3A_1505 : i32
        %parallel_loop3A_1507 = arith.addi %parallel_loop3A_1506, %parallel_loop3A_622 : i32
        %parallel_loop3A_1508 = arith.constant 1 : i32
        %parallel_loop3A_1509 = arith.addi %parallel_loop3A_1507, %parallel_loop3A_1508 : i32
        %parallel_loop3A_1510 = arith.constant 16 : i32
        %parallel_loop3A_1511 = arith.muli %parallel_loop3A_1509, %parallel_loop3A_1510 : i32
        %parallel_loop3A_1512 = arith.constant 7680 : i32
        %parallel_loop3A_1513 = arith.addi %parallel_loop3A_1512, %parallel_loop3A_1511 : i32
        %parallel_loop3A_1514 = arith.index_cast %parallel_loop3A_1513 : i32 to index
        %parallel_loop3A_1515 = tpu.vector_load %arg10[%parallel_loop3A_1514] {strides = array<i32>} : memref<15360xf32, #tpu.memory_space<vmem>>, vector<16xf32>,
        %parallel_loop3A_1516 = vector.shape_cast %parallel_loop3A_1515 : vector<16xf32> to vector<16xf32>
        %parallel_loop3A_1517 = arith.mulf %get3A_200, %parallel_loop3A_750 : vector<16xf32>
        %parallel_loop3A_1518 = arith.addf %parallel_loop3A_1516, %parallel_loop3A_1517 : vector<16xf32>
        %parallel_loop3A_1519 = arith.mulf %get3A_216, %parallel_loop3A_782 : vector<16xf32>
        %parallel_loop3A_1520 = arith.addf %parallel_loop3A_1518, %parallel_loop3A_1519 : vector<16xf32>
        %parallel_loop3A_1521 = arith.mulf %get3A_232, %parallel_loop3A_814 : vector<16xf32>
        %parallel_loop3A_1522 = arith.addf %parallel_loop3A_1520, %parallel_loop3A_1521 : vector<16xf32>
        %parallel_loop3A_1523 = arith.mulf %get3A_248, %parallel_loop3A_846 : vector<16xf32>
        %parallel_loop3A_1524 = arith.addf %parallel_loop3A_1522, %parallel_loop3A_1523 : vector<16xf32>
        %parallel_loop3A_1525 = arith.mulf %get3A_264, %parallel_loop3A_878 : vector<16xf32>
        %parallel_loop3A_1526 = arith.addf %parallel_loop3A_1524, %parallel_loop3A_1525 : vector<16xf32>
        %parallel_loop3A_1527 = arith.mulf %get3A_280, %parallel_loop3A_910 : vector<16xf32>
        %parallel_loop3A_1528 = arith.addf %parallel_loop3A_1526, %parallel_loop3A_1527 : vector<16xf32>
        %parallel_loop3A_1529 = arith.mulf %get3A_296, %parallel_loop3A_942 : vector<16xf32>
        %parallel_loop3A_1530 = arith.addf %parallel_loop3A_1528, %parallel_loop3A_1529 : vector<16xf32>
        %parallel_loop3A_1531 = arith.mulf %get3A_312, %parallel_loop3A_974 : vector<16xf32>
        %parallel_loop3A_1532 = arith.addf %parallel_loop3A_1530, %parallel_loop3A_1531 : vector<16xf32>
        %parallel_loop3A_1533 = arith.mulf %get3A_328, %parallel_loop3A_1006 : vector<16xf32>
        %parallel_loop3A_1534 = arith.addf %parallel_loop3A_1532, %parallel_loop3A_1533 : vector<16xf32>
        %parallel_loop3A_1535 = arith.index_cast %parallel_loop3A_1513 : i32 to index
        %parallel_loop3A_1536 = tpu.vector_load %arg10[%parallel_loop3A_1535] {strides = array<i32>} : memref<15360xf32, #tpu.memory_space<vmem>>, vector<16xf32>,
        %parallel_loop3A_1537 = vector.shape_cast %parallel_loop3A_1536 : vector<16xf32> to vector<16xf32>
        %parallel_loop3A_1538 = vector.shape_cast %parallel_loop3A_1534 : vector<16xf32> to vector<16xf32>
        tpu.vector_store %arg10[%parallel_loop3A_1535], %parallel_loop3A_1538 {strides = array<i32>} : memref<15360xf32, #tpu.memory_space<vmem>>, vector<16xf32>,
        %parallel_loop3A_1539 = arith.constant 4 : i32
        %parallel_loop3A_1540 = arith.muli %select_n3A_20, %parallel_loop3A_1539 : i32
        %parallel_loop3A_1541 = arith.constant 2 : i32
        %parallel_loop3A_1542 = arith.addi %parallel_loop3A_1540, %parallel_loop3A_1541 : i32
        %parallel_loop3A_1543 = arith.constant 30 : i32
        %parallel_loop3A_1544 = arith.muli %parallel_loop3A_1542, %parallel_loop3A_1543 : i32
        %parallel_loop3A_1545 = arith.addi %parallel_loop3A_1544, %parallel_loop3A_622 : i32
        %parallel_loop3A_1546 = arith.constant 1 : i32
        %parallel_loop3A_1547 = arith.addi %parallel_loop3A_1545, %parallel_loop3A_1546 : i32
        %parallel_loop3A_1548 = arith.constant 16 : i32
        %parallel_loop3A_1549 = arith.muli %parallel_loop3A_1547, %parallel_loop3A_1548 : i32
        %parallel_loop3A_1550 = arith.constant 7680 : i32
        %parallel_loop3A_1551 = arith.addi %parallel_loop3A_1550, %parallel_loop3A_1549 : i32
        %parallel_loop3A_1552 = arith.index_cast %parallel_loop3A_1551 : i32 to index
        %parallel_loop3A_1553 = tpu.vector_load %arg10[%parallel_loop3A_1552] {strides = array<i32>} : memref<15360xf32, #tpu.memory_space<vmem>>, vector<16xf32>,
        %parallel_loop3A_1554 = vector.shape_cast %parallel_loop3A_1553 : vector<16xf32> to vector<16xf32>
        %parallel_loop3A_1555 = arith.mulf %get3A_344, %parallel_loop3A_750 : vector<16xf32>
        %parallel_loop3A_1556 = arith.addf %parallel_loop3A_1554, %parallel_loop3A_1555 : vector<16xf32>
        %parallel_loop3A_1557 = arith.mulf %get3A_360, %parallel_loop3A_782 : vector<16xf32>
        %parallel_loop3A_1558 = arith.addf %parallel_loop3A_1556, %parallel_loop3A_1557 : vector<16xf32>
        %parallel_loop3A_1559 = arith.mulf %get3A_376, %parallel_loop3A_814 : vector<16xf32>
        %parallel_loop3A_1560 = arith.addf %parallel_loop3A_1558, %parallel_loop3A_1559 : vector<16xf32>
        %parallel_loop3A_1561 = arith.mulf %get3A_392, %parallel_loop3A_846 : vector<16xf32>
        %parallel_loop3A_1562 = arith.addf %parallel_loop3A_1560, %parallel_loop3A_1561 : vector<16xf32>
        %parallel_loop3A_1563 = arith.mulf %get3A_408, %parallel_loop3A_878 : vector<16xf32>
        %parallel_loop3A_1564 = arith.addf %parallel_loop3A_1562, %parallel_loop3A_1563 : vector<16xf32>
        %parallel_loop3A_1565 = arith.mulf %get3A_424, %parallel_loop3A_910 : vector<16xf32>
        %parallel_loop3A_1566 = arith.addf %parallel_loop3A_1564, %parallel_loop3A_1565 : vector<16xf32>
        %parallel_loop3A_1567 = arith.mulf %get3A_440, %parallel_loop3A_942 : vector<16xf32>
        %parallel_loop3A_1568 = arith.addf %parallel_loop3A_1566, %parallel_loop3A_1567 : vector<16xf32>
        %parallel_loop3A_1569 = arith.mulf %get3A_456, %parallel_loop3A_974 : vector<16xf32>
        %parallel_loop3A_1570 = arith.addf %parallel_loop3A_1568, %parallel_loop3A_1569 : vector<16xf32>
        %parallel_loop3A_1571 = arith.mulf %get3A_472, %parallel_loop3A_1006 : vector<16xf32>
        %parallel_loop3A_1572 = arith.addf %parallel_loop3A_1570, %parallel_loop3A_1571 : vector<16xf32>
        %parallel_loop3A_1573 = arith.index_cast %parallel_loop3A_1551 : i32 to index
        %parallel_loop3A_1574 = tpu.vector_load %arg10[%parallel_loop3A_1573] {strides = array<i32>} : memref<15360xf32, #tpu.memory_space<vmem>>, vector<16xf32>,
        %parallel_loop3A_1575 = vector.shape_cast %parallel_loop3A_1574 : vector<16xf32> to vector<16xf32>
        %parallel_loop3A_1576 = vector.shape_cast %parallel_loop3A_1572 : vector<16xf32> to vector<16xf32>
        tpu.vector_store %arg10[%parallel_loop3A_1573], %parallel_loop3A_1576 {strides = array<i32>} : memref<15360xf32, #tpu.memory_space<vmem>>, vector<16xf32>,
        %parallel_loop3A_1577 = arith.constant 4 : i32
        %parallel_loop3A_1578 = arith.muli %select_n3A_20, %parallel_loop3A_1577 : i32
        %parallel_loop3A_1579 = arith.constant 3 : i32
        %parallel_loop3A_1580 = arith.addi %parallel_loop3A_1578, %parallel_loop3A_1579 : i32
        %parallel_loop3A_1581 = arith.constant 30 : i32
        %parallel_loop3A_1582 = arith.muli %parallel_loop3A_1580, %parallel_loop3A_1581 : i32
        %parallel_loop3A_1583 = arith.addi %parallel_loop3A_1582, %parallel_loop3A_622 : i32
        %parallel_loop3A_1584 = arith.constant 1 : i32
        %parallel_loop3A_1585 = arith.addi %parallel_loop3A_1583, %parallel_loop3A_1584 : i32
        %parallel_loop3A_1586 = arith.constant 16 : i32
        %parallel_loop3A_1587 = arith.muli %parallel_loop3A_1585, %parallel_loop3A_1586 : i32
        %parallel_loop3A_1588 = arith.constant 7680 : i32
        %parallel_loop3A_1589 = arith.addi %parallel_loop3A_1588, %parallel_loop3A_1587 : i32
        %parallel_loop3A_1590 = arith.index_cast %parallel_loop3A_1589 : i32 to index
        %parallel_loop3A_1591 = tpu.vector_load %arg10[%parallel_loop3A_1590] {strides = array<i32>} : memref<15360xf32, #tpu.memory_space<vmem>>, vector<16xf32>,
        %parallel_loop3A_1592 = vector.shape_cast %parallel_loop3A_1591 : vector<16xf32> to vector<16xf32>
        %parallel_loop3A_1593 = arith.mulf %get3A_488, %parallel_loop3A_750 : vector<16xf32>
        %parallel_loop3A_1594 = arith.addf %parallel_loop3A_1592, %parallel_loop3A_1593 : vector<16xf32>
        %parallel_loop3A_1595 = arith.mulf %get3A_504, %parallel_loop3A_782 : vector<16xf32>
        %parallel_loop3A_1596 = arith.addf %parallel_loop3A_1594, %parallel_loop3A_1595 : vector<16xf32>
        %parallel_loop3A_1597 = arith.mulf %get3A_520, %parallel_loop3A_814 : vector<16xf32>
        %parallel_loop3A_1598 = arith.addf %parallel_loop3A_1596, %parallel_loop3A_1597 : vector<16xf32>
        %parallel_loop3A_1599 = arith.mulf %get3A_536, %parallel_loop3A_846 : vector<16xf32>
        %parallel_loop3A_1600 = arith.addf %parallel_loop3A_1598, %parallel_loop3A_1599 : vector<16xf32>
        %parallel_loop3A_1601 = arith.mulf %get3A_552, %parallel_loop3A_878 : vector<16xf32>
        %parallel_loop3A_1602 = arith.addf %parallel_loop3A_1600, %parallel_loop3A_1601 : vector<16xf32>
        %parallel_loop3A_1603 = arith.mulf %get3A_568, %parallel_loop3A_910 : vector<16xf32>
        %parallel_loop3A_1604 = arith.addf %parallel_loop3A_1602, %parallel_loop3A_1603 : vector<16xf32>
        %parallel_loop3A_1605 = arith.mulf %get3A_584, %parallel_loop3A_942 : vector<16xf32>
        %parallel_loop3A_1606 = arith.addf %parallel_loop3A_1604, %parallel_loop3A_1605 : vector<16xf32>
        %parallel_loop3A_1607 = arith.mulf %get3A_600, %parallel_loop3A_974 : vector<16xf32>
        %parallel_loop3A_1608 = arith.addf %parallel_loop3A_1606, %parallel_loop3A_1607 : vector<16xf32>
        %parallel_loop3A_1609 = arith.mulf %get3A_616, %parallel_loop3A_1006 : vector<16xf32>
        %parallel_loop3A_1610 = arith.addf %parallel_loop3A_1608, %parallel_loop3A_1609 : vector<16xf32>
        %parallel_loop3A_1611 = arith.index_cast %parallel_loop3A_1589 : i32 to index
        %parallel_loop3A_1612 = tpu.vector_load %arg10[%parallel_loop3A_1611] {strides = array<i32>} : memref<15360xf32, #tpu.memory_space<vmem>>, vector<16xf32>,
        %parallel_loop3A_1613 = vector.shape_cast %parallel_loop3A_1612 : vector<16xf32> to vector<16xf32>
        %parallel_loop3A_1614 = vector.shape_cast %parallel_loop3A_1610 : vector<16xf32> to vector<16xf32>
        tpu.vector_store %arg10[%parallel_loop3A_1611], %parallel_loop3A_1614 {strides = array<i32>} : memref<15360xf32, #tpu.memory_space<vmem>>, vector<16xf32>,
      } {sc.loop_unroll_factor = 1 : i64, sc.parallel_access}
    }
    %scan3A_7 = arith.constant 32 : i32
    %parallel_loop3A_8 = arith.constant 0 : i32
    %parallel_loop3A_9 = arith.constant 30 : i32
    %parallel_loop3A_10 = arith.constant 1 : i32
    scf.for %parallel_loop3A_11 = %parallel_loop3A_8 to %parallel_loop3A_9 step %parallel_loop3A_10  : i32 {
      %parallel_loop3A_12 = arith.constant 0 : i32
      %parallel_loop3A_13 = arith.addi %parallel_loop3A_12, %parallel_loop3A_11 : i32
      %parallel_loop3A_14 = arith.constant 16 : i32
      %parallel_loop3A_15 = arith.muli %parallel_loop3A_13, %parallel_loop3A_14 : i32
      %parallel_loop3A_16 = arith.index_cast %parallel_loop3A_15 : i32 to index
      %parallel_loop3A_17 = tpu.vector_load %arg10[%parallel_loop3A_16] {strides = array<i32>} : memref<15360xf32, #tpu.memory_space<vmem>>, vector<16xf32>,
      %parallel_loop3A_18 = vector.shape_cast %parallel_loop3A_17 : vector<16xf32> to vector<16xf32>
      %parallel_loop3A_19 = arith.constant 0 : i32
      %parallel_loop3A_20 = arith.addi %parallel_loop3A_19, %parallel_loop3A_11 : i32
      %parallel_loop3A_21 = arith.constant 16 : i32
      %parallel_loop3A_22 = arith.muli %parallel_loop3A_20, %parallel_loop3A_21 : i32
      %parallel_loop3A_23 = arith.constant 7680 : i32
      %parallel_loop3A_24 = arith.addi %parallel_loop3A_23, %parallel_loop3A_22 : i32
      %parallel_loop3A_25 = arith.index_cast %parallel_loop3A_24 : i32 to index
      %parallel_loop3A_26 = tpu.vector_load %arg10[%parallel_loop3A_25] {strides = array<i32>} : memref<15360xf32, #tpu.memory_space<vmem>>, vector<16xf32>,
      %parallel_loop3A_27 = vector.shape_cast %parallel_loop3A_26 : vector<16xf32> to vector<16xf32>
      %parallel_loop3A_28 = arith.constant 30 : i32
      %parallel_loop3A_29 = arith.muli %parallel_loop3A_11, %parallel_loop3A_28 : i32
      %parallel_loop3A_30 = arith.constant 0 : i32
      %parallel_loop3A_31 = arith.addi %parallel_loop3A_30, %parallel_loop3A_29 : i32
      %parallel_loop3A_32 = arith.index_cast %parallel_loop3A_31 : i32 to index
      %parallel_loop3A_33 = tpu.vector_load %arg9[%parallel_loop3A_32] {strides = array<i32>} : memref<14400xf32, #tpu.memory_space<vmem>>, vector<16xf32>,
      %parallel_loop3A_34 = vector.shape_cast %parallel_loop3A_33 : vector<16xf32> to vector<16xf32>
      %parallel_loop3A_35 = vector.shape_cast %parallel_loop3A_18 : vector<16xf32> to vector<16xf32>
      tpu.vector_store %arg9[%parallel_loop3A_32], %parallel_loop3A_35 {strides = array<i32>} : memref<14400xf32, #tpu.memory_space<vmem>>, vector<16xf32>,
      %parallel_loop3A_36 = arith.constant 30 : i32
      %parallel_loop3A_37 = arith.muli %parallel_loop3A_11, %parallel_loop3A_36 : i32
      %parallel_loop3A_38 = arith.constant 0 : i32
      %parallel_loop3A_39 = arith.addi %parallel_loop3A_38, %parallel_loop3A_37 : i32
      %parallel_loop3A_40 = arith.constant 14 : i32
      %parallel_loop3A_41 = arith.addi %parallel_loop3A_39, %parallel_loop3A_40 : i32
      %parallel_loop3A_42 = arith.index_cast %parallel_loop3A_41 : i32 to index
      %parallel_loop3A_43 = tpu.vector_load %arg9[%parallel_loop3A_42] {strides = array<i32>} : memref<14400xf32, #tpu.memory_space<vmem>>, vector<16xf32>,
      %parallel_loop3A_44 = vector.shape_cast %parallel_loop3A_43 : vector<16xf32> to vector<16xf32>
      %parallel_loop3A_45 = vector.shape_cast %parallel_loop3A_27 : vector<16xf32> to vector<16xf32>
      tpu.vector_store %arg9[%parallel_loop3A_42], %parallel_loop3A_45 {strides = array<i32>} : memref<14400xf32, #tpu.memory_space<vmem>>, vector<16xf32>,
      %parallel_loop3A_46 = arith.constant 30 : i32
      %parallel_loop3A_47 = arith.addi %parallel_loop3A_46, %parallel_loop3A_11 : i32
      %parallel_loop3A_48 = arith.constant 16 : i32
      %parallel_loop3A_49 = arith.muli %parallel_loop3A_47, %parallel_loop3A_48 : i32
      %parallel_loop3A_50 = arith.index_cast %parallel_loop3A_49 : i32 to index
      %parallel_loop3A_51 = tpu.vector_load %arg10[%parallel_loop3A_50] {strides = array<i32>} : memref<15360xf32, #tpu.memory_space<vmem>>, vector<16xf32>,
      %parallel_loop3A_52 = vector.shape_cast %parallel_loop3A_51 : vector<16xf32> to vector<16xf32>
      %parallel_loop3A_53 = arith.constant 30 : i32
      %parallel_loop3A_54 = arith.addi %parallel_loop3A_53, %parallel_loop3A_11 : i32
      %parallel_loop3A_55 = arith.constant 16 : i32
      %parallel_loop3A_56 = arith.muli %parallel_loop3A_54, %parallel_loop3A_55 : i32
      %parallel_loop3A_57 = arith.constant 7680 : i32
      %parallel_loop3A_58 = arith.addi %parallel_loop3A_57, %parallel_loop3A_56 : i32
      %parallel_loop3A_59 = arith.index_cast %parallel_loop3A_58 : i32 to index
      %parallel_loop3A_60 = tpu.vector_load %arg10[%parallel_loop3A_59] {strides = array<i32>} : memref<15360xf32, #tpu.memory_space<vmem>>, vector<16xf32>,
      %parallel_loop3A_61 = vector.shape_cast %parallel_loop3A_60 : vector<16xf32> to vector<16xf32>
      %parallel_loop3A_62 = arith.constant 30 : i32
      %parallel_loop3A_63 = arith.muli %parallel_loop3A_11, %parallel_loop3A_62 : i32
      %parallel_loop3A_64 = arith.constant 900 : i32
      %parallel_loop3A_65 = arith.addi %parallel_loop3A_64, %parallel_loop3A_63 : i32
      %parallel_loop3A_66 = arith.index_cast %parallel_loop3A_65 : i32 to index
      %parallel_loop3A_67 = tpu.vector_load %arg9[%parallel_loop3A_66] {strides = array<i32>} : memref<14400xf32, #tpu.memory_space<vmem>>, vector<16xf32>,
      %parallel_loop3A_68 = vector.shape_cast %parallel_loop3A_67 : vector<16xf32> to vector<16xf32>
      %parallel_loop3A_69 = vector.shape_cast %parallel_loop3A_52 : vector<16xf32> to vector<16xf32>
      tpu.vector_store %arg9[%parallel_loop3A_66], %parallel_loop3A_69 {strides = array<i32>} : memref<14400xf32, #tpu.memory_space<vmem>>, vector<16xf32>,
      %parallel_loop3A_70 = arith.constant 30 : i32
      %parallel_loop3A_71 = arith.muli %parallel_loop3A_11, %parallel_loop3A_70 : i32
      %parallel_loop3A_72 = arith.constant 900 : i32
      %parallel_loop3A_73 = arith.addi %parallel_loop3A_72, %parallel_loop3A_71 : i32
      %parallel_loop3A_74 = arith.constant 14 : i32
      %parallel_loop3A_75 = arith.addi %parallel_loop3A_73, %parallel_loop3A_74 : i32
      %parallel_loop3A_76 = arith.index_cast %parallel_loop3A_75 : i32 to index
      %parallel_loop3A_77 = tpu.vector_load %arg9[%parallel_loop3A_76] {strides = array<i32>} : memref<14400xf32, #tpu.memory_space<vmem>>, vector<16xf32>,
      %parallel_loop3A_78 = vector.shape_cast %parallel_loop3A_77 : vector<16xf32> to vector<16xf32>
      %parallel_loop3A_79 = vector.shape_cast %parallel_loop3A_61 : vector<16xf32> to vector<16xf32>
      tpu.vector_store %arg9[%parallel_loop3A_76], %parallel_loop3A_79 {strides = array<i32>} : memref<14400xf32, #tpu.memory_space<vmem>>, vector<16xf32>,
      %parallel_loop3A_80 = arith.constant 60 : i32
      %parallel_loop3A_81 = arith.addi %parallel_loop3A_80, %parallel_loop3A_11 : i32
      %parallel_loop3A_82 = arith.constant 16 : i32
      %parallel_loop3A_83 = arith.muli %parallel_loop3A_81, %parallel_loop3A_82 : i32
      %parallel_loop3A_84 = arith.index_cast %parallel_loop3A_83 : i32 to index
      %parallel_loop3A_85 = tpu.vector_load %arg10[%parallel_loop3A_84] {strides = array<i32>} : memref<15360xf32, #tpu.memory_space<vmem>>, vector<16xf32>,
      %parallel_loop3A_86 = vector.shape_cast %parallel_loop3A_85 : vector<16xf32> to vector<16xf32>
      %parallel_loop3A_87 = arith.constant 60 : i32
      %parallel_loop3A_88 = arith.addi %parallel_loop3A_87, %parallel_loop3A_11 : i32
      %parallel_loop3A_89 = arith.constant 16 : i32
      %parallel_loop3A_90 = arith.muli %parallel_loop3A_88, %parallel_loop3A_89 : i32
      %parallel_loop3A_91 = arith.constant 7680 : i32
      %parallel_loop3A_92 = arith.addi %parallel_loop3A_91, %parallel_loop3A_90 : i32
      %parallel_loop3A_93 = arith.index_cast %parallel_loop3A_92 : i32 to index
      %parallel_loop3A_94 = tpu.vector_load %arg10[%parallel_loop3A_93] {strides = array<i32>} : memref<15360xf32, #tpu.memory_space<vmem>>, vector<16xf32>,
      %parallel_loop3A_95 = vector.shape_cast %parallel_loop3A_94 : vector<16xf32> to vector<16xf32>
      %parallel_loop3A_96 = arith.constant 30 : i32
      %parallel_loop3A_97 = arith.muli %parallel_loop3A_11, %parallel_loop3A_96 : i32
      %parallel_loop3A_98 = arith.constant 1800 : i32
      %parallel_loop3A_99 = arith.addi %parallel_loop3A_98, %parallel_loop3A_97 : i32
      %parallel_loop3A_100 = arith.index_cast %parallel_loop3A_99 : i32 to index
      %parallel_loop3A_101 = tpu.vector_load %arg9[%parallel_loop3A_100] {strides = array<i32>} : memref<14400xf32, #tpu.memory_space<vmem>>, vector<16xf32>,
      %parallel_loop3A_102 = vector.shape_cast %parallel_loop3A_101 : vector<16xf32> to vector<16xf32>
      %parallel_loop3A_103 = vector.shape_cast %parallel_loop3A_86 : vector<16xf32> to vector<16xf32>
      tpu.vector_store %arg9[%parallel_loop3A_100], %parallel_loop3A_103 {strides = array<i32>} : memref<14400xf32, #tpu.memory_space<vmem>>, vector<16xf32>,
      %parallel_loop3A_104 = arith.constant 30 : i32
      %parallel_loop3A_105 = arith.muli %parallel_loop3A_11, %parallel_loop3A_104 : i32
      %parallel_loop3A_106 = arith.constant 1800 : i32
      %parallel_loop3A_107 = arith.addi %parallel_loop3A_106, %parallel_loop3A_105 : i32
      %parallel_loop3A_108 = arith.constant 14 : i32
      %parallel_loop3A_109 = arith.addi %parallel_loop3A_107, %parallel_loop3A_108 : i32
      %parallel_loop3A_110 = arith.index_cast %parallel_loop3A_109 : i32 to index
      %parallel_loop3A_111 = tpu.vector_load %arg9[%parallel_loop3A_110] {strides = array<i32>} : memref<14400xf32, #tpu.memory_space<vmem>>, vector<16xf32>,
      %parallel_loop3A_112 = vector.shape_cast %parallel_loop3A_111 : vector<16xf32> to vector<16xf32>
      %parallel_loop3A_113 = vector.shape_cast %parallel_loop3A_95 : vector<16xf32> to vector<16xf32>
      tpu.vector_store %arg9[%parallel_loop3A_110], %parallel_loop3A_113 {strides = array<i32>} : memref<14400xf32, #tpu.memory_space<vmem>>, vector<16xf32>,
      %parallel_loop3A_114 = arith.constant 90 : i32
      %parallel_loop3A_115 = arith.addi %parallel_loop3A_114, %parallel_loop3A_11 : i32
      %parallel_loop3A_116 = arith.constant 16 : i32
      %parallel_loop3A_117 = arith.muli %parallel_loop3A_115, %parallel_loop3A_116 : i32
      %parallel_loop3A_118 = arith.index_cast %parallel_loop3A_117 : i32 to index
      %parallel_loop3A_119 = tpu.vector_load %arg10[%parallel_loop3A_118] {strides = array<i32>} : memref<15360xf32, #tpu.memory_space<vmem>>, vector<16xf32>,
      %parallel_loop3A_120 = vector.shape_cast %parallel_loop3A_119 : vector<16xf32> to vector<16xf32>
      %parallel_loop3A_121 = arith.constant 90 : i32
      %parallel_loop3A_122 = arith.addi %parallel_loop3A_121, %parallel_loop3A_11 : i32
      %parallel_loop3A_123 = arith.constant 16 : i32
      %parallel_loop3A_124 = arith.muli %parallel_loop3A_122, %parallel_loop3A_123 : i32
      %parallel_loop3A_125 = arith.constant 7680 : i32
      %parallel_loop3A_126 = arith.addi %parallel_loop3A_125, %parallel_loop3A_124 : i32
      %parallel_loop3A_127 = arith.index_cast %parallel_loop3A_126 : i32 to index
      %parallel_loop3A_128 = tpu.vector_load %arg10[%parallel_loop3A_127] {strides = array<i32>} : memref<15360xf32, #tpu.memory_space<vmem>>, vector<16xf32>,
      %parallel_loop3A_129 = vector.shape_cast %parallel_loop3A_128 : vector<16xf32> to vector<16xf32>
      %parallel_loop3A_130 = arith.constant 30 : i32
      %parallel_loop3A_131 = arith.muli %parallel_loop3A_11, %parallel_loop3A_130 : i32
      %parallel_loop3A_132 = arith.constant 2700 : i32
      %parallel_loop3A_133 = arith.addi %parallel_loop3A_132, %parallel_loop3A_131 : i32
      %parallel_loop3A_134 = arith.index_cast %parallel_loop3A_133 : i32 to index
      %parallel_loop3A_135 = tpu.vector_load %arg9[%parallel_loop3A_134] {strides = array<i32>} : memref<14400xf32, #tpu.memory_space<vmem>>, vector<16xf32>,
      %parallel_loop3A_136 = vector.shape_cast %parallel_loop3A_135 : vector<16xf32> to vector<16xf32>
      %parallel_loop3A_137 = vector.shape_cast %parallel_loop3A_120 : vector<16xf32> to vector<16xf32>
      tpu.vector_store %arg9[%parallel_loop3A_134], %parallel_loop3A_137 {strides = array<i32>} : memref<14400xf32, #tpu.memory_space<vmem>>, vector<16xf32>,
      %parallel_loop3A_138 = arith.constant 30 : i32
      %parallel_loop3A_139 = arith.muli %parallel_loop3A_11, %parallel_loop3A_138 : i32
      %parallel_loop3A_140 = arith.constant 2700 : i32
      %parallel_loop3A_141 = arith.addi %parallel_loop3A_140, %parallel_loop3A_139 : i32
      %parallel_loop3A_142 = arith.constant 14 : i32
      %parallel_loop3A_143 = arith.addi %parallel_loop3A_141, %parallel_loop3A_142 : i32
      %parallel_loop3A_144 = arith.index_cast %parallel_loop3A_143 : i32 to index
      %parallel_loop3A_145 = tpu.vector_load %arg9[%parallel_loop3A_144] {strides = array<i32>} : memref<14400xf32, #tpu.memory_space<vmem>>, vector<16xf32>,
      %parallel_loop3A_146 = vector.shape_cast %parallel_loop3A_145 : vector<16xf32> to vector<16xf32>
      %parallel_loop3A_147 = vector.shape_cast %parallel_loop3A_129 : vector<16xf32> to vector<16xf32>
      tpu.vector_store %arg9[%parallel_loop3A_144], %parallel_loop3A_147 {strides = array<i32>} : memref<14400xf32, #tpu.memory_space<vmem>>, vector<16xf32>,
      %parallel_loop3A_148 = arith.constant 120 : i32
      %parallel_loop3A_149 = arith.addi %parallel_loop3A_148, %parallel_loop3A_11 : i32
      %parallel_loop3A_150 = arith.constant 16 : i32
      %parallel_loop3A_151 = arith.muli %parallel_loop3A_149, %parallel_loop3A_150 : i32
      %parallel_loop3A_152 = arith.index_cast %parallel_loop3A_151 : i32 to index
      %parallel_loop3A_153 = tpu.vector_load %arg10[%parallel_loop3A_152] {strides = array<i32>} : memref<15360xf32, #tpu.memory_space<vmem>>, vector<16xf32>,
      %parallel_loop3A_154 = vector.shape_cast %parallel_loop3A_153 : vector<16xf32> to vector<16xf32>
      %parallel_loop3A_155 = arith.constant 120 : i32
      %parallel_loop3A_156 = arith.addi %parallel_loop3A_155, %parallel_loop3A_11 : i32
      %parallel_loop3A_157 = arith.constant 16 : i32
      %parallel_loop3A_158 = arith.muli %parallel_loop3A_156, %parallel_loop3A_157 : i32
      %parallel_loop3A_159 = arith.constant 7680 : i32
      %parallel_loop3A_160 = arith.addi %parallel_loop3A_159, %parallel_loop3A_158 : i32
      %parallel_loop3A_161 = arith.index_cast %parallel_loop3A_160 : i32 to index
      %parallel_loop3A_162 = tpu.vector_load %arg10[%parallel_loop3A_161] {strides = array<i32>} : memref<15360xf32, #tpu.memory_space<vmem>>, vector<16xf32>,
      %parallel_loop3A_163 = vector.shape_cast %parallel_loop3A_162 : vector<16xf32> to vector<16xf32>
      %parallel_loop3A_164 = arith.constant 30 : i32
      %parallel_loop3A_165 = arith.muli %parallel_loop3A_11, %parallel_loop3A_164 : i32
      %parallel_loop3A_166 = arith.constant 3600 : i32
      %parallel_loop3A_167 = arith.addi %parallel_loop3A_166, %parallel_loop3A_165 : i32
      %parallel_loop3A_168 = arith.index_cast %parallel_loop3A_167 : i32 to index
      %parallel_loop3A_169 = tpu.vector_load %arg9[%parallel_loop3A_168] {strides = array<i32>} : memref<14400xf32, #tpu.memory_space<vmem>>, vector<16xf32>,
      %parallel_loop3A_170 = vector.shape_cast %parallel_loop3A_169 : vector<16xf32> to vector<16xf32>
      %parallel_loop3A_171 = vector.shape_cast %parallel_loop3A_154 : vector<16xf32> to vector<16xf32>
      tpu.vector_store %arg9[%parallel_loop3A_168], %parallel_loop3A_171 {strides = array<i32>} : memref<14400xf32, #tpu.memory_space<vmem>>, vector<16xf32>,
      %parallel_loop3A_172 = arith.constant 30 : i32
      %parallel_loop3A_173 = arith.muli %parallel_loop3A_11, %parallel_loop3A_172 : i32
      %parallel_loop3A_174 = arith.constant 3600 : i32
      %parallel_loop3A_175 = arith.addi %parallel_loop3A_174, %parallel_loop3A_173 : i32
      %parallel_loop3A_176 = arith.constant 14 : i32
      %parallel_loop3A_177 = arith.addi %parallel_loop3A_175, %parallel_loop3A_176 : i32
      %parallel_loop3A_178 = arith.index_cast %parallel_loop3A_177 : i32 to index
      %parallel_loop3A_179 = tpu.vector_load %arg9[%parallel_loop3A_178] {strides = array<i32>} : memref<14400xf32, #tpu.memory_space<vmem>>, vector<16xf32>,
      %parallel_loop3A_180 = vector.shape_cast %parallel_loop3A_179 : vector<16xf32> to vector<16xf32>
      %parallel_loop3A_181 = vector.shape_cast %parallel_loop3A_163 : vector<16xf32> to vector<16xf32>
      tpu.vector_store %arg9[%parallel_loop3A_178], %parallel_loop3A_181 {strides = array<i32>} : memref<14400xf32, #tpu.memory_space<vmem>>, vector<16xf32>,
      %parallel_loop3A_182 = arith.constant 150 : i32
      %parallel_loop3A_183 = arith.addi %parallel_loop3A_182, %parallel_loop3A_11 : i32
      %parallel_loop3A_184 = arith.constant 16 : i32
      %parallel_loop3A_185 = arith.muli %parallel_loop3A_183, %parallel_loop3A_184 : i32
      %parallel_loop3A_186 = arith.index_cast %parallel_loop3A_185 : i32 to index
      %parallel_loop3A_187 = tpu.vector_load %arg10[%parallel_loop3A_186] {strides = array<i32>} : memref<15360xf32, #tpu.memory_space<vmem>>, vector<16xf32>,
      %parallel_loop3A_188 = vector.shape_cast %parallel_loop3A_187 : vector<16xf32> to vector<16xf32>
      %parallel_loop3A_189 = arith.constant 150 : i32
      %parallel_loop3A_190 = arith.addi %parallel_loop3A_189, %parallel_loop3A_11 : i32
      %parallel_loop3A_191 = arith.constant 16 : i32
      %parallel_loop3A_192 = arith.muli %parallel_loop3A_190, %parallel_loop3A_191 : i32
      %parallel_loop3A_193 = arith.constant 7680 : i32
      %parallel_loop3A_194 = arith.addi %parallel_loop3A_193, %parallel_loop3A_192 : i32
      %parallel_loop3A_195 = arith.index_cast %parallel_loop3A_194 : i32 to index
      %parallel_loop3A_196 = tpu.vector_load %arg10[%parallel_loop3A_195] {strides = array<i32>} : memref<15360xf32, #tpu.memory_space<vmem>>, vector<16xf32>,
      %parallel_loop3A_197 = vector.shape_cast %parallel_loop3A_196 : vector<16xf32> to vector<16xf32>
      %parallel_loop3A_198 = arith.constant 30 : i32
      %parallel_loop3A_199 = arith.muli %parallel_loop3A_11, %parallel_loop3A_198 : i32
      %parallel_loop3A_200 = arith.constant 4500 : i32
      %parallel_loop3A_201 = arith.addi %parallel_loop3A_200, %parallel_loop3A_199 : i32
      %parallel_loop3A_202 = arith.index_cast %parallel_loop3A_201 : i32 to index
      %parallel_loop3A_203 = tpu.vector_load %arg9[%parallel_loop3A_202] {strides = array<i32>} : memref<14400xf32, #tpu.memory_space<vmem>>, vector<16xf32>,
      %parallel_loop3A_204 = vector.shape_cast %parallel_loop3A_203 : vector<16xf32> to vector<16xf32>
      %parallel_loop3A_205 = vector.shape_cast %parallel_loop3A_188 : vector<16xf32> to vector<16xf32>
      tpu.vector_store %arg9[%parallel_loop3A_202], %parallel_loop3A_205 {strides = array<i32>} : memref<14400xf32, #tpu.memory_space<vmem>>, vector<16xf32>,
      %parallel_loop3A_206 = arith.constant 30 : i32
      %parallel_loop3A_207 = arith.muli %parallel_loop3A_11, %parallel_loop3A_206 : i32
      %parallel_loop3A_208 = arith.constant 4500 : i32
      %parallel_loop3A_209 = arith.addi %parallel_loop3A_208, %parallel_loop3A_207 : i32
      %parallel_loop3A_210 = arith.constant 14 : i32
      %parallel_loop3A_211 = arith.addi %parallel_loop3A_209, %parallel_loop3A_210 : i32
      %parallel_loop3A_212 = arith.index_cast %parallel_loop3A_211 : i32 to index
      %parallel_loop3A_213 = tpu.vector_load %arg9[%parallel_loop3A_212] {strides = array<i32>} : memref<14400xf32, #tpu.memory_space<vmem>>, vector<16xf32>,
      %parallel_loop3A_214 = vector.shape_cast %parallel_loop3A_213 : vector<16xf32> to vector<16xf32>
      %parallel_loop3A_215 = vector.shape_cast %parallel_loop3A_197 : vector<16xf32> to vector<16xf32>
      tpu.vector_store %arg9[%parallel_loop3A_212], %parallel_loop3A_215 {strides = array<i32>} : memref<14400xf32, #tpu.memory_space<vmem>>, vector<16xf32>,
      %parallel_loop3A_216 = arith.constant 180 : i32
      %parallel_loop3A_217 = arith.addi %parallel_loop3A_216, %parallel_loop3A_11 : i32
      %parallel_loop3A_218 = arith.constant 16 : i32
      %parallel_loop3A_219 = arith.muli %parallel_loop3A_217, %parallel_loop3A_218 : i32
      %parallel_loop3A_220 = arith.index_cast %parallel_loop3A_219 : i32 to index
      %parallel_loop3A_221 = tpu.vector_load %arg10[%parallel_loop3A_220] {strides = array<i32>} : memref<15360xf32, #tpu.memory_space<vmem>>, vector<16xf32>,
      %parallel_loop3A_222 = vector.shape_cast %parallel_loop3A_221 : vector<16xf32> to vector<16xf32>
      %parallel_loop3A_223 = arith.constant 180 : i32
      %parallel_loop3A_224 = arith.addi %parallel_loop3A_223, %parallel_loop3A_11 : i32
      %parallel_loop3A_225 = arith.constant 16 : i32
      %parallel_loop3A_226 = arith.muli %parallel_loop3A_224, %parallel_loop3A_225 : i32
      %parallel_loop3A_227 = arith.constant 7680 : i32
      %parallel_loop3A_228 = arith.addi %parallel_loop3A_227, %parallel_loop3A_226 : i32
      %parallel_loop3A_229 = arith.index_cast %parallel_loop3A_228 : i32 to index
      %parallel_loop3A_230 = tpu.vector_load %arg10[%parallel_loop3A_229] {strides = array<i32>} : memref<15360xf32, #tpu.memory_space<vmem>>, vector<16xf32>,
      %parallel_loop3A_231 = vector.shape_cast %parallel_loop3A_230 : vector<16xf32> to vector<16xf32>
      %parallel_loop3A_232 = arith.constant 30 : i32
      %parallel_loop3A_233 = arith.muli %parallel_loop3A_11, %parallel_loop3A_232 : i32
      %parallel_loop3A_234 = arith.constant 5400 : i32
      %parallel_loop3A_235 = arith.addi %parallel_loop3A_234, %parallel_loop3A_233 : i32
      %parallel_loop3A_236 = arith.index_cast %parallel_loop3A_235 : i32 to index
      %parallel_loop3A_237 = tpu.vector_load %arg9[%parallel_loop3A_236] {strides = array<i32>} : memref<14400xf32, #tpu.memory_space<vmem>>, vector<16xf32>,
      %parallel_loop3A_238 = vector.shape_cast %parallel_loop3A_237 : vector<16xf32> to vector<16xf32>
      %parallel_loop3A_239 = vector.shape_cast %parallel_loop3A_222 : vector<16xf32> to vector<16xf32>
      tpu.vector_store %arg9[%parallel_loop3A_236], %parallel_loop3A_239 {strides = array<i32>} : memref<14400xf32, #tpu.memory_space<vmem>>, vector<16xf32>,
      %parallel_loop3A_240 = arith.constant 30 : i32
      %parallel_loop3A_241 = arith.muli %parallel_loop3A_11, %parallel_loop3A_240 : i32
      %parallel_loop3A_242 = arith.constant 5400 : i32
      %parallel_loop3A_243 = arith.addi %parallel_loop3A_242, %parallel_loop3A_241 : i32
      %parallel_loop3A_244 = arith.constant 14 : i32
      %parallel_loop3A_245 = arith.addi %parallel_loop3A_243, %parallel_loop3A_244 : i32
      %parallel_loop3A_246 = arith.index_cast %parallel_loop3A_245 : i32 to index
      %parallel_loop3A_247 = tpu.vector_load %arg9[%parallel_loop3A_246] {strides = array<i32>} : memref<14400xf32, #tpu.memory_space<vmem>>, vector<16xf32>,
      %parallel_loop3A_248 = vector.shape_cast %parallel_loop3A_247 : vector<16xf32> to vector<16xf32>
      %parallel_loop3A_249 = vector.shape_cast %parallel_loop3A_231 : vector<16xf32> to vector<16xf32>
      tpu.vector_store %arg9[%parallel_loop3A_246], %parallel_loop3A_249 {strides = array<i32>} : memref<14400xf32, #tpu.memory_space<vmem>>, vector<16xf32>,
      %parallel_loop3A_250 = arith.constant 210 : i32
      %parallel_loop3A_251 = arith.addi %parallel_loop3A_250, %parallel_loop3A_11 : i32
      %parallel_loop3A_252 = arith.constant 16 : i32
      %parallel_loop3A_253 = arith.muli %parallel_loop3A_251, %parallel_loop3A_252 : i32
      %parallel_loop3A_254 = arith.index_cast %parallel_loop3A_253 : i32 to index
      %parallel_loop3A_255 = tpu.vector_load %arg10[%parallel_loop3A_254] {strides = array<i32>} : memref<15360xf32, #tpu.memory_space<vmem>>, vector<16xf32>,
      %parallel_loop3A_256 = vector.shape_cast %parallel_loop3A_255 : vector<16xf32> to vector<16xf32>
      %parallel_loop3A_257 = arith.constant 210 : i32
      %parallel_loop3A_258 = arith.addi %parallel_loop3A_257, %parallel_loop3A_11 : i32
      %parallel_loop3A_259 = arith.constant 16 : i32
      %parallel_loop3A_260 = arith.muli %parallel_loop3A_258, %parallel_loop3A_259 : i32
      %parallel_loop3A_261 = arith.constant 7680 : i32
      %parallel_loop3A_262 = arith.addi %parallel_loop3A_261, %parallel_loop3A_260 : i32
      %parallel_loop3A_263 = arith.index_cast %parallel_loop3A_262 : i32 to index
      %parallel_loop3A_264 = tpu.vector_load %arg10[%parallel_loop3A_263] {strides = array<i32>} : memref<15360xf32, #tpu.memory_space<vmem>>, vector<16xf32>,
      %parallel_loop3A_265 = vector.shape_cast %parallel_loop3A_264 : vector<16xf32> to vector<16xf32>
      %parallel_loop3A_266 = arith.constant 30 : i32
      %parallel_loop3A_267 = arith.muli %parallel_loop3A_11, %parallel_loop3A_266 : i32
      %parallel_loop3A_268 = arith.constant 6300 : i32
      %parallel_loop3A_269 = arith.addi %parallel_loop3A_268, %parallel_loop3A_267 : i32
      %parallel_loop3A_270 = arith.index_cast %parallel_loop3A_269 : i32 to index
      %parallel_loop3A_271 = tpu.vector_load %arg9[%parallel_loop3A_270] {strides = array<i32>} : memref<14400xf32, #tpu.memory_space<vmem>>, vector<16xf32>,
      %parallel_loop3A_272 = vector.shape_cast %parallel_loop3A_271 : vector<16xf32> to vector<16xf32>
      %parallel_loop3A_273 = vector.shape_cast %parallel_loop3A_256 : vector<16xf32> to vector<16xf32>
      tpu.vector_store %arg9[%parallel_loop3A_270], %parallel_loop3A_273 {strides = array<i32>} : memref<14400xf32, #tpu.memory_space<vmem>>, vector<16xf32>,
      %parallel_loop3A_274 = arith.constant 30 : i32
      %parallel_loop3A_275 = arith.muli %parallel_loop3A_11, %parallel_loop3A_274 : i32
      %parallel_loop3A_276 = arith.constant 6300 : i32
      %parallel_loop3A_277 = arith.addi %parallel_loop3A_276, %parallel_loop3A_275 : i32
      %parallel_loop3A_278 = arith.constant 14 : i32
      %parallel_loop3A_279 = arith.addi %parallel_loop3A_277, %parallel_loop3A_278 : i32
      %parallel_loop3A_280 = arith.index_cast %parallel_loop3A_279 : i32 to index
      %parallel_loop3A_281 = tpu.vector_load %arg9[%parallel_loop3A_280] {strides = array<i32>} : memref<14400xf32, #tpu.memory_space<vmem>>, vector<16xf32>,
      %parallel_loop3A_282 = vector.shape_cast %parallel_loop3A_281 : vector<16xf32> to vector<16xf32>
      %parallel_loop3A_283 = vector.shape_cast %parallel_loop3A_265 : vector<16xf32> to vector<16xf32>
      tpu.vector_store %arg9[%parallel_loop3A_280], %parallel_loop3A_283 {strides = array<i32>} : memref<14400xf32, #tpu.memory_space<vmem>>, vector<16xf32>,
      %parallel_loop3A_284 = arith.constant 240 : i32
      %parallel_loop3A_285 = arith.addi %parallel_loop3A_284, %parallel_loop3A_11 : i32
      %parallel_loop3A_286 = arith.constant 16 : i32
      %parallel_loop3A_287 = arith.muli %parallel_loop3A_285, %parallel_loop3A_286 : i32
      %parallel_loop3A_288 = arith.index_cast %parallel_loop3A_287 : i32 to index
      %parallel_loop3A_289 = tpu.vector_load %arg10[%parallel_loop3A_288] {strides = array<i32>} : memref<15360xf32, #tpu.memory_space<vmem>>, vector<16xf32>,
      %parallel_loop3A_290 = vector.shape_cast %parallel_loop3A_289 : vector<16xf32> to vector<16xf32>
      %parallel_loop3A_291 = arith.constant 240 : i32
      %parallel_loop3A_292 = arith.addi %parallel_loop3A_291, %parallel_loop3A_11 : i32
      %parallel_loop3A_293 = arith.constant 16 : i32
      %parallel_loop3A_294 = arith.muli %parallel_loop3A_292, %parallel_loop3A_293 : i32
      %parallel_loop3A_295 = arith.constant 7680 : i32
      %parallel_loop3A_296 = arith.addi %parallel_loop3A_295, %parallel_loop3A_294 : i32
      %parallel_loop3A_297 = arith.index_cast %parallel_loop3A_296 : i32 to index
      %parallel_loop3A_298 = tpu.vector_load %arg10[%parallel_loop3A_297] {strides = array<i32>} : memref<15360xf32, #tpu.memory_space<vmem>>, vector<16xf32>,
      %parallel_loop3A_299 = vector.shape_cast %parallel_loop3A_298 : vector<16xf32> to vector<16xf32>
      %parallel_loop3A_300 = arith.constant 30 : i32
      %parallel_loop3A_301 = arith.muli %parallel_loop3A_11, %parallel_loop3A_300 : i32
      %parallel_loop3A_302 = arith.constant 7200 : i32
      %parallel_loop3A_303 = arith.addi %parallel_loop3A_302, %parallel_loop3A_301 : i32
      %parallel_loop3A_304 = arith.index_cast %parallel_loop3A_303 : i32 to index
      %parallel_loop3A_305 = tpu.vector_load %arg9[%parallel_loop3A_304] {strides = array<i32>} : memref<14400xf32, #tpu.memory_space<vmem>>, vector<16xf32>,
      %parallel_loop3A_306 = vector.shape_cast %parallel_loop3A_305 : vector<16xf32> to vector<16xf32>
      %parallel_loop3A_307 = vector.shape_cast %parallel_loop3A_290 : vector<16xf32> to vector<16xf32>
      tpu.vector_store %arg9[%parallel_loop3A_304], %parallel_loop3A_307 {strides = array<i32>} : memref<14400xf32, #tpu.memory_space<vmem>>, vector<16xf32>,
      %parallel_loop3A_308 = arith.constant 30 : i32
      %parallel_loop3A_309 = arith.muli %parallel_loop3A_11, %parallel_loop3A_308 : i32
      %parallel_loop3A_310 = arith.constant 7200 : i32
      %parallel_loop3A_311 = arith.addi %parallel_loop3A_310, %parallel_loop3A_309 : i32
      %parallel_loop3A_312 = arith.constant 14 : i32
      %parallel_loop3A_313 = arith.addi %parallel_loop3A_311, %parallel_loop3A_312 : i32
      %parallel_loop3A_314 = arith.index_cast %parallel_loop3A_313 : i32 to index
      %parallel_loop3A_315 = tpu.vector_load %arg9[%parallel_loop3A_314] {strides = array<i32>} : memref<14400xf32, #tpu.memory_space<vmem>>, vector<16xf32>,
      %parallel_loop3A_316 = vector.shape_cast %parallel_loop3A_315 : vector<16xf32> to vector<16xf32>
      %parallel_loop3A_317 = vector.shape_cast %parallel_loop3A_299 : vector<16xf32> to vector<16xf32>
      tpu.vector_store %arg9[%parallel_loop3A_314], %parallel_loop3A_317 {strides = array<i32>} : memref<14400xf32, #tpu.memory_space<vmem>>, vector<16xf32>,
      %parallel_loop3A_318 = arith.constant 270 : i32
      %parallel_loop3A_319 = arith.addi %parallel_loop3A_318, %parallel_loop3A_11 : i32
      %parallel_loop3A_320 = arith.constant 16 : i32
      %parallel_loop3A_321 = arith.muli %parallel_loop3A_319, %parallel_loop3A_320 : i32
      %parallel_loop3A_322 = arith.index_cast %parallel_loop3A_321 : i32 to index
      %parallel_loop3A_323 = tpu.vector_load %arg10[%parallel_loop3A_322] {strides = array<i32>} : memref<15360xf32, #tpu.memory_space<vmem>>, vector<16xf32>,
      %parallel_loop3A_324 = vector.shape_cast %parallel_loop3A_323 : vector<16xf32> to vector<16xf32>
      %parallel_loop3A_325 = arith.constant 270 : i32
      %parallel_loop3A_326 = arith.addi %parallel_loop3A_325, %parallel_loop3A_11 : i32
      %parallel_loop3A_327 = arith.constant 16 : i32
      %parallel_loop3A_328 = arith.muli %parallel_loop3A_326, %parallel_loop3A_327 : i32
      %parallel_loop3A_329 = arith.constant 7680 : i32
      %parallel_loop3A_330 = arith.addi %parallel_loop3A_329, %parallel_loop3A_328 : i32
      %parallel_loop3A_331 = arith.index_cast %parallel_loop3A_330 : i32 to index
      %parallel_loop3A_332 = tpu.vector_load %arg10[%parallel_loop3A_331] {strides = array<i32>} : memref<15360xf32, #tpu.memory_space<vmem>>, vector<16xf32>,
      %parallel_loop3A_333 = vector.shape_cast %parallel_loop3A_332 : vector<16xf32> to vector<16xf32>
      %parallel_loop3A_334 = arith.constant 30 : i32
      %parallel_loop3A_335 = arith.muli %parallel_loop3A_11, %parallel_loop3A_334 : i32
      %parallel_loop3A_336 = arith.constant 8100 : i32
      %parallel_loop3A_337 = arith.addi %parallel_loop3A_336, %parallel_loop3A_335 : i32
      %parallel_loop3A_338 = arith.index_cast %parallel_loop3A_337 : i32 to index
      %parallel_loop3A_339 = tpu.vector_load %arg9[%parallel_loop3A_338] {strides = array<i32>} : memref<14400xf32, #tpu.memory_space<vmem>>, vector<16xf32>,
      %parallel_loop3A_340 = vector.shape_cast %parallel_loop3A_339 : vector<16xf32> to vector<16xf32>
      %parallel_loop3A_341 = vector.shape_cast %parallel_loop3A_324 : vector<16xf32> to vector<16xf32>
      tpu.vector_store %arg9[%parallel_loop3A_338], %parallel_loop3A_341 {strides = array<i32>} : memref<14400xf32, #tpu.memory_space<vmem>>, vector<16xf32>,
      %parallel_loop3A_342 = arith.constant 30 : i32
      %parallel_loop3A_343 = arith.muli %parallel_loop3A_11, %parallel_loop3A_342 : i32
      %parallel_loop3A_344 = arith.constant 8100 : i32
      %parallel_loop3A_345 = arith.addi %parallel_loop3A_344, %parallel_loop3A_343 : i32
      %parallel_loop3A_346 = arith.constant 14 : i32
      %parallel_loop3A_347 = arith.addi %parallel_loop3A_345, %parallel_loop3A_346 : i32
      %parallel_loop3A_348 = arith.index_cast %parallel_loop3A_347 : i32 to index
      %parallel_loop3A_349 = tpu.vector_load %arg9[%parallel_loop3A_348] {strides = array<i32>} : memref<14400xf32, #tpu.memory_space<vmem>>, vector<16xf32>,
      %parallel_loop3A_350 = vector.shape_cast %parallel_loop3A_349 : vector<16xf32> to vector<16xf32>
      %parallel_loop3A_351 = vector.shape_cast %parallel_loop3A_333 : vector<16xf32> to vector<16xf32>
      tpu.vector_store %arg9[%parallel_loop3A_348], %parallel_loop3A_351 {strides = array<i32>} : memref<14400xf32, #tpu.memory_space<vmem>>, vector<16xf32>,
      %parallel_loop3A_352 = arith.constant 300 : i32
      %parallel_loop3A_353 = arith.addi %parallel_loop3A_352, %parallel_loop3A_11 : i32
      %parallel_loop3A_354 = arith.constant 16 : i32
      %parallel_loop3A_355 = arith.muli %parallel_loop3A_353, %parallel_loop3A_354 : i32
      %parallel_loop3A_356 = arith.index_cast %parallel_loop3A_355 : i32 to index
      %parallel_loop3A_357 = tpu.vector_load %arg10[%parallel_loop3A_356] {strides = array<i32>} : memref<15360xf32, #tpu.memory_space<vmem>>, vector<16xf32>,
      %parallel_loop3A_358 = vector.shape_cast %parallel_loop3A_357 : vector<16xf32> to vector<16xf32>
      %parallel_loop3A_359 = arith.constant 300 : i32
      %parallel_loop3A_360 = arith.addi %parallel_loop3A_359, %parallel_loop3A_11 : i32
      %parallel_loop3A_361 = arith.constant 16 : i32
      %parallel_loop3A_362 = arith.muli %parallel_loop3A_360, %parallel_loop3A_361 : i32
      %parallel_loop3A_363 = arith.constant 7680 : i32
      %parallel_loop3A_364 = arith.addi %parallel_loop3A_363, %parallel_loop3A_362 : i32
      %parallel_loop3A_365 = arith.index_cast %parallel_loop3A_364 : i32 to index
      %parallel_loop3A_366 = tpu.vector_load %arg10[%parallel_loop3A_365] {strides = array<i32>} : memref<15360xf32, #tpu.memory_space<vmem>>, vector<16xf32>,
      %parallel_loop3A_367 = vector.shape_cast %parallel_loop3A_366 : vector<16xf32> to vector<16xf32>
      %parallel_loop3A_368 = arith.constant 30 : i32
      %parallel_loop3A_369 = arith.muli %parallel_loop3A_11, %parallel_loop3A_368 : i32
      %parallel_loop3A_370 = arith.constant 9000 : i32
      %parallel_loop3A_371 = arith.addi %parallel_loop3A_370, %parallel_loop3A_369 : i32
      %parallel_loop3A_372 = arith.index_cast %parallel_loop3A_371 : i32 to index
      %parallel_loop3A_373 = tpu.vector_load %arg9[%parallel_loop3A_372] {strides = array<i32>} : memref<14400xf32, #tpu.memory_space<vmem>>, vector<16xf32>,
      %parallel_loop3A_374 = vector.shape_cast %parallel_loop3A_373 : vector<16xf32> to vector<16xf32>
      %parallel_loop3A_375 = vector.shape_cast %parallel_loop3A_358 : vector<16xf32> to vector<16xf32>
      tpu.vector_store %arg9[%parallel_loop3A_372], %parallel_loop3A_375 {strides = array<i32>} : memref<14400xf32, #tpu.memory_space<vmem>>, vector<16xf32>,
      %parallel_loop3A_376 = arith.constant 30 : i32
      %parallel_loop3A_377 = arith.muli %parallel_loop3A_11, %parallel_loop3A_376 : i32
      %parallel_loop3A_378 = arith.constant 9000 : i32
      %parallel_loop3A_379 = arith.addi %parallel_loop3A_378, %parallel_loop3A_377 : i32
      %parallel_loop3A_380 = arith.constant 14 : i32
      %parallel_loop3A_381 = arith.addi %parallel_loop3A_379, %parallel_loop3A_380 : i32
      %parallel_loop3A_382 = arith.index_cast %parallel_loop3A_381 : i32 to index
      %parallel_loop3A_383 = tpu.vector_load %arg9[%parallel_loop3A_382] {strides = array<i32>} : memref<14400xf32, #tpu.memory_space<vmem>>, vector<16xf32>,
      %parallel_loop3A_384 = vector.shape_cast %parallel_loop3A_383 : vector<16xf32> to vector<16xf32>
      %parallel_loop3A_385 = vector.shape_cast %parallel_loop3A_367 : vector<16xf32> to vector<16xf32>
      tpu.vector_store %arg9[%parallel_loop3A_382], %parallel_loop3A_385 {strides = array<i32>} : memref<14400xf32, #tpu.memory_space<vmem>>, vector<16xf32>,
      %parallel_loop3A_386 = arith.constant 330 : i32
      %parallel_loop3A_387 = arith.addi %parallel_loop3A_386, %parallel_loop3A_11 : i32
      %parallel_loop3A_388 = arith.constant 16 : i32
      %parallel_loop3A_389 = arith.muli %parallel_loop3A_387, %parallel_loop3A_388 : i32
      %parallel_loop3A_390 = arith.index_cast %parallel_loop3A_389 : i32 to index
      %parallel_loop3A_391 = tpu.vector_load %arg10[%parallel_loop3A_390] {strides = array<i32>} : memref<15360xf32, #tpu.memory_space<vmem>>, vector<16xf32>,
      %parallel_loop3A_392 = vector.shape_cast %parallel_loop3A_391 : vector<16xf32> to vector<16xf32>
      %parallel_loop3A_393 = arith.constant 330 : i32
      %parallel_loop3A_394 = arith.addi %parallel_loop3A_393, %parallel_loop3A_11 : i32
      %parallel_loop3A_395 = arith.constant 16 : i32
      %parallel_loop3A_396 = arith.muli %parallel_loop3A_394, %parallel_loop3A_395 : i32
      %parallel_loop3A_397 = arith.constant 7680 : i32
      %parallel_loop3A_398 = arith.addi %parallel_loop3A_397, %parallel_loop3A_396 : i32
      %parallel_loop3A_399 = arith.index_cast %parallel_loop3A_398 : i32 to index
      %parallel_loop3A_400 = tpu.vector_load %arg10[%parallel_loop3A_399] {strides = array<i32>} : memref<15360xf32, #tpu.memory_space<vmem>>, vector<16xf32>,
      %parallel_loop3A_401 = vector.shape_cast %parallel_loop3A_400 : vector<16xf32> to vector<16xf32>
      %parallel_loop3A_402 = arith.constant 30 : i32
      %parallel_loop3A_403 = arith.muli %parallel_loop3A_11, %parallel_loop3A_402 : i32
      %parallel_loop3A_404 = arith.constant 9900 : i32
      %parallel_loop3A_405 = arith.addi %parallel_loop3A_404, %parallel_loop3A_403 : i32
      %parallel_loop3A_406 = arith.index_cast %parallel_loop3A_405 : i32 to index
      %parallel_loop3A_407 = tpu.vector_load %arg9[%parallel_loop3A_406] {strides = array<i32>} : memref<14400xf32, #tpu.memory_space<vmem>>, vector<16xf32>,
      %parallel_loop3A_408 = vector.shape_cast %parallel_loop3A_407 : vector<16xf32> to vector<16xf32>
      %parallel_loop3A_409 = vector.shape_cast %parallel_loop3A_392 : vector<16xf32> to vector<16xf32>
      tpu.vector_store %arg9[%parallel_loop3A_406], %parallel_loop3A_409 {strides = array<i32>} : memref<14400xf32, #tpu.memory_space<vmem>>, vector<16xf32>,
      %parallel_loop3A_410 = arith.constant 30 : i32
      %parallel_loop3A_411 = arith.muli %parallel_loop3A_11, %parallel_loop3A_410 : i32
      %parallel_loop3A_412 = arith.constant 9900 : i32
      %parallel_loop3A_413 = arith.addi %parallel_loop3A_412, %parallel_loop3A_411 : i32
      %parallel_loop3A_414 = arith.constant 14 : i32
      %parallel_loop3A_415 = arith.addi %parallel_loop3A_413, %parallel_loop3A_414 : i32
      %parallel_loop3A_416 = arith.index_cast %parallel_loop3A_415 : i32 to index
      %parallel_loop3A_417 = tpu.vector_load %arg9[%parallel_loop3A_416] {strides = array<i32>} : memref<14400xf32, #tpu.memory_space<vmem>>, vector<16xf32>,
      %parallel_loop3A_418 = vector.shape_cast %parallel_loop3A_417 : vector<16xf32> to vector<16xf32>
      %parallel_loop3A_419 = vector.shape_cast %parallel_loop3A_401 : vector<16xf32> to vector<16xf32>
      tpu.vector_store %arg9[%parallel_loop3A_416], %parallel_loop3A_419 {strides = array<i32>} : memref<14400xf32, #tpu.memory_space<vmem>>, vector<16xf32>,
      %parallel_loop3A_420 = arith.constant 360 : i32
      %parallel_loop3A_421 = arith.addi %parallel_loop3A_420, %parallel_loop3A_11 : i32
      %parallel_loop3A_422 = arith.constant 16 : i32
      %parallel_loop3A_423 = arith.muli %parallel_loop3A_421, %parallel_loop3A_422 : i32
      %parallel_loop3A_424 = arith.index_cast %parallel_loop3A_423 : i32 to index
      %parallel_loop3A_425 = tpu.vector_load %arg10[%parallel_loop3A_424] {strides = array<i32>} : memref<15360xf32, #tpu.memory_space<vmem>>, vector<16xf32>,
      %parallel_loop3A_426 = vector.shape_cast %parallel_loop3A_425 : vector<16xf32> to vector<16xf32>
      %parallel_loop3A_427 = arith.constant 360 : i32
      %parallel_loop3A_428 = arith.addi %parallel_loop3A_427, %parallel_loop3A_11 : i32
      %parallel_loop3A_429 = arith.constant 16 : i32
      %parallel_loop3A_430 = arith.muli %parallel_loop3A_428, %parallel_loop3A_429 : i32
      %parallel_loop3A_431 = arith.constant 7680 : i32
      %parallel_loop3A_432 = arith.addi %parallel_loop3A_431, %parallel_loop3A_430 : i32
      %parallel_loop3A_433 = arith.index_cast %parallel_loop3A_432 : i32 to index
      %parallel_loop3A_434 = tpu.vector_load %arg10[%parallel_loop3A_433] {strides = array<i32>} : memref<15360xf32, #tpu.memory_space<vmem>>, vector<16xf32>,
      %parallel_loop3A_435 = vector.shape_cast %parallel_loop3A_434 : vector<16xf32> to vector<16xf32>
      %parallel_loop3A_436 = arith.constant 30 : i32
      %parallel_loop3A_437 = arith.muli %parallel_loop3A_11, %parallel_loop3A_436 : i32
      %parallel_loop3A_438 = arith.constant 10800 : i32
      %parallel_loop3A_439 = arith.addi %parallel_loop3A_438, %parallel_loop3A_437 : i32
      %parallel_loop3A_440 = arith.index_cast %parallel_loop3A_439 : i32 to index
      %parallel_loop3A_441 = tpu.vector_load %arg9[%parallel_loop3A_440] {strides = array<i32>} : memref<14400xf32, #tpu.memory_space<vmem>>, vector<16xf32>,
      %parallel_loop3A_442 = vector.shape_cast %parallel_loop3A_441 : vector<16xf32> to vector<16xf32>
      %parallel_loop3A_443 = vector.shape_cast %parallel_loop3A_426 : vector<16xf32> to vector<16xf32>
      tpu.vector_store %arg9[%parallel_loop3A_440], %parallel_loop3A_443 {strides = array<i32>} : memref<14400xf32, #tpu.memory_space<vmem>>, vector<16xf32>,
      %parallel_loop3A_444 = arith.constant 30 : i32
      %parallel_loop3A_445 = arith.muli %parallel_loop3A_11, %parallel_loop3A_444 : i32
      %parallel_loop3A_446 = arith.constant 10800 : i32
      %parallel_loop3A_447 = arith.addi %parallel_loop3A_446, %parallel_loop3A_445 : i32
      %parallel_loop3A_448 = arith.constant 14 : i32
      %parallel_loop3A_449 = arith.addi %parallel_loop3A_447, %parallel_loop3A_448 : i32
      %parallel_loop3A_450 = arith.index_cast %parallel_loop3A_449 : i32 to index
      %parallel_loop3A_451 = tpu.vector_load %arg9[%parallel_loop3A_450] {strides = array<i32>} : memref<14400xf32, #tpu.memory_space<vmem>>, vector<16xf32>,
      %parallel_loop3A_452 = vector.shape_cast %parallel_loop3A_451 : vector<16xf32> to vector<16xf32>
      %parallel_loop3A_453 = vector.shape_cast %parallel_loop3A_435 : vector<16xf32> to vector<16xf32>
      tpu.vector_store %arg9[%parallel_loop3A_450], %parallel_loop3A_453 {strides = array<i32>} : memref<14400xf32, #tpu.memory_space<vmem>>, vector<16xf32>,
      %parallel_loop3A_454 = arith.constant 390 : i32
      %parallel_loop3A_455 = arith.addi %parallel_loop3A_454, %parallel_loop3A_11 : i32
      %parallel_loop3A_456 = arith.constant 16 : i32
      %parallel_loop3A_457 = arith.muli %parallel_loop3A_455, %parallel_loop3A_456 : i32
      %parallel_loop3A_458 = arith.index_cast %parallel_loop3A_457 : i32 to index
      %parallel_loop3A_459 = tpu.vector_load %arg10[%parallel_loop3A_458] {strides = array<i32>} : memref<15360xf32, #tpu.memory_space<vmem>>, vector<16xf32>,
      %parallel_loop3A_460 = vector.shape_cast %parallel_loop3A_459 : vector<16xf32> to vector<16xf32>
      %parallel_loop3A_461 = arith.constant 390 : i32
      %parallel_loop3A_462 = arith.addi %parallel_loop3A_461, %parallel_loop3A_11 : i32
      %parallel_loop3A_463 = arith.constant 16 : i32
      %parallel_loop3A_464 = arith.muli %parallel_loop3A_462, %parallel_loop3A_463 : i32
      %parallel_loop3A_465 = arith.constant 7680 : i32
      %parallel_loop3A_466 = arith.addi %parallel_loop3A_465, %parallel_loop3A_464 : i32
      %parallel_loop3A_467 = arith.index_cast %parallel_loop3A_466 : i32 to index
      %parallel_loop3A_468 = tpu.vector_load %arg10[%parallel_loop3A_467] {strides = array<i32>} : memref<15360xf32, #tpu.memory_space<vmem>>, vector<16xf32>,
      %parallel_loop3A_469 = vector.shape_cast %parallel_loop3A_468 : vector<16xf32> to vector<16xf32>
      %parallel_loop3A_470 = arith.constant 30 : i32
      %parallel_loop3A_471 = arith.muli %parallel_loop3A_11, %parallel_loop3A_470 : i32
      %parallel_loop3A_472 = arith.constant 11700 : i32
      %parallel_loop3A_473 = arith.addi %parallel_loop3A_472, %parallel_loop3A_471 : i32
      %parallel_loop3A_474 = arith.index_cast %parallel_loop3A_473 : i32 to index
      %parallel_loop3A_475 = tpu.vector_load %arg9[%parallel_loop3A_474] {strides = array<i32>} : memref<14400xf32, #tpu.memory_space<vmem>>, vector<16xf32>,
      %parallel_loop3A_476 = vector.shape_cast %parallel_loop3A_475 : vector<16xf32> to vector<16xf32>
      %parallel_loop3A_477 = vector.shape_cast %parallel_loop3A_460 : vector<16xf32> to vector<16xf32>
      tpu.vector_store %arg9[%parallel_loop3A_474], %parallel_loop3A_477 {strides = array<i32>} : memref<14400xf32, #tpu.memory_space<vmem>>, vector<16xf32>,
      %parallel_loop3A_478 = arith.constant 30 : i32
      %parallel_loop3A_479 = arith.muli %parallel_loop3A_11, %parallel_loop3A_478 : i32
      %parallel_loop3A_480 = arith.constant 11700 : i32
      %parallel_loop3A_481 = arith.addi %parallel_loop3A_480, %parallel_loop3A_479 : i32
      %parallel_loop3A_482 = arith.constant 14 : i32
      %parallel_loop3A_483 = arith.addi %parallel_loop3A_481, %parallel_loop3A_482 : i32
      %parallel_loop3A_484 = arith.index_cast %parallel_loop3A_483 : i32 to index
      %parallel_loop3A_485 = tpu.vector_load %arg9[%parallel_loop3A_484] {strides = array<i32>} : memref<14400xf32, #tpu.memory_space<vmem>>, vector<16xf32>,
      %parallel_loop3A_486 = vector.shape_cast %parallel_loop3A_485 : vector<16xf32> to vector<16xf32>
      %parallel_loop3A_487 = vector.shape_cast %parallel_loop3A_469 : vector<16xf32> to vector<16xf32>
      tpu.vector_store %arg9[%parallel_loop3A_484], %parallel_loop3A_487 {strides = array<i32>} : memref<14400xf32, #tpu.memory_space<vmem>>, vector<16xf32>,
      %parallel_loop3A_488 = arith.constant 420 : i32
      %parallel_loop3A_489 = arith.addi %parallel_loop3A_488, %parallel_loop3A_11 : i32
      %parallel_loop3A_490 = arith.constant 16 : i32
      %parallel_loop3A_491 = arith.muli %parallel_loop3A_489, %parallel_loop3A_490 : i32
      %parallel_loop3A_492 = arith.index_cast %parallel_loop3A_491 : i32 to index
      %parallel_loop3A_493 = tpu.vector_load %arg10[%parallel_loop3A_492] {strides = array<i32>} : memref<15360xf32, #tpu.memory_space<vmem>>, vector<16xf32>,
      %parallel_loop3A_494 = vector.shape_cast %parallel_loop3A_493 : vector<16xf32> to vector<16xf32>
      %parallel_loop3A_495 = arith.constant 420 : i32
      %parallel_loop3A_496 = arith.addi %parallel_loop3A_495, %parallel_loop3A_11 : i32
      %parallel_loop3A_497 = arith.constant 16 : i32
      %parallel_loop3A_498 = arith.muli %parallel_loop3A_496, %parallel_loop3A_497 : i32
      %parallel_loop3A_499 = arith.constant 7680 : i32
      %parallel_loop3A_500 = arith.addi %parallel_loop3A_499, %parallel_loop3A_498 : i32
      %parallel_loop3A_501 = arith.index_cast %parallel_loop3A_500 : i32 to index
      %parallel_loop3A_502 = tpu.vector_load %arg10[%parallel_loop3A_501] {strides = array<i32>} : memref<15360xf32, #tpu.memory_space<vmem>>, vector<16xf32>,
      %parallel_loop3A_503 = vector.shape_cast %parallel_loop3A_502 : vector<16xf32> to vector<16xf32>
      %parallel_loop3A_504 = arith.constant 30 : i32
      %parallel_loop3A_505 = arith.muli %parallel_loop3A_11, %parallel_loop3A_504 : i32
      %parallel_loop3A_506 = arith.constant 12600 : i32
      %parallel_loop3A_507 = arith.addi %parallel_loop3A_506, %parallel_loop3A_505 : i32
      %parallel_loop3A_508 = arith.index_cast %parallel_loop3A_507 : i32 to index
      %parallel_loop3A_509 = tpu.vector_load %arg9[%parallel_loop3A_508] {strides = array<i32>} : memref<14400xf32, #tpu.memory_space<vmem>>, vector<16xf32>,
      %parallel_loop3A_510 = vector.shape_cast %parallel_loop3A_509 : vector<16xf32> to vector<16xf32>
      %parallel_loop3A_511 = vector.shape_cast %parallel_loop3A_494 : vector<16xf32> to vector<16xf32>
      tpu.vector_store %arg9[%parallel_loop3A_508], %parallel_loop3A_511 {strides = array<i32>} : memref<14400xf32, #tpu.memory_space<vmem>>, vector<16xf32>,
      %parallel_loop3A_512 = arith.constant 30 : i32
      %parallel_loop3A_513 = arith.muli %parallel_loop3A_11, %parallel_loop3A_512 : i32
      %parallel_loop3A_514 = arith.constant 12600 : i32
      %parallel_loop3A_515 = arith.addi %parallel_loop3A_514, %parallel_loop3A_513 : i32
      %parallel_loop3A_516 = arith.constant 14 : i32
      %parallel_loop3A_517 = arith.addi %parallel_loop3A_515, %parallel_loop3A_516 : i32
      %parallel_loop3A_518 = arith.index_cast %parallel_loop3A_517 : i32 to index
      %parallel_loop3A_519 = tpu.vector_load %arg9[%parallel_loop3A_518] {strides = array<i32>} : memref<14400xf32, #tpu.memory_space<vmem>>, vector<16xf32>,
      %parallel_loop3A_520 = vector.shape_cast %parallel_loop3A_519 : vector<16xf32> to vector<16xf32>
      %parallel_loop3A_521 = vector.shape_cast %parallel_loop3A_503 : vector<16xf32> to vector<16xf32>
      tpu.vector_store %arg9[%parallel_loop3A_518], %parallel_loop3A_521 {strides = array<i32>} : memref<14400xf32, #tpu.memory_space<vmem>>, vector<16xf32>,
      %parallel_loop3A_522 = arith.constant 450 : i32
      %parallel_loop3A_523 = arith.addi %parallel_loop3A_522, %parallel_loop3A_11 : i32
      %parallel_loop3A_524 = arith.constant 16 : i32
      %parallel_loop3A_525 = arith.muli %parallel_loop3A_523, %parallel_loop3A_524 : i32
      %parallel_loop3A_526 = arith.index_cast %parallel_loop3A_525 : i32 to index
      %parallel_loop3A_527 = tpu.vector_load %arg10[%parallel_loop3A_526] {strides = array<i32>} : memref<15360xf32, #tpu.memory_space<vmem>>, vector<16xf32>,
      %parallel_loop3A_528 = vector.shape_cast %parallel_loop3A_527 : vector<16xf32> to vector<16xf32>
      %parallel_loop3A_529 = arith.constant 450 : i32
      %parallel_loop3A_530 = arith.addi %parallel_loop3A_529, %parallel_loop3A_11 : i32
      %parallel_loop3A_531 = arith.constant 16 : i32
      %parallel_loop3A_532 = arith.muli %parallel_loop3A_530, %parallel_loop3A_531 : i32
      %parallel_loop3A_533 = arith.constant 7680 : i32
      %parallel_loop3A_534 = arith.addi %parallel_loop3A_533, %parallel_loop3A_532 : i32
      %parallel_loop3A_535 = arith.index_cast %parallel_loop3A_534 : i32 to index
      %parallel_loop3A_536 = tpu.vector_load %arg10[%parallel_loop3A_535] {strides = array<i32>} : memref<15360xf32, #tpu.memory_space<vmem>>, vector<16xf32>,
      %parallel_loop3A_537 = vector.shape_cast %parallel_loop3A_536 : vector<16xf32> to vector<16xf32>
      %parallel_loop3A_538 = arith.constant 30 : i32
      %parallel_loop3A_539 = arith.muli %parallel_loop3A_11, %parallel_loop3A_538 : i32
      %parallel_loop3A_540 = arith.constant 13500 : i32
      %parallel_loop3A_541 = arith.addi %parallel_loop3A_540, %parallel_loop3A_539 : i32
      %parallel_loop3A_542 = arith.index_cast %parallel_loop3A_541 : i32 to index
      %parallel_loop3A_543 = tpu.vector_load %arg9[%parallel_loop3A_542] {strides = array<i32>} : memref<14400xf32, #tpu.memory_space<vmem>>, vector<16xf32>,
      %parallel_loop3A_544 = vector.shape_cast %parallel_loop3A_543 : vector<16xf32> to vector<16xf32>
      %parallel_loop3A_545 = vector.shape_cast %parallel_loop3A_528 : vector<16xf32> to vector<16xf32>
      tpu.vector_store %arg9[%parallel_loop3A_542], %parallel_loop3A_545 {strides = array<i32>} : memref<14400xf32, #tpu.memory_space<vmem>>, vector<16xf32>,
      %parallel_loop3A_546 = arith.constant 30 : i32
      %parallel_loop3A_547 = arith.muli %parallel_loop3A_11, %parallel_loop3A_546 : i32
      %parallel_loop3A_548 = arith.constant 13500 : i32
      %parallel_loop3A_549 = arith.addi %parallel_loop3A_548, %parallel_loop3A_547 : i32
      %parallel_loop3A_550 = arith.constant 14 : i32
      %parallel_loop3A_551 = arith.addi %parallel_loop3A_549, %parallel_loop3A_550 : i32
      %parallel_loop3A_552 = arith.index_cast %parallel_loop3A_551 : i32 to index
      %parallel_loop3A_553 = tpu.vector_load %arg9[%parallel_loop3A_552] {strides = array<i32>} : memref<14400xf32, #tpu.memory_space<vmem>>, vector<16xf32>,
      %parallel_loop3A_554 = vector.shape_cast %parallel_loop3A_553 : vector<16xf32> to vector<16xf32>
      %parallel_loop3A_555 = vector.shape_cast %parallel_loop3A_537 : vector<16xf32> to vector<16xf32>
      tpu.vector_store %arg9[%parallel_loop3A_552], %parallel_loop3A_555 {strides = array<i32>} : memref<14400xf32, #tpu.memory_space<vmem>>, vector<16xf32>,
    } {sc.loop_unroll_factor = 1 : i64, sc.parallel_access}
    "tpu.region"() ({
      %run_scoped3A = tpu.sem_alloc : memref<!tpu.dma_semaphore, #tpu.memory_space<semaphore_mem>>
      %dma_start3A = arith.constant 0 : i32
      %dma_start3A_11 = tpu.memref_slice %arg5[%add3A, %dma_start3A] : memref<32x14400xf32, #tpu.memory_space<hbm>> -> memref<1x14400xf32, #tpu.memory_space<hbm>>
      %dma_start3A_12 = tpu.memref_squeeze %dma_start3A_11 : memref<1x14400xf32, #tpu.memory_space<hbm>> -> memref<14400xf32, #tpu.memory_space<hbm>>
      %dma_start3A_13 = arith.constant 0 : i32
      %dma_start3A_14 = tpu.memref_slice %arg5[%add3A, %dma_start3A_13] : memref<32x14400xf32, #tpu.memory_space<hbm>> -> memref<1x14400xf32, #tpu.memory_space<hbm>>
      %dma_start3A_15 = tpu.memref_squeeze %dma_start3A_14 : memref<1x14400xf32, #tpu.memory_space<hbm>> -> memref<14400xf32, #tpu.memory_space<hbm>>
      tpu.enqueue_dma source(%arg9 : memref<14400xf32, #tpu.memory_space<vmem>>) target(%dma_start3A_15 : memref<14400xf32, #tpu.memory_space<hbm>>) target_semaphore(%run_scoped3A : memref<!tpu.dma_semaphore, #tpu.memory_space<semaphore_mem>>)
      %dma_wait3A = arith.constant 0 : i32
      %dma_wait3A_16 = tpu.memref_slice %arg5[%add3A, %dma_wait3A] : memref<32x14400xf32, #tpu.memory_space<hbm>> -> memref<1x14400xf32, #tpu.memory_space<hbm>>
      %dma_wait3A_17 = tpu.memref_squeeze %dma_wait3A_16 : memref<1x14400xf32, #tpu.memory_space<hbm>> -> memref<14400xf32, #tpu.memory_space<hbm>>
      %dma_wait3A_18 = arith.constant 0 : i32
      %dma_wait3A_19 = tpu.memref_slice %arg5[%add3A, %dma_wait3A_18] : memref<32x14400xf32, #tpu.memory_space<hbm>> -> memref<1x14400xf32, #tpu.memory_space<hbm>>
      %dma_wait3A_20 = tpu.memref_squeeze %dma_wait3A_19 : memref<1x14400xf32, #tpu.memory_space<hbm>> -> memref<14400xf32, #tpu.memory_space<hbm>>
      tpu.wait_dma2 semaphore(%run_scoped3A : memref<!tpu.dma_semaphore, #tpu.memory_space<semaphore_mem>>) src(%arg9 : memref<14400xf32, #tpu.memory_space<vmem>>) dst(%dma_wait3A_20 : memref<14400xf32, #tpu.memory_space<hbm>>)
      tpu.yield
    }) : () -> ()
    return
  }
}

</mosaic_0001>

<sc_bundles>
// kernel: kernel.3.cloned.1.call-start
scs
__scs_entry_jumppad:
0x0: {  	(pc) =	sbr.rel $0x88, $3  }
0x1: {  	(tag) =	ssettag $0x0;
	lr =	simm.s32 $0x1  }
0x2: {  	[smem:$0x3F9E] =	sst lr;
	_ =	strace $0xD0000000  }
0x3: {  	_ = 	snop  }
0x4: {  	_ = 	snop  }
0x5: {  	_ = 	snop  }
0x6: {  	_ = 	snop  }
0x7: {  	_ = 	snop  }
__scs_overlays_trampoline_lowered:
0x8: {  	[smem:$0x3FAD] =	sst s0  }
0x9: {  	[smem:$0x3FAE] =	sst s1  }
0xa: {  	[smem:$0x3FAF] =	sst s2  }
0xb: {  	[smem:$0x3FB0] =	sst s3  }
0xc: {  	[smem:$0x3FB1] =	sst s4  }
0xd: {  	[smem:$0x3FB2] =	sst s5  }
0xe: {  	[smem:$0x3FB3] =	sst s6  }
0xf: {  	[smem:$0x3FB4] =	sst s7  }
0x10: {  	[smem:$0x3FB5] =	sst s8  }
0x11: {  	[smem:$0x3FB6] =	sst s9;
	s0 =	simm.s32 @!p0 $0x0  }
0x12: {  	s1 =	sld [smem:$0x3F9C];
	s0 =	simm.s32 @p0 $0x1  }
0x13: {  	[smem:$0x3FB7] =	sst s0;
	s0 =	simm.s32 @!p1 $0x0  }
0x14: {  	s2 =	sld [smem:$0x3F9B];
	s0 =	simm.s32 @p1 $0x1  }
0x15: {  	[smem:$0x3FB8] =	sst s0;
	s0 =	simm.s32 @!p2 $0x0  }
0x16: {  	s3 =	sld [smem:$0x3FDB];
	s0 =	simm.s32 @p2 $0x1  }
0x17: {  	s4 =	simm.s32 $0x1BF5;
	[smem:$0x3FBA] =	sst s0  }
0x18: {  	s0 =	sld [smem:$0x3F9D];
	_ =	swait.ge [sflag:s4], $0x0  }
0x19: {  	s7 =	sld [smem:$0x3F9E]  }
0x1a: {  	s8 =	sadd.s32 $0xFFFFE003, lr  }
0x1b: {  	s9 =	sadd.s32 $0xFFFFFEF7, lr;
	s5 =	simm.s32 $0xFFFFFFFF;
	p2 =	slt.u32 s8, $0xFFFFF086  }
0x1c: {  	p1 =	slt.u32 s9, $0xF7A;
	s5 =	simm.s32 @!p2 $0x0  }
0x1d: {  	s5 =	simm.s32 @p1 $0x1;
	p0 =	seq.s32 s7, s2  }
0x1e: {  	s7 =	smul.u32 @!p0 $0xF7A, s2;
	p2 =	seq.s32 @!p0 s5, $0x0  }
0x1f: {  	s9 =	smul.u32 $0xF7A, s1;
	s8 =	simm.s32 @!p0 $0x1BF5;
	p2 =	por !p2, p0  }
0x20: {  	[sflag:s8] =	ssyncset.s32 @!p0 $0xFFFFF086;
	s6 =	sadd.s32 @!p0 s3, s7;
	s7 =	simm.s32 @!p0 $0x108  }
0x21: {  	s3 =	sadd.s32 s3, s9;
	s6 =	sadd.s32 @!p0 $0x88, s6;
	s7 =	simm.s32 @p2 $0x1082  }
0x22: {  	[simem:s7], [sflag:s8] =	dma.local @!p0 [hbm:s6], $0xF7A  }
0x23: {  	s9 =	sor.u32 $0xD0000000, s2;
	s6 =	simm.s32 $0x108;
	_ =	swait.ge @!p0 [sflag:s8], $0x0  }
0x24: {  	s3 =	sadd.s32 $0x88, s3;
	s6 =	simm.s32 @!p1 $0x1082;
	[sflag:s4] =	ssyncset.s32 $0xFFFFF086  }
0x25: {  	[simem:s6], [sflag:s4] =	dma.local [hbm:s3], $0xF7A  }
0x26: {  	[smem:$0x3F9E] =	sst s1;
	(tag) =	ssettag s2;
	_ =	strace s9  }
0x27: {  	s1 =	sld [smem:$0x3FAE]  }
0x28: {  	s2 =	sld [smem:$0x3FAF]  }
0x29: {  	s4 =	sld [smem:$0x3FB1]  }
0x2a: {  	p0 =	seq.s32 s5, $0x0;
	s5 =	sld [smem:$0x3FB2]  }
0x2b: {  	s6 =	sld [smem:$0x3FB3]  }
0x2c: {  	s7 =	sld [smem:$0x3FB4]  }
0x2d: {  	s3 =	simm.s32 $0x108;
	s8 =	sld [smem:$0x3FB5]  }
0x2e: {  	s3 =	simm.s32 @!p0 $0x1082;
	s9 =	sld [smem:$0x3FB6]  }
0x2f: {  	lr =	sadd.s32 s0, s3;
	s0 =	sld [smem:$0x3FAD]  }
0x30: {  	s3 =	sld [smem:$0x3FB0]  }
0x31: {  	[smem:$0x3FB9] =	sst s10  }
0x32: {  	s10 =	sld [smem:$0x3FB7];
	_ =	sdelay $0x3  }
0x33: {  	p0 =	seq.s32 s10, $0x1;
	s10 =	sld [smem:$0x3FB9];
	_ =	sdelay $0x3  }
0x34: {  	[smem:$0x3FB9] =	sst s10  }
0x35: {  	s10 =	sld [smem:$0x3FB8];
	_ =	sdelay $0x3  }
0x36: {  	p1 =	seq.s32 s10, $0x1;
	s10 =	sld [smem:$0x3FB9];
	_ =	sdelay $0x3  }
0x37: {  	[smem:$0x3FB9] =	sst s10  }
0x38: {  	s10 =	sld [smem:$0x3FBA]  }
0x39: {  	_ = 	snop;
	(pc) =	sbr.ind lr, $3  }
0x3a: {  	_ = 	snop  }
0x3b: {  	_ = 	snop  }
0x3c: {  	p2 =	seq.s32 s10, $0x1;
	s10 =	sld [smem:$0x3FB9]  }
0x3d: {  	_ =	shalt  }
0x3e: {  	_ =	shalt  }
0x3f: {  	_ =	shalt  }
0x40: {  	_ =	shalt  }
0x41: {  	_ =	shalt  }
0x42: {  	_ =	shalt  }
0x43: {  	_ =	shalt  }
0x44: {  	_ =	shalt  }
0x45: {  	_ =	shalt  }
0x46: {  	_ =	shalt  }
0x47: {  	_ =	shalt  }
0x48: {  	_ =	shalt  }
0x49: {  	_ =	shalt  }
0x4a: {  	_ =	shalt  }
0x4b: {  	_ =	shalt  }
0x4c: {  	_ =	shalt  }
0x4d: {  	_ =	shalt  }
0x4e: {  	_ =	shalt  }
0x4f: {  	_ =	shalt  }
0x50: {  	_ =	shalt  }
0x51: {  	_ =	shalt  }
0x52: {  	_ =	shalt  }
0x53: {  	_ =	shalt  }
0x54: {  	_ =	shalt  }
0x55: {  	_ =	shalt  }
0x56: {  	_ =	shalt  }
0x57: {  	_ =	shalt  }
0x58: {  	_ =	shalt  }
0x59: {  	_ =	shalt  }
0x5a: {  	_ =	shalt  }
0x5b: {  	_ =	shalt  }
0x5c: {  	_ =	shalt  }
0x5d: {  	_ =	shalt  }
0x5e: {  	_ =	shalt  }
0x5f: {  	_ =	shalt  }
0x60: {  	_ =	shalt  }
0x61: {  	_ =	shalt  }
0x62: {  	_ =	shalt  }
0x63: {  	_ =	shalt  }
0x64: {  	_ =	shalt  }
0x65: {  	_ =	shalt  }
0x66: {  	_ =	shalt  }
0x67: {  	_ =	shalt  }
0x68: {  	_ =	shalt  }
0x69: {  	_ =	shalt  }
0x6a: {  	_ =	shalt  }
0x6b: {  	_ =	shalt  }
0x6c: {  	_ =	shalt  }
0x6d: {  	_ =	shalt  }
0x6e: {  	_ =	shalt  }
0x6f: {  	_ =	shalt  }
0x70: {  	_ =	shalt  }
0x71: {  	_ =	shalt  }
0x72: {  	_ =	shalt  }
0x73: {  	_ =	shalt  }
0x74: {  	_ =	shalt  }
0x75: {  	_ =	shalt  }
0x76: {  	_ =	shalt  }
0x77: {  	_ =	shalt  }
0x78: {  	_ =	shalt  }
0x79: {  	_ =	shalt  }
0x7a: {  	_ =	shalt  }
0x7b: {  	_ =	shalt  }
0x7c: {  	_ =	shalt  }
0x7d: {  	_ =	shalt  }
0x7e: {  	_ =	shalt  }
0x7f: {  	_ =	shalt  }
0x80: {  	_ =	shalt  }
0x81: {  	_ =	shalt  }
0x82: {  	_ =	shalt  }
0x83: {  	_ =	shalt  }
0x84: {  	_ =	shalt  }
0x85: {  	_ =	shalt  }
0x86: {  	_ =	shalt  }
0x87: {  	_ =	shalt  }
.Lfunc_end0:
.L_simem_size_0:
called_computation_lowered:
.L_overlay_start_0:
0x88: {  	s2 =	sld [smem:$0x3FD9]  }
0x89: {  	s3 =	sld [smem:$0x3FFE];
	_ =	sdelay $0x1  }
0x8a: {  	s1 =	srdreg.scid  }
0x8b: {  	s0 =	sand.u32 $0x1, s1  }
0x8c: {  	s17 =	sshll.u32 s0, $0xA;
	s2 =	sadd.s32 s3, s2  }
0x8d: {  	s2 =	sadd.s32 s2, s17  }
0x8e: {  	[smem:$0x3FC5] =	sst s2  }
0x8f: {  	_ = 	snop  }
0x90: {  	s2 =	sld [smem:$0x3FD0];
	(tm) =	ssettm $0x1  }
0x91: {  	s18 =	sld [smem:$0x3FFB];
	_ =	sdelay $0x3  }
0x92: {  	_ =	strace s18  }
0x93: {  	s3 =	sld [smem:$0x3FFC];
	_ =	sdelay $0x3  }
0x94: {  	_ =	strace s3  }
0x95: {  	s3 =	sld [smem:$0x3FFD];
	_ =	sdelay $0x3  }
0x96: {  	_ =	strace s3  }
0x97: {  	_ =	strace $0x8FFFFFFF  }
0x98: {  	s19 =	sld [smem:$0x3FDB];
	_ =	sdelay $0x1  }
0x99: {  	s4 =	simm.s32 $_scs_section_size  }
0x9a: {  	s5 =	simm.s32 $_size__tile_overlayer_lowered;
	s6 =	simm.s32 $_tile_overlayer_lowered  }
0x9b: {  	s22 =	simm.s32 $0x1BFF;
	s21 =	sshll.u32 s6, $0x1;
	s3 =	sadd.s32 s4, s19  }
0x9c: {  	s7 =	simm.s32 $0x0;
	s20 =	sshll.u32 s5, $0x1;
	s5 =	sadd.s32 s21, s3  }
0x9d: {  	[timem:s7], [sflag:s22] =	dma.local [hbm:s5], s20  }
0x9e: {  	_ =	swait.ge [sflag:s22], s20  }
0x9f: {  	s4 =	ssub.s32 $0x0, s20;
	[sflag:s22] =	ssyncset.done $0x0  }
0xa0: {  	[sflag:s22] =	ssyncadd.s32 s4;
	_ =	sdelay $0x1  }
0xa1: {  	s23 =	simm.s32 $0x1B8B  }
0xa2: {  	_ =	swait.ge [sflag:s23], $0x1  }
0xa3: {  	[sflag:s23] =	ssyncset.done $0x0  }
0xa4: {  	s25 =	simm.s32 $0x1B8E;
	s24 =	sld [smem:$0x3FFE];
	[sflag:s23] =	ssyncadd.s32 $0xFFFFFFFF  }
0xa5: {  	s26 =	simm.s32 $execute0_lowered;
	[smem:$0x3FD2] =	sst s25  }
0xa6: {  	s5 =	sshll.u32 s26, $0x1;
	_ =	strace $0x80000046;
	[dreg:$0x1] =	wrdreg $0xFFFFFFFF  }
0xa7: {  	s28 =	simm.s32 $_size_execute0_lowered;
	s3 =	sadd.s32 s3, s5;
	[dreg:$0x0] =	wrdreg $0x0  }
0xa8: {  	s5 =	sshll.u32 s28, $0x1;
	[dreg:$0x2] =	wrdreg s3  }
0xa9: {  	[dreg:$0x3] =	wrdreg s5  }
0xaa: {  	[dreg:$0x4] =	wrdreg $0xC0  }
0xab: {  	_ =	task [dreg:s7], $0x5FFFF  }
0xac: {  	[dreg:$0x1] =	wrdreg $0xFFFFFFFF  }
0xad: {  	[dreg:$0x0] =	wrdreg $0x60  }
0xae: {  	[dreg:$0x2] =	wrdreg s24  }
0xaf: {  	[dreg:$0x3] =	wrdreg s2  }
0xb0: {  	[dreg:$0x4] =	wrdreg $0x9  }
0xb1: {  	_ =	task.clear_ibuf [dreg:s7], $0x5FFFF;
	_ =	strace $0x90000046  }
0xb2: {  	s29 =	simm.s32 $0x9;
	_ =	strace $0x80000048  }
0xb3: {  	_ =	swait.ge [sflag:s29], $0x1  }
0xb4: {  	[sflag:s29] =	ssyncadd.s32 $0xFFFFFFFF  }
0xb5: {  	_ =	strace $0x90000048  }
0xb6: {  	_ =	sfence  }
0xb7: {  	s30 =	sld [smem:$0x0];
	_ =	sdelay $0x2  }
0xb8: {  	s31 =	sshll.u32 s1, $0xD;
	s1 =	sshrl.u32 s1, $0x2  }
0xb9: {  	s3 =	sand.u32 $0x4000, s31;
	s1 =	sadd.s32 s1, s30  }
0xba: {  	s0 =	sor.u32 s3, s0;
	s1 =	sshll.u32 s1, $0x11  }
0xbb: {  	s0 =	sor.u32 s1, s0  }
0xbc: {  	s0 =	sadd.s32 $0x8F2B, s0  }
0xbd: {  	[sflag:s0] =	ssyncadd.remote.s32 $0x1  }
0xbe: {  	_ =	sfence.sel $0xFFFF  }
0xbf: {  	[dreg:$0x0] =	wrdreg $0xFFFFFFFF;
	(pc) =	sbr.abs _section_cstart, $3  }
0xc0: {  	[dreg:$0x1] =	wrdreg $0xFFFFFFFF  }
0xc1: {  	_ =	task.clear_ibuf [dreg:s7], $0x2FFFF;
	_ =	strace $0x9FFFFFFF  }
0xc2: {  	(tm) =	ssettm $0x7FFFFFFF  }
0xc3: {  	_ =	shalt  }
tec
execute0_lowered:
.L_overlay_start_1:
0x0: {  	(tag) =	ssettag $0x1  }
0x1: {  	s4 =	rddreg [dreg:$0x0]  }
0x2: {  	s6 =	rddreg [dreg:$0x1];
	s2 =	srdreg.scid  }
0x3: {  	s1 =	stileid.u32;
	s0 =	rddreg [dreg:$0x2];
	s11 =	simm.s32 $0x2000  }
0x4: {  	s12 =	simm.s32 $0x6800;
	s13 =	simm.s32 $0x6900;
	s14 =	simm.s32 $0x0  }
0x5: {  	s5 =	sand.u32 $0x1, s2;
	s29 =	sshll.u32 s1, $0x8;
	s3 =	sshrl.u32 s1, $0x2  }
0x6: {  	s2 =	simm.s32 $0x0;
	s7 =	sshll.u32 s5, $0x7;
	s8 =	sand.u32 $0x300, s29  }
0x7: {  	s30 =	sshll.u32 s3, $0x10;
	[smem:$0x7FF] =	sst s2;
	s9 =	smul.u32 $0x1C400, s3  }
0x8: {  	s3 =	sadd.s32 $0x600, s4;
	s5 =	ssub.s32 $0x2, s5;
	s7 =	sor.u32 s7, s8  }
0x9: {  	_ =	strace $0x80000047;
	s10 =	sshrl.u32 s5, $0x1;
	s8 =	sor.u32 s30, s7  }
0xa: {  	s7 =	sor.u32 s9, s7;
	s31 =	ssub.s32 s5, s10;
	s9 =	simm.s32 $0x400  }
0xb: {  	s10 =	simm.s32 $0x1;
	s8 =	sshrl.u32 s8, $0x3;
	s7 =	sshrl.u32 s7, $0x3  }
0xc: {  	s8 =	sadd.s32 s8, s4;
	s4 =	sadd.s32 $0x400, s4;
	s6 =	sadd.s32 s6, s7  }
0xd: {  	s7 =	smax.u32 s31, $0x1;
	s5 =	sadd.s32 $0x1000, s8;
	s8 =	simm.s32 $0x80  }
.LBB2_1:
0xe: {  	[tilespmem:s2], [sflag:$0x1] =	stream.strided.gather [hbm4b:s5+s8], $0x2000, s9, s8, $0x38;
	[tilespmem:$0xDD80] =	vst v63  }
0xf: {  	_ =	swait.ge [sflag:s10], $0x2000  }
0x10: {  	[sflag:s10] =	ssyncset.done $0x0  }
0x11: {  	[sflag:s10] =	ssyncadd.s32 $0xFFFFE000  }
0x12: {  	[tilespmem:s11], [sflag:$0x1] =	stream.linear.gather [hbm4b:s3+s2], $0x4800, $0x38;
	[tilespmem:$0xDD80] =	vst v63  }
0x13: {  	_ =	swait.ge [sflag:s10], $0x4800  }
0x14: {  	[sflag:s10] =	ssyncset.done $0x0  }
0x15: {  	[sflag:s10] =	ssyncadd.s32 $0xFFFFB800  }
0x16: {  	[tilespmem:s12], [sflag:$0x1] =	stream.linear.gather [hbm4b:s4+s2], $0x100, $0x38;
	[tilespmem:$0xDD80] =	vst v63  }
0x17: {  	_ =	swait.ge [sflag:s10], $0x100  }
0x18: {  	[sflag:s10] =	ssyncset.done $0x0  }
0x19: {  	[sflag:s10] =	ssyncadd.s32 $0xFFFFFF00  }
0x1a: {  	v0 =	vld [tilespmem:$0x6800];
	_ =	sdelay $0x3  }
0x1b: {  	s15 =	simm.s32 $0xC160  }
0x1c: {  	s22 =	sand.u32 $0x1F0, s2;
	[tilespmem:s15+$0xFFFFE020] =	vst v0  }
0x1d: {  	[tilespmem:s22+$0xBF80] =	vst v0  }
0x1e: {  	v0 =	vld [tilespmem:$0x6810];
	_ =	sdelay $0x4  }
0x1f: {  	[tilespmem:s15+$0xFFFFE200] =	vst v0  }
0x20: {  	[tilespmem:s15+$0x0] =	vst v0  }
0x21: {  	v0 =	vld [tilespmem:$0x6820];
	_ =	sdelay $0x4  }
0x22: {  	[tilespmem:s15+$0xFFFFE3E0] =	vst v0  }
0x23: {  	[tilespmem:s15+$0x1E0] =	vst v0  }
0x24: {  	v0 =	vld [tilespmem:$0x6830];
	_ =	sdelay $0x4  }
0x25: {  	[tilespmem:s15+$0xFFFFE5C0] =	vst v0  }
0x26: {  	[tilespmem:s15+$0x3C0] =	vst v0  }
0x27: {  	v0 =	vld [tilespmem:$0x6840];
	_ =	sdelay $0x2  }
0x28: {  	v1 =	vld [tilespmem:$0x6800];
	_ =	sdelay $0x1  }
0x29: {  	[tilespmem:s22+$0xA900] =	vst v0  }
0x2a: {  	[tilespmem:s22+$0xC700] =	vst v0  }
0x2b: {  	s17 =	simm.s32 $0x10;
	s16 =	simm.s32 $0xC170;
	v0 =	vld [tilespmem:$0x6850]  }
0x2c: {  	s18 =	sand.u32 $0x1F0, s17;
	[tilespmem:s16+$0xFFFFE020] =	vst v1  }
0x2d: {  	[tilespmem:s18+$0xBF80] =	vst v1  }
0x2e: {  	v1 =	vld [tilespmem:$0x6810];
	_ =	sdelay $0x1  }
0x2f: {  	[tilespmem:s15+$0xFFFFE980] =	vst v0  }
0x30: {  	[tilespmem:s15+$0x780] =	vst v0  }
0x31: {  	v0 =	vld [tilespmem:$0x6860]  }
0x32: {  	[tilespmem:s16+$0xFFFFE200] =	vst v1  }
0x33: {  	[tilespmem:s16+$0x0] =	vst v1  }
0x34: {  	v1 =	vld [tilespmem:$0x6820];
	_ =	sdelay $0x1  }
0x35: {  	[tilespmem:s15+$0xFFFFEB60] =	vst v0  }
0x36: {  	[tilespmem:s15+$0x960] =	vst v0  }
0x37: {  	v0 =	vld [tilespmem:$0x6870]  }
0x38: {  	[tilespmem:s16+$0xFFFFE3E0] =	vst v1  }
0x39: {  	[tilespmem:s16+$0x1E0] =	vst v1  }
0x3a: {  	v1 =	vld [tilespmem:$0x6830];
	_ =	sdelay $0x1  }
0x3b: {  	[tilespmem:s15+$0xFFFFED40] =	vst v0  }
0x3c: {  	[tilespmem:s15+$0xB40] =	vst v0  }
0x3d: {  	v0 =	vld [tilespmem:$0x6880]  }
0x3e: {  	[tilespmem:s16+$0xFFFFE5C0] =	vst v1  }
0x3f: {  	[tilespmem:s16+$0x3C0] =	vst v1  }
0x40: {  	v1 =	vld [tilespmem:$0x6840];
	_ =	sdelay $0x1  }
0x41: {  	v2 =	vld [tilespmem:$0x6800];
	[tilespmem:s22+$0xB080] =	vst v0  }
0x42: {  	[tilespmem:s22+$0xCE80] =	vst v0  }
0x43: {  	v0 =	vld [tilespmem:$0x6890]  }
0x44: {  	[tilespmem:s18+$0xA900] =	vst v1  }
0x45: {  	s19 =	simm.s32 $0x20;
	s17 =	simm.s32 $0xC180;
	[tilespmem:s18+$0xC700] =	vst v1  }
0x46: {  	s19 =	sand.u32 $0x1F0, s19;
	[tilespmem:s17+$0xFFFFE020] =	vst v2;
	v1 =	vld [tilespmem:$0x6850]  }
0x47: {  	[tilespmem:s19+$0xBF80] =	vst v2  }
0x48: {  	v2 =	vld [tilespmem:$0x6810];
	[tilespmem:s15+$0xFFFFF100] =	vst v0  }
0x49: {  	[tilespmem:s15+$0xF00] =	vst v0  }
0x4a: {  	v0 =	vld [tilespmem:$0x68A0]  }
0x4b: {  	[tilespmem:s16+$0xFFFFE980] =	vst v1  }
0x4c: {  	v3 =	vld [tilespmem:$0x6800];
	[tilespmem:s16+$0x780] =	vst v1  }
0x4d: {  	[tilespmem:s17+$0xFFFFE200] =	vst v2;
	v1 =	vld [tilespmem:$0x6860]  }
0x4e: {  	[tilespmem:s17+$0x0] =	vst v2  }
0x4f: {  	v2 =	vld [tilespmem:$0x6820];
	[tilespmem:s15+$0xFFFFF2E0] =	vst v0  }
0x50: {  	s20 =	simm.s32 $0xC190;
	[tilespmem:s15+$0x10E0] =	vst v0  }
0x51: {  	[tilespmem:s20+$0xFFFFE020] =	vst v3;
	v0 =	vld [tilespmem:$0x68B0]  }
0x52: {  	[tilespmem:s16+$0xFFFFEB60] =	vst v1  }
0x53: {  	[tilespmem:s16+$0x960] =	vst v1  }
0x54: {  	[tilespmem:s17+$0xFFFFE3E0] =	vst v2;
	v1 =	vld [tilespmem:$0x6870]  }
0x55: {  	[tilespmem:s17+$0x1E0] =	vst v2  }
0x56: {  	s21 =	simm.s32 $0x30;
	v2 =	vld [tilespmem:$0x6830];
	[tilespmem:s15+$0xFFFFF4C0] =	vst v0  }
0x57: {  	s21 =	sand.u32 $0x1F0, s21;
	[tilespmem:s15+$0x12C0] =	vst v0  }
0x58: {  	[tilespmem:s21+$0xBF80] =	vst v3;
	v0 =	vld [tilespmem:$0x68C0]  }
0x59: {  	[tilespmem:s16+$0xFFFFED40] =	vst v1  }
0x5a: {  	v3 =	vld [tilespmem:$0x6810];
	[tilespmem:s16+$0xB40] =	vst v1  }
0x5b: {  	[tilespmem:s17+$0xFFFFE5C0] =	vst v2;
	v1 =	vld [tilespmem:$0x6880]  }
0x5c: {  	[tilespmem:s17+$0x3C0] =	vst v2  }
0x5d: {  	v2 =	vld [tilespmem:$0x6840];
	[tilespmem:s22+$0xB800] =	vst v0  }
0x5e: {  	[tilespmem:s22+$0xD600] =	vst v0  }
0x5f: {  	[tilespmem:s20+$0xFFFFE200] =	vst v3;
	v0 =	vld [tilespmem:$0x68D0]  }
0x60: {  	[tilespmem:s18+$0xB080] =	vst v1  }
0x61: {  	[tilespmem:s18+$0xCE80] =	vst v1  }
0x62: {  	[tilespmem:s19+$0xA900] =	vst v2;
	v1 =	vld [tilespmem:$0x6890]  }
0x63: {  	[tilespmem:s19+$0xC700] =	vst v2  }
0x64: {  	v2 =	vld [tilespmem:$0x6850];
	[tilespmem:s15+$0xFFFFF880] =	vst v0  }
0x65: {  	[tilespmem:s15+$0x1680] =	vst v0  }
0x66: {  	[tilespmem:s20+$0x0] =	vst v3;
	v0 =	vld [tilespmem:$0x68E0]  }
0x67: {  	[tilespmem:s16+$0xFFFFF100] =	vst v1  }
0x68: {  	v3 =	vld [tilespmem:$0x6820];
	[tilespmem:s16+$0xF00] =	vst v1  }
0x69: {  	[tilespmem:s17+$0xFFFFE980] =	vst v2;
	v1 =	vld [tilespmem:$0x68A0]  }
0x6a: {  	[tilespmem:s17+$0x780] =	vst v2  }
0x6b: {  	[tilespmem:s15+$0xFFFFFA60] =	vst v0  }
0x6c: {  	v2 =	vld [tilespmem:$0x6860];
	[tilespmem:s15+$0x1860] =	vst v0  }
0x6d: {  	[tilespmem:s20+$0xFFFFE3E0] =	vst v3;
	v0 =	vld [tilespmem:$0x68F0]  }
0x6e: {  	[tilespmem:s16+$0xFFFFF2E0] =	vst v1  }
0x6f: {  	[tilespmem:s16+$0x10E0] =	vst v1  }
0x70: {  	[tilespmem:s20+$0x1E0] =	vst v3;
	v1 =	vld [tilespmem:$0x68B0]  }
0x71: {  	[tilespmem:s17+$0xFFFFEB60] =	vst v2  }
0x72: {  	v3 =	vld [tilespmem:$0x6830];
	s22 =	simm.s32 $0x40;
	[tilespmem:s15+$0x1A40] =	vst v0  }
.LBB2_2:
0x73: {  	p0 =	sne.s32 s22, $0x1D0;
	[tilespmem:s17+$0x960] =	vst v2  }
0x74: {  	v2 =	vld [tilespmem:$0x6870];
	[tilespmem:s15+$0xFFFFFC40] =	vst v0;
	s15 =	smov.u32 s16;
	s16 =	smov.u32 s17;
	s17 =	smov.u32 s20  }
0x75: {  	[tilespmem:s15+$0xFFFFF4C0] =	vst v1  }
0x76: {  	v0 =	vld [tilespmem:$0x6800];
	[tilespmem:s15+$0x12C0] =	vst v1  }
0x77: {  	[tilespmem:s20+$0xFFFFE5C0] =	vst v3;
	v1 =	vld [tilespmem:$0x68C0]  }
0x78: {  	[tilespmem:s20+$0x3C0] =	vst v3  }
0x79: {  	[tilespmem:s16+$0xFFFFED40] =	vst v2  }
0x7a: {  	s20 =	sadd.s32 $0x10, s20;
	v3 =	vld [tilespmem:$0x6840];
	[tilespmem:s16+$0xB40] =	vst v2  }
0x7b: {  	[tilespmem:s20+$0xFFFFE020] =	vst v0;
	v2 =	vld [tilespmem:$0x6880]  }
0x7c: {  	[tilespmem:s18+$0xB800] =	vst v1  }
0x7d: {  	[tilespmem:s18+$0xD600] =	vst v1;
	s18 =	smov.u32 s19;
	s19 =	smov.u32 s21;
	s21 =	sand.u32 $0x1F0, s22  }
0x7e: {  	[tilespmem:s21+$0xBF80] =	vst v0;
	v0 =	vld [tilespmem:$0x68D0]  }
0x7f: {  	[tilespmem:s19+$0xA900] =	vst v3  }
0x80: {  	v1 =	vld [tilespmem:$0x6810];
	[tilespmem:s18+$0xB080] =	vst v2  }
0x81: {  	[tilespmem:s18+$0xCE80] =	vst v2  }
0x82: {  	[tilespmem:s19+$0xC700] =	vst v3;
	v2 =	vld [tilespmem:$0x6890]  }
0x83: {  	[tilespmem:s15+$0xFFFFF880] =	vst v0  }
0x84: {  	v3 =	vld [tilespmem:$0x6850];
	[tilespmem:s15+$0x1680] =	vst v0  }
0x85: {  	[tilespmem:s20+$0xFFFFE200] =	vst v1;
	v0 =	vld [tilespmem:$0x68E0]  }
0x86: {  	[tilespmem:s20+$0x0] =	vst v1  }
0x87: {  	[tilespmem:s16+$0xFFFFF100] =	vst v2  }
0x88: {  	v1 =	vld [tilespmem:$0x6820];
	[tilespmem:s16+$0xF00] =	vst v2  }
0x89: {  	[tilespmem:s17+$0xFFFFE980] =	vst v3;
	v4 =	vld [tilespmem:$0x68A0]  }
0x8a: {  	[tilespmem:s15+$0xFFFFFA60] =	vst v0  }
0x8b: {  	[tilespmem:s15+$0x1860] =	vst v0  }
0x8c: {  	[tilespmem:s17+$0x780] =	vst v3;
	v0 =	vld [tilespmem:$0x68F0]  }
0x8d: {  	[tilespmem:s20+$0xFFFFE3E0] =	vst v1;
	v2 =	vld [tilespmem:$0x6860]  }
.Ltmp0:
0x8e: {  	[tilespmem:s16+$0xFFFFF2E0] =	vst v4;
	(pc) =	sbr.rel @p0 .LBB2_2-.Ltmp0, $4  }
0x8f: {  	[tilespmem:s16+$0x10E0] =	vst v4  }
0x90: {  	[tilespmem:s20+$0x1E0] =	vst v1;
	v1 =	vld [tilespmem:$0x68B0]  }
0x91: {  	[tilespmem:s15+$0x1A40] =	vst v0  }
0x92: {  	s22 =	sadd.s32 $0x10, s22;
	v3 =	vld [tilespmem:$0x6830];
	[tilespmem:s17+$0xFFFFEB60] =	vst v2  }
0x93: {  	_ =	sdelay $0x3  }
0x94: {  	[tilespmem:s20+$0xFFFFE5C0] =	vst v3  }
0x95: {  	[tilespmem:s20+$0x3C0] =	vst v3  }
0x96: {  	v3 =	vld [tilespmem:$0x6840];
	_ =	sdelay $0x4  }
0x97: {  	[tilespmem:s21+$0xA900] =	vst v3  }
0x98: {  	[tilespmem:s21+$0xC700] =	vst v3  }
0x99: {  	v3 =	vld [tilespmem:$0x6850];
	_ =	sdelay $0x4  }
0x9a: {  	[tilespmem:s20+$0xFFFFE980] =	vst v3  }
0x9b: {  	[tilespmem:s20+$0x780] =	vst v3  }
0x9c: {  	v3 =	vld [tilespmem:$0x6860];
	_ =	sdelay $0x3  }
0x9d: {  	[tilespmem:s17+$0x960] =	vst v2  }
0x9e: {  	v2 =	vld [tilespmem:$0x6870];
	[tilespmem:s20+$0xFFFFEB60] =	vst v3  }
0x9f: {  	[tilespmem:s20+$0x960] =	vst v3  }
0xa0: {  	v3 =	vld [tilespmem:$0x6870];
	_ =	sdelay $0x2  }
0xa1: {  	[tilespmem:s17+$0xFFFFED40] =	vst v2  }
0xa2: {  	[tilespmem:s17+$0xB40] =	vst v2  }
0xa3: {  	v2 =	vld [tilespmem:$0x6880];
	[tilespmem:s20+$0xFFFFED40] =	vst v3  }
0xa4: {  	[tilespmem:s20+$0xB40] =	vst v3  }
0xa5: {  	v3 =	vld [tilespmem:$0x6880];
	_ =	sdelay $0x2  }
0xa6: {  	[tilespmem:s19+$0xB080] =	vst v2  }
0xa7: {  	[tilespmem:s19+$0xCE80] =	vst v2  }
0xa8: {  	v2 =	vld [tilespmem:$0x6890];
	[tilespmem:s21+$0xB080] =	vst v3  }
0xa9: {  	[tilespmem:s21+$0xCE80] =	vst v3  }
0xaa: {  	v3 =	vld [tilespmem:$0x6890];
	_ =	sdelay $0x2  }
0xab: {  	[tilespmem:s17+$0xFFFFF100] =	vst v2  }
0xac: {  	[tilespmem:s17+$0xF00] =	vst v2  }
0xad: {  	v2 =	vld [tilespmem:$0x68A0];
	[tilespmem:s20+$0xFFFFF100] =	vst v3  }
0xae: {  	[tilespmem:s20+$0xF00] =	vst v3  }
0xaf: {  	v3 =	vld [tilespmem:$0x68A0];
	_ =	sdelay $0x2  }
0xb0: {  	[tilespmem:s17+$0xFFFFF2E0] =	vst v2  }
0xb1: {  	[tilespmem:s17+$0x10E0] =	vst v2  }
0xb2: {  	v2 =	vld [tilespmem:$0x68B0];
	[tilespmem:s20+$0xFFFFF2E0] =	vst v3  }
0xb3: {  	[tilespmem:s20+$0x10E0] =	vst v3  }
0xb4: {  	v3 =	vld [tilespmem:$0x68B0]  }
0xb5: {  	[tilespmem:s16+$0xFFFFF4C0] =	vst v1  }
0xb6: {  	[tilespmem:s16+$0x12C0] =	vst v1  }
0xb7: {  	v1 =	vld [tilespmem:$0x68C0];
	[tilespmem:s17+$0xFFFFF4C0] =	vst v2  }
0xb8: {  	[tilespmem:s17+$0x12C0] =	vst v2  }
0xb9: {  	v2 =	vld [tilespmem:$0x68C0];
	[tilespmem:s20+$0xFFFFF4C0] =	vst v3  }
0xba: {  	[tilespmem:s20+$0x12C0] =	vst v3  }
0xbb: {  	v3 =	vld [tilespmem:$0x68C0]  }
0xbc: {  	[tilespmem:s18+$0xB800] =	vst v1  }
0xbd: {  	[tilespmem:s18+$0xD600] =	vst v1  }
0xbe: {  	v1 =	vld [tilespmem:$0x68D0];
	[tilespmem:s19+$0xB800] =	vst v2  }
0xbf: {  	[tilespmem:s19+$0xD600] =	vst v2  }
0xc0: {  	v2 =	vld [tilespmem:$0x68D0];
	[tilespmem:s21+$0xB800] =	vst v3  }
0xc1: {  	[tilespmem:s21+$0xD600] =	vst v3  }
0xc2: {  	v3 =	vld [tilespmem:$0x68D0]  }
0xc3: {  	[tilespmem:s16+$0xFFFFF880] =	vst v1  }
0xc4: {  	[tilespmem:s16+$0x1680] =	vst v1  }
0xc5: {  	v1 =	vld [tilespmem:$0x68E0];
	[tilespmem:s17+$0xFFFFF880] =	vst v2  }
0xc6: {  	[tilespmem:s17+$0x1680] =	vst v2  }
0xc7: {  	v2 =	vld [tilespmem:$0x68E0];
	[tilespmem:s20+$0xFFFFF880] =	vst v3  }
0xc8: {  	[tilespmem:s20+$0x1680] =	vst v3  }
0xc9: {  	v3 =	vld [tilespmem:$0x68E0]  }
0xca: {  	[tilespmem:s16+$0xFFFFFA60] =	vst v1  }
0xcb: {  	[tilespmem:s16+$0x1860] =	vst v1  }
0xcc: {  	v1 =	vld [tilespmem:$0x68F0];
	[tilespmem:s17+$0xFFFFFA60] =	vst v2  }
0xcd: {  	[tilespmem:s17+$0x1860] =	vst v2  }
0xce: {  	v2 =	vld [tilespmem:$0x68F0];
	[tilespmem:s20+$0xFFFFFA60] =	vst v3  }
0xcf: {  	[tilespmem:s20+$0x1860] =	vst v3  }
0xd0: {  	[tilespmem:s15+$0xFFFFFC40] =	vst v0;
	v63 =	vld [tilespmem:$0x68F0]  }
0xd1: {  	[tilespmem:s16+$0x1A40] =	vst v1  }
0xd2: {  	[tilespmem:s16+$0xFFFFFC40] =	vst v1  }
0xd3: {  	[tilespmem:s17+$0x1A40] =	vst v2  }
0xd4: {  	[tilespmem:s17+$0xFFFFFC40] =	vst v2  }
0xd5: {  	[tilespmem:s20+$0x1A40] =	vst v63  }
0xd6: {  	s15 =	simm.s32 $0x0;
	s16 =	simm.s32 $0x0;
	s17 =	simm.s32 $0x0;
	[tilespmem:s20+$0xFFFFFC40] =	vst v63  }
.LBB2_4:
0xd7: {  	s18 =	sand.u32 $0x3, s17  }
0xd8: {  	s19 =	sshrl.u32 s17, $0x2;
	s20 =	smul.u32 $0x120, s18  }
0xd9: {  	s21 =	smul.u32 $0x9, s19;
	_ =	sdelay $0x1  }
0xda: {  	s20 =	sadd.s32 s21, s20  }
0xdb: {  	s20 =	sshll.u32 s20, $0x4  }
0xdc: {  	s22 =	sand.u32 $0x3FFFFFF0, s20  }
0xdd: {  	v24 =	vld [tilespmem:s22+$0x2000]  }
0xde: {  	v25 =	vld [tilespmem:s22+$0x2010]  }
0xdf: {  	v28 =	vld [tilespmem:s22+$0x2020]  }
0xe0: {  	s23 =	sshll.u32 s18, $0x2;
	v32 =	vld [tilespmem:s22+$0x2030]  }
0xe1: {  	s24 =	sor.u32 $0x1, s23;
	v55 =	vld [tilespmem:s22+$0x2040]  }
0xe2: {  	s23 =	sor.u32 $0x2, s23;
	s24 =	smul.u32 $0x48, s24;
	v43 =	vld [tilespmem:s22+$0x2050]  }
0xe3: {  	s18 =	sshllo.u32 s18, $0x2;
	s23 =	smul.u32 $0x48, s23;
	v41 =	vld [tilespmem:s22+$0x2060]  }
0xe4: {  	s18 =	smul.u32 $0x48, s18;
	s24 =	sadd.s32 s21, s24;
	s20 =	sand.u32 $0x7FF0, s20;
	v44 =	vld [tilespmem:s22+$0x2070]  }
0xe5: {  	s23 =	sadd.s32 s21, s23;
	s28 =	sshll.u32 s24, $0x4;
	v29 =	vld [tilespmem:s20+$0x2080]  }
0xe6: {  	s18 =	sadd.s32 s21, s18;
	s30 =	sshll.u32 s23, $0x4;
	v47 =	vld [tilespmem:s28+$0x2080]  }
0xe7: {  	s23 =	sshll.u32 s18, $0x4;
	v0 =	vld [tilespmem:s30+$0x2080]  }
0xe8: {  	s29 =	sand.u32 $0x3FFFFFF0, s28;
	v61 =	vld [tilespmem:s23+$0x2080]  }
0xe9: {  	v27 =	vld [tilespmem:s29+$0x2000]  }
0xea: {  	v31 =	vld [tilespmem:s29+$0x2010]  }
0xeb: {  	v45 =	vld [tilespmem:s29+$0x2020]  }
0xec: {  	v58 =	vld [tilespmem:s29+$0x2030]  }
0xed: {  	v35 =	vld [tilespmem:s29+$0x2040]  }
0xee: {  	v60 =	vld [tilespmem:s29+$0x2050]  }
0xef: {  	v62 =	vld [tilespmem:s29+$0x2060]  }
0xf0: {  	s31 =	sand.u32 $0x3FFFFFF0, s30;
	v38 =	vld [tilespmem:s29+$0x2070]  }
0xf1: {  	v33 =	vld [tilespmem:s31+$0x2000]  }
0xf2: {  	v57 =	vld [tilespmem:s31+$0x2010]  }
0xf3: {  	v30 =	vld [tilespmem:s31+$0x2020]  }
0xf4: {  	v39 =	vld [tilespmem:s31+$0x2030]  }
0xf5: {  	v40 =	vld [tilespmem:s31+$0x2040]  }
0xf6: {  	v42 =	vld [tilespmem:s31+$0x2050]  }
0xf7: {  	v36 =	vld [tilespmem:s31+$0x2060]  }
0xf8: {  	s24 =	sand.u32 $0x3FFFFFF0, s23;
	v23 =	vld [tilespmem:s31+$0x2070]  }
0xf9: {  	v56 =	vld [tilespmem:s24+$0x2000]  }
0xfa: {  	s25 =	sand.u32 $0x380, s15;
	s20 =	sshll.u32 s19, $0xA;
	v54 =	vld [tilespmem:s24+$0x2010]  }
0xfb: {  	s26 =	sand.u32 $0x40, s15;
	s18 =	sadd.s32 s25, s20;
	v52 =	vld [tilespmem:s24+$0x2020]  }
0xfc: {  	v51 =	vld [tilespmem:s24+$0x2030];
	s28 =	sadd.s32 s26, s18;
	[tilespmem:$0x1FBC0] =	vst v0  }
0xfd: {  	v0 =	vld [tilespmem:s28+$0x22]  }
0xfe: {  	s29 =	sand.u32 $0x3, s16;
	v2 =	vld [tilespmem:s28+$0x21]  }
0xff: {  	s30 =	smul.u32 $0x1E00, s29;
	v3 =	vld [tilespmem:s28+$0x20]  }
0x100: {  	v1 =	vld [tilespmem:s28+$0x2]  }
0x101: {  	s18 =	sshrl.u32 s30, $0x2;
	v4 =	vld [tilespmem:s28+$0x1]  }
0x102: {  	s18 =	sadd.s32 $0xA180, s18;
	v5 =	vld [tilespmem:s28+$0x0]  }
0x103: {  	v9 =	vld [tilespmem:s18+$0x0];
	v6 =	vmul.f32 v0, v43  }
0x104: {  	v12 =	vld [tilespmem:s18+$0x1E0];
	v7 =	vmul.f32 v0, v60;
	v8 =	vmul.f32 v0, v42  }
0x105: {  	v15 =	vld [tilespmem:s18+$0x3C0];
	v10 =	vmul.f32 v2, v55;
	v14 =	vmul.f32 v3, v32  }
0x106: {  	v18 =	vld [tilespmem:s18+$0x5A0];
	v16 =	vmul.f32 v3, v58;
	v17 =	vmul.f32 v1, v28  }
0x107: {  	v50 =	vld [tilespmem:s24+$0x2040];
	v19 =	vmul.f32 v5, v24;
	v20 =	vmul.f32 v4, v25  }
0x108: {  	v53 =	vld [tilespmem:s24+$0x2050];
	v21 =	vmul.f32 v5, v27;
	v22 =	vmul.f32 v5, v33  }
0x109: {  	v49 =	vld [tilespmem:s24+$0x2060];
	s31 =	sadd.s32 $0x0, s20;
	v5 =	vmul.f32 v5, v56;
	v9 =	vadd.f32 v9, v19;
	v19 =	vmul.f32 v4, v31  }
0x10a: {  	s21 =	simm.s32 $0x40;
	v48 =	vld [tilespmem:s24+$0x2070];
	s25 =	sadd.s32 $0x40, s31;
	v12 =	vadd.f32 v12, v21;
	v15 =	vadd.f32 v15, v22;
	v21 =	vmul.f32 v4, v57  }
0x10b: {  	s22 =	sand.u32 $0x40, s21;
	s25 =	sand.u32 $0x3F80, s25;
	v37 =	vld [tilespmem:s28+$0xF];
	v18 =	vadd.f32 v18, v5;
	v4 =	vmul.f32 v4, v54;
	v9 =	vadd.f32 v9, v20  }
0x10c: {  	s25 =	sor.u32 s22, s25;
	v26 =	vld [tilespmem:s28+$0x10];
	v12 =	vadd.f32 v12, v19;
	v15 =	vadd.f32 v15, v21;
	v20 =	vmul.f32 v1, v30  }
0x10d: {  	v22 =	vmul.f32 v1, v45;
	v4 =	vadd.f32 v18, v4;
	v18 =	vld [tilespmem:s25+$0x1];
	v9 =	vadd.f32 v9, v17  }
0x10e: {  	v1 =	vmul.f32 v1, v52;
	v21 =	vmul.f32 v3, v39;
	v17 =	vld [tilespmem:s25+$0x0];
	v15 =	vadd.f32 v15, v20  }
0x10f: {  	v59 =	vld [tilespmem:s28+$0x2E];
	v12 =	vadd.f32 v12, v22;
	v20 =	vmul.f32 v3, v51;
	v9 =	vadd.f32 v9, v14  }
0x110: {  	v63 =	vld [tilespmem:s28+$0x2F];
	v1 =	vadd.f32 v4, v1;
	v4 =	vmul.f32 v2, v40;
	v15 =	vadd.f32 v15, v21  }
0x111: {  	v46 =	vld [tilespmem:s28+$0x30];
	v13 =	vmul.f32 v2, v35;
	v12 =	vadd.f32 v12, v16;
	v9 =	vadd.f32 v9, v10  }
0x112: {  	s26 =	simm.s32 $0x60;
	s24 =	sadd.s32 $0x60, s31;
	v34 =	vld [tilespmem:s28+$0xE];
	v14 =	vmul.f32 v2, v50;
	v1 =	vadd.f32 v1, v20;
	v4 =	vadd.f32 v15, v4  }
0x113: {  	s23 =	sand.u32 $0x60, s26;
	s24 =	sand.u32 $0x3F80, s24;
	v5 =	vld [tilespmem:s25+$0x2];
	v16 =	vmul.f32 v18, v44;
	v6 =	vadd.f32 v9, v6;
	v9 =	vmul.f32 v17, v41  }
0x114: {  	s23 =	sor.u32 s23, s24;
	v22 =	vld [tilespmem:s25+$0xE];
	v12 =	vadd.f32 v12, v13;
	v4 =	vadd.f32 v4, v8;
	v8 =	vmul.f32 v17, v36  }
0x115: {  	v11 =	vmul.f32 v0, v53;
	v21 =	vld [tilespmem:s23+$0x0];
	v1 =	vadd.f32 v1, v14;
	v6 =	vadd.f32 v6, v9  }
0x116: {  	v20 =	vld [tilespmem:s23+$0xE];
	v14 =	vmul.f32 v18, v23;
	v7 =	vadd.f32 v12, v7;
	v4 =	vadd.f32 v4, v8  }
0x117: {  	v12 =	vmul.f32 v17, v62;
	v6 =	vadd.f32 v6, v16;
	v16 =	vmovc v26;
	v26 =	vmovc v61;
	v61 =	vmov v48;
	v48 =	vld [tilespmem:$0x1FBC0]  }
0x118: {  	v1 =	vadd.f32 v1, v11;
	v9 =	vmul.f32 v17, v49;
	v4 =	vadd.f32 v4, v14;
	v14 =	vld [tilespmem:s23+$0x10]  }
0x119: {  	v15 =	vld [tilespmem:s25+$0xF];
	v11 =	vmul.f32 v18, v38;
	v7 =	vadd.f32 v7, v12  }
0x11a: {  	v19 =	vmovc v29;
	v10 =	vmul.f32 v5, v29;
	v29 =	vld [tilespmem:s25+$0x10];
	v1 =	vadd.f32 v1, v9;
	v9 =	vmul.f32 v18, v61  }
0x11b: {  	v13 =	vmul.f32 v5, v47;
	v8 =	vld [tilespmem:s23+$0x1];
	v7 =	vadd.f32 v7, v11  }
0x11c: {  	v12 =	vld [tilespmem:s23+$0xF];
	v6 =	vadd.f32 v6, v10;
	v1 =	vadd.f32 v1, v9;
	v9 =	vmul.f32 v5, v26  }
0x11d: {  	v11 =	vld [tilespmem:s23+$0x2];
	v7 =	vadd.f32 v7, v13;
	v10 =	vmul.f32 v5, v48;
	[tilespmem:$0x1FBD0] =	vst v14  }
0x11e: {  	v1 =	vadd.f32 v1, v9;
	[tilespmem:s18+$0x0] =	vst v6  }
0x11f: {  	s19 =	smul.u32 $0x780, s29;
	[tilespmem:s18+$0x1E0] =	vst v7;
	v4 =	vadd.f32 v4, v10  }
0x120: {  	[tilespmem:s18+$0x5A0] =	vst v1  }
0x121: {  	s28 =	sand.u32 $0x3FE0, s19;
	[tilespmem:s18+$0x3C0] =	vst v4  }
0x122: {  	v1 =	vld [tilespmem:s28+$0xBF80];
	_ =	sdelay $0x2  }
0x123: {  	v4 =	vmul.f32 v34, v24;
	_ =	sdelay $0x1  }
0x124: {  	v1 =	vadd.f32 v1, v4;
	v4 =	vmul.f32 v37, v25;
	_ =	sdelay $0x1  }
0x125: {  	v1 =	vadd.f32 v1, v4;
	v4 =	vmul.f32 v16, v28;
	_ =	sdelay $0x1  }
0x126: {  	v1 =	vadd.f32 v1, v4;
	v4 =	vmul.f32 v59, v32;
	_ =	sdelay $0x1  }
0x127: {  	v1 =	vadd.f32 v1, v4;
	v4 =	vmul.f32 v63, v55;
	_ =	sdelay $0x1  }
0x128: {  	v1 =	vadd.f32 v1, v4;
	v4 =	vmul.f32 v46, v43;
	_ =	sdelay $0x1  }
0x129: {  	v1 =	vadd.f32 v1, v4;
	v4 =	vmul.f32 v22, v41;
	_ =	sdelay $0x1  }
0x12a: {  	v1 =	vadd.f32 v1, v4;
	v4 =	vmul.f32 v15, v44;
	_ =	sdelay $0x1  }
0x12b: {  	v4 =	vadd.f32 v1, v4;
	v1 =	vmul.f32 v3, v24;
	_ =	sdelay $0x1  }
0x12c: {  	[tilespmem:$0x1FBE0] =	vst v1;
	v1 =	vmul.f32 v3, v27;
	_ =	sdelay $0x1  }
0x12d: {  	[tilespmem:$0x1FBF0] =	vst v1;
	v1 =	vmul.f32 v3, v33;
	_ =	sdelay $0x1  }
0x12e: {  	[tilespmem:$0x1FC00] =	vst v1;
	v1 =	vmul.f32 v3, v56;
	_ =	sdelay $0x1  }
0x12f: {  	[tilespmem:$0x1FC10] =	vst v1;
	v1 =	vmul.f32 v2, v25;
	_ =	sdelay $0x1  }
0x130: {  	[tilespmem:$0x1FC20] =	vst v1;
	v1 =	vmul.f32 v2, v31  }
0x131: {  	v6 =	vmul.f32 v29, v19  }
0x132: {  	[tilespmem:$0x1FC30] =	vst v1;
	v1 =	vmul.f32 v2, v57  }
0x133: {  	v4 =	vadd.f32 v4, v6  }
0x134: {  	[tilespmem:$0x1FC40] =	vst v1;
	v1 =	vmul.f32 v2, v54  }
0x135: {  	[tilespmem:s28+$0xBF80] =	vst v4  }
0x136: {  	[tilespmem:$0x1FC50] =	vst v1;
	v1 =	vmul.f32 v0, v28;
	_ =	sdelay $0x1  }
0x137: {  	s29 =	sadd.s32 $0x1E0, s19;
	[tilespmem:$0x1FC60] =	vst v1;
	v1 =	vmul.f32 v0, v45  }
0x138: {  	s30 =	sand.u32 $0x7FFFFFE0, s29  }
0x139: {  	v4 =	vld [tilespmem:s30+$0xBF80];
	[tilespmem:$0x1FC70] =	vst v1;
	v1 =	vmul.f32 v0, v30;
	_ =	sdelay $0x1  }
0x13a: {  	[tilespmem:$0x1FC80] =	vst v1;
	v1 =	vmul.f32 v17, v39;
	_ =	sdelay $0x1  }
0x13b: {  	[tilespmem:$0x1FCC0] =	vst v1;
	v1 =	vmul.f32 v17, v51;
	_ =	sdelay $0x1  }
0x13c: {  	[tilespmem:$0x1FCD0] =	vst v1;
	v1 =	vmul.f32 v18, v55;
	_ =	sdelay $0x1  }
0x13d: {  	[tilespmem:$0x1FCE0] =	vst v1;
	v1 =	vmul.f32 v18, v35;
	_ =	sdelay $0x1  }
0x13e: {  	[tilespmem:$0x1FCF0] =	vst v1;
	v1 =	vmul.f32 v18, v40;
	_ =	sdelay $0x1  }
0x13f: {  	[tilespmem:$0x1FD00] =	vst v1;
	v1 =	vmul.f32 v18, v50;
	_ =	sdelay $0x1  }
0x140: {  	[tilespmem:$0x1FD10] =	vst v1;
	v1 =	vmul.f32 v5, v43;
	_ =	sdelay $0x1  }
0x141: {  	[tilespmem:$0x1FD20] =	vst v1;
	v1 =	vmul.f32 v5, v60;
	_ =	sdelay $0x1  }
0x142: {  	[tilespmem:$0x1FD30] =	vst v1;
	v1 =	vmul.f32 v5, v42;
	_ =	sdelay $0x1  }
0x143: {  	[tilespmem:$0x1FD40] =	vst v1;
	v1 =	vmul.f32 v21, v41;
	_ =	sdelay $0x1  }
0x144: {  	[tilespmem:$0x1FD50] =	vst v1;
	v1 =	vmul.f32 v21, v62;
	_ =	sdelay $0x1  }
0x145: {  	[tilespmem:$0x1FD60] =	vst v1;
	v1 =	vmul.f32 v8, v44;
	_ =	sdelay $0x1  }
0x146: {  	[tilespmem:$0x1FD70] =	vst v1;
	v1 =	vmul.f32 v8, v38  }
0x147: {  	v0 =	vmul.f32 v0, v52  }
0x148: {  	[tilespmem:$0x1FD80] =	vst v1;
	v1 =	vmul.f32 v8, v23  }
0x149: {  	[tilespmem:$0x1FC90] =	vst v0;
	v0 =	vmul.f32 v17, v32  }
0x14a: {  	[tilespmem:$0x1FD90] =	vst v1;
	v1 =	vmul.f32 v8, v61  }
0x14b: {  	[tilespmem:$0x1FCA0] =	vst v0;
	v0 =	vmul.f32 v17, v58  }
0x14c: {  	[tilespmem:$0x1FDA0] =	vst v1;
	v1 =	vmul.f32 v59, v33  }
0x14d: {  	[tilespmem:$0x1FCB0] =	vst v0;
	v0 =	vmul.f32 v34, v27  }
0x14e: {  	[tilespmem:$0x1FDD0] =	vst v1;
	v1 =	vmul.f32 v63, v25  }
0x14f: {  	v7 =	vmul.f32 v37, v31;
	[tilespmem:$0x1FDB0] =	vst v24;
	v0 =	vadd.f32 v4, v0;
	v18 =	vmul.f32 v16, v45  }
0x150: {  	[tilespmem:$0x1FDF0] =	vst v1;
	v1 =	vmul.f32 v63, v31  }
0x151: {  	[tilespmem:$0x1FDC0] =	vst v27;
	v17 =	vadd.f32 v0, v7  }
0x152: {  	[tilespmem:$0x1FE10] =	vst v1;
	v1 =	vmul.f32 v63, v57  }
0x153: {  	v4 =	vmovc v49;
	v49 =	vmovc v20;
	v20 =	vmul.f32 v59, v58;
	v17 =	vadd.f32 v17, v18;
	v18 =	vmov v46  }
0x154: {  	[tilespmem:$0x1FE20] =	vst v1;
	v1 =	vmul.f32 v18, v28  }
0x155: {  	v14 =	vmul.f32 v5, v53;
	[tilespmem:$0x1FDE0] =	vst v25;
	v17 =	vadd.f32 v17, v20;
	v5 =	vmul.f32 v63, v35  }
0x156: {  	[tilespmem:$0x1FE40] =	vst v1;
	v1 =	vmul.f32 v18, v45  }
0x157: {  	[tilespmem:$0x1FE00] =	vst v31;
	v5 =	vadd.f32 v17, v5;
	v17 =	vmul.f32 v18, v60  }
0x158: {  	[tilespmem:$0x1FE60] =	vst v1;
	v1 =	vmul.f32 v18, v30  }
0x159: {  	[tilespmem:$0x1FE30] =	vst v28;
	v5 =	vadd.f32 v5, v17;
	v8 =	vmul.f32 v22, v62  }
0x15a: {  	[tilespmem:$0x1FE70] =	vst v1;
	v1 =	vmul.f32 v22, v32  }
0x15b: {  	[tilespmem:$0x1FE50] =	vst v45;
	v5 =	vadd.f32 v5, v8;
	v8 =	vmul.f32 v15, v38  }
0x15c: {  	[tilespmem:$0x1FE90] =	vst v1;
	v1 =	vmul.f32 v22, v58  }
0x15d: {  	[tilespmem:$0x1FE80] =	vst v32;
	v5 =	vadd.f32 v5, v8;
	v8 =	vmul.f32 v29, v47  }
0x15e: {  	[tilespmem:$0x1FEB0] =	vst v1;
	v1 =	vmul.f32 v22, v39  }
0x15f: {  	[tilespmem:$0x1FEA0] =	vst v58;
	v5 =	vadd.f32 v5, v8  }
0x160: {  	[tilespmem:$0x1FEC0] =	vst v1;
	v1 =	vmul.f32 v15, v55  }
0x161: {  	[tilespmem:s30+$0xBF80] =	vst v5  }
0x162: {  	[tilespmem:$0x1FEE0] =	vst v1;
	v1 =	vmul.f32 v15, v35  }
0x163: {  	[tilespmem:$0x1FED0] =	vst v55  }
0x164: {  	[tilespmem:$0x1FF00] =	vst v1;
	v1 =	vmul.f32 v15, v40  }
0x165: {  	[tilespmem:$0x1FEF0] =	vst v35  }
0x166: {  	[tilespmem:$0x1FF10] =	vst v1;
	v1 =	vmul.f32 v29, v43  }
0x167: {  	s31 =	sadd.s32 $0x3C0, s19;
	[tilespmem:$0x1FF20] =	vst v43  }
0x168: {  	s23 =	sand.u32 $0x7FFFFFE0, s31;
	[tilespmem:$0x1FF30] =	vst v1  }
0x169: {  	v5 =	vld [tilespmem:s23+$0xBF80];
	[tilespmem:$0x1FF40] =	vst v60  }
0x16a: {  	[tilespmem:$0x1FF70] =	vst v41  }
0x16b: {  	[tilespmem:$0x1FF80] =	vst v62  }
0x16c: {  	v3 =	vmul.f32 v59, v24;
	v2 =	vmul.f32 v59, v27;
	[tilespmem:$0x1FF90] =	vst v33  }
0x16d: {  	v6 =	vmul.f32 v21, v4;
	v27 =	vmul.f32 v49, v41;
	[tilespmem:$0x1FFA0] =	vst v44  }
0x16e: {  	v46 =	vmul.f32 v21, v36;
	v20 =	vmul.f32 v11, v47;
	[tilespmem:$0x1FFB0] =	vst v38  }
0x16f: {  	p1 =	por $0x1, $0x1;
	v7 =	vmov v59;
	v21 =	vmul.f32 v11, v48;
	v59 =	vmul.f32 v49, v36;
	[tilespmem:$0x1FFC0] =	vst v57  }
.Ltmp1:
0x170: {  	v9 =	vmovc v23;
	v10 =	vmov v19;
	v8 =	vmul.f32 v34, v33;
	v1 =	vmul.f32 v29, v60;
	[tilespmem:$0x1FFD0] =	vst v30;
	(pc) =	sbr.rel @!p1 .LBB2_5-.Ltmp1, $4  }
0x171: {  	v19 =	vmovc v37;
	v0 =	vmov v63;
	v25 =	vmul.f32 v12, v38;
	v63 =	vmul.f32 v12, v44;
	[tilespmem:$0x1FFE0] =	vst v6  }
0x172: {  	[tilespmem:$0x1FF50] =	vst v1;
	v1 =	vmul.f32 v29, v42;
	v5 =	vadd.f32 v5, v8;
	v8 =	vmul.f32 v37, v57  }
0x173: {  	v32 =	vmovc v10;
	v58 =	vmul.f32 v16, v30;
	v35 =	vmul.f32 v49, v62;
	v38 =	vmov v11;
	[tilespmem:$0x1FFF0] =	vst v27  }
0x174: {  	p0 =	por $0x0, $0x0;
	v62 =	vmul.f32 v12, v23;
	v23 =	vmul.f32 v11, v10;
	[tilespmem:$0x1FF60] =	vst v1;
	v60 =	vadd.f32 v5, v8  }
0x175: {  	_ = 	snop  }
0x176: {  	v8 =	vmul.f32 v7, v39;
	v5 =	vadd.f32 v60, v58;
	_ =	sdelay $0x1  }
0x177: {  	v5 =	vadd.f32 v5, v8;
	v8 =	vmul.f32 v0, v40;
	_ =	sdelay $0x1  }
0x178: {  	s21 =	sand.u32 $0x380, s21;
	v5 =	vadd.f32 v5, v8;
	v8 =	vmul.f32 v18, v42  }
0x179: {  	s21 =	sadd.s32 s21, s20  }
0x17a: {  	[tilespmem:$0x1FA20] =	vst v36;
	v1 =	vld [tilespmem:$0x1FDB0];
	s24 =	sadd.s32 s22, s21;
	v5 =	vadd.f32 v5, v8;
	v8 =	vmul.f32 v22, v36  }
0x17b: {  	v33 =	vmov v36;
	v36 =	vld [tilespmem:s24+$0x0]  }
0x17c: {  	v5 =	vadd.f32 v5, v8;
	v8 =	vld [tilespmem:s24+$0x1];
	[tilespmem:$0x1F920] =	vst v39  }
0x17d: {  	s21 =	sadd.s32 $0x20, s18;
	[tilespmem:$0x1F980] =	vst v40  }
0x17e: {  	v37 =	vmov v9;
	v10 =	vmov v40;
	v40 =	vld [tilespmem:s21+$0x0];
	[tilespmem:$0x1F9E0] =	vst v42  }
0x17f: {  	v11 =	vmov v42;
	v45 =	vmul.f32 v15, v37;
	v42 =	vld [tilespmem:s21+$0x1E0]  }
0x180: {  	v43 =	vld [tilespmem:s21+$0x3C0]  }
0x181: {  	v57 =	vmul.f32 v29, v48;
	v5 =	vadd.f32 v5, v45;
	v58 =	vmul.f32 v36, v1;
	v1 =	vld [tilespmem:$0x1FDC0]  }
0x182: {  	v44 =	vld [tilespmem:s21+$0x5A0]  }
0x183: {  	v45 =	vld [tilespmem:s24+$0x2];
	[tilespmem:$0x1F780] =	vst v47;
	v5 =	vadd.f32 v5, v57  }
0x184: {  	[tilespmem:$0x1F750] =	vst v20  }
0x185: {  	[tilespmem:s23+$0xBF80] =	vst v5  }
0x186: {  	v60 =	vmul.f32 v36, v1;
	v1 =	vld [tilespmem:$0x1FF90];
	_ =	sdelay $0x4  }
0x187: {  	v5 =	vadd.f32 v40, v58;
	v58 =	vmul.f32 v36, v1;
	v1 =	vld [tilespmem:$0x1FE00];
	_ =	sdelay $0x1  }
0x188: {  	s29 =	sadd.s32 $0x5A0, s19  }
0x189: {  	s30 =	sand.u32 $0x7FFFFFE0, s29;
	[tilespmem:$0x1FB70] =	vst v63  }
0x18a: {  	v47 =	vld [tilespmem:s30+$0xBF80]  }
0x18b: {  	[tilespmem:$0x1FB30] =	vst v59;
	v59 =	vmul.f32 v8, v1;
	v1 =	vld [tilespmem:$0x1FFC0];
	_ =	sdelay $0x1  }
0x18c: {  	[tilespmem:$0x1F7B0] =	vst v3  }
0x18d: {  	v27 =	vld [tilespmem:$0x1FDE0];
	[tilespmem:$0x1F7C0] =	vst v2  }
0x18e: {  	v9 =	vmov v39;
	v39 =	vld [tilespmem:s24+$0x20]  }
0x18f: {  	v42 =	vadd.f32 v42, v60;
	v60 =	vmul.f32 v8, v1;
	v1 =	vld [tilespmem:$0x1FE30]  }
0x190: {  	[tilespmem:$0x1F760] =	vst v21;
	v21 =	vld [tilespmem:$0x1FE50]  }
0x191: {  	v13 =	vld [tilespmem:$0x1FEA0]  }
0x192: {  	v24 =	vld [tilespmem:$0x1FEF0];
	v36 =	vmul.f32 v36, v56  }
0x193: {  	v55 =	vmov v37;
	v37 =	vld [tilespmem:$0x1FF20];
	v57 =	vmul.f32 v8, v27;
	v40 =	vadd.f32 v43, v58  }
0x194: {  	v36 =	vadd.f32 v44, v36;
	v8 =	vmul.f32 v8, v54;
	v41 =	vmul.f32 v45, v1;
	v1 =	vld [tilespmem:$0x1FFD0]  }
0x195: {  	v63 =	vmul.f32 v34, v56;
	v3 =	vld [tilespmem:$0x1FE80];
	v34 =	vmul.f32 v45, v21;
	v42 =	vadd.f32 v42, v59  }
0x196: {  	v43 =	vadd.f32 v40, v60;
	v8 =	vadd.f32 v36, v8;
	v40 =	vld [tilespmem:s24+$0x21]  }
0x197: {  	s25 =	sadd.s32 $0x40, s20;
	v36 =	vadd.f32 v42, v34;
	[tilespmem:$0x1F770] =	vst v23;
	v34 =	vmul.f32 v39, v9;
	v9 =	vmovc v26;
	v26 =	vmov v22;
	v22 =	vld [tilespmem:$0x1FF70]  }
0x198: {  	s26 =	sadd.s32 $0x40, s25;
	s22 =	simm.s32 $0x80;
	v2 =	vmov v48;
	v47 =	vadd.f32 v47, v63;
	v60 =	vmul.f32 v39, v13;
	v42 =	vld [tilespmem:s24+$0x22]  }
0x199: {  	s26 =	sand.u32 $0x3F80, s26;
	s28 =	sand.u32 $0x40, s22;
	v5 =	vadd.f32 v5, v57;
	v48 =	vmul.f32 v45, v1;
	v1 =	vmovc v0;
	v0 =	vmul.f32 v19, v54;
	v19 =	vld [tilespmem:s24+$0xF]  }
0x19a: {  	s26 =	sor.u32 s28, s26;
	v63 =	vmul.f32 v16, v52;
	v44 =	vadd.f32 v36, v60;
	[tilespmem:$0x1FBA0] =	vst v62;
	v62 =	vld [tilespmem:$0x1FED0]  }
0x19b: {  	v58 =	vmul.f32 v39, v3;
	v5 =	vadd.f32 v5, v41;
	v36 =	vld [tilespmem:s26+$0x2];
	v59 =	vadd.f32 v47, v0  }
0x19c: {  	v20 =	vmov v52;
	v41 =	vadd.f32 v43, v48;
	v0 =	vmul.f32 v45, v52;
	v43 =	vld [tilespmem:s26+$0x0]  }
0x19d: {  	v5 =	vadd.f32 v5, v58;
	[tilespmem:$0x1F9B0] =	vst v14;
	v52 =	vld [tilespmem:$0x1FF80];
	v48 =	vadd.f32 v59, v63;
	v63 =	vmul.f32 v40, v24  }
0x19e: {  	v58 =	vmul.f32 v39, v51;
	v8 =	vadd.f32 v8, v0;
	v41 =	vadd.f32 v41, v34;
	v34 =	vld [tilespmem:s24+$0x10]  }
0x19f: {  	v59 =	vmul.f32 v40, v62;
	v47 =	vadd.f32 v44, v63;
	v44 =	vld [tilespmem:s26+$0x1];
	[tilespmem:$0x1FA80] =	vst v46  }
0x1a0: {  	v8 =	vadd.f32 v8, v58;
	v30 =	vld [tilespmem:s24+$0x2E]  }
0x1a1: {  	v58 =	vmul.f32 v40, v10;
	v10 =	vmovc v50;
	v5 =	vadd.f32 v5, v59;
	v59 =	vmul.f32 v40, v50;
	v50 =	vld [tilespmem:$0x1FF40]  }
0x1a2: {  	v60 =	vmul.f32 v7, v51;
	v31 =	vld [tilespmem:s24+$0x2F];
	[tilespmem:$0x1FB00] =	vst v35  }
0x1a3: {  	v35 =	vld [tilespmem:s24+$0x30]  }
0x1a4: {  	v45 =	vadd.f32 v48, v60;
	v60 =	vmul.f32 v1, v10;
	v28 =	vld [tilespmem:s24+$0xE]  }
0x1a5: {  	v11 =	vmul.f32 v42, v11;
	v41 =	vadd.f32 v41, v58;
	v23 =	vld [tilespmem:s26+$0xE]  }
0x1a6: {  	s31 =	simm.s32 $0xA0;
	s25 =	sadd.s32 $0x60, s25;
	v14 =	vmovc v49;
	v49 =	vmov v53;
	v45 =	vadd.f32 v45, v60;
	v60 =	vmul.f32 v18, v53;
	v53 =	vld [tilespmem:s26+$0x10]  }
0x1a7: {  	s25 =	sand.u32 $0x3F80, s25;
	s24 =	sand.u32 $0x60, s31;
	v48 =	vadd.f32 v41, v11;
	v41 =	vld [tilespmem:$0x1FFA0]  }
0x1a8: {  	v63 =	vmul.f32 v42, v37;
	v8 =	vadd.f32 v8, v59;
	s24 =	sor.u32 s24, s25;
	v59 =	vmov v54;
	v54 =	vld [tilespmem:s26+$0xF];
	[tilespmem:$0x1FB80] =	vst v25  }
0x1a9: {  	v6 =	vld [tilespmem:s24+$0xE]  }
0x1aa: {  	v5 =	vadd.f32 v5, v63;
	v63 =	vmul.f32 v43, v22  }
0x1ab: {  	v0 =	vmul.f32 v42, v49  }
0x1ac: {  	v45 =	vadd.f32 v45, v60;
	v5 =	vadd.f32 v5, v63;
	v46 =	vmul.f32 v42, v50  }
0x1ad: {  	v8 =	vadd.f32 v8, v0;
	v0 =	vmul.f32 v26, v4;
	v58 =	vmul.f32 v44, v41  }
0x1ae: {  	v13 =	vld [tilespmem:s24+$0x0];
	v47 =	vadd.f32 v47, v46;
	v46 =	vmul.f32 v43, v52;
	[tilespmem:$0x1FAE0] =	vst v6;
	v6 =	vmul.f32 v38, v9  }
0x1af: {  	v25 =	vmovc v61;
	v63 =	vmul.f32 v36, v32;
	v45 =	vadd.f32 v45, v0;
	v0 =	vadd.f32 v5, v58  }
0x1b0: {  	v60 =	vadd.f32 v47, v46;
	v47 =	vmul.f32 v43, v33;
	v33 =	vmul.f32 v15, v25;
	[tilespmem:$0x1F790] =	vst v6  }
0x1b1: {  	v61 =	vadd.f32 v0, v63;
	v0 =	vld [tilespmem:s24+$0xF]  }
0x1b2: {  	v16 =	vmov v51;
	v51 =	vmul.f32 v43, v4;
	v58 =	vadd.f32 v45, v33;
	v33 =	vld [tilespmem:$0x1FFB0];
	_ =	sdelay $0x1  }
0x1b3: {  	v46 =	vmov v7;
	v7 =	vadd.f32 v48, v47;
	v47 =	vld [tilespmem:$0x1F780]  }
0x1b4: {  	v48 =	vmov v32;
	v32 =	vmul.f32 v44, v55  }
0x1b5: {  	v8 =	vadd.f32 v8, v51;
	v51 =	vmov v55;
	v45 =	vld [tilespmem:s24+$0x1];
	[tilespmem:$0x1FA50] =	vst v0  }
0x1b6: {  	v55 =	vmovc v2;
	v7 =	vadd.f32 v7, v32;
	v32 =	vmul.f32 v36, v2;
	v38 =	vmul.f32 v44, v33;
	v2 =	vld [tilespmem:s24+$0x10]  }
0x1b7: {  	v57 =	vmov v18  }
0x1b8: {  	v18 =	vmovc v4;
	v4 =	vmul.f32 v44, v25;
	v60 =	vadd.f32 v60, v38;
	v0 =	vmul.f32 v36, v47  }
0x1b9: {  	v6 =	vmul.f32 v29, v9  }
0x1ba: {  	v4 =	vadd.f32 v8, v4;
	v8 =	vmul.f32 v36, v9;
	v0 =	vadd.f32 v60, v0  }
0x1bb: {  	v58 =	vadd.f32 v58, v6;
	v38 =	vld [tilespmem:s24+$0x2];
	[tilespmem:$0x1F7A0] =	vst v2  }
0x1bc: {  	[tilespmem:s21+$0x1E0] =	vst v0;
	v0 =	vadd.f32 v4, v8  }
0x1bd: {  	[tilespmem:s30+$0xBF80] =	vst v58  }
0x1be: {  	v7 =	vadd.f32 v7, v32;
	[tilespmem:s21+$0x5A0] =	vst v0;
	v0 =	vld [tilespmem:s18+$0x23B0]  }
0x1bf: {  	[tilespmem:s21+$0x0] =	vst v61;
	v8 =	vld [tilespmem:s18+$0x10]  }
0x1c0: {  	[tilespmem:s21+$0x3C0] =	vst v7;
	v6 =	vld [tilespmem:s18+$0x1E10]  }
0x1c1: {  	v7 =	vmul.f32 v46, v56;
	v2 =	vld [tilespmem:$0x1F7B0]  }
0x1c2: {  	s19 =	sadd.s32 $0x20, s19;
	v58 =	vld [tilespmem:s18+$0x1F0]  }
0x1c3: {  	s28 =	sand.u32 $0x3FE0, s19;
	v0 =	vadd.f32 v0, v7;
	v7 =	vmul.f32 v1, v59;
	v1 =	vld [tilespmem:$0x1FBE0]  }
0x1c4: {  	v4 =	vld [tilespmem:s28+$0xBF80]  }
0x1c5: {  	v17 =	vld [tilespmem:$0x1FDB0]  }
0x1c6: {  	v6 =	vadd.f32 v6, v2;
	v2 =	vld [tilespmem:$0x1F7C0]  }
0x1c7: {  	v0 =	vadd.f32 v0, v7;
	v7 =	vmul.f32 v57, v20;
	v57 =	vld [tilespmem:$0x1FBF0]  }
0x1c8: {  	v1 =	vadd.f32 v8, v1;
	v8 =	vld [tilespmem:s18+$0x1FF0];
	_ =	sdelay $0x1  }
0x1c9: {  	v61 =	vld [tilespmem:s18+$0x3D0];
	v46 =	vmul.f32 v28, v17  }
0x1ca: {  	v0 =	vadd.f32 v0, v7;
	v7 =	vmul.f32 v26, v16;
	v26 =	vld [tilespmem:$0x1FC00]  }
0x1cb: {  	v4 =	vadd.f32 v4, v46;
	v46 =	vadd.f32 v58, v57;
	v58 =	vld [tilespmem:s18+$0x21D0]  }
0x1cc: {  	v8 =	vadd.f32 v8, v2;
	v2 =	vld [tilespmem:$0x1FDD0];
	_ =	sdelay $0x1  }
0x1cd: {  	v11 =	vmov v56;
	v56 =	vmul.f32 v19, v27;
	_ =	sdelay $0x1  }
0x1ce: {  	v32 =	vld [tilespmem:$0x1FE30];
	v4 =	vadd.f32 v4, v56  }
0x1cf: {  	v5 =	vmovc v3;
	v56 =	vadd.f32 v61, v26;
	v61 =	vmul.f32 v30, v3;
	v3 =	vadd.f32 v58, v2;
	v2 =	vld [tilespmem:$0x1FC20];
	_ =	sdelay $0x1  }
0x1d0: {  	v60 =	vld [tilespmem:s18+$0x5B0]  }
0x1d1: {  	v26 =	vld [tilespmem:$0x1FC10]  }
0x1d2: {  	v63 =	vmul.f32 v34, v32  }
0x1d3: {  	v1 =	vadd.f32 v1, v2;
	v2 =	vld [tilespmem:$0x1FC30]  }
0x1d4: {  	v4 =	vadd.f32 v4, v63;
	_ =	sdelay $0x1  }
0x1d5: {  	v4 =	vadd.f32 v4, v61;
	v60 =	vadd.f32 v60, v26;
	v26 =	vmul.f32 v31, v62  }
0x1d6: {  	v0 =	vadd.f32 v0, v7;
	v7 =	vmul.f32 v15, v10  }
0x1d7: {  	v4 =	vadd.f32 v4, v26;
	v26 =	vmul.f32 v35, v37;
	v15 =	vadd.f32 v46, v2;
	v2 =	vld [tilespmem:$0x1FC40];
	_ =	sdelay $0x1  }
0x1d8: {  	v4 =	vadd.f32 v4, v26;
	v26 =	vmul.f32 v23, v22;
	_ =	sdelay $0x1  }
0x1d9: {  	v4 =	vadd.f32 v4, v26;
	v26 =	vld [tilespmem:$0x1FDF0]  }
0x1da: {  	v2 =	vadd.f32 v56, v2;
	v56 =	vld [tilespmem:$0x1FE20];
	_ =	sdelay $0x3  }
0x1db: {  	v0 =	vadd.f32 v0, v7  }
0x1dc: {  	v7 =	vmul.f32 v29, v49;
	v6 =	vadd.f32 v6, v26;
	v26 =	vadd.f32 v3, v56;
	v3 =	vld [tilespmem:$0x1FC60];
	_ =	sdelay $0x1  }
0x1dd: {  	v0 =	vadd.f32 v0, v7;
	v7 =	vmul.f32 v14, v18;
	v46 =	vld [tilespmem:$0x1FBD0];
	_ =	sdelay $0x1  }
0x1de: {  	v0 =	vadd.f32 v0, v7;
	v7 =	vmul.f32 v12, v25  }
0x1df: {  	v14 =	vmul.f32 v54, v41;
	v1 =	vadd.f32 v1, v3;
	v3 =	vld [tilespmem:$0x1FC70]  }
0x1e0: {  	v0 =	vadd.f32 v0, v7  }
0x1e1: {  	v4 =	vadd.f32 v4, v14;
	v14 =	vmul.f32 v53, v48;
	v7 =	vmul.f32 v46, v9;
	_ =	sdelay $0x1  }
0x1e2: {  	v12 =	vld [tilespmem:$0x1FC50];
	v58 =	vadd.f32 v0, v7;
	v0 =	vadd.f32 v4, v14  }
0x1e3: {  	[tilespmem:$0x1F7D0] =	vst v9;
	v4 =	vadd.f32 v15, v3;
	v3 =	vld [tilespmem:$0x1FC80]  }
0x1e4: {  	v63 =	vld [tilespmem:$0x1FE10];
	[tilespmem:s28+$0xBF80] =	vst v0  }
0x1e5: {  	v0 =	vld [tilespmem:$0x1FC90];
	_ =	sdelay $0x2  }
0x1e6: {  	v12 =	vadd.f32 v60, v12;
	v2 =	vadd.f32 v2, v3;
	v3 =	vld [tilespmem:$0x1FE40];
	_ =	sdelay $0x1  }
0x1e7: {  	v0 =	vadd.f32 v12, v0;
	v12 =	vld [tilespmem:$0x1FE90];
	_ =	sdelay $0x2  }
0x1e8: {  	v3 =	vadd.f32 v6, v3  }
0x1e9: {  	s29 =	sadd.s32 $0x1E0, s19  }
0x1ea: {  	s30 =	sand.u32 $0x7FFFFFE0, s29;
	v6 =	vld [tilespmem:$0x1FE60];
	v3 =	vadd.f32 v3, v12;
	v12 =	vmul.f32 v46, v48  }
0x1eb: {  	v7 =	vld [tilespmem:s30+$0xBF80]  }
0x1ec: {  	[tilespmem:$0x1F7E0] =	vst v12;
	v12 =	vld [tilespmem:$0x1FEB0]  }
0x1ed: {  	v8 =	vadd.f32 v8, v63;
	_ =	sdelay $0x1  }
0x1ee: {  	v6 =	vadd.f32 v8, v6;
	_ =	sdelay $0x1  }
0x1ef: {  	v6 =	vadd.f32 v6, v12;
	v12 =	vmul.f32 v46, v47;
	_ =	sdelay $0x1  }
0x1f0: {  	v8 =	vld [tilespmem:$0x1FE70];
	[tilespmem:$0x1F7F0] =	vst v12;
	v12 =	vmul.f32 v46, v55  }
0x1f1: {  	v61 =	vld [tilespmem:$0x1FCC0]  }
0x1f2: {  	[tilespmem:$0x1F800] =	vst v12;
	v12 =	vld [tilespmem:$0x1FEC0];
	_ =	sdelay $0x2  }
0x1f3: {  	v57 =	vld [tilespmem:$0x1FCA0];
	v8 =	vadd.f32 v26, v8  }
0x1f4: {  	v2 =	vadd.f32 v2, v61;
	v61 =	vld [tilespmem:$0x1FDC0]  }
0x1f5: {  	v63 =	vld [tilespmem:$0x1FCD0];
	v8 =	vadd.f32 v8, v12;
	v12 =	vmul.f32 v39, v17  }
0x1f6: {  	v26 =	vld [tilespmem:$0x1FE00]  }
0x1f7: {  	[tilespmem:$0x1F810] =	vst v12;
	v12 =	vld [tilespmem:$0x1FCE0]  }
0x1f8: {  	v55 =	vld [tilespmem:$0x1FD00]  }
0x1f9: {  	[tilespmem:$0x1F840] =	vst v11;
	v56 =	vmul.f32 v28, v61  }
0x1fa: {  	v60 =	vld [tilespmem:$0x1FCB0];
	[tilespmem:$0x1F890] =	vst v59;
	v1 =	vadd.f32 v1, v57  }
0x1fb: {  	v29 =	vld [tilespmem:$0x1FEA0];
	[tilespmem:$0x1F8E0] =	vst v20;
	v7 =	vadd.f32 v7, v56  }
0x1fc: {  	v15 =	vld [tilespmem:$0x1FF90];
	[tilespmem:$0x1F940] =	vst v16;
	v57 =	vmul.f32 v19, v26;
	v1 =	vadd.f32 v1, v12;
	v12 =	vmul.f32 v39, v61  }
0x1fd: {  	[tilespmem:$0x1F990] =	vst v10;
	v0 =	vadd.f32 v0, v63;
	v2 =	vadd.f32 v2, v55;
	v55 =	vmul.f32 v40, v59;
	v59 =	vld [tilespmem:$0x1FF00]  }
0x1fe: {  	v63 =	vmul.f32 v34, v21;
	v56 =	vmul.f32 v40, v27;
	v7 =	vadd.f32 v7, v57;
	[tilespmem:$0x1F820] =	vst v12;
	v12 =	vld [tilespmem:$0x1FCF0]  }
0x1ff: {  	[tilespmem:$0x1FA00] =	vst v49;
	v57 =	vld [tilespmem:$0x1FD10]  }
0x200: {  	[tilespmem:$0x1F860] =	vst v56;
	v56 =	vld [tilespmem:$0x1FEE0];
	v46 =	vmul.f32 v30, v29;
	v7 =	vadd.f32 v7, v63  }
0x201: {  	v11 =	vmul.f32 v39, v11;
	[tilespmem:$0x1FA30] =	vst v18;
	v4 =	vadd.f32 v4, v60  }
0x202: {  	[tilespmem:$0x1FA40] =	vst v25;
	v7 =	vadd.f32 v7, v46  }
0x203: {  	[tilespmem:$0x1F850] =	vst v11;
	v6 =	vadd.f32 v6, v59;
	v4 =	vadd.f32 v4, v12;
	v12 =	vmul.f32 v39, v15  }
0x204: {  	[tilespmem:$0x1F8A0] =	vst v55;
	v59 =	vmul.f32 v42, v20;
	v0 =	vadd.f32 v0, v57;
	v57 =	vmul.f32 v31, v24  }
0x205: {  	v3 =	vadd.f32 v3, v56;
	v63 =	vmov v27;
	v39 =	vmul.f32 v40, v26;
	[tilespmem:$0x1F830] =	vst v12;
	v12 =	vld [tilespmem:$0x1FFC0]  }
0x206: {  	v56 =	vmul.f32 v35, v50;
	v63 =	vmul.f32 v31, v63;
	[tilespmem:$0x1F8F0] =	vst v59;
	v59 =	vld [tilespmem:$0x1FD40];
	v7 =	vadd.f32 v7, v57  }
0x207: {  	v57 =	vld [tilespmem:$0x1FD20];
	[tilespmem:$0x1F870] =	vst v39;
	v39 =	vmul.f32 v42, v32  }
0x208: {  	v27 =	vmov v32;
	[tilespmem:$0x1FAA0] =	vst v63;
	v7 =	vadd.f32 v7, v56;
	v56 =	vmul.f32 v43, v16;
	v32 =	vld [tilespmem:$0x1FFD0]  }
0x209: {  	v60 =	vmov v17;
	v17 =	vmov v26;
	v26 =	vld [tilespmem:$0x1F920];
	[tilespmem:$0x1F8B0] =	vst v39;
	v39 =	vmul.f32 v43, v5  }
0x20a: {  	v16 =	vld [tilespmem:$0x1F9E0];
	[tilespmem:$0x1F950] =	vst v56;
	v46 =	vmul.f32 v40, v12  }
0x20b: {  	v20 =	vld [tilespmem:$0x1F980];
	v2 =	vadd.f32 v2, v59;
	v59 =	vmul.f32 v54, v33;
	[tilespmem:$0x1F900] =	vst v39;
	v39 =	vmul.f32 v44, v62  }
0x20c: {  	v56 =	vld [tilespmem:$0x1FF30];
	v1 =	vadd.f32 v1, v57;
	v57 =	vmul.f32 v23, v52;
	[tilespmem:$0x1F880] =	vst v46;
	v46 =	vmul.f32 v42, v21  }
0x20d: {  	v40 =	vld [tilespmem:$0x1FF10];
	v55 =	vmul.f32 v42, v32;
	[tilespmem:$0x1F960] =	vst v39;
	v42 =	vmul.f32 v43, v29  }
0x20e: {  	v7 =	vadd.f32 v7, v57;
	v39 =	vld [tilespmem:$0x1FF50];
	[tilespmem:$0x1F8C0] =	vst v46;
	v46 =	vmul.f32 v43, v26;
	v43 =	vmul.f32 v44, v10  }
0x20f: {  	v57 =	vmul.f32 v36, v16;
	[tilespmem:$0x1F8D0] =	vst v55;
	v55 =	vld [tilespmem:$0x1FD30]  }
0x210: {  	v9 =	vadd.f32 v7, v59;
	v7 =	vmul.f32 v13, v52;
	v59 =	vmul.f32 v13, v18;
	[tilespmem:$0x1F9A0] =	vst v43;
	v43 =	vld [tilespmem:$0x1FD50]  }
0x211: {  	v14 =	vld [tilespmem:$0x1FA20];
	v3 =	vadd.f32 v3, v56;
	[tilespmem:$0x1F9F0] =	vst v57;
	v57 =	vmul.f32 v45, v51;
	v56 =	vmul.f32 v45, v25  }
0x212: {  	[tilespmem:$0x1F910] =	vst v42;
	v42 =	vmul.f32 v44, v24;
	v8 =	vadd.f32 v8, v40;
	v40 =	vmov v5  }
0x213: {  	v5 =	vld [tilespmem:$0x1F9B0];
	[tilespmem:$0x1F930] =	vst v46;
	v46 =	vmul.f32 v36, v50;
	v11 =	vadd.f32 v6, v39;
	v6 =	vmul.f32 v36, v49  }
0x214: {  	[tilespmem:$0x1F970] =	vst v42;
	v49 =	vmul.f32 v13, v22;
	v39 =	vmul.f32 v31, v17  }
0x215: {  	v4 =	vadd.f32 v4, v55;
	v55 =	vmul.f32 v44, v20;
	[tilespmem:$0x1F9D0] =	vst v46;
	v10 =	vadd.f32 v1, v43;
	v43 =	vld [tilespmem:$0x1FFF0]  }
0x216: {  	v42 =	vld [tilespmem:$0x1FF60];
	v44 =	vmul.f32 v36, v37;
	[tilespmem:$0x1FA10] =	vst v6;
	v6 =	vmul.f32 v13, v14  }
0x217: {  	v46 =	vmul.f32 v45, v33;
	v13 =	vmov v51;
	v51 =	vmul.f32 v30, v61;
	[tilespmem:$0x1FAB0] =	vst v39  }
0x218: {  	v61 =	vmul.f32 v30, v15;
	[tilespmem:$0x1F9C0] =	vst v44;
	v0 =	vadd.f32 v0, v5;
	v5 =	vmul.f32 v53, v47  }
0x219: {  	[tilespmem:$0x1FA70] =	vst v51;
	v1 =	vmul.f32 v45, v41;
	v45 =	vmul.f32 v30, v60  }
0x21a: {  	[tilespmem:$0x1FA90] =	vst v61;
	v5 =	vadd.f32 v9, v5;
	v9 =	vadd.f32 v3, v43;
	v3 =	vmul.f32 v35, v27  }
0x21b: {  	v25 =	vld [tilespmem:$0x1FA50];
	v8 =	vadd.f32 v8, v42;
	v42 =	vmul.f32 v31, v12;
	[tilespmem:$0x1FA60] =	vst v45  }
0x21c: {  	v18 =	vld [tilespmem:$0x1FAE0];
	[tilespmem:$0x1FAD0] =	vst v3;
	v3 =	vmul.f32 v35, v21  }
0x21d: {  	v36 =	vld [tilespmem:$0x1FFE0];
	[tilespmem:$0x1FAC0] =	vst v42  }
0x21e: {  	v44 =	vld [tilespmem:$0x1FD60];
	[tilespmem:$0x1FAF0] =	vst v3  }
0x21f: {  	v60 =	vld [tilespmem:$0x1FA80];
	[tilespmem:s30+$0xBF80] =	vst v5  }
0x220: {  	v3 =	vld [tilespmem:$0x1FB00];
	_ =	sdelay $0x4  }
0x221: {  	v5 =	vadd.f32 v11, v3;
	v3 =	vmul.f32 v35, v32;
	_ =	sdelay $0x1  }
0x222: {  	[tilespmem:$0x1FB10] =	vst v3;
	v3 =	vmul.f32 v23, v40;
	_ =	sdelay $0x1  }
0x223: {  	[tilespmem:$0x1FB20] =	vst v3;
	v3 =	vld [tilespmem:$0x1FB30];
	_ =	sdelay $0x2  }
0x224: {  	v4 =	vadd.f32 v4, v44;
	v44 =	vld [tilespmem:$0x1FD70]  }
0x225: {  	v45 =	vld [tilespmem:$0x1FD80]  }
0x226: {  	v8 =	vadd.f32 v8, v3;
	v3 =	vmul.f32 v23, v29;
	_ =	sdelay $0x1  }
0x227: {  	[tilespmem:$0x1FB40] =	vst v3;
	v3 =	vmul.f32 v23, v26  }
0x228: {  	s31 =	sadd.s32 $0x3C0, s19  }
0x229: {  	s23 =	sand.u32 $0x7FFFFFE0, s31;
	v40 =	vadd.f32 v10, v44;
	v44 =	vadd.f32 v4, v45;
	v4 =	vmul.f32 v54, v20;
	[tilespmem:$0x1FB50] =	vst v3  }
0x22a: {  	v3 =	vld [tilespmem:s23+$0xBF80]  }
0x22b: {  	[tilespmem:$0x1FB60] =	vst v4;
	v4 =	vld [tilespmem:$0x1FD90];
	_ =	sdelay $0x2  }
0x22c: {  	v2 =	vadd.f32 v2, v60;
	_ =	sdelay $0x1  }
0x22d: {  	v0 =	vadd.f32 v0, v36;
	v36 =	vadd.f32 v2, v4;
	v4 =	vld [tilespmem:$0x1FDA0];
	_ =	sdelay $0x4  }
0x22e: {  	v42 =	vadd.f32 v0, v4;
	v4 =	vld [tilespmem:$0x1FB70];
	_ =	sdelay $0x4  }
0x22f: {  	v45 =	vadd.f32 v9, v4;
	v4 =	vld [tilespmem:$0x1FB80];
	_ =	sdelay $0x2  }
0x230: {  	v2 =	vmul.f32 v28, v15  }
0x231: {  	v26 =	vmul.f32 v53, v50;
	[tilespmem:$0x1FB90] =	vst v13  }
0x232: {  	[tilespmem:$0x1FBB0] =	vst v48;
	v50 =	vadd.f32 v3, v2;
	v39 =	vadd.f32 v5, v4;
	v5 =	vmul.f32 v19, v12  }
0x233: {  	v63 =	vmul.f32 v25, v41;
	v24 =	vmul.f32 v54, v24;
	v4 =	vld [tilespmem:$0x1FBA0];
	[tilespmem:s18+$0x23B0] =	vst v58  }
0x234: {  	p1 =	por $0x1, $0x1;
	v17 =	vmul.f32 v53, v37;
	v61 =	vmul.f32 v25, v33;
	v60 =	vadd.f32 v50, v5;
	v5 =	vld [tilespmem:$0x1FBC0]  }
.Ltmp2:
0x235: {  	v51 =	vmovc v32;
	v21 =	vmov v35;
	v35 =	vmul.f32 v54, v62;
	v32 =	vmul.f32 v53, v16;
	(pc) =	sbr.rel @!p1 .LBB2_7-.Ltmp2, $4  }
0x236: {  	v62 =	vmul.f32 v25, v13;
	v3 =	vmul.f32 v18, v52  }
0x237: {  	v16 =	vmov v34;
	v2 =	vmul.f32 v18, v14;
	v0 =	vmul.f32 v18, v22  }
0x238: {  	v12 =	vmul.f32 v38, v48;
	v58 =	vmul.f32 v16, v51  }
0x239: {  	p0 =	por $0x1, $0x1;
	v34 =	vmovc v28;
	v43 =	vadd.f32 v8, v4;
	v4 =	vmul.f32 v38, v47;
	v5 =	vmul.f32 v38, v5  }
.LBB2_8:
0x23a: {  	v13 =	vmov v6;
	v6 =	vld [tilespmem:$0x1F750];
	_ =	sdelay $0x3  }
0x23b: {  	[tilespmem:$0x1F5E0] =	vst v55;
	v55 =	vld [tilespmem:$0x1F7D0]  }
0x23c: {  	v11 =	vmov v7;
	v7 =	vadd.f32 v60, v58;
	v60 =	vadd.f32 v44, v6;
	v6 =	vld [tilespmem:$0x1F760]  }
0x23d: {  	[tilespmem:$0x1F5F0] =	vst v35;
	v35 =	vld [tilespmem:$0x1F7A0]  }
0x23e: {  	[tilespmem:$0x1F610] =	vst v17;
	v17 =	vld [tilespmem:$0x1F920]  }
0x23f: {  	v9 =	vld [tilespmem:$0x1F770]  }
0x240: {  	v33 =	vld [tilespmem:$0x1F980]  }
0x241: {  	v36 =	vadd.f32 v36, v6;
	v6 =	vld [tilespmem:$0x1F790]  }
0x242: {  	[tilespmem:$0x1F620] =	vst v26;
	v26 =	vld [tilespmem:$0x1F9E0]  }
0x243: {  	v58 =	vmul.f32 v30, v17  }
0x244: {  	[tilespmem:$0x1F630] =	vst v32;
	v22 =	vld [tilespmem:$0x1FA00];
	v8 =	vmul.f32 v38, v55;
	v9 =	vadd.f32 v40, v9  }
0x245: {  	s25 =	sand.u32 $0x380, s22;
	[tilespmem:$0x1F650] =	vst v11;
	v32 =	vmul.f32 v31, v33;
	v7 =	vadd.f32 v7, v58  }
0x246: {  	s26 =	sand.u32 $0x40, s22;
	s25 =	sadd.s32 s25, s20;
	[tilespmem:s18+$0x10] =	vst v9;
	v42 =	vadd.f32 v42, v6;
	v6 =	vmov v8  }
0x247: {  	s25 =	sadd.s32 s26, s25;
	v11 =	vmul.f32 v35, v47;
	v47 =	vmul.f32 v21, v26;
	v7 =	vadd.f32 v7, v32;
	[tilespmem:$0x1F790] =	vst v6;
	v6 =	vld [tilespmem:$0x1F7E0]  }
0x248: {  	v44 =	vld [tilespmem:s25+$0x22]  }
0x249: {  	[tilespmem:s18+$0x1F0] =	vst v60;
	v37 =	vadd.f32 v7, v47;
	v7 =	vld [tilespmem:$0x1FF20];
	v8 =	vmul.f32 v21, v22  }
0x24a: {  	v58 =	vld [tilespmem:s25+$0x21];
	[tilespmem:s18+$0x3D0] =	vst v36  }
0x24b: {  	[tilespmem:$0x1F5A0] =	vst v8  }
0x24c: {  	[tilespmem:s18+$0x5B0] =	vst v42;
	v8 =	vadd.f32 v45, v6  }
0x24d: {  	v60 =	vld [tilespmem:s25+$0x20]  }
0x24e: {  	[tilespmem:s18+$0x1E10] =	vst v8;
	v8 =	vmul.f32 v44, v7;
	v7 =	vld [tilespmem:$0x1FF40]  }
0x24f: {  	v48 =	vld [tilespmem:$0x1FBB0]  }
0x250: {  	v20 =	vld [tilespmem:$0x1FBC0]  }
0x251: {  	v14 =	vld [tilespmem:$0x1F7F0]  }
0x252: {  	[tilespmem:$0x1FAE0] =	vst v18;
	v18 =	vld [tilespmem:$0x1F990]  }
0x253: {  	v42 =	vmul.f32 v44, v7;
	v7 =	vld [tilespmem:$0x1F800]  }
0x254: {  	v51 =	vld [tilespmem:$0x1F940]  }
0x255: {  	[tilespmem:$0x1F640] =	vst v49;
	v49 =	vld [tilespmem:$0x1F8E0]  }
0x256: {  	[tilespmem:$0x1FA50] =	vst v25;
	v25 =	vld [tilespmem:$0x1F840];
	v10 =	vmul.f32 v35, v48;
	v50 =	vadd.f32 v39, v14  }
0x257: {  	v14 =	vld [tilespmem:$0x1FB90]  }
0x258: {  	v45 =	vld [tilespmem:s25+$0x2];
	[tilespmem:s18+$0x1FF0] =	vst v50;
	v50 =	vadd.f32 v43, v7;
	v7 =	vmov v10  }
0x259: {  	[tilespmem:$0x1F7E0] =	vst v7;
	v7 =	vld [tilespmem:$0x1FED0]  }
0x25a: {  	[tilespmem:$0x1F600] =	vst v24;
	v27 =	vld [tilespmem:$0x1F890];
	v24 =	vmov v62  }
0x25b: {  	[tilespmem:$0x1F720] =	vst v24;
	v24 =	vld [tilespmem:$0x1FA40]  }
0x25c: {  	[tilespmem:$0x1F660] =	vst v13;
	v38 =	vmul.f32 v31, v18;
	v13 =	vmul.f32 v16, v49;
	v6 =	vld [tilespmem:$0x1FA20]  }
0x25d: {  	v28 =	vmov v53;
	[tilespmem:$0x1F5D0] =	vst v53;
	v41 =	vmul.f32 v34, v25;
	v34 =	vmul.f32 v53, v20;
	v53 =	vld [tilespmem:$0x1FDC0]  }
0x25e: {  	v29 =	vmovc v54;
	[tilespmem:$0x1F5C0] =	vst v54;
	v47 =	vmul.f32 v54, v14;
	v54 =	vmov v14;
	v14 =	vmul.f32 v58, v7;
	v7 =	vld [tilespmem:$0x1FEF0]  }
0x25f: {  	v62 =	vmovc v31;
	v31 =	vld [tilespmem:$0x1FFC0];
	v16 =	vmov v11;
	v36 =	vmul.f32 v19, v27;
	v19 =	vmul.f32 v44, v26  }
0x260: {  	[tilespmem:$0x1F7F0] =	vst v16;
	v16 =	vmul.f32 v58, v18;
	v18 =	vld [tilespmem:$0x1FDE0]  }
0x261: {  	v15 =	vmul.f32 v35, v20;
	[tilespmem:$0x1F590] =	vst v19;
	v19 =	vld [tilespmem:$0x1FDB0];
	v52 =	vmul.f32 v23, v6  }
0x262: {  	v40 =	vmul.f32 v44, v22;
	v22 =	vmov v12;
	v43 =	vld [tilespmem:s25+$0x1]  }
0x263: {  	v37 =	vadd.f32 v37, v52;
	v10 =	vld [tilespmem:s25+$0x0];
	[tilespmem:s18+$0x21D0] =	vst v50;
	v50 =	vmovc v15;
	v15 =	vmul.f32 v58, v7;
	v7 =	vmov v59  }
0x264: {  	[tilespmem:$0x1F770] =	vst v22;
	v22 =	vld [tilespmem:$0x1FE00]  }
0x265: {  	v3 =	vmov v3;
	v26 =	vmov v23;
	v23 =	vld [tilespmem:$0x1FE80];
	v52 =	vadd.f32 v37, v47;
	[tilespmem:$0x1F800] =	vst v50  }
0x266: {  	v47 =	vmul.f32 v58, v33;
	v33 =	vld [tilespmem:$0x1FE50];
	s18 =	smov.u32 s21;
	s21 =	sadd.s32 $0x20, s21;
	v50 =	vmovc v57;
	v57 =	vmovc v63;
	v63 =	vmov v61;
	[tilespmem:$0x1F670] =	vst v7;
	v7 =	vmov v0  }
0x267: {  	[tilespmem:$0x1F690] =	vst v3;
	v11 =	vld [tilespmem:s21+$0x0]  }
0x268: {  	v3 =	vld [tilespmem:s21+$0x3C0];
	[tilespmem:$0x1F710] =	vst v63  }
0x269: {  	v9 =	vmul.f32 v30, v51;
	v32 =	vadd.f32 v52, v34;
	v63 =	vmovc v30;
	v30 =	vld [tilespmem:$0x1FF90];
	[tilespmem:$0x1F680] =	vst v7;
	v7 =	vmov v1  }
0x26a: {  	v59 =	vld [tilespmem:s21+$0x1E0]  }
0x26b: {  	s29 =	sadd.s32 $0x5A0, s19;
	v37 =	vmul.f32 v60, v17;
	v17 =	vld [tilespmem:s21+$0x5A0];
	[tilespmem:s23+$0xBF80] =	vst v32  }
0x26c: {  	s30 =	sand.u32 $0x7FFFFFE0, s29;
	v52 =	vld [tilespmem:$0x1FE30];
	[tilespmem:$0x1F6C0] =	vst v7;
	v7 =	vmov v46  }
0x26d: {  	[tilespmem:$0x1F6E0] =	vst v50;
	v50 =	vmul.f32 v10, v19;
	v32 =	vmul.f32 v10, v53;
	v39 =	vld [tilespmem:s30+$0xBF80]  }
0x26e: {  	v0 =	vmov v2;
	v2 =	vld [tilespmem:$0x1FEA0];
	v34 =	vmul.f32 v10, v30;
	v10 =	vmul.f32 v10, v25  }
0x26f: {  	v12 =	vmov v5;
	v5 =	vadd.f32 v59, v32;
	v32 =	vld [tilespmem:s25+$0xF];
	[tilespmem:$0x1F6D0] =	vst v7;
	v7 =	vmov v4  }
0x270: {  	s24 =	smov.u32 s22;
	s31 =	sadd.s32 s22, s20;
	v10 =	vadd.f32 v17, v10;
	v17 =	vmul.f32 v43, v27;
	[tilespmem:$0x1F750] =	vst v7;
	v7 =	vld [tilespmem:$0x1FFD0]  }
0x271: {  	p1 =	sne.s32 s22, $0x380;
	s22 =	sadd.s32 $0x40, s22;
	s28 =	sadd.s32 $0x40, s31;
	v3 =	vadd.f32 v3, v34;
	v34 =	vld [tilespmem:s25+$0xE];
	v46 =	vmovc v56;
	v56 =	vmul.f32 v43, v18;
	v4 =	vadd.f32 v11, v50  }
0x272: {  	s29 =	sand.u32 $0x40, s22;
	s28 =	sand.u32 $0x3F80, s28;
	v10 =	vadd.f32 v10, v17;
	v17 =	vadd.f32 v39, v41;
	v39 =	vld [tilespmem:$0x1FA30];
	v50 =	vmul.f32 v43, v22  }
0x273: {  	s28 =	sor.u32 s29, s28;
	[tilespmem:$0x1F760] =	vst v12;
	v12 =	vmul.f32 v43, v31;
	v1 =	vmul.f32 v45, v52;
	v41 =	vld [tilespmem:$0x1FF70];
	v4 =	vadd.f32 v4, v56  }
0x274: {  	[tilespmem:$0x1F6A0] =	vst v0;
	v0 =	vmul.f32 v60, v23;
	v43 =	vld [tilespmem:s28+$0x2];
	v5 =	vadd.f32 v5, v50;
	v56 =	vmul.f32 v45, v33  }
0x275: {  	v3 =	vadd.f32 v3, v12;
	v50 =	vld [tilespmem:$0x1FFA0];
	v1 =	vadd.f32 v4, v1;
	v12 =	vmul.f32 v45, v7  }
0x276: {  	v2 =	vmul.f32 v60, v2;
	v4 =	vadd.f32 v5, v56;
	v5 =	vmul.f32 v45, v49;
	v7 =	vld [tilespmem:s25+$0x10]  }
0x277: {  	v0 =	vadd.f32 v1, v0;
	v45 =	vld [tilespmem:s28+$0x0];
	v3 =	vadd.f32 v3, v12  }
0x278: {  	v1 =	vadd.f32 v10, v5;
	v5 =	vmul.f32 v28, v55;
	v2 =	vadd.f32 v4, v2;
	v28 =	vld [tilespmem:$0x1F590]  }
0x279: {  	v12 =	vadd.f32 v17, v36;
	v36 =	vld [tilespmem:s28+$0x1];
	v3 =	vadd.f32 v3, v37  }
0x27a: {  	[tilespmem:$0x1F700] =	vst v57;
	v57 =	vmul.f32 v60, v51;
	v2 =	vadd.f32 v2, v15;
	v15 =	vld [tilespmem:$0x1F780]  }
0x27b: {  	v0 =	vadd.f32 v0, v14;
	v14 =	vmul.f32 v43, v48;
	v48 =	vld [tilespmem:$0x1FF80];
	v3 =	vadd.f32 v3, v47  }
0x27c: {  	v4 =	vadd.f32 v12, v13;
	v12 =	vld [tilespmem:s25+$0x2E]  }
0x27d: {  	v1 =	vadd.f32 v1, v57;
	v3 =	vadd.f32 v3, v28;
	v28 =	vld [tilespmem:$0x1F5A0]  }
0x27e: {  	v13 =	vld [tilespmem:s25+$0x2F];
	v4 =	vadd.f32 v4, v9  }
0x27f: {  	v1 =	vadd.f32 v1, v16;
	v16 =	vld [tilespmem:s28+$0xF]  }
0x280: {  	s24 =	sadd.s32 $0x60, s24;
	s26 =	sadd.s32 $0x60, s31;
	v59 =	vmul.f32 v29, v24;
	v9 =	vld [tilespmem:s25+$0x30];
	v4 =	vadd.f32 v4, v38  }
0x281: {  	s24 =	sand.u32 $0x60, s24;
	v0 =	vadd.f32 v0, v8;
	v2 =	vadd.f32 v2, v42;
	v8 =	vmul.f32 v45, v41;
	s25 =	sand.u32 $0x3F80, s26;
	v38 =	vld [tilespmem:$0x1FFB0]  }
0x282: {  	v61 =	vmul.f32 v26, v39;
	[tilespmem:$0x1F5B0] =	vst v7;
	v7 =	vld [tilespmem:s28+$0xE];
	v1 =	vadd.f32 v1, v40;
	s24 =	sor.u32 s24, s25;
	v4 =	vadd.f32 v4, v28  }
0x283: {  	v47 =	vmul.f32 v45, v39;
	v17 =	vmul.f32 v36, v50;
	v0 =	vadd.f32 v0, v8;
	v42 =	vld [tilespmem:s24+$0x0]  }
0x284: {  	[tilespmem:$0x1F6F0] =	vst v46;
	v15 =	vmul.f32 v43, v15;
	v46 =	vmul.f32 v45, v48;
	v11 =	vld [tilespmem:s24+$0xE];
	v4 =	vadd.f32 v4, v61  }
0x285: {  	v8 =	vmul.f32 v45, v6;
	v40 =	vld [tilespmem:s24+$0x1];
	v1 =	vadd.f32 v1, v47;
	v0 =	vadd.f32 v0, v17  }
0x286: {  	v10 =	vld [tilespmem:s24+$0xF];
	v2 =	vadd.f32 v2, v46;
	v17 =	vmul.f32 v36, v38;
	v4 =	vadd.f32 v4, v59  }
0x287: {  	v6 =	vld [tilespmem:s24+$0x2];
	v3 =	vadd.f32 v3, v8;
	v8 =	vmul.f32 v36, v54;
	v0 =	vadd.f32 v0, v14  }
0x288: {  	v14 =	vmul.f32 v36, v24;
	v28 =	vld [tilespmem:s28+$0x10];
	v2 =	vadd.f32 v2, v17;
	v4 =	vadd.f32 v4, v5  }
0x289: {  	v3 =	vadd.f32 v3, v8;
	v8 =	vmul.f32 v43, v20;
	v5 =	vld [tilespmem:s24+$0x10];
	[tilespmem:s21+$0x0] =	vst v0  }
0x28a: {  	v57 =	vld [tilespmem:$0x1F860];
	v1 =	vadd.f32 v1, v14;
	v0 =	vadd.f32 v2, v15;
	v2 =	vmul.f32 v43, v55;
	[tilespmem:s30+$0xBF80] =	vst v4  }
0x28b: {  	v37 =	vmul.f32 v12, v30;
	v3 =	vadd.f32 v3, v8;
	v4 =	vld [tilespmem:s18+$0x23B0]  }
0x28c: {  	v54 =	vmul.f32 v63, v25;
	v14 =	vmul.f32 v60, v53;
	[tilespmem:s21+$0x1E0] =	vst v0;
	v0 =	vadd.f32 v1, v2;
	v17 =	vld [tilespmem:s18+$0x10]  }
0x28d: {  	s19 =	sadd.s32 $0x20, s19;
	v8 =	vmul.f32 v60, v19;
	v2 =	vmul.f32 v60, v25;
	[tilespmem:s21+$0x3C0] =	vst v3;
	v25 =	vld [tilespmem:$0x1F810]  }
0x28e: {  	s28 =	sand.u32 $0x3FE0, s19;
	v15 =	vmul.f32 v12, v53;
	v1 =	vmul.f32 v60, v30;
	v63 =	vld [tilespmem:s18+$0x1E10];
	[tilespmem:s21+$0x5A0] =	vst v0  }
0x28f: {  	v3 =	vmul.f32 v12, v19;
	v30 =	vmov v12;
	v12 =	vmul.f32 v58, v31;
	v47 =	vld [tilespmem:s28+$0xBF80]  }
0x290: {  	[tilespmem:$0x1F6B0] =	vst v6;
	v6 =	vmovc v31;
	v60 =	vmul.f32 v13, v18;
	v31 =	vmov v13;
	v13 =	vmul.f32 v34, v19;
	v19 =	vld [tilespmem:$0x1F5B0]  }
0x291: {  	v46 =	vld [tilespmem:s18+$0x1F0];
	v4 =	vadd.f32 v4, v54;
	v54 =	vmul.f32 v62, v27  }
0x292: {  	v59 =	vld [tilespmem:s18+$0x3D0];
	v0 =	vmul.f32 v58, v18  }
0x293: {  	v17 =	vadd.f32 v17, v25;
	v25 =	vmovc v8;
	v8 =	vld [tilespmem:$0x1F820];
	v4 =	vadd.f32 v4, v54;
	v54 =	vmul.f32 v21, v49  }
0x294: {  	v21 =	vmovc v9;
	v9 =	vadd.f32 v47, v13;
	v13 =	vmul.f32 v32, v18;
	v18 =	vmov v14;
	v14 =	vld [tilespmem:$0x1F830]  }
0x295: {  	v61 =	vld [tilespmem:s18+$0x5B0];
	v47 =	vmul.f32 v31, v6  }
0x296: {  	v4 =	vadd.f32 v4, v54;
	v54 =	vmul.f32 v26, v51;
	v6 =	vadd.f32 v9, v13;
	v13 =	vld [tilespmem:$0x1F850]  }
0x297: {  	v29 =	vmov v32;
	v32 =	vld [tilespmem:s18+$0x21D0]  }
0x298: {  	v8 =	vadd.f32 v46, v8;
	v46 =	vld [tilespmem:s18+$0x1FF0]  }
0x299: {  	[tilespmem:$0x1F820] =	vst v18;
	v18 =	vmov v1;
	v14 =	vadd.f32 v59, v14;
	v59 =	vmov v7;
	v7 =	vld [tilespmem:$0x1F5C0]  }
0x29a: {  	v4 =	vadd.f32 v4, v54;
	v54 =	vmov v16;
	v16 =	vld [tilespmem:$0x1FA70]  }
0x29b: {  	v9 =	vmul.f32 v19, v52;
	v13 =	vadd.f32 v61, v13;
	v61 =	vld [tilespmem:$0x1F990]  }
0x29c: {  	[tilespmem:$0x1F830] =	vst v18;
	v18 =	vmov v2;
	v2 =	vld [tilespmem:$0x1FA90]  }
0x29d: {  	v6 =	vadd.f32 v6, v9;
	v9 =	vadd.f32 v17, v57;
	v17 =	vmov v3;
	v3 =	vld [tilespmem:$0x1F870]  }
0x29e: {  	v1 =	vld [tilespmem:$0x1FA60]  }
0x29f: {  	v16 =	vadd.f32 v46, v16;
	v46 =	vld [tilespmem:$0x1FA00]  }
0x2a0: {  	v26 =	vmul.f32 v7, v61;
	v7 =	vld [tilespmem:$0x1F5D0]  }
0x2a1: {  	v2 =	vadd.f32 v32, v2;
	v32 =	vld [tilespmem:$0x1F880]  }
0x2a2: {  	v3 =	vadd.f32 v8, v3;
	v8 =	vld [tilespmem:$0x1FAE0];
	_ =	sdelay $0x1  }
0x2a3: {  	v56 =	vmul.f32 v58, v22;
	v58 =	vmul.f32 v58, v27  }
0x2a4: {  	v1 =	vadd.f32 v63, v1;
	v4 =	vadd.f32 v4, v26;
	v27 =	vmul.f32 v7, v46  }
0x2a5: {  	[tilespmem:$0x1F850] =	vst v18;
	v63 =	vmul.f32 v30, v23;
	v18 =	vmovc v11;
	v11 =	vadd.f32 v14, v32;
	v14 =	vmov v15  }
0x2a6: {  	v8 =	vmul.f32 v8, v39;
	[tilespmem:$0x1FA70] =	vst v14;
	v14 =	vld [tilespmem:$0x1F8A0];
	v4 =	vadd.f32 v4, v27  }
0x2a7: {  	v6 =	vadd.f32 v6, v63;
	v63 =	vld [tilespmem:$0x1FED0]  }
0x2a8: {  	v4 =	vadd.f32 v4, v8;
	v8 =	vld [tilespmem:$0x1FA50]  }
0x2a9: {  	v57 =	vld [tilespmem:$0x1FF20];
	_ =	sdelay $0x1  }
0x2aa: {  	v13 =	vadd.f32 v13, v14;
	v14 =	vmov v0;
	v0 =	vld [tilespmem:$0x1FAB0]  }
0x2ab: {  	v7 =	vmul.f32 v31, v63  }
0x2ac: {  	v8 =	vmul.f32 v8, v24  }
0x2ad: {  	v6 =	vadd.f32 v6, v7;
	v7 =	vmul.f32 v21, v57  }
0x2ae: {  	v26 =	vld [tilespmem:$0x1FBB0];
	v15 =	vmul.f32 v35, v55;
	v4 =	vadd.f32 v4, v8  }
0x2af: {  	v6 =	vadd.f32 v6, v7;
	v7 =	vmul.f32 v59, v41;
	v0 =	vadd.f32 v16, v0;
	v16 =	vld [tilespmem:$0x1FFD0]  }
0x2b0: {  	v4 =	vadd.f32 v4, v15;
	v15 =	vld [tilespmem:$0x1F8B0]  }
0x2b1: {  	v55 =	vmov v5;
	v5 =	vadd.f32 v6, v7;
	v6 =	vmul.f32 v54, v50  }
0x2b2: {  	v20 =	vmov v28;
	v28 =	vld [tilespmem:$0x1F900];
	[tilespmem:$0x1F860] =	vst v14;
	v8 =	vmov v56  }
0x2b3: {  	v5 =	vadd.f32 v5, v6;
	v6 =	vmul.f32 v20, v26;
	[tilespmem:$0x1F870] =	vst v8  }
0x2b4: {  	v7 =	vld [tilespmem:$0x1FAC0];
	v14 =	vmov v12;
	v12 =	vmul.f32 v44, v49;
	v8 =	vmul.f32 v44, v16;
	[tilespmem:s18+$0x23B0] =	vst v4  }
0x2b5: {  	v4 =	vadd.f32 v5, v6;
	v6 =	vmul.f32 v21, v16;
	v49 =	vmovc v16;
	v16 =	vld [tilespmem:$0x1F8C0];
	v9 =	vadd.f32 v9, v15;
	_ =	sdelay $0x1  }
0x2b6: {  	v9 =	vadd.f32 v9, v28;
	v28 =	vmov v47  }
0x2b7: {  	[tilespmem:$0x1FAC0] =	vst v28;
	v28 =	vld [tilespmem:$0x1F910];
	_ =	sdelay $0x1  }
0x2b8: {  	v2 =	vadd.f32 v2, v7;
	v7 =	vmov v37;
	v3 =	vadd.f32 v3, v16;
	v16 =	vld [tilespmem:$0x1F8D0]  }
0x2b9: {  	[tilespmem:$0x1FA90] =	vst v7;
	v7 =	vmul.f32 v44, v52;
	_ =	sdelay $0x1  }
0x2ba: {  	v3 =	vadd.f32 v3, v28;
	v28 =	vmovc v7;
	v7 =	vmul.f32 v34, v53;
	v53 =	vmov v20;
	v20 =	vld [tilespmem:$0x1F930];
	_ =	sdelay $0x1  }
0x2bb: {  	v32 =	vld [tilespmem:$0x1FAA0];
	v11 =	vadd.f32 v11, v16;
	v16 =	vmov v60  }
0x2bc: {  	[tilespmem:$0x1FAA0] =	vst v16;
	v16 =	vld [tilespmem:$0x1F8F0];
	_ =	sdelay $0x1  }
0x2bd: {  	v11 =	vadd.f32 v11, v20;
	v20 =	vld [tilespmem:$0x1F950];
	_ =	sdelay $0x2  }
0x2be: {  	[tilespmem:$0x1F810] =	vst v25;
	v25 =	vmov v10;
	v10 =	vmul.f32 v44, v33;
	v13 =	vadd.f32 v13, v16  }
0x2bf: {  	v16 =	vld [tilespmem:$0x1FAD0]  }
0x2c0: {  	v13 =	vadd.f32 v13, v20;
	v20 =	vmov v10  }
0x2c1: {  	[tilespmem:$0x1F8C0] =	vst v20;
	v20 =	vld [tilespmem:$0x1FB20]  }
0x2c2: {  	v1 =	vadd.f32 v1, v32;
	_ =	sdelay $0x1  }
0x2c3: {  	v44 =	vld [tilespmem:$0x1FAF0];
	v1 =	vadd.f32 v1, v16;
	_ =	sdelay $0x1  }
0x2c4: {  	v1 =	vadd.f32 v1, v20;
	v20 =	vld [tilespmem:$0x1FB40];
	_ =	sdelay $0x2  }
0x2c5: {  	v0 =	vadd.f32 v0, v44;
	_ =	sdelay $0x1  }
0x2c6: {  	v0 =	vadd.f32 v0, v20;
	v20 =	vmov v8  }
0x2c7: {  	[tilespmem:$0x1F8D0] =	vst v20;
	v20 =	vld [tilespmem:$0x1F960];
	_ =	sdelay $0x2  }
0x2c8: {  	v5 =	vmul.f32 v21, v33;
	_ =	sdelay $0x1  }
0x2c9: {  	v9 =	vadd.f32 v9, v20;
	v20 =	vmov v5  }
0x2ca: {  	[tilespmem:$0x1FAF0] =	vst v20;
	v20 =	vld [tilespmem:$0x1F970];
	_ =	sdelay $0x1  }
0x2cb: {  	v15 =	vmov v58  }
0x2cc: {  	s29 =	sadd.s32 $0x1E0, s19;
	[tilespmem:$0x1F8A0] =	vst v15;
	v15 =	vmul.f32 v45, v23  }
0x2cd: {  	s30 =	sand.u32 $0x7FFFFFE0, s29;
	[tilespmem:s28+$0xBF80] =	vst v4  }
0x2ce: {  	v16 =	vld [tilespmem:s30+$0xBF80];
	v3 =	vadd.f32 v3, v20;
	v20 =	vmov v15  }
0x2cf: {  	[tilespmem:$0x1F900] =	vst v20;
	v20 =	vld [tilespmem:$0x1F5E0];
	_ =	sdelay $0x2  }
0x2d0: {  	v27 =	vmov v24;
	v24 =	vld [tilespmem:$0x1FEA0]  }
0x2d1: {  	v7 =	vadd.f32 v16, v7;
	v8 =	vmul.f32 v29, v22  }
0x2d2: {  	v11 =	vadd.f32 v11, v20;
	v20 =	vld [tilespmem:$0x1F9A0]  }
0x2d3: {  	v7 =	vadd.f32 v7, v8;
	v8 =	vmul.f32 v19, v33  }
0x2d4: {  	v32 =	vmul.f32 v45, v51;
	v51 =	vmov v19  }
0x2d5: {  	v4 =	vmul.f32 v45, v24;
	v60 =	vld [tilespmem:$0x1F920];
	v19 =	vmovc v6;
	v6 =	vadd.f32 v7, v8;
	v7 =	vmul.f32 v30, v24;
	_ =	sdelay $0x1  }
0x2d6: {  	v13 =	vadd.f32 v13, v20;
	v20 =	vmov v4;
	v4 =	vadd.f32 v6, v7;
	v7 =	vld [tilespmem:$0x1F5F0];
	_ =	sdelay $0x2  }
0x2d7: {  	[tilespmem:$0x1FA60] =	vst v17;
	v17 =	vmul.f32 v45, v60;
	_ =	sdelay $0x1  }
0x2d8: {  	v1 =	vadd.f32 v1, v7;
	v7 =	vmov v17  }
0x2d9: {  	[tilespmem:$0x1F930] =	vst v7;
	v7 =	vld [tilespmem:$0x1F600]  }
0x2da: {  	[tilespmem:$0x1F880] =	vst v14;
	v14 =	vmul.f32 v21, v52;
	v52 =	vld [tilespmem:$0x1FB10];
	_ =	sdelay $0x1  }
0x2db: {  	v16 =	vld [tilespmem:$0x1FB50];
	_ =	sdelay $0x1  }
0x2dc: {  	v0 =	vadd.f32 v0, v7;
	v7 =	vld [tilespmem:$0x1FB60]  }
0x2dd: {  	v2 =	vadd.f32 v2, v52;
	_ =	sdelay $0x1  }
0x2de: {  	v37 =	vmul.f32 v59, v23;
	v2 =	vadd.f32 v2, v16;
	_ =	sdelay $0x1  }
0x2df: {  	v62 =	vmul.f32 v31, v22;
	v22 =	vld [tilespmem:$0x1F980];
	v2 =	vadd.f32 v2, v7;
	v7 =	vmov v37  }
0x2e0: {  	[tilespmem:$0x1FB20] =	vst v7;
	v7 =	vld [tilespmem:$0x1F9C0];
	_ =	sdelay $0x2  }
0x2e1: {  	[tilespmem:$0x1F8B0] =	vst v28;
	v28 =	vld [tilespmem:$0x1FEF0];
	v58 =	vmul.f32 v59, v60;
	v16 =	vmov v12  }
0x2e2: {  	[tilespmem:$0x1F8F0] =	vst v16  }
0x2e3: {  	v16 =	vmul.f32 v36, v22;
	v8 =	vmul.f32 v54, v22;
	v22 =	vld [tilespmem:$0x1FF40];
	v9 =	vadd.f32 v9, v7;
	v7 =	vmovc v58  }
0x2e4: {  	[tilespmem:$0x1FB50] =	vst v7;
	v7 =	vld [tilespmem:$0x1F9D0];
	_ =	sdelay $0x1  }
0x2e5: {  	v6 =	vmul.f32 v31, v28;
	_ =	sdelay $0x1  }
0x2e6: {  	v47 =	vmul.f32 v53, v22;
	v4 =	vadd.f32 v4, v6  }
0x2e7: {  	v6 =	vmul.f32 v21, v22;
	v17 =	vmul.f32 v43, v22;
	v22 =	vadd.f32 v3, v7;
	v3 =	vld [tilespmem:$0x1F9F0];
	_ =	sdelay $0x2  }
0x2e8: {  	v60 =	vmul.f32 v36, v63  }
0x2e9: {  	v4 =	vadd.f32 v4, v6;
	v6 =	vmul.f32 v59, v48  }
0x2ea: {  	v11 =	vadd.f32 v11, v3;
	v3 =	vmov v60  }
0x2eb: {  	[tilespmem:$0x1F960] =	vst v3;
	v3 =	vadd.f32 v4, v6;
	v6 =	vld [tilespmem:$0x1FA10];
	_ =	sdelay $0x2  }
0x2ec: {  	v12 =	vmul.f32 v36, v28;
	_ =	sdelay $0x1  }
0x2ed: {  	v45 =	vadd.f32 v13, v6;
	v6 =	vmov v12  }
0x2ee: {  	[tilespmem:$0x1F970] =	vst v6;
	v6 =	vld [tilespmem:$0x1F610];
	_ =	sdelay $0x3  }
0x2ef: {  	[tilespmem:$0x1F910] =	vst v20;
	v20 =	vld [tilespmem:$0x1F9E0]  }
0x2f0: {  	v12 =	vadd.f32 v1, v6;
	v1 =	vld [tilespmem:$0x1F620];
	_ =	sdelay $0x2  }
0x2f1: {  	v4 =	vmul.f32 v54, v38  }
0x2f2: {  	[tilespmem:$0x1FB10] =	vst v19;
	v19 =	vmov v32;
	v32 =	vmul.f32 v43, v20  }
0x2f3: {  	v58 =	vmul.f32 v53, v20;
	v20 =	vadd.f32 v0, v1;
	v0 =	vadd.f32 v3, v4;
	v3 =	vld [tilespmem:$0x1F630]  }
0x2f4: {  	[tilespmem:$0x1F7A0] =	vst v55;
	v55 =	vmov v62;
	v62 =	vmov v14;
	v14 =	vmul.f32 v36, v61;
	_ =	sdelay $0x3  }
0x2f5: {  	v4 =	vadd.f32 v2, v3;
	v2 =	vmov v14;
	v14 =	vmov v8  }
0x2f6: {  	[tilespmem:$0x1FB60] =	vst v14;
	v14 =	vld [tilespmem:$0x1F680];
	_ =	sdelay $0x3  }
0x2f7: {  	v1 =	vld [tilespmem:$0x1F780]  }
0x2f8: {  	v14 =	vadd.f32 v12, v14;
	v12 =	vld [tilespmem:$0x1F690];
	_ =	sdelay $0x1  }
0x2f9: {  	v5 =	vmul.f32 v54, v63  }
0x2fa: {  	v15 =	vmul.f32 v43, v57  }
0x2fb: {  	v35 =	vmov v5;
	v5 =	vld [tilespmem:$0x1F650];
	v1 =	vmul.f32 v53, v1  }
0x2fc: {  	[tilespmem:$0x1FAB0] =	vst v55;
	v55 =	vmov v16;
	v16 =	vadd.f32 v20, v12;
	v12 =	vmov v15;
	v15 =	vld [tilespmem:$0x1F6A0]  }
0x2fd: {  	v63 =	vmul.f32 v54, v28;
	v1 =	vadd.f32 v0, v1  }
0x2fe: {  	v56 =	vmul.f32 v59, v24;
	v37 =	vmul.f32 v43, v46;
	v46 =	vld [tilespmem:$0x1F670]  }
0x2ff: {  	v24 =	vmov v63;
	v63 =	vmul.f32 v25, v50;
	[tilespmem:s30+$0xBF80] =	vst v1;
	v1 =	vmul.f32 v40, v50;
	v50 =	vld [tilespmem:$0x1F6D0]  }
0x300: {  	v5 =	vadd.f32 v22, v5;
	v3 =	vld [tilespmem:$0x1F640]  }
0x301: {  	[tilespmem:$0x1F9C0] =	vst v12;
	v12 =	vld [tilespmem:$0x1FB90];
	v15 =	vadd.f32 v4, v15;
	v4 =	vmov v17  }
0x302: {  	[tilespmem:$0x1F9D0] =	vst v4;
	v4 =	vld [tilespmem:$0x1F6C0]  }
0x303: {  	v8 =	vld [tilespmem:$0x1F660]  }
0x304: {  	[tilespmem:$0x1F950] =	vst v19;
	v44 =	vadd.f32 v5, v50;
	v5 =	vmov v37  }
0x305: {  	v19 =	vmov v56;
	v56 =	vmul.f32 v40, v27;
	v9 =	vadd.f32 v9, v3;
	[tilespmem:$0x1FA10] =	vst v5;
	v5 =	vld [tilespmem:$0x1F6E0]  }
0x306: {  	v43 =	vmul.f32 v53, v57;
	v10 =	vadd.f32 v45, v46;
	v46 =	vmul.f32 v40, v38  }
0x307: {  	s31 =	sadd.s32 $0x3C0, s19;
	[tilespmem:$0x1F9A0] =	vst v2;
	v2 =	vld [tilespmem:$0x1FA20];
	v57 =	vmul.f32 v40, v12;
	v40 =	vadd.f32 v9, v4;
	v4 =	vmov v32  }
0x308: {  	s23 =	sand.u32 $0x7FFFFFE0, s31;
	v8 =	vadd.f32 v11, v8;
	[tilespmem:$0x1F9F0] =	vst v4;
	v4 =	vld [tilespmem:$0x1FF90]  }
0x309: {  	v7 =	vmul.f32 v42, v48;
	v3 =	vmul.f32 v18, v48;
	v48 =	vld [tilespmem:s23+$0xBF80]  }
0x30a: {  	v36 =	vadd.f32 v8, v5;
	v5 =	vld [tilespmem:$0x1F6F0];
	_ =	sdelay $0x2  }
0x30b: {  	v61 =	vmul.f32 v25, v38;
	v4 =	vmul.f32 v34, v4  }
0x30c: {  	v23 =	vmov v59;
	v59 =	vmul.f32 v42, v39;
	v13 =	vmul.f32 v42, v41;
	v38 =	vld [tilespmem:$0x1F6B0]  }
0x30d: {  	v6 =	vmul.f32 v42, v2;
	v42 =	vadd.f32 v10, v5;
	v5 =	vadd.f32 v48, v4;
	v4 =	vld [tilespmem:$0x1FFC0];
	_ =	sdelay $0x1  }
0x30e: {  	v60 =	vld [tilespmem:$0x1F720];
	_ =	sdelay $0x1  }
0x30f: {  	v52 =	vld [tilespmem:$0x1F710];
	[tilespmem:$0x1FAD0] =	vst v62;
	v62 =	vmul.f32 v25, v12  }
0x310: {  	v12 =	vmul.f32 v38, v26;
	v26 =	vmov v47;
	v47 =	vld [tilespmem:$0x1F780];
	v8 =	vmul.f32 v29, v4  }
0x311: {  	v4 =	vld [tilespmem:$0x1F700]  }
0x312: {  	v17 =	vmov v43;
	v43 =	vadd.f32 v15, v60;
	v60 =	vadd.f32 v5, v8;
	v5 =	vld [tilespmem:$0x1FBC0]  }
.Ltmp3:
0x313: {  	_ = 	snop;
	(pc) =	sbr.rel @p1 .LBB2_8-.Ltmp3, $4  }
0x314: {  	_ = 	snop  }
0x315: {  	[tilespmem:$0x1FB40] =	vst v19;
	v0 =	vmul.f32 v18, v41;
	v2 =	vmul.f32 v18, v2  }
0x316: {  	v19 =	vmovc v29;
	v39 =	vadd.f32 v16, v52;
	v16 =	vmovc v51;
	v32 =	vmov v58;
	v58 =	vmul.f32 v51, v49  }
0x317: {  	v49 =	vmovc v13;
	v45 =	vadd.f32 v14, v4;
	v4 =	vmul.f32 v38, v47;
	v5 =	vmul.f32 v38, v5  }
0x318: {  	_ = 	snop  }
0x319: {  	v20 =	vmov v4;
	v4 =	vld [tilespmem:$0x1F880];
	_ =	sdelay $0x4  }
0x31a: {  	[tilespmem:$0x1FC40] =	vst v4;
	v4 =	vld [tilespmem:$0x1F8A0];
	_ =	sdelay $0x4  }
0x31b: {  	[tilespmem:$0x1FC50] =	vst v4;
	v4 =	vld [tilespmem:$0x1FAA0];
	_ =	sdelay $0x4  }
0x31c: {  	[tilespmem:$0x1FDF0] =	vst v4;
	v4 =	vld [tilespmem:$0x1FAB0];
	_ =	sdelay $0x4  }
0x31d: {  	[tilespmem:$0x1FE10] =	vst v4;
	v4 =	vld [tilespmem:$0x1FAC0];
	_ =	sdelay $0x4  }
0x31e: {  	[tilespmem:$0x1FE20] =	vst v4;
	v4 =	vld [tilespmem:$0x1F8B0];
	_ =	sdelay $0x4  }
0x31f: {  	[tilespmem:$0x1FC60] =	vst v4;
	v4 =	vld [tilespmem:$0x1F8C0];
	_ =	sdelay $0x4  }
0x320: {  	[tilespmem:$0x1FC70] =	vst v4;
	v4 =	vld [tilespmem:$0x1F8D0];
	_ =	sdelay $0x4  }
0x321: {  	[tilespmem:$0x1FC80] =	vst v4;
	v4 =	vld [tilespmem:$0x1F8F0];
	_ =	sdelay $0x4  }
0x322: {  	[tilespmem:$0x1FC90] =	vst v4;
	v4 =	vld [tilespmem:$0x1FAD0];
	_ =	sdelay $0x4  }
0x323: {  	[tilespmem:$0x1FE40] =	vst v4;
	v4 =	vld [tilespmem:$0x1FAF0];
	_ =	sdelay $0x4  }
0x324: {  	[tilespmem:$0x1FE60] =	vst v4;
	v4 =	vld [tilespmem:$0x1FB10];
	_ =	sdelay $0x4  }
0x325: {  	[tilespmem:$0x1FE70] =	vst v4;
	v4 =	vld [tilespmem:$0x1F900];
	_ =	sdelay $0x4  }
0x326: {  	[tilespmem:$0x1FCA0] =	vst v4;
	v4 =	vld [tilespmem:$0x1F910];
	_ =	sdelay $0x4  }
0x327: {  	[tilespmem:$0x1FCB0] =	vst v4;
	v4 =	vld [tilespmem:$0x1F930];
	_ =	sdelay $0x4  }
0x328: {  	[tilespmem:$0x1FCC0] =	vst v4;
	v4 =	vld [tilespmem:$0x1F950];
	_ =	sdelay $0x4  }
0x329: {  	[tilespmem:$0x1FCD0] =	vst v4;
	v4 =	vld [tilespmem:$0x1FB20];
	_ =	sdelay $0x4  }
0x32a: {  	[tilespmem:$0x1FE90] =	vst v4;
	v4 =	vld [tilespmem:$0x1FB40];
	_ =	sdelay $0x4  }
0x32b: {  	[tilespmem:$0x1FEB0] =	vst v4;
	v4 =	vld [tilespmem:$0x1FB50]  }
0x32c: {  	v13 =	vld [tilespmem:$0x1F9E0]  }
0x32d: {  	v11 =	vld [tilespmem:$0x1F980]  }
0x32e: {  	v10 =	vld [tilespmem:$0x1F920]  }
0x32f: {  	v9 =	vld [tilespmem:$0x1FB90]  }
0x330: {  	[tilespmem:$0x1FEC0] =	vst v4;
	v4 =	vld [tilespmem:$0x1F960]  }
0x331: {  	v37 =	vld [tilespmem:$0x1FA20]  }
0x332: {  	v8 =	vld [tilespmem:$0x1FA30]  }
0x333: {  	v29 =	vld [tilespmem:$0x1F770]  }
0x334: {  	v33 =	vmov v1;
	v1 =	vld [tilespmem:$0x1F810]  }
0x335: {  	[tilespmem:$0x1FCE0] =	vst v4;
	v4 =	vld [tilespmem:$0x1F970]  }
0x336: {  	v14 =	vld [tilespmem:$0x1F750]  }
0x337: {  	v28 =	vld [tilespmem:$0x1F7A0]  }
0x338: {  	[tilespmem:$0x1FD60] =	vst v7;
	v7 =	vmov v3;
	v3 =	vld [tilespmem:$0x1FA60]  }
0x339: {  	[tilespmem:$0x1FBE0] =	vst v1;
	v1 =	vld [tilespmem:$0x1F820]  }
0x33a: {  	[tilespmem:$0x1FCF0] =	vst v4;
	v4 =	vld [tilespmem:$0x1F9A0]  }
0x33b: {  	[tilespmem:$0x1FFE0] =	vst v59;
	v59 =	vmov v2;
	v2 =	vld [tilespmem:$0x1FA70]  }
0x33c: {  	[tilespmem:$0x1FF60] =	vst v32;
	v32 =	vld [tilespmem:$0x1FBB0]  }
0x33d: {  	v48 =	vld [tilespmem:$0x1FBC0]  }
0x33e: {  	[tilespmem:$0x1FBF0] =	vst v1;
	v1 =	vld [tilespmem:$0x1F830]  }
0x33f: {  	[tilespmem:$0x1FD10] =	vst v4;
	v4 =	vld [tilespmem:$0x1FB60]  }
0x340: {  	v27 =	vmov v53;
	v53 =	vld [tilespmem:$0x1FA00]  }
0x341: {  	v50 =	vld [tilespmem:$0x1F990]  }
0x342: {  	[tilespmem:$0x1FFF0] =	vst v0;
	v51 =	vld [tilespmem:$0x1F940]  }
0x343: {  	[tilespmem:$0x1FC00] =	vst v1;
	v1 =	vld [tilespmem:$0x1F850]  }
0x344: {  	[tilespmem:$0x1FF10] =	vst v4;
	v4 =	vld [tilespmem:$0x1F9C0]  }
0x345: {  	[tilespmem:$0x1FD80] =	vst v46;
	v52 =	vld [tilespmem:$0x1F8E0]  }
0x346: {  	v15 =	vmov v54;
	[tilespmem:$0x1FDA0] =	vst v56;
	v54 =	vld [tilespmem:$0x1F890]  }
0x347: {  	[tilespmem:$0x1FD00] =	vst v55;
	v56 =	vld [tilespmem:$0x1F840]  }
0x348: {  	[tilespmem:$0x1FC10] =	vst v1;
	v1 =	vld [tilespmem:$0x1FA90]  }
0x349: {  	[tilespmem:$0x1FD20] =	vst v4;
	v4 =	vld [tilespmem:$0x1F9D0]  }
0x34a: {  	v41 =	vmovc v23;
	v23 =	vmov v12;
	v12 =	vmov v25;
	v25 =	vmov v61;
	[tilespmem:$0x1FEE0] =	vst v35;
	v61 =	vld [tilespmem:$0x1FA40]  }
0x34b: {  	[tilespmem:$0x1FF00] =	vst v24;
	v24 =	vld [tilespmem:$0x1F790]  }
0x34c: {  	[tilespmem:$0x1F730] =	vst v14;
	v14 =	vld [tilespmem:$0x1F760]  }
0x34d: {  	[tilespmem:$0x1FDD0] =	vst v1;
	v1 =	vld [tilespmem:$0x1F870]  }
0x34e: {  	[tilespmem:$0x1FD30] =	vst v4;
	v4 =	vld [tilespmem:$0x1F9F0]  }
0x34f: {  	[tilespmem:$0x1FF30] =	vst v17;
	v17 =	vld [tilespmem:$0x1F800]  }
0x350: {  	[tilespmem:$0x1FF50] =	vst v26;
	v35 =	vmov v7;
	v7 =	vmov v30;
	v30 =	vld [tilespmem:$0x1FA10]  }
0x351: {  	v22 =	vmov v21;
	[tilespmem:$0x1F740] =	vst v14;
	v14 =	vld [tilespmem:$0x1F860]  }
0x352: {  	[tilespmem:$0x1FC30] =	vst v1;
	v1 =	vmov v18;
	v18 =	vmov v22;
	v22 =	vld [tilespmem:$0x1F7F0]  }
0x353: {  	s20 =	smov.u32 s18;
	s18 =	smov.u32 s21;
	v46 =	vmovc v6;
	v55 =	vmov v49;
	v21 =	vmov v5;
	v49 =	vmov v1;
	v1 =	vld [tilespmem:$0x1F7D0];
	[tilespmem:$0x1FD40] =	vst v4  }
.LBB2_10:
0x354: {  	v0 =	vadd.f32 v60, v58;
	v4 =	vmul.f32 v7, v10;
	_ =	sdelay $0x1  }
0x355: {  	v11 =	vmul.f32 v31, v11;
	v0 =	vadd.f32 v0, v4;
	_ =	sdelay $0x1  }
0x356: {  	v13 =	vmul.f32 v18, v13;
	v0 =	vadd.f32 v0, v11;
	_ =	sdelay $0x1  }
0x357: {  	v26 =	vmul.f32 v41, v37;
	v0 =	vadd.f32 v0, v13;
	_ =	sdelay $0x1  }
0x358: {  	v37 =	vmul.f32 v15, v9;
	v0 =	vadd.f32 v0, v26;
	_ =	sdelay $0x1  }
0x359: {  	v58 =	vmul.f32 v27, v48;
	v0 =	vadd.f32 v0, v37;
	_ =	sdelay $0x1  }
0x35a: {  	v0 =	vadd.f32 v0, v58  }
0x35b: {  	s19 =	sadd.s32 $0x5A0, s19  }
0x35c: {  	s19 =	sand.u32 $0x7FFFFFE0, s19;
	[tilespmem:s23+$0xBF80] =	vst v0  }
0x35d: {  	v0 =	vld [tilespmem:s19+$0xBF80];
	_ =	sdelay $0x2  }
0x35e: {  	v60 =	vmul.f32 v34, v56;
	_ =	sdelay $0x1  }
0x35f: {  	v9 =	vmul.f32 v19, v54;
	v0 =	vadd.f32 v0, v60;
	_ =	sdelay $0x1  }
0x360: {  	v10 =	vmul.f32 v16, v52;
	v0 =	vadd.f32 v0, v9;
	_ =	sdelay $0x1  }
0x361: {  	v11 =	vmul.f32 v7, v51;
	v0 =	vadd.f32 v0, v10;
	_ =	sdelay $0x1  }
0x362: {  	v13 =	vmul.f32 v31, v50;
	v0 =	vadd.f32 v0, v11;
	_ =	sdelay $0x1  }
0x363: {  	v16 =	vmul.f32 v18, v53;
	v0 =	vadd.f32 v0, v13;
	_ =	sdelay $0x1  }
0x364: {  	v19 =	vmul.f32 v41, v8;
	v0 =	vadd.f32 v0, v16;
	_ =	sdelay $0x1  }
0x365: {  	v26 =	vmul.f32 v15, v61;
	v0 =	vadd.f32 v0, v19;
	_ =	sdelay $0x1  }
0x366: {  	v34 =	vmul.f32 v27, v1;
	v0 =	vadd.f32 v0, v26;
	_ =	sdelay $0x1  }
0x367: {  	v0 =	vadd.f32 v0, v34;
	_ =	sdelay $0x1  }
0x368: {  	[tilespmem:s19+$0xBF80] =	vst v0  }
0x369: {  	v0 =	vld [tilespmem:s18+$0x23B0]  }
0x36a: {  	v5 =	vld [tilespmem:s18+$0x10]  }
0x36b: {  	v6 =	vld [tilespmem:s18+$0x1F0]  }
0x36c: {  	v13 =	vld [tilespmem:s18+$0x3D0]  }
0x36d: {  	v9 =	vld [tilespmem:$0x1F730]  }
0x36e: {  	v16 =	vld [tilespmem:s18+$0x5B0]  }
0x36f: {  	v26 =	vld [tilespmem:s18+$0x1E10]  }
0x370: {  	v37 =	vmul.f32 v7, v56;
	v7 =	vadd.f32 @p0 v40, v29;
	v29 =	vld [tilespmem:s18+$0x1FF0]  }
0x371: {  	v34 =	vld [tilespmem:s18+$0x21D0]  }
0x372: {  	v56 =	vmul.f32 v31, v54;
	v31 =	vmul.f32 v15, v50;
	v50 =	vld [tilespmem:$0x1FBE0]  }
0x373: {  	v60 =	vmul.f32 v18, v52;
	v52 =	vld [tilespmem:$0x1FC00]  }
0x374: {  	v39 =	vadd.f32 @p0 v39, v22;
	v22 =	vld [tilespmem:$0x1FDD0]  }
0x375: {  	v58 =	vmov v8;
	v40 =	vld [tilespmem:$0x1FDF0]  }
0x376: {  	v11 =	vmul.f32 v49, v58;
	v58 =	vld [tilespmem:$0x1FE40]  }
0x377: {  	v43 =	vadd.f32 @p0 v43, v17;
	v17 =	vld [tilespmem:$0x1FEB0]  }
0x378: {  	v54 =	vmul.f32 v27, v53;
	v27 =	vld [tilespmem:$0x1FD00]  }
0x379: {  	v18 =	vadd.f32 @p0 v44, v9;
	v9 =	vld [tilespmem:$0x1F740]  }
0x37a: {  	v0 =	vadd.f32 v0, v37;
	v37 =	vadd.f32 @p0 v42, v24;
	v24 =	vmul.f32 v41, v51;
	v51 =	vld [tilespmem:$0x1FBF0]  }
0x37b: {  	v10 =	vmov v1;
	v1 =	vadd.f32 v5, v50;
	v50 =	vld [tilespmem:$0x1FE20]  }
0x37c: {  	v26 =	vadd.f32 v26, v3;
	v0 =	vadd.f32 v0, v56;
	v56 =	vld [tilespmem:$0x1FC10]  }
0x37d: {  	v1 =	vadd.f32 v1, v14;
	v14 =	vld [tilespmem:$0x1FCC0]  }
0x37e: {  	v42 =	vadd.f32 v26, v40;
	v26 =	vld [tilespmem:$0x1FCF0]  }
0x37f: {  	v40 =	vld [tilespmem:$0x1FD20]  }
0x380: {  	v0 =	vadd.f32 v0, v60;
	v60 =	vadd.f32 v29, v2;
	v29 =	vld [tilespmem:$0x1FC30]  }
0x381: {  	v19 =	vadd.f32 @p0 v36, v9;
	v9 =	vld [tilespmem:$0x1F7E0]  }
0x382: {  	v36 =	vld [tilespmem:$0x1FC50]  }
0x383: {  	v5 =	vadd.f32 v6, v51;
	v51 =	vld [tilespmem:$0x1FC60]  }
0x384: {  	v6 =	vadd.f32 v13, v52;
	v52 =	vld [tilespmem:$0x1FC70]  }
0x385: {  	v13 =	vld [tilespmem:$0x1FCB0]  }
0x386: {  	v0 =	vadd.f32 v0, v24;
	v24 =	vadd.f32 v34, v22;
	v34 =	vld [tilespmem:$0x1FC40]  }
0x387: {  	v22 =	vld [tilespmem:$0x1FEC0]  }
0x388: {  	v8 =	vadd.f32 v16, v56;
	v56 =	vld [tilespmem:$0x1FC90]  }
0x389: {  	v16 =	vld [tilespmem:$0x1FE90]  }
0x38a: {  	v0 =	vadd.f32 v0, v31;
	v31 =	vmul.f32 v12, v61;
	v61 =	vld [tilespmem:$0x1FE70]  }
0x38b: {  	v12 =	vld [tilespmem:$0x1FCA0]  }
0x38c: {  	v15 =	vadd.f32 v24, v50;
	v24 =	vld [tilespmem:$0x1FCE0]  }
0x38d: {  	v5 =	vadd.f32 v5, v29;
	v29 =	vld [tilespmem:$0x1FD10];
	v41 =	vadd.f32 @p0 v45, v9  }
0x38e: {  	v0 =	vadd.f32 v0, v54;
	v8 =	vadd.f32 v8, v36;
	v45 =	vld [tilespmem:$0x1FE10]  }
0x38f: {  	v1 =	vadd.f32 v1, v51;
	v54 =	vld [tilespmem:$0x1FC80];
	v6 =	vadd.f32 v6, v34  }
0x390: {  	v36 =	vld [tilespmem:$0x1FF10];
	v53 =	vadd.f32 v5, v52;
	v5 =	vadd.f32 v42, v58  }
0x391: {  	v34 =	vld [tilespmem:$0x1FF00];
	v0 =	vadd.f32 v0, v11;
	v3 =	vadd.f32 v8, v56  }
0x392: {  	v42 =	vld [tilespmem:$0x1FD30];
	v8 =	vadd.f32 v15, v61;
	v1 =	vadd.f32 v1, v12  }
0x393: {  	v4 =	vadd.f32 v53, v13;
	v15 =	vld [tilespmem:$0x1FCD0];
	v5 =	vadd.f32 v5, v16  }
0x394: {  	v44 =	vmul.f32 v28, v10;
	v0 =	vadd.f32 v0, v31;
	v49 =	vadd.f32 v60, v45;
	v60 =	vld [tilespmem:$0x1FE60]  }
0x395: {  	v31 =	vld [tilespmem:$0x1FEE0];
	v2 =	vadd.f32 v6, v54;
	v8 =	vadd.f32 v8, v22  }
0x396: {  	v1 =	vadd.f32 v1, v24;
	v0 =	vadd.f32 v0, v44;
	v44 =	vld [tilespmem:$0x1FD40];
	[tilespmem:s20+$0x10] =	vst @p0 v7  }
0x397: {  	v4 =	vadd.f32 v4, v26;
	v2 =	vadd.f32 v2, v14;
	v7 =	vld [tilespmem:$0x1FF30]  }
0x398: {  	v8 =	vadd.f32 v8, v36;
	v1 =	vadd.f32 v1, v40;
	v45 =	vld [tilespmem:$0x1FF50];
	[tilespmem:s20+$0x1F0] =	vst @p0 v18  }
0x399: {  	v4 =	vadd.f32 v4, v42;
	v6 =	vadd.f32 v49, v60;
	v49 =	vld [tilespmem:$0x1FF60];
	[tilespmem:s20+$0x3D0] =	vst @p0 v19  }
0x39a: {  	v3 =	vadd.f32 v3, v15;
	v2 =	vadd.f32 v2, v27;
	v50 =	vld [tilespmem:$0x1FD60];
	[tilespmem:s20+$0x5B0] =	vst @p0 v37  }
0x39b: {  	v5 =	vadd.f32 v5, v31;
	v1 =	vadd.f32 v1, v55;
	v51 =	vld [tilespmem:$0x1FFE0]  }
0x39c: {  	v3 =	vadd.f32 v3, v29;
	v2 =	vadd.f32 v2, v44;
	v52 =	vld [tilespmem:$0x1FFF0];
	[tilespmem:s20+$0x1E10] =	vst @p0 v41  }
0x39d: {  	v1 =	vadd.f32 v1, v33;
	v6 =	vadd.f32 v6, v17;
	[tilespmem:s20+$0x1FF0] =	vst @p0 v39  }
0x39e: {  	v3 =	vadd.f32 v3, v30;
	v5 =	vadd.f32 v5, v7;
	v53 =	vld [tilespmem:$0x1FD80];
	[tilespmem:s20+$0x21D0] =	vst @p0 v43  }
0x39f: {  	v2 =	vadd.f32 v2, v46;
	[tilespmem:s18+$0x23B0] =	vst v0;
	v6 =	vadd.f32 v6, v34  }
0x3a0: {  	v1 =	vadd.f32 v1, v23;
	v0 =	vld [tilespmem:$0x1FDA0];
	v7 =	vadd.f32 v8, v49  }
0x3a1: {  	v2 =	vadd.f32 v2, v57;
	v6 =	vadd.f32 v6, v45  }
0x3a2: {  	v4 =	vadd.f32 v4, v50;
	v3 =	vadd.f32 v3, v51  }
0x3a3: {  	v5 =	vadd.f32 v5, v52;
	v7 =	vadd.f32 v7, v59  }
0x3a4: {  	v57 =	vadd.f32 v2, v21;
	v4 =	vadd.f32 v4, v53  }
0x3a5: {  	v54 =	vmul.f32 v38, v10;
	v6 =	vadd.f32 v6, v35;
	v0 =	vadd.f32 v3, v0  }
0x3a6: {  	s17 =	sadd.s32 $0x1, s17;
	v58 =	vmul.f32 v28, v32;
	[tilespmem:s18+$0x10] =	vst v1;
	v56 =	vadd.f32 v5, v63;
	v55 =	vadd.f32 v4, v20  }
0x3a7: {  	v61 =	vmul.f32 v28, v48;
	p0 =	sne.s32 s17, $0x20;
	v7 =	vadd.f32 v7, v62;
	[tilespmem:s18+$0x3D0] =	vst v57;
	v0 =	vadd.f32 v0, v54  }
.Ltmp4:
0x3a8: {  	v60 =	vmul.f32 v28, v47;
	v59 =	vadd.f32 v6, v25;
	v2 =	vadd.f32 v56, v58;
	[tilespmem:s18+$0x1F0] =	vst v55;
	(pc) =	sbr.rel @p0 .LBB2_4-.Ltmp4, $4  }
.Ltmp5:
0x3a9: {  	v63 =	vadd.f32 v7, v61;
	[tilespmem:s18+$0x5B0] =	vst v0;
	(pc) =	sbr.rel @!p0 .LBB2_11-.Ltmp5, $4  }
0x3aa: {  	v62 =	vadd.f32 v59, v60;
	[tilespmem:s18+$0x1E10] =	vst v2  }
0x3ab: {  	[tilespmem:s18+$0x21D0] =	vst v63  }
0x3ac: {  	s16 =	sadd.s32 $0x1, s16;
	[tilespmem:s18+$0x1FF0] =	vst v62  }
0x3ad: {  	_ = 	snop  }
.LBB2_5:
.Ltmp6:
0x3ae: {  	v28 =	vld [tilespmem:$0x1FBD0];
	(pc) =	sbr.rel .LBB2_10-.Ltmp6, $4  }
0x3af: {  	v57 =	vld [tilespmem:$0x1FD90]  }
0x3b0: {  	v33 =	vld [tilespmem:$0x1FD70]  }
0x3b1: {  	v13 =	vmovc v42;
	v11 =	vmovc v40;
	v10 =	vmov v39;
	v37 =	vmov v36;
	v8 =	vmov v4;
	v55 =	vld [tilespmem:$0x1FD50]  }
0x3b2: {  	v41 =	vmovc v22;
	v27 =	vmovc v29;
	v31 =	vmov v0;
	v30 =	vmov v14;
	v14 =	vld [tilespmem:$0x1FC20];
	v1 =	vmov v26  }
.LBB2_7:
0x3b3: {  	_ = 	snop  }
0x3b4: {  	v20 =	vmov v4;
	v4 =	vld [tilespmem:$0x1F880];
	_ =	sdelay $0x4  }
0x3b5: {  	[tilespmem:$0x1FC40] =	vst v4;
	v4 =	vld [tilespmem:$0x1F8A0];
	_ =	sdelay $0x4  }
0x3b6: {  	[tilespmem:$0x1FC50] =	vst v4;
	v4 =	vld [tilespmem:$0x1FAA0];
	_ =	sdelay $0x4  }
0x3b7: {  	[tilespmem:$0x1FDF0] =	vst v4;
	v4 =	vld [tilespmem:$0x1FAB0];
	_ =	sdelay $0x4  }
0x3b8: {  	[tilespmem:$0x1FE10] =	vst v4;
	v4 =	vld [tilespmem:$0x1FAC0];
	_ =	sdelay $0x4  }
0x3b9: {  	[tilespmem:$0x1FE20] =	vst v4;
	v4 =	vld [tilespmem:$0x1F8B0];
	_ =	sdelay $0x4  }
0x3ba: {  	[tilespmem:$0x1FC60] =	vst v4;
	v4 =	vld [tilespmem:$0x1F8C0];
	_ =	sdelay $0x4  }
0x3bb: {  	[tilespmem:$0x1FC70] =	vst v4;
	v4 =	vld [tilespmem:$0x1F8D0];
	_ =	sdelay $0x4  }
0x3bc: {  	[tilespmem:$0x1FC80] =	vst v4;
	v4 =	vld [tilespmem:$0x1F8F0];
	_ =	sdelay $0x4  }
0x3bd: {  	[tilespmem:$0x1FC90] =	vst v4;
	v4 =	vld [tilespmem:$0x1FAD0];
	_ =	sdelay $0x4  }
0x3be: {  	[tilespmem:$0x1FE40] =	vst v4;
	v4 =	vld [tilespmem:$0x1FAF0];
	_ =	sdelay $0x4  }
0x3bf: {  	[tilespmem:$0x1FE60] =	vst v4;
	v4 =	vld [tilespmem:$0x1FB10];
	_ =	sdelay $0x4  }
0x3c0: {  	[tilespmem:$0x1FE70] =	vst v4;
	v4 =	vld [tilespmem:$0x1F900];
	_ =	sdelay $0x4  }
0x3c1: {  	[tilespmem:$0x1FCA0] =	vst v4;
	v4 =	vld [tilespmem:$0x1F910];
	_ =	sdelay $0x4  }
0x3c2: {  	[tilespmem:$0x1FCB0] =	vst v4;
	v4 =	vld [tilespmem:$0x1F930];
	_ =	sdelay $0x4  }
0x3c3: {  	[tilespmem:$0x1FCC0] =	vst v4;
	v4 =	vld [tilespmem:$0x1F950];
	_ =	sdelay $0x4  }
0x3c4: {  	[tilespmem:$0x1FCD0] =	vst v4;
	v4 =	vld [tilespmem:$0x1FB20];
	_ =	sdelay $0x4  }
0x3c5: {  	[tilespmem:$0x1FE90] =	vst v4;
	v4 =	vld [tilespmem:$0x1FB40];
	_ =	sdelay $0x4  }
0x3c6: {  	[tilespmem:$0x1FEB0] =	vst v4;
	v4 =	vld [tilespmem:$0x1FB50]  }
0x3c7: {  	v13 =	vld [tilespmem:$0x1F9E0]  }
0x3c8: {  	v11 =	vld [tilespmem:$0x1F980]  }
0x3c9: {  	v10 =	vld [tilespmem:$0x1F920]  }
0x3ca: {  	v9 =	vld [tilespmem:$0x1FB90]  }
0x3cb: {  	[tilespmem:$0x1FEC0] =	vst v4;
	v4 =	vld [tilespmem:$0x1F960]  }
0x3cc: {  	v37 =	vld [tilespmem:$0x1FA20]  }
0x3cd: {  	v8 =	vld [tilespmem:$0x1FA30]  }
0x3ce: {  	v29 =	vld [tilespmem:$0x1F770]  }
0x3cf: {  	v33 =	vmov v1;
	v1 =	vld [tilespmem:$0x1F810]  }
0x3d0: {  	[tilespmem:$0x1FCE0] =	vst v4;
	v4 =	vld [tilespmem:$0x1F970]  }
0x3d1: {  	v14 =	vld [tilespmem:$0x1F750]  }
0x3d2: {  	v28 =	vld [tilespmem:$0x1F7A0]  }
0x3d3: {  	[tilespmem:$0x1FD60] =	vst v7;
	v7 =	vmov v3;
	v3 =	vld [tilespmem:$0x1FA60]  }
0x3d4: {  	[tilespmem:$0x1FBE0] =	vst v1;
	v1 =	vld [tilespmem:$0x1F820]  }
0x3d5: {  	[tilespmem:$0x1FCF0] =	vst v4;
	v4 =	vld [tilespmem:$0x1F9A0]  }
0x3d6: {  	[tilespmem:$0x1FFE0] =	vst v59;
	v59 =	vmov v2;
	v2 =	vld [tilespmem:$0x1FA70]  }
0x3d7: {  	[tilespmem:$0x1FF60] =	vst v32;
	v32 =	vld [tilespmem:$0x1FBB0]  }
0x3d8: {  	v48 =	vld [tilespmem:$0x1FBC0]  }
0x3d9: {  	[tilespmem:$0x1FBF0] =	vst v1;
	v1 =	vld [tilespmem:$0x1F830]  }
0x3da: {  	[tilespmem:$0x1FD10] =	vst v4;
	v4 =	vld [tilespmem:$0x1FB60]  }
0x3db: {  	v27 =	vmov v53;
	v53 =	vld [tilespmem:$0x1FA00]  }
0x3dc: {  	v50 =	vld [tilespmem:$0x1F990]  }
0x3dd: {  	[tilespmem:$0x1FFF0] =	vst v0;
	v51 =	vld [tilespmem:$0x1F940]  }
0x3de: {  	[tilespmem:$0x1FC00] =	vst v1;
	v1 =	vld [tilespmem:$0x1F850]  }
0x3df: {  	[tilespmem:$0x1FF10] =	vst v4;
	v4 =	vld [tilespmem:$0x1F9C0]  }
0x3e0: {  	[tilespmem:$0x1FD80] =	vst v46;
	v52 =	vld [tilespmem:$0x1F8E0]  }
0x3e1: {  	v15 =	vmov v54;
	[tilespmem:$0x1FDA0] =	vst v56;
	v54 =	vld [tilespmem:$0x1F890]  }
0x3e2: {  	[tilespmem:$0x1FD00] =	vst v55;
	v56 =	vld [tilespmem:$0x1F840]  }
0x3e3: {  	[tilespmem:$0x1FC10] =	vst v1;
	v1 =	vld [tilespmem:$0x1FA90]  }
0x3e4: {  	[tilespmem:$0x1FD20] =	vst v4;
	v4 =	vld [tilespmem:$0x1F9D0]  }
0x3e5: {  	v41 =	vmovc v23;
	v23 =	vmov v12;
	v12 =	vmov v25;
	v25 =	vmov v61;
	[tilespmem:$0x1FEE0] =	vst v35;
	v61 =	vld [tilespmem:$0x1FA40]  }
0x3e6: {  	[tilespmem:$0x1FF00] =	vst v24;
	v24 =	vld [tilespmem:$0x1F790]  }
0x3e7: {  	[tilespmem:$0x1F730] =	vst v14;
	v14 =	vld [tilespmem:$0x1F760]  }
0x3e8: {  	[tilespmem:$0x1FDD0] =	vst v1;
	v1 =	vld [tilespmem:$0x1F870]  }
0x3e9: {  	[tilespmem:$0x1FD30] =	vst v4;
	v4 =	vld [tilespmem:$0x1F9F0]  }
.Ltmp7:
0x3ea: {  	[tilespmem:$0x1FF30] =	vst v17;
	v17 =	vld [tilespmem:$0x1F800];
	(pc) =	sbr.rel .LBB2_10-.Ltmp7, $4  }
0x3eb: {  	[tilespmem:$0x1FF50] =	vst v26;
	v35 =	vmov v7;
	v7 =	vmov v30;
	v30 =	vld [tilespmem:$0x1FA10]  }
0x3ec: {  	v22 =	vmov v21;
	[tilespmem:$0x1F740] =	vst v14;
	v14 =	vld [tilespmem:$0x1F860]  }
0x3ed: {  	[tilespmem:$0x1FC30] =	vst v1;
	v1 =	vmov v18;
	v18 =	vmov v22;
	v22 =	vld [tilespmem:$0x1F7F0]  }
0x3ee: {  	s20 =	smov.u32 s18;
	s18 =	smov.u32 s21;
	v46 =	vmovc v6;
	v55 =	vmov v49;
	v21 =	vmov v5;
	v49 =	vmov v1;
	v1 =	vld [tilespmem:$0x1F7D0];
	[tilespmem:$0x1FD40] =	vst v4  }
.LBB2_11:
0x3ef: {  	s15 =	simm.s32 $0x0;
	s16 =	simm.s32 $0xC160  }
0x3f0: {  	v0 =	vld [tilespmem:s16+$0xFFFFE020];
	s19 =	sand.u32 $0x1F0, s15  }
0x3f1: {  	v1 =	vld [tilespmem:s19+$0xBF80];
	_ =	sdelay $0x2  }
0x3f2: {  	s15 =	simm.s32 $0x8520  }
0x3f3: {  	[tilespmem:s15+$0xFFFFE3E0] =	vst v0  }
0x3f4: {  	[tilespmem:s15+$0xFFFFE3EE] =	vst v1  }
0x3f5: {  	v0 =	vld [tilespmem:s16+$0xFFFFE200]  }
0x3f6: {  	v1 =	vld [tilespmem:s16+$0x0];
	_ =	sdelay $0x3  }
0x3f7: {  	[tilespmem:s15+$0xFFFFE764] =	vst v0  }
0x3f8: {  	[tilespmem:s15+$0xFFFFE772] =	vst v1  }
0x3f9: {  	v0 =	vld [tilespmem:s16+$0xFFFFE3E0]  }
0x3fa: {  	v1 =	vld [tilespmem:s16+$0x1E0];
	_ =	sdelay $0x3  }
0x3fb: {  	[tilespmem:s15+$0xFFFFEAE8] =	vst v0  }
0x3fc: {  	[tilespmem:s15+$0xFFFFEAF6] =	vst v1  }
0x3fd: {  	v0 =	vld [tilespmem:s16+$0xFFFFE5C0]  }
0x3fe: {  	v1 =	vld [tilespmem:s16+$0x3C0];
	_ =	sdelay $0x3  }
0x3ff: {  	[tilespmem:s15+$0xFFFFEE6C] =	vst v0  }
0x400: {  	[tilespmem:s15+$0xFFFFEE7A] =	vst v1  }
0x401: {  	v0 =	vld [tilespmem:s19+$0xA900]  }
0x402: {  	v1 =	vld [tilespmem:s19+$0xC700];
	_ =	sdelay $0x2  }
0x403: {  	s18 =	simm.s32 $0x10;
	s17 =	simm.s32 $0xC170  }
0x404: {  	v2 =	vld [tilespmem:s17+$0xFFFFE020];
	s20 =	sand.u32 $0x1F0, s18;
	[tilespmem:s15+$0xFFFFF1F0] =	vst v0  }
0x405: {  	v0 =	vld [tilespmem:s20+$0xBF80];
	[tilespmem:s15+$0xFFFFF1FE] =	vst v1  }
0x406: {  	v1 =	vld [tilespmem:s16+$0xFFFFE980]  }
0x407: {  	v3 =	vld [tilespmem:s16+$0x780]  }
0x408: {  	s18 =	simm.s32 $0x853E  }
0x409: {  	[tilespmem:s18+$0xFFFFE3E0] =	vst v2  }
0x40a: {  	[tilespmem:s18+$0xFFFFE3EE] =	vst v0  }
0x40b: {  	v0 =	vld [tilespmem:s17+$0xFFFFE200];
	[tilespmem:s15+$0xFFFFF574] =	vst v1  }
0x40c: {  	v1 =	vld [tilespmem:s17+$0x0];
	[tilespmem:s15+$0xFFFFF582] =	vst v3  }
0x40d: {  	v2 =	vld [tilespmem:s16+$0xFFFFEB60]  }
0x40e: {  	v3 =	vld [tilespmem:s16+$0x960];
	_ =	sdelay $0x1  }
0x40f: {  	[tilespmem:s18+$0xFFFFE764] =	vst v0  }
0x410: {  	[tilespmem:s18+$0xFFFFE772] =	vst v1  }
0x411: {  	v0 =	vld [tilespmem:s17+$0xFFFFE3E0];
	[tilespmem:s15+$0xFFFFF8F8] =	vst v2  }
0x412: {  	v1 =	vld [tilespmem:s17+$0x1E0];
	[tilespmem:s15+$0xFFFFF906] =	vst v3  }
0x413: {  	v2 =	vld [tilespmem:s16+$0xFFFFED40]  }
0x414: {  	v3 =	vld [tilespmem:s16+$0xB40];
	_ =	sdelay $0x1  }
0x415: {  	[tilespmem:s18+$0xFFFFEAE8] =	vst v0  }
0x416: {  	[tilespmem:s18+$0xFFFFEAF6] =	vst v1  }
0x417: {  	v0 =	vld [tilespmem:s17+$0xFFFFE5C0];
	[tilespmem:s15+$0xFFFFFC7C] =	vst v2  }
0x418: {  	v1 =	vld [tilespmem:s17+$0x3C0];
	[tilespmem:s15+$0xFFFFFC8A] =	vst v3  }
0x419: {  	v2 =	vld [tilespmem:s19+$0xB080]  }
0x41a: {  	v3 =	vld [tilespmem:s19+$0xCE80];
	_ =	sdelay $0x1  }
0x41b: {  	[tilespmem:s18+$0xFFFFEE6C] =	vst v0  }
0x41c: {  	[tilespmem:s18+$0xFFFFEE7A] =	vst v1  }
0x41d: {  	v0 =	vld [tilespmem:s20+$0xA900];
	[tilespmem:s15+$0x0] =	vst v2  }
0x41e: {  	v1 =	vld [tilespmem:s20+$0xC700];
	[tilespmem:s15+$0xE] =	vst v3  }
0x41f: {  	v2 =	vld [tilespmem:s16+$0xFFFFF100]  }
0x420: {  	v3 =	vld [tilespmem:s16+$0xF00]  }
0x421: {  	s21 =	simm.s32 $0x20;
	s24 =	simm.s32 $0xC180  }
0x422: {  	v4 =	vld [tilespmem:s24+$0xFFFFE020];
	s23 =	sand.u32 $0x1F0, s21;
	[tilespmem:s18+$0xFFFFF1F0] =	vst v0  }
0x423: {  	v0 =	vld [tilespmem:s23+$0xBF80];
	[tilespmem:s18+$0xFFFFF1FE] =	vst v1  }
0x424: {  	v1 =	vld [tilespmem:s17+$0xFFFFE980];
	[tilespmem:s15+$0x384] =	vst v2  }
0x425: {  	v2 =	vld [tilespmem:s17+$0x780];
	[tilespmem:s15+$0x392] =	vst v3  }
0x426: {  	s25 =	simm.s32 $0x855C;
	v3 =	vld [tilespmem:s16+$0xFFFFF2E0]  }
0x427: {  	[tilespmem:s25+$0xFFFFE3E0] =	vst v4;
	v4 =	vld [tilespmem:s16+$0x10E0]  }
0x428: {  	[tilespmem:s25+$0xFFFFE3EE] =	vst v0  }
0x429: {  	v0 =	vld [tilespmem:s24+$0xFFFFE200];
	[tilespmem:s18+$0xFFFFF574] =	vst v1  }
0x42a: {  	v1 =	vld [tilespmem:s24+$0x0];
	[tilespmem:s18+$0xFFFFF582] =	vst v2  }
0x42b: {  	v2 =	vld [tilespmem:s17+$0xFFFFEB60];
	[tilespmem:s15+$0x708] =	vst v3  }
0x42c: {  	[tilespmem:s15+$0x716] =	vst v4;
	v4 =	vld [tilespmem:s17+$0x960]  }
0x42d: {  	v5 =	vld [tilespmem:s16+$0xFFFFF4C0]  }
0x42e: {  	[tilespmem:s25+$0xFFFFE764] =	vst v0;
	v6 =	vld [tilespmem:s16+$0x12C0]  }
0x42f: {  	[tilespmem:s25+$0xFFFFE772] =	vst v1  }
0x430: {  	v3 =	vld [tilespmem:s24+$0xFFFFE3E0];
	[tilespmem:s18+$0xFFFFF8F8] =	vst v2  }
0x431: {  	v2 =	vld [tilespmem:s24+$0x1E0];
	[tilespmem:s18+$0xFFFFF906] =	vst v4  }
0x432: {  	v0 =	vld [tilespmem:s17+$0xFFFFED40];
	[tilespmem:s15+$0xA8C] =	vst v5  }
0x433: {  	s26 =	simm.s32 $0x30;
	s22 =	simm.s32 $0xC180;
	s21 =	simm.s32 $0x855C;
	v1 =	vld [tilespmem:s17+$0xB40];
	[tilespmem:s15+$0xA9A] =	vst v6  }
.LBB2_12:
0x434: {  	p0 =	sne.s32 s26, $0x1D0;
	v4 =	vld [tilespmem:s19+$0xB800]  }
0x435: {  	s24 =	sadd.s32 $0x10, s24;
	[tilespmem:s25+$0xFFFFEAE8] =	vst v3;
	v3 =	vld [tilespmem:s19+$0xD600];
	s19 =	smov.u32 s20;
	s20 =	smov.u32 s23  }
0x436: {  	v5 =	vld [tilespmem:s24+$0xFFFFE020];
	[tilespmem:s25+$0xFFFFEAF6] =	vst v2  }
0x437: {  	v2 =	vld [tilespmem:s22+$0xFFFFE5C0];
	[tilespmem:s18+$0xFFFFFC7C] =	vst v0  }
0x438: {  	v0 =	vld [tilespmem:s22+$0x3C0];
	[tilespmem:s18+$0xFFFFFC8A] =	vst v1  }
0x439: {  	v1 =	vld [tilespmem:s19+$0xB080];
	[tilespmem:s15+$0xE10] =	vst v4  }
0x43a: {  	v4 =	vld [tilespmem:s19+$0xCE80];
	[tilespmem:s15+$0xE1E] =	vst v3  }
0x43b: {  	v3 =	vld [tilespmem:s16+$0xFFFFF880]  }
0x43c: {  	s23 =	sand.u32 $0x1F0, s26;
	[tilespmem:s25+$0xFFFFEE6C] =	vst v2;
	v2 =	vld [tilespmem:s16+$0x1680]  }
0x43d: {  	v6 =	vld [tilespmem:s23+$0xBF80];
	[tilespmem:s25+$0xFFFFEE7A] =	vst v0  }
0x43e: {  	v0 =	vld [tilespmem:s20+$0xA900];
	[tilespmem:s18+$0x0] =	vst v1  }
0x43f: {  	v1 =	vld [tilespmem:s20+$0xC700];
	[tilespmem:s18+$0xE] =	vst v4  }
0x440: {  	v4 =	vld [tilespmem:s17+$0xFFFFF100];
	[tilespmem:s15+$0x1194] =	vst v3  }
0x441: {  	s25 =	sadd.s32 $0x1E, s25;
	v3 =	vld [tilespmem:s17+$0xF00];
	[tilespmem:s15+$0x11A2] =	vst v2  }
0x442: {  	[tilespmem:s25+$0xFFFFE3E0] =	vst v5;
	v2 =	vld [tilespmem:s16+$0xFFFFFA60]  }
0x443: {  	[tilespmem:s21+$0xFFFFF1F0] =	vst v0;
	v0 =	vld [tilespmem:s16+$0x1860]  }
0x444: {  	[tilespmem:s21+$0xFFFFF1FE] =	vst v1  }
0x445: {  	v1 =	vld [tilespmem:s22+$0xFFFFE980];
	[tilespmem:s18+$0x384] =	vst v4  }
0x446: {  	v4 =	vld [tilespmem:s22+$0x780];
	[tilespmem:s18+$0x392] =	vst v3  }
0x447: {  	v3 =	vld [tilespmem:s17+$0xFFFFF2E0];
	[tilespmem:s15+$0x1518] =	vst v2  }
0x448: {  	v2 =	vld [tilespmem:s17+$0x10E0];
	[tilespmem:s15+$0x1526] =	vst v0  }
0x449: {  	[tilespmem:s25+$0xFFFFE3EE] =	vst v6;
	v0 =	vld [tilespmem:s16+$0xFFFFFC40]  }
0x44a: {  	[tilespmem:s21+$0xFFFFF574] =	vst v1;
	v1 =	vld [tilespmem:s16+$0x1A40];
	s16 =	smov.u32 s17;
	s17 =	smov.u32 s22;
	s22 =	smov.u32 s24  }
0x44b: {  	v5 =	vld [tilespmem:s24+$0xFFFFE200];
	[tilespmem:s21+$0xFFFFF582] =	vst v4  }
0x44c: {  	v4 =	vld [tilespmem:s24+$0x0];
	[tilespmem:s18+$0x708] =	vst v3  }
0x44d: {  	v6 =	vld [tilespmem:s17+$0xFFFFEB60];
	[tilespmem:s18+$0x716] =	vst v2  }
0x44e: {  	v7 =	vld [tilespmem:s17+$0x960];
	[tilespmem:s15+$0x189C] =	vst v0  }
0x44f: {  	v8 =	vld [tilespmem:s16+$0xFFFFF4C0];
	[tilespmem:s15+$0x18AA] =	vst v1;
	s15 =	smov.u32 s18;
	s18 =	smov.u32 s21;
	s21 =	smov.u32 s25  }
0x450: {  	[tilespmem:s25+$0xFFFFE764] =	vst v5;
	v5 =	vld [tilespmem:s16+$0x12C0]  }
.Ltmp8:
0x451: {  	[tilespmem:s25+$0xFFFFE772] =	vst v4;
	(pc) =	sbr.rel @p0 .LBB2_12-.Ltmp8, $4  }
0x452: {  	v3 =	vld [tilespmem:s24+$0xFFFFE3E0];
	[tilespmem:s18+$0xFFFFF8F8] =	vst v6  }
0x453: {  	v2 =	vld [tilespmem:s24+$0x1E0];
	[tilespmem:s18+$0xFFFFF906] =	vst v7  }
0x454: {  	v0 =	vld [tilespmem:s17+$0xFFFFED40];
	[tilespmem:s15+$0xA8C] =	vst v8  }
0x455: {  	s26 =	sadd.s32 $0x10, s26;
	v1 =	vld [tilespmem:s17+$0xB40];
	[tilespmem:s15+$0xA9A] =	vst v5  }
0x456: {  	_ = 	snop  }
0x457: {  	[tilespmem:s25+$0xFFFFEAE8] =	vst v3  }
0x458: {  	[tilespmem:s25+$0xFFFFEAF6] =	vst v2  }
0x459: {  	v2 =	vld [tilespmem:s22+$0xFFFFE5C0]  }
0x45a: {  	v3 =	vld [tilespmem:s22+$0x3C0];
	_ =	sdelay $0x3  }
0x45b: {  	[tilespmem:s25+$0xFFFFEE6C] =	vst v2  }
0x45c: {  	[tilespmem:s25+$0xFFFFEE7A] =	vst v3  }
0x45d: {  	v2 =	vld [tilespmem:s23+$0xA900]  }
0x45e: {  	v3 =	vld [tilespmem:s23+$0xC700];
	_ =	sdelay $0x3  }
0x45f: {  	[tilespmem:s21+$0xFFFFF1F0] =	vst v2  }
0x460: {  	[tilespmem:s21+$0xFFFFF1FE] =	vst v3  }
0x461: {  	v2 =	vld [tilespmem:s22+$0xFFFFE980]  }
0x462: {  	v3 =	vld [tilespmem:s22+$0x780];
	_ =	sdelay $0x3  }
0x463: {  	[tilespmem:s21+$0xFFFFF574] =	vst v2  }
0x464: {  	[tilespmem:s21+$0xFFFFF582] =	vst v3  }
0x465: {  	v2 =	vld [tilespmem:s22+$0xFFFFEB60]  }
0x466: {  	v3 =	vld [tilespmem:s22+$0x960];
	_ =	sdelay $0x3  }
0x467: {  	[tilespmem:s21+$0xFFFFF8F8] =	vst v2  }
0x468: {  	[tilespmem:s21+$0xFFFFF906] =	vst v3  }
0x469: {  	v2 =	vld [tilespmem:s22+$0xFFFFED40]  }
0x46a: {  	v3 =	vld [tilespmem:s22+$0xB40];
	_ =	sdelay $0x1  }
0x46b: {  	[tilespmem:s18+$0xFFFFFC7C] =	vst v0  }
0x46c: {  	[tilespmem:s18+$0xFFFFFC8A] =	vst v1  }
0x46d: {  	v0 =	vld [tilespmem:s20+$0xB080];
	[tilespmem:s21+$0xFFFFFC7C] =	vst v2  }
0x46e: {  	v1 =	vld [tilespmem:s20+$0xCE80];
	[tilespmem:s21+$0xFFFFFC8A] =	vst v3  }
0x46f: {  	v2 =	vld [tilespmem:s23+$0xB080]  }
0x470: {  	v3 =	vld [tilespmem:s23+$0xCE80];
	_ =	sdelay $0x1  }
0x471: {  	[tilespmem:s18+$0x0] =	vst v0  }
0x472: {  	[tilespmem:s18+$0xE] =	vst v1  }
0x473: {  	v0 =	vld [tilespmem:s17+$0xFFFFF100];
	[tilespmem:s21+$0x0] =	vst v2  }
0x474: {  	v1 =	vld [tilespmem:s17+$0xF00];
	[tilespmem:s21+$0xE] =	vst v3  }
0x475: {  	v2 =	vld [tilespmem:s22+$0xFFFFF100]  }
0x476: {  	v3 =	vld [tilespmem:s22+$0xF00];
	_ =	sdelay $0x1  }
0x477: {  	[tilespmem:s18+$0x384] =	vst v0  }
0x478: {  	[tilespmem:s18+$0x392] =	vst v1  }
0x479: {  	v0 =	vld [tilespmem:s17+$0xFFFFF2E0];
	[tilespmem:s21+$0x384] =	vst v2  }
0x47a: {  	v1 =	vld [tilespmem:s17+$0x10E0];
	[tilespmem:s21+$0x392] =	vst v3  }
0x47b: {  	v2 =	vld [tilespmem:s22+$0xFFFFF2E0]  }
0x47c: {  	v3 =	vld [tilespmem:s22+$0x10E0];
	_ =	sdelay $0x1  }
0x47d: {  	[tilespmem:s18+$0x708] =	vst v0  }
0x47e: {  	[tilespmem:s18+$0x716] =	vst v1  }
0x47f: {  	v0 =	vld [tilespmem:s17+$0xFFFFF4C0];
	[tilespmem:s21+$0x708] =	vst v2  }
0x480: {  	v1 =	vld [tilespmem:s17+$0x12C0];
	[tilespmem:s21+$0x716] =	vst v3  }
0x481: {  	v2 =	vld [tilespmem:s22+$0xFFFFF4C0]  }
0x482: {  	v3 =	vld [tilespmem:s22+$0x12C0];
	_ =	sdelay $0x1  }
0x483: {  	v4 =	vld [tilespmem:s19+$0xB800];
	[tilespmem:s18+$0xA8C] =	vst v0  }
0x484: {  	v52 =	vld [tilespmem:s19+$0xD600];
	[tilespmem:s18+$0xA9A] =	vst v1  }
0x485: {  	v1 =	vld [tilespmem:s20+$0xB800];
	[tilespmem:s21+$0xA8C] =	vst v2  }
0x486: {  	v53 =	vld [tilespmem:s20+$0xD600];
	[tilespmem:s21+$0xA9A] =	vst v3  }
0x487: {  	v3 =	vld [tilespmem:s23+$0xB800]  }
0x488: {  	[tilespmem:s15+$0xE10] =	vst v4;
	v54 =	vld [tilespmem:s23+$0xD600]  }
0x489: {  	[tilespmem:s15+$0xE1E] =	vst v52  }
0x48a: {  	v0 =	vld [tilespmem:s16+$0xFFFFF880];
	[tilespmem:s18+$0xE10] =	vst v1  }
0x48b: {  	v55 =	vld [tilespmem:s16+$0x1680];
	[tilespmem:s18+$0xE1E] =	vst v53  }
0x48c: {  	v2 =	vld [tilespmem:s17+$0xFFFFF880];
	[tilespmem:s21+$0xE10] =	vst v3  }
0x48d: {  	v56 =	vld [tilespmem:s17+$0x1680];
	[tilespmem:s21+$0xE1E] =	vst v54  }
0x48e: {  	v4 =	vld [tilespmem:s22+$0xFFFFF880]  }
0x48f: {  	[tilespmem:s15+$0x1194] =	vst v0;
	v57 =	vld [tilespmem:s22+$0x1680]  }
0x490: {  	[tilespmem:s15+$0x11A2] =	vst v55  }
0x491: {  	v1 =	vld [tilespmem:s16+$0xFFFFFA60];
	[tilespmem:s18+$0x1194] =	vst v2  }
0x492: {  	v58 =	vld [tilespmem:s16+$0x1860];
	[tilespmem:s18+$0x11A2] =	vst v56  }
0x493: {  	v3 =	vld [tilespmem:s17+$0xFFFFFA60];
	[tilespmem:s21+$0x1194] =	vst v4  }
0x494: {  	v59 =	vld [tilespmem:s17+$0x1860];
	[tilespmem:s21+$0x11A2] =	vst v57  }
0x495: {  	v0 =	vld [tilespmem:s22+$0xFFFFFA60]  }
0x496: {  	[tilespmem:s15+$0x1518] =	vst v1;
	v60 =	vld [tilespmem:s22+$0x1860]  }
0x497: {  	[tilespmem:s15+$0x1526] =	vst v58  }
0x498: {  	v2 =	vld [tilespmem:s16+$0xFFFFFC40];
	[tilespmem:s18+$0x1518] =	vst v3  }
0x499: {  	v61 =	vld [tilespmem:s16+$0x1A40];
	[tilespmem:s18+$0x1526] =	vst v59  }
0x49a: {  	v4 =	vld [tilespmem:s17+$0xFFFFFC40];
	[tilespmem:s21+$0x1518] =	vst v0  }
0x49b: {  	v62 =	vld [tilespmem:s17+$0x1A40];
	[tilespmem:s21+$0x1526] =	vst v60  }
0x49c: {  	v1 =	vld [tilespmem:s22+$0xFFFFFC40]  }
0x49d: {  	[tilespmem:s15+$0x189C] =	vst v2;
	v63 =	vld [tilespmem:s22+$0x1A40]  }
0x49e: {  	[tilespmem:s15+$0x18AA] =	vst v61  }
0x49f: {  	[tilespmem:s18+$0x189C] =	vst v4  }
0x4a0: {  	s14 =	sadd.s32 $0x1, s14;
	[tilespmem:s18+$0x18AA] =	vst v62  }
0x4a1: {  	p0 =	sne.s32 s14, s7;
	[tilespmem:s21+$0x189C] =	vst v1  }
.Ltmp9:
0x4a2: {  	[tilespmem:s21+$0x18AA] =	vst v63;
	(pc) =	sbr.rel @p0 .LBB2_1-.Ltmp9, $4  }
0x4a3: {  	[hbm4b:s6+s8] =	stream.strided.scatter [tilespmem:s13], [sflag:$0x1], $0x3880, s9, s8, $0x38;
	[tilespmem:$0xDD80] =	vst v63  }
0x4a4: {  	_ =	swait.ge [sflag:s10], $0x3880  }
0x4a5: {  	[sflag:s10] =	ssyncset.done $0x0  }
0x4a6: {  	[sflag:s10] =	ssyncadd.s32 $0xFFFFC780  }
0x4a7: {  	_ =	sfence.sel $0x180000  }
0x4a8: {  	[bflag:$0x0] =	sbarrier.arrive $0xFFFF  }
0x4a9: {  	p0 =	sne.s32 s1, $0x0;
	_ =	strace $0x90000047  }
0x4aa: {  	s0 =	sadd.s32 @!p0 $0x100000, s0;
	[bflag:$0x2] =	sbarrier.arrive $0xFFFF  }
0x4ab: {  	[sflag:s0] =	ssyncadd.tile.s32 @!p0 $0x1;
	_ =	shalt  }
.Lfunc_end2:
_tile_overlayer_lowered:
.L_overlay_start_2:
0x4ac: {  	(tag) =	ssettag $0x2  }
0x4ad: {  	s0 =	rddreg [dreg:$0x0];
	s2 =	stileid.u32  }
0x4ae: {  	s1 =	rddreg [dreg:$0x1];
	p0 =	sne.s32 s2, $0x0  }
0x4af: {  	s3 =	rddreg [dreg:$0x2];
	[bflag:$0x3] =	sbarrier.arrive $0xFFFF;
	s2 =	simm.s32 @!p0 $0x1C01  }
0x4b0: {  	[timem:s3], [sflag:s2] =	dma.local @!p0 [hbm:s0], s1  }
0x4b1: {  	s0 =	simm.s32 @!p0 $0x1  }
0x4b2: {  	_ =	swait.ge @!p0 [sflag:s0], s1  }
0x4b3: {  	s1 =	ssub.s32 @!p0 $0x0, s1;
	[sflag:s0] =	ssyncset.done @!p0 $0x0  }
0x4b4: {  	[sflag:s0] =	ssyncadd.s32 @!p0 s1  }
0x4b5: {  	[bflag:$0x3] =	sbarrier.arrive $0xFFFF  }
0x4b6: {  	_ =	shalt  }

</sc_bundles>
